<compile_context>
chip_gen: v7x
topology: tpu7x:2x2x1
jax: 0.10.2.dev20260603
libtpu: 0.0.44.dev20260713+nightly
codegen_flags: <defaults>
</compile_context>

<pallas_src>
import jax
import jax.numpy as jnp
from jax import lax
from jax.experimental import pallas as pl
from jax.experimental.pallas import tpu as pltpu
from jax.experimental.pallas import tpu_sc as plsc

_L = 16


def _sc_gather_sum(x, nbr1d, N, D, DEG, NW, NPW):
    DL = D // _L
    GROUP = 128 // DEG
    NBUF = 2
    GPI = NBUF
    NPI = GPI * GROUP
    NG = NPW // GROUP
    NIT = NG // GPI

    last_base = N - NPW
    assert last_base % NPI == 0

    A = 8 * (N // (16 * 8))
    TAIL = N - 16 * A

    def body(x_hbm, nbr_hbm, out_hbm, xs, idx_v, *rest):
        rows = list(rest[:NBUF])
        out_v = rest[NBUF]
        sems = list(rest[NBUF + 1:])
        cid = lax.axis_index("c")
        sid = lax.axis_index("s")
        wid = sid * 2 + cid
        last = wid == NW - 1
        base = pl.multiple_of(jnp.where(last, last_base, wid * NPW), NPI)

        st0 = pl.multiple_of(sid * A, 8)
        pltpu.sync_copy(x_hbm.at[pl.ds(st0, A)], xs.at[pl.ds(st0, A)])
        if TAIL:
            @pl.when(sid == 15)
            def _():
                pltpu.sync_copy(x_hbm.at[pl.ds(16 * A, TAIL)],
                                xs.at[pl.ds(16 * A, TAIL)])
        pltpu.sync_copy(nbr_hbm.at[pl.ds(pl.multiple_of(base * DEG, 8),
                                         NPW * DEG)], idx_v)
        plsc.subcore_barrier()
        for p in range(NBUF - 1):
            pltpu.async_copy(xs.at[idx_v.at[pl.ds(p * 128, 128)]],
                             rows[p], sems[p])

        def iter_body(t, carry):
            g0 = t * GPI
            for b in range(GPI):
                g = g0 + b
                nxt = g + (NBUF - 1)

                @pl.when(nxt < NG)
                def _(nxt=nxt, b=b):
                    pltpu.async_copy(
                        xs.at[idx_v.at[pl.ds(pl.multiple_of(nxt * 128, 128),
                                             128)]],
                        rows[(b + NBUF - 1) % NBUF],
                        sems[(b + NBUF - 1) % NBUF])

                pltpu.make_async_copy(xs.at[pl.ds(0, GROUP * DEG)],
                                      rows[b], sems[b]).wait()
                rb = rows[b]
                for i in range(GROUP):
                    nl = b * GROUP + i

                    def jbody(j, accs, _i=i, _rb=rb):
                        out = list(accs)
                        for jj in range(8):
                            r = _i * DEG + j * 8 + jj
                            out = [a + _rb[r, pl.ds(k * _L, _L)]
                                   for k, a in enumerate(out)]
                        return out

                    accs = [jnp.zeros((_L,), jnp.float32) for _ in range(DL)]
                    accs = lax.fori_loop(0, DEG // 8, jbody, accs)
                    for k in range(DL):
                        out_v[nl, pl.ds(k * _L, _L)] = accs[k]
            node0 = pl.multiple_of(base + t * NPI, NPI)
            pltpu.sync_copy(out_v, out_hbm.at[pl.ds(node0, NPI)])
            return carry

        lax.fori_loop(0, NIT, iter_body, 0)

    mesh = plsc.VectorSubcoreMesh(core_axis_name="c", subcore_axis_name="s")
    return pl.kernel(
        body,
        out_type=jax.ShapeDtypeStruct((N, D), jnp.float32),
        mesh=mesh,
        scratch_types=(
            [pltpu.VMEM_SHARED((N, D), jnp.float32),
             pltpu.VMEM((NPW * DEG,), jnp.int32)]
            + [pltpu.VMEM((GROUP * DEG, D), jnp.float32)
               for _ in range(NBUF)]
            + [pltpu.VMEM((NPI, D), jnp.float32)]
            + [pltpu.SemaphoreType.DMA for _ in range(NBUF)]
        ),
    )(x, nbr1d)


def _tc_dense(x, agg, ptr_lo, ptr_hi, W0, b0, Wc, bc, N, D, G, C):
    BLK = 400
    nblk = N // BLK
    hi = jax.lax.Precision.HIGHEST

    def body(x_ref, a_ref, lo_ref, hi_ref, w0_ref, b0_ref, wc_ref, bc_ref,
             out_ref, ge0, ge1):
        i = pl.program_id(0)

        @pl.when(i == 0)
        def _():
            ge0[...] = jnp.zeros_like(ge0)
            ge1[...] = jnp.zeros_like(ge1)

        xb = x_ref[...]
        ab = a_ref[...].astype(jnp.float32) + xb
        rid = lax.broadcasted_iota(jnp.int32, (BLK, G), 0) + i * BLK
        ohb = ((rid >= lo_ref[...]) & (rid < hi_ref[...])).astype(jnp.float32)
        h1 = jnp.maximum(
            lax.dot(ab, w0_ref[...], precision=hi,
                    preferred_element_type=jnp.float32) + b0_ref[...], 0.0)
        dn = (((0,), (0,)), ((), ()))
        ge0[...] += lax.dot_general(ohb, xb, dn, precision=hi,
                                    preferred_element_type=jnp.float32)
        ge1[...] += lax.dot_general(ohb, h1, dn, precision=hi,
                                    preferred_element_type=jnp.float32)

        @pl.when(i == nblk - 1)
        def _():
            p0 = lax.dot(ge0[...], wc_ref[...], precision=hi,
                         preferred_element_type=jnp.float32) + bc_ref[...]
            p1 = lax.dot(ge1[...], wc_ref[...], precision=hi,
                         preferred_element_type=jnp.float32) + bc_ref[...]
            out_ref[...] = jnp.stack([p0, p1])

    return pl.pallas_call(
        body,
        grid=(nblk,),
        in_specs=[
            pl.BlockSpec((BLK, D), lambda i: (i, 0)),
            pl.BlockSpec((BLK, D), lambda i: (i, 0)),
            pl.BlockSpec((1, G), lambda i: (0, 0)),
            pl.BlockSpec((1, G), lambda i: (0, 0)),
            pl.BlockSpec((D, D), lambda i: (0, 0)),
            pl.BlockSpec((1, D), lambda i: (0, 0)),
            pl.BlockSpec((D, C), lambda i: (0, 0)),
            pl.BlockSpec((1, C), lambda i: (0, 0)),
        ],
        out_specs=pl.BlockSpec((2, G, C), lambda i: (0, 0, 0)),
        out_shape=jax.ShapeDtypeStruct((2, G, C), jnp.float32),
        scratch_shapes=[
            pltpu.VMEM((G, D), jnp.float32),
            pltpu.VMEM((G, D), jnp.float32),
        ],
    )(x, agg, ptr_lo, ptr_hi, W0, b0.reshape(1, D), Wc, bc.reshape(1, C))


def kernel(x, neighbor_idx, graph_ptr, W0, b0, W1, b1, Wc, bc):
    N, D = x.shape
    DEG = neighbor_idx.shape[1]
    G = graph_ptr.shape[0] - 1
    C = Wc.shape[1]
    NW = 32
    NPW = -(-N // NW)
    NPW = -(-NPW // 32) * 32

    nbr1d = neighbor_idx.reshape(N * DEG)
    agg = _sc_gather_sum(x, nbr1d, N, D, DEG, NW, NPW)

    ptr = graph_ptr.astype(jnp.int32)
    ptr_lo = ptr[:-1].reshape(1, G)
    ptr_hi = ptr[1:].reshape(1, G)
    return _tc_dense(x, agg, ptr_lo, ptr_hi, W0, b0, Wc, bc, N, D, G, C)

# --- scband reference (transcript-rebuilt; emitter-appended) ---
"""Pipeline reference for scband-gnn-60335700574604 (READ-ONLY COPY).

The authoritative reference and input builder live on the scoring server;
editing this copy changes nothing except your own understanding.
"""

import jax, jax.numpy as jnp
import numpy as np

N = 10000
DEG = 32
D = 128
G = 16
C = 10


def setup_inputs(seed: int = 0) -> dict:
    key = jax.random.key(seed)
    ks = jax.random.split(key, 8)
    x = jax.random.normal(ks[0], (N, D), dtype=jnp.float32)
    # padded dense neighbor list (combine_batch builds [total_nodes, max_degree]);
    # with is_concat=False the node itself is part of the aggregation
    neighbor_idx = jax.random.randint(ks[1], (N, DEG), 0, N, dtype=jnp.int32)
    # cumulative node counts per graph (graph_cumulative in the torch code)
    graph_ptr = (jnp.arange(G + 1, dtype=jnp.int32) * (N // G)).astype(jnp.int32)
    s = 1.0 / np.sqrt(D)
    W0 = jax.random.normal(ks[2], (D, D), dtype=jnp.float32) * s
    b0 = jnp.zeros((D,), dtype=jnp.float32)
    W1 = jax.random.normal(ks[3], (D, D), dtype=jnp.float32) * s
    b1 = jnp.zeros((D,), dtype=jnp.float32)
    Wc = jax.random.normal(ks[4], (D, C), dtype=jnp.float32) * s
    bc = jnp.zeros((C,), dtype=jnp.float32)
    return {"x": x, "neighbor_idx": neighbor_idx, "graph_ptr": graph_ptr,
            "W0": W0, "b0": b0, "W1": W1, "b1": b1, "Wc": Wc, "bc": bc}


def reference(x, neighbor_idx, graph_ptr, W0, b0, W1, b1, Wc, bc):
    n_nodes = x.shape[0]
    n_graphs = graph_ptr.shape[0] - 1
    # map each node to its graph id (replaces python loop over graph_cumulative)
    seg = jnp.searchsorted(graph_ptr[1:], jnp.arange(n_nodes, dtype=jnp.int32), side="right")

    def gnn_layer(H, W, b):
        # gather neighbor features via padded neighbor list
        neigh = jnp.take(H, neighbor_idx, axis=0)          # [N, DEG, d]
        agg = jnp.sum(neigh, axis=1) + H                   # self included (is_concat=False)
        return jax.nn.relu(agg @ W + b)

    def readout(H):
        # per-graph sum of node embeddings
        return jax.ops.segment_sum(H, seg, num_segments=n_graphs)

    preds = []
    H = x
    # forward loops layers 0..num_layers-2, reading out BEFORE each layer (as in torch code)
    for (W, b) in ((W0, b0), (W1, b1)):
        ge = readout(H)                                    # [G, D]
        preds.append(ge @ Wc + bc)                         # classifier logits [G, C]
        H = gnn_layer(H, W, b)
    return jnp.stack(preds)                                # [num_layers-1, G, C]

if __name__ == "__main__":
    import jax
    _d = setup_inputs()
    print(jax.jit(kernel)(*tuple(_d.values())))

</pallas_src>

<mosaic_0001>
#map = affine_map<(d0, d1) -> (0, 0)>
#map1 = affine_map<(d0, d1) -> (0)>
module attributes {stable_mosaic.version = 14 : i64} {
  func.func @body(%arg0: i32, %arg1: i32, %arg2: memref<10000x128xf32, #tpu.memory_space<hbm>>, %arg3: memref<320000xi32, #tpu.memory_space<hbm>>, %arg4: memref<10000x128xf32, #tpu.memory_space<hbm>>, %arg5: memref<10000x128xf32, #tpu.memory_space<vmem_shared>>, %arg6: memref<10240xi32, #tpu.memory_space<vmem>>, %arg7: memref<128x128xf32, #tpu.memory_space<vmem>>, %arg8: memref<128x128xf32, #tpu.memory_space<vmem>>, %arg9: memref<8x128xf32, #tpu.memory_space<vmem>>, %arg10: memref<!tpu.dma_semaphore, #tpu.memory_space<semaphore_mem>>, %arg11: memref<!tpu.dma_semaphore, #tpu.memory_space<semaphore_mem>>) attributes {dimension_semantics = [#tpu.dimension_semantics<core_parallel>, #tpu.dimension_semantics<subcore_parallel>], iteration_bounds = array<i64: 2, 16>, scalar_prefetch = 0 : i64, scratch_operands = 7 : i64, tpu.core_type = #tpu.core_type<sc_vector_subcore>, window_params = [{transform_indices = #map}, {transform_indices = #map1}, {transform_indices = #map}]} {
    %mul3A = arith.constant 2 : i32
    %mul3A_0 = arith.muli %arg1, %mul3A : i32
    %add3A = arith.addi %mul3A_0, %arg0 : i32
    %eq3A = arith.constant 31 : i32
    %eq3A_1 = arith.cmpi eq, %add3A, %eq3A : i32
    %mul3A_2 = arith.constant 320 : i32
    %mul3A_3 = arith.muli %add3A, %mul3A_2 : i32
    %jit3A = arith.constant 9680 : i32
    %select_n3A = arith.select %eq3A_1, %jit3A, %mul3A_3 : i32
    %multiple_of3A = tpu.assume_multiple %select_n3A, 8 : i32
    %mul3A_4 = arith.constant 624 : i32
    %mul3A_5 = arith.muli %arg1, %mul3A_4 : i32
    %multiple_of3A_6 = tpu.assume_multiple %mul3A_5, 8 : i32
    "tpu.region"() ({
      %run_scoped3A = tpu.sem_alloc : memref<!tpu.dma_semaphore, #tpu.memory_space<semaphore_mem>>
      %dma_start3A_22 = arith.constant 0 : i32
      %dma_start3A_23 = tpu.memref_slice %arg5[%multiple_of3A_6, %dma_start3A_22] : memref<10000x128xf32, #tpu.memory_space<vmem_shared>> -> memref<624x128xf32, #tpu.memory_space<vmem_shared>>
      %dma_start3A_24 = arith.constant 0 : i32
      %dma_start3A_25 = tpu.memref_slice %arg2[%multiple_of3A_6, %dma_start3A_24] : memref<10000x128xf32, #tpu.memory_space<hbm>> -> memref<624x128xf32, #tpu.memory_space<hbm>>
      tpu.enqueue_dma source(%dma_start3A_25 : memref<624x128xf32, #tpu.memory_space<hbm>>) target(%dma_start3A_23 : memref<624x128xf32, #tpu.memory_space<vmem_shared>>) target_semaphore(%run_scoped3A : memref<!tpu.dma_semaphore, #tpu.memory_space<semaphore_mem>>)
      %dma_wait3A = arith.constant 0 : i32
      %dma_wait3A_26 = tpu.memref_slice %arg5[%multiple_of3A_6, %dma_wait3A] : memref<10000x128xf32, #tpu.memory_space<vmem_shared>> -> memref<624x128xf32, #tpu.memory_space<vmem_shared>>
      %dma_wait3A_27 = arith.constant 0 : i32
      %dma_wait3A_28 = tpu.memref_slice %arg2[%multiple_of3A_6, %dma_wait3A_27] : memref<10000x128xf32, #tpu.memory_space<hbm>> -> memref<624x128xf32, #tpu.memory_space<hbm>>
      tpu.wait_dma2 semaphore(%run_scoped3A : memref<!tpu.dma_semaphore, #tpu.memory_space<semaphore_mem>>) src(%dma_wait3A_28 : memref<624x128xf32, #tpu.memory_space<hbm>>) dst(%dma_wait3A_26 : memref<624x128xf32, #tpu.memory_space<vmem_shared>>)
      tpu.yield
    }) : () -> ()
    %eq3A_7 = arith.constant 15 : i32
    %eq3A_8 = arith.cmpi eq, %arg1, %eq3A_7 : i32
    %convert_element_type3A = arith.extui %eq3A_8 : i1 to i32
    %cond3A = arith.constant 0 : i32
    %cond3A_9 = arith.cmpi ne, %convert_element_type3A, %cond3A : i32
    scf.if %cond3A_9 {
      "tpu.region"() ({
        %run_scoped3A = tpu.sem_alloc : memref<!tpu.dma_semaphore, #tpu.memory_space<semaphore_mem>>
        %dma_start3A_22 = arith.constant 9984 : i32
        %dma_start3A_23 = arith.constant 0 : i32
        %dma_start3A_24 = tpu.memref_slice %arg5[%dma_start3A_22, %dma_start3A_23] : memref<10000x128xf32, #tpu.memory_space<vmem_shared>> -> memref<16x128xf32, #tpu.memory_space<vmem_shared>>
        %dma_start3A_25 = arith.constant 9984 : i32
        %dma_start3A_26 = arith.constant 0 : i32
        %dma_start3A_27 = tpu.memref_slice %arg2[%dma_start3A_25, %dma_start3A_26] : memref<10000x128xf32, #tpu.memory_space<hbm>> -> memref<16x128xf32, #tpu.memory_space<hbm>>
        tpu.enqueue_dma source(%dma_start3A_27 : memref<16x128xf32, #tpu.memory_space<hbm>>) target(%dma_start3A_24 : memref<16x128xf32, #tpu.memory_space<vmem_shared>>) target_semaphore(%run_scoped3A : memref<!tpu.dma_semaphore, #tpu.memory_space<semaphore_mem>>)
        %dma_wait3A = arith.constant 9984 : i32
        %dma_wait3A_28 = arith.constant 0 : i32
        %dma_wait3A_29 = tpu.memref_slice %arg5[%dma_wait3A, %dma_wait3A_28] : memref<10000x128xf32, #tpu.memory_space<vmem_shared>> -> memref<16x128xf32, #tpu.memory_space<vmem_shared>>
        %dma_wait3A_30 = arith.constant 9984 : i32
        %dma_wait3A_31 = arith.constant 0 : i32
        %dma_wait3A_32 = tpu.memref_slice %arg2[%dma_wait3A_30, %dma_wait3A_31] : memref<10000x128xf32, #tpu.memory_space<hbm>> -> memref<16x128xf32, #tpu.memory_space<hbm>>
        tpu.wait_dma2 semaphore(%run_scoped3A : memref<!tpu.dma_semaphore, #tpu.memory_space<semaphore_mem>>) src(%dma_wait3A_32 : memref<16x128xf32, #tpu.memory_space<hbm>>) dst(%dma_wait3A_29 : memref<16x128xf32, #tpu.memory_space<vmem_shared>>)
        tpu.yield
      }) : () -> ()
    } else {
    }
    %mul3A_10 = arith.constant 32 : i32
    %mul3A_11 = arith.muli %multiple_of3A, %mul3A_10 : i32
    %multiple_of3A_12 = tpu.assume_multiple %mul3A_11, 8 : i32
    "tpu.region"() ({
      %run_scoped3A = tpu.sem_alloc : memref<!tpu.dma_semaphore, #tpu.memory_space<semaphore_mem>>
      %dma_start3A_22 = tpu.memref_slice %arg3[%multiple_of3A_12] : memref<320000xi32, #tpu.memory_space<hbm>> -> memref<10240xi32, #tpu.memory_space<hbm>>
      %dma_start3A_23 = tpu.memref_slice %arg3[%multiple_of3A_12] : memref<320000xi32, #tpu.memory_space<hbm>> -> memref<10240xi32, #tpu.memory_space<hbm>>
      tpu.enqueue_dma source(%dma_start3A_23 : memref<10240xi32, #tpu.memory_space<hbm>>) target(%arg6 : memref<10240xi32, #tpu.memory_space<vmem>>) target_semaphore(%run_scoped3A : memref<!tpu.dma_semaphore, #tpu.memory_space<semaphore_mem>>)
      %dma_wait3A = tpu.memref_slice %arg3[%multiple_of3A_12] : memref<320000xi32, #tpu.memory_space<hbm>> -> memref<10240xi32, #tpu.memory_space<hbm>>
      %dma_wait3A_24 = tpu.memref_slice %arg3[%multiple_of3A_12] : memref<320000xi32, #tpu.memory_space<hbm>> -> memref<10240xi32, #tpu.memory_space<hbm>>
      tpu.wait_dma2 semaphore(%run_scoped3A : memref<!tpu.dma_semaphore, #tpu.memory_space<semaphore_mem>>) src(%dma_wait3A_24 : memref<10240xi32, #tpu.memory_space<hbm>>) dst(%arg6 : memref<10240xi32, #tpu.memory_space<vmem>>)
      tpu.yield
    }) : () -> ()
    %barrier3A = arith.constant 0 : index
    tpu.barrier barrier_id(%barrier3A)
    %dma_start3A = arith.constant 0 : i32
    %dma_start3A_13 = tpu.memref_slice %arg6[%dma_start3A] : memref<10240xi32, #tpu.memory_space<vmem>> -> memref<128xi32, #tpu.memory_space<vmem>>
    %dma_start3A_14 = arith.constant 0 : i32
    %dma_start3A_15 = arith.constant 0 : i32
    %dma_start3A_16 = tpu.memref_slice %arg5[%dma_start3A_14, %dma_start3A_15] : memref<10000x128xf32, #tpu.memory_space<vmem_shared>> -> memref<10000x128xf32, #tpu.memory_space<vmem_shared>>
    tpu.enqueue_indirect_dma source(%dma_start3A_16 : memref<10000x128xf32, #tpu.memory_space<vmem_shared>>) target(%arg7 : memref<128x128xf32, #tpu.memory_space<vmem>>) offsets(%dma_start3A_13 : memref<128xi32, #tpu.memory_space<vmem>>) semaphore(%arg10 : memref<!tpu.dma_semaphore, #tpu.memory_space<semaphore_mem>>)
    %scan3A = arith.constant 0 : i32
    %scan3A_17 = arith.constant 0 : i32
    %scan3A_18 = arith.constant 40 : i32
    %scan3A_19 = arith.addi %scan3A_17, %scan3A_18 : i32
    %scan3A_20 = arith.constant 1 : i32
    scf.for %scan3A_22 = %scan3A_17 to %scan3A_19 step %scan3A_20  : i32 {
      %mul3A_23 = arith.constant 2 : i32
      %mul3A_24 = arith.muli %scan3A_22, %mul3A_23 : i32
      %add3A_25 = arith.constant 0 : i32
      %add3A_26 = arith.addi %mul3A_24, %add3A_25 : i32
      %add3A_27 = arith.constant 1 : i32
      %add3A_28 = arith.addi %add3A_26, %add3A_27 : i32
      %lt3A = arith.constant 80 : i32
      %lt3A_29 = arith.cmpi slt, %add3A_28, %lt3A : i32
      %convert_element_type3A_30 = arith.extui %lt3A_29 : i1 to i32
      %cond3A_31 = arith.constant 0 : i32
      %cond3A_32 = arith.cmpi ne, %convert_element_type3A_30, %cond3A_31 : i32
      scf.if %cond3A_32 {
        %mul3A_615 = arith.constant 128 : i32
        %mul3A_616 = arith.muli %add3A_28, %mul3A_615 : i32
        %multiple_of3A_617 = tpu.assume_multiple %mul3A_616, 128 : i32
        %dma_start3A_618 = tpu.memref_slice %arg6[%multiple_of3A_617] : memref<10240xi32, #tpu.memory_space<vmem>> -> memref<128xi32, #tpu.memory_space<vmem>>
        %dma_start3A_619 = arith.constant 0 : i32
        %dma_start3A_620 = arith.constant 0 : i32
        %dma_start3A_621 = tpu.memref_slice %arg5[%dma_start3A_619, %dma_start3A_620] : memref<10000x128xf32, #tpu.memory_space<vmem_shared>> -> memref<10000x128xf32, #tpu.memory_space<vmem_shared>>
        tpu.enqueue_indirect_dma source(%dma_start3A_621 : memref<10000x128xf32, #tpu.memory_space<vmem_shared>>) target(%arg8 : memref<128x128xf32, #tpu.memory_space<vmem>>) offsets(%dma_start3A_618 : memref<128xi32, #tpu.memory_space<vmem>>) semaphore(%arg11 : memref<!tpu.dma_semaphore, #tpu.memory_space<semaphore_mem>>)
      } else {
      }
      %dma_wait3A = arith.constant 0 : i32
      %dma_wait3A_33 = arith.constant 0 : i32
      %dma_wait3A_34 = tpu.memref_slice %arg5[%dma_wait3A, %dma_wait3A_33] : memref<10000x128xf32, #tpu.memory_space<vmem_shared>> -> memref<128x128xf32, #tpu.memory_space<vmem_shared>>
      %dma_wait3A_35 = arith.constant 0 : i32
      %dma_wait3A_36 = arith.constant 0 : i32
      %dma_wait3A_37 = tpu.memref_slice %arg5[%dma_wait3A_35, %dma_wait3A_36] : memref<10000x128xf32, #tpu.memory_space<vmem_shared>> -> memref<128x128xf32, #tpu.memory_space<vmem_shared>>
      tpu.wait_dma2 semaphore(%arg10 : memref<!tpu.dma_semaphore, #tpu.memory_space<semaphore_mem>>) src(%dma_wait3A_37 : memref<128x128xf32, #tpu.memory_space<vmem_shared>>) dst(%arg7 : memref<128x128xf32, #tpu.memory_space<vmem>>)
      %broadcast_in_dim3A = arith.constant 0.000000e+00 : f32
      %broadcast_in_dim3A_38 = vector.broadcast %broadcast_in_dim3A : f32 to vector<16xf32>
      %broadcast_in_dim3A_39 = arith.constant 0.000000e+00 : f32
      %broadcast_in_dim3A_40 = vector.broadcast %broadcast_in_dim3A_39 : f32 to vector<16xf32>
      %broadcast_in_dim3A_41 = arith.constant 0.000000e+00 : f32
      %broadcast_in_dim3A_42 = vector.broadcast %broadcast_in_dim3A_41 : f32 to vector<16xf32>
      %broadcast_in_dim3A_43 = arith.constant 0.000000e+00 : f32
      %broadcast_in_dim3A_44 = vector.broadcast %broadcast_in_dim3A_43 : f32 to vector<16xf32>
      %broadcast_in_dim3A_45 = arith.constant 0.000000e+00 : f32
      %broadcast_in_dim3A_46 = vector.broadcast %broadcast_in_dim3A_45 : f32 to vector<16xf32>
      %broadcast_in_dim3A_47 = arith.constant 0.000000e+00 : f32
      %broadcast_in_dim3A_48 = vector.broadcast %broadcast_in_dim3A_47 : f32 to vector<16xf32>
      %broadcast_in_dim3A_49 = arith.constant 0.000000e+00 : f32
      %broadcast_in_dim3A_50 = vector.broadcast %broadcast_in_dim3A_49 : f32 to vector<16xf32>
      %broadcast_in_dim3A_51 = arith.constant 0.000000e+00 : f32
      %broadcast_in_dim3A_52 = vector.broadcast %broadcast_in_dim3A_51 : f32 to vector<16xf32>
      %scan3A_53 = arith.constant 0 : i32
      %scan3A_54 = arith.constant 4 : i32
      %scan3A_55 = arith.addi %scan3A_53, %scan3A_54 : i32
      %scan3A_56 = arith.constant 1 : i32
      %scan3A_57:8 = scf.for %scan3A_615 = %scan3A_53 to %scan3A_55 step %scan3A_56 iter_args(%scan3A_616 = %broadcast_in_dim3A_38, %scan3A_617 = %broadcast_in_dim3A_40, %scan3A_618 = %broadcast_in_dim3A_42, %scan3A_619 = %broadcast_in_dim3A_44, %scan3A_620 = %broadcast_in_dim3A_46, %scan3A_621 = %broadcast_in_dim3A_48, %scan3A_622 = %broadcast_in_dim3A_50, %scan3A_623 = %broadcast_in_dim3A_52) -> (vector<16xf32>, vector<16xf32>, vector<16xf32>, vector<16xf32>, vector<16xf32>, vector<16xf32>, vector<16xf32>, vector<16xf32>)  : i32 {
        %mul3A_624 = arith.constant 8 : i32
        %mul3A_625 = arith.muli %scan3A_615, %mul3A_624 : i32
        %add3A_626 = arith.constant 0 : i32
        %add3A_627 = arith.addi %add3A_626, %mul3A_625 : i32
        %add3A_628 = arith.constant 0 : i32
        %add3A_629 = arith.addi %add3A_627, %add3A_628 : i32
        %get3A = arith.index_cast %add3A_629 : i32 to index
        %get3A_630 = arith.constant 0 : index
        %get3A_631 = tpu.vector_load %arg7[%get3A, %get3A_630] {strides = array<i32>} : memref<128x128xf32, #tpu.memory_space<vmem>>, vector<1x16xf32>,
        %get3A_632 = vector.shape_cast %get3A_631 : vector<1x16xf32> to vector<16xf32>
        %add3A_633 = arith.addf %scan3A_616, %get3A_632 : vector<16xf32>
        %get3A_634 = arith.index_cast %add3A_629 : i32 to index
        %get3A_635 = arith.constant 16 : index
        %get3A_636 = tpu.vector_load %arg7[%get3A_634, %get3A_635] {strides = array<i32>} : memref<128x128xf32, #tpu.memory_space<vmem>>, vector<1x16xf32>,
        %get3A_637 = vector.shape_cast %get3A_636 : vector<1x16xf32> to vector<16xf32>
        %add3A_638 = arith.addf %scan3A_617, %get3A_637 : vector<16xf32>
        %get3A_639 = arith.index_cast %add3A_629 : i32 to index
        %get3A_640 = arith.constant 32 : index
        %get3A_641 = tpu.vector_load %arg7[%get3A_639, %get3A_640] {strides = array<i32>} : memref<128x128xf32, #tpu.memory_space<vmem>>, vector<1x16xf32>,
        %get3A_642 = vector.shape_cast %get3A_641 : vector<1x16xf32> to vector<16xf32>
        %add3A_643 = arith.addf %scan3A_618, %get3A_642 : vector<16xf32>
        %get3A_644 = arith.index_cast %add3A_629 : i32 to index
        %get3A_645 = arith.constant 48 : index
        %get3A_646 = tpu.vector_load %arg7[%get3A_644, %get3A_645] {strides = array<i32>} : memref<128x128xf32, #tpu.memory_space<vmem>>, vector<1x16xf32>,
        %get3A_647 = vector.shape_cast %get3A_646 : vector<1x16xf32> to vector<16xf32>
        %add3A_648 = arith.addf %scan3A_619, %get3A_647 : vector<16xf32>
        %get3A_649 = arith.index_cast %add3A_629 : i32 to index
        %get3A_650 = arith.constant 64 : index
        %get3A_651 = tpu.vector_load %arg7[%get3A_649, %get3A_650] {strides = array<i32>} : memref<128x128xf32, #tpu.memory_space<vmem>>, vector<1x16xf32>,
        %get3A_652 = vector.shape_cast %get3A_651 : vector<1x16xf32> to vector<16xf32>
        %add3A_653 = arith.addf %scan3A_620, %get3A_652 : vector<16xf32>
        %get3A_654 = arith.index_cast %add3A_629 : i32 to index
        %get3A_655 = arith.constant 80 : index
        %get3A_656 = tpu.vector_load %arg7[%get3A_654, %get3A_655] {strides = array<i32>} : memref<128x128xf32, #tpu.memory_space<vmem>>, vector<1x16xf32>,
        %get3A_657 = vector.shape_cast %get3A_656 : vector<1x16xf32> to vector<16xf32>
        %add3A_658 = arith.addf %scan3A_621, %get3A_657 : vector<16xf32>
        %get3A_659 = arith.index_cast %add3A_629 : i32 to index
        %get3A_660 = arith.constant 96 : index
        %get3A_661 = tpu.vector_load %arg7[%get3A_659, %get3A_660] {strides = array<i32>} : memref<128x128xf32, #tpu.memory_space<vmem>>, vector<1x16xf32>,
        %get3A_662 = vector.shape_cast %get3A_661 : vector<1x16xf32> to vector<16xf32>
        %add3A_663 = arith.addf %scan3A_622, %get3A_662 : vector<16xf32>
        %get3A_664 = arith.index_cast %add3A_629 : i32 to index
        %get3A_665 = arith.constant 112 : index
        %get3A_666 = tpu.vector_load %arg7[%get3A_664, %get3A_665] {strides = array<i32>} : memref<128x128xf32, #tpu.memory_space<vmem>>, vector<1x16xf32>,
        %get3A_667 = vector.shape_cast %get3A_666 : vector<1x16xf32> to vector<16xf32>
        %add3A_668 = arith.addf %scan3A_623, %get3A_667 : vector<16xf32>
        %mul3A_669 = arith.constant 8 : i32
        %mul3A_670 = arith.muli %scan3A_615, %mul3A_669 : i32
        %add3A_671 = arith.constant 0 : i32
        %add3A_672 = arith.addi %add3A_671, %mul3A_670 : i32
        %add3A_673 = arith.constant 1 : i32
        %add3A_674 = arith.addi %add3A_672, %add3A_673 : i32
        %get3A_675 = arith.index_cast %add3A_674 : i32 to index
        %get3A_676 = arith.constant 0 : index
        %get3A_677 = tpu.vector_load %arg7[%get3A_675, %get3A_676] {strides = array<i32>} : memref<128x128xf32, #tpu.memory_space<vmem>>, vector<1x16xf32>,
        %get3A_678 = vector.shape_cast %get3A_677 : vector<1x16xf32> to vector<16xf32>
        %add3A_679 = arith.addf %add3A_633, %get3A_678 : vector<16xf32>
        %get3A_680 = arith.index_cast %add3A_674 : i32 to index
        %get3A_681 = arith.constant 16 : index
        %get3A_682 = tpu.vector_load %arg7[%get3A_680, %get3A_681] {strides = array<i32>} : memref<128x128xf32, #tpu.memory_space<vmem>>, vector<1x16xf32>,
        %get3A_683 = vector.shape_cast %get3A_682 : vector<1x16xf32> to vector<16xf32>
        %add3A_684 = arith.addf %add3A_638, %get3A_683 : vector<16xf32>
        %get3A_685 = arith.index_cast %add3A_674 : i32 to index
        %get3A_686 = arith.constant 32 : index
        %get3A_687 = tpu.vector_load %arg7[%get3A_685, %get3A_686] {strides = array<i32>} : memref<128x128xf32, #tpu.memory_space<vmem>>, vector<1x16xf32>,
        %get3A_688 = vector.shape_cast %get3A_687 : vector<1x16xf32> to vector<16xf32>
        %add3A_689 = arith.addf %add3A_643, %get3A_688 : vector<16xf32>
        %get3A_690 = arith.index_cast %add3A_674 : i32 to index
        %get3A_691 = arith.constant 48 : index
        %get3A_692 = tpu.vector_load %arg7[%get3A_690, %get3A_691] {strides = array<i32>} : memref<128x128xf32, #tpu.memory_space<vmem>>, vector<1x16xf32>,
        %get3A_693 = vector.shape_cast %get3A_692 : vector<1x16xf32> to vector<16xf32>
        %add3A_694 = arith.addf %add3A_648, %get3A_693 : vector<16xf32>
        %get3A_695 = arith.index_cast %add3A_674 : i32 to index
        %get3A_696 = arith.constant 64 : index
        %get3A_697 = tpu.vector_load %arg7[%get3A_695, %get3A_696] {strides = array<i32>} : memref<128x128xf32, #tpu.memory_space<vmem>>, vector<1x16xf32>,
        %get3A_698 = vector.shape_cast %get3A_697 : vector<1x16xf32> to vector<16xf32>
        %add3A_699 = arith.addf %add3A_653, %get3A_698 : vector<16xf32>
        %get3A_700 = arith.index_cast %add3A_674 : i32 to index
        %get3A_701 = arith.constant 80 : index
        %get3A_702 = tpu.vector_load %arg7[%get3A_700, %get3A_701] {strides = array<i32>} : memref<128x128xf32, #tpu.memory_space<vmem>>, vector<1x16xf32>,
        %get3A_703 = vector.shape_cast %get3A_702 : vector<1x16xf32> to vector<16xf32>
        %add3A_704 = arith.addf %add3A_658, %get3A_703 : vector<16xf32>
        %get3A_705 = arith.index_cast %add3A_674 : i32 to index
        %get3A_706 = arith.constant 96 : index
        %get3A_707 = tpu.vector_load %arg7[%get3A_705, %get3A_706] {strides = array<i32>} : memref<128x128xf32, #tpu.memory_space<vmem>>, vector<1x16xf32>,
        %get3A_708 = vector.shape_cast %get3A_707 : vector<1x16xf32> to vector<16xf32>
        %add3A_709 = arith.addf %add3A_663, %get3A_708 : vector<16xf32>
        %get3A_710 = arith.index_cast %add3A_674 : i32 to index
        %get3A_711 = arith.constant 112 : index
        %get3A_712 = tpu.vector_load %arg7[%get3A_710, %get3A_711] {strides = array<i32>} : memref<128x128xf32, #tpu.memory_space<vmem>>, vector<1x16xf32>,
        %get3A_713 = vector.shape_cast %get3A_712 : vector<1x16xf32> to vector<16xf32>
        %add3A_714 = arith.addf %add3A_668, %get3A_713 : vector<16xf32>
        %mul3A_715 = arith.constant 8 : i32
        %mul3A_716 = arith.muli %scan3A_615, %mul3A_715 : i32
        %add3A_717 = arith.constant 0 : i32
        %add3A_718 = arith.addi %add3A_717, %mul3A_716 : i32
        %add3A_719 = arith.constant 2 : i32
        %add3A_720 = arith.addi %add3A_718, %add3A_719 : i32
        %get3A_721 = arith.index_cast %add3A_720 : i32 to index
        %get3A_722 = arith.constant 0 : index
        %get3A_723 = tpu.vector_load %arg7[%get3A_721, %get3A_722] {strides = array<i32>} : memref<128x128xf32, #tpu.memory_space<vmem>>, vector<1x16xf32>,
        %get3A_724 = vector.shape_cast %get3A_723 : vector<1x16xf32> to vector<16xf32>
        %add3A_725 = arith.addf %add3A_679, %get3A_724 : vector<16xf32>
        %get3A_726 = arith.index_cast %add3A_720 : i32 to index
        %get3A_727 = arith.constant 16 : index
        %get3A_728 = tpu.vector_load %arg7[%get3A_726, %get3A_727] {strides = array<i32>} : memref<128x128xf32, #tpu.memory_space<vmem>>, vector<1x16xf32>,
        %get3A_729 = vector.shape_cast %get3A_728 : vector<1x16xf32> to vector<16xf32>
        %add3A_730 = arith.addf %add3A_684, %get3A_729 : vector<16xf32>
        %get3A_731 = arith.index_cast %add3A_720 : i32 to index
        %get3A_732 = arith.constant 32 : index
        %get3A_733 = tpu.vector_load %arg7[%get3A_731, %get3A_732] {strides = array<i32>} : memref<128x128xf32, #tpu.memory_space<vmem>>, vector<1x16xf32>,
        %get3A_734 = vector.shape_cast %get3A_733 : vector<1x16xf32> to vector<16xf32>
        %add3A_735 = arith.addf %add3A_689, %get3A_734 : vector<16xf32>
        %get3A_736 = arith.index_cast %add3A_720 : i32 to index
        %get3A_737 = arith.constant 48 : index
        %get3A_738 = tpu.vector_load %arg7[%get3A_736, %get3A_737] {strides = array<i32>} : memref<128x128xf32, #tpu.memory_space<vmem>>, vector<1x16xf32>,
        %get3A_739 = vector.shape_cast %get3A_738 : vector<1x16xf32> to vector<16xf32>
        %add3A_740 = arith.addf %add3A_694, %get3A_739 : vector<16xf32>
        %get3A_741 = arith.index_cast %add3A_720 : i32 to index
        %get3A_742 = arith.constant 64 : index
        %get3A_743 = tpu.vector_load %arg7[%get3A_741, %get3A_742] {strides = array<i32>} : memref<128x128xf32, #tpu.memory_space<vmem>>, vector<1x16xf32>,
        %get3A_744 = vector.shape_cast %get3A_743 : vector<1x16xf32> to vector<16xf32>
        %add3A_745 = arith.addf %add3A_699, %get3A_744 : vector<16xf32>
        %get3A_746 = arith.index_cast %add3A_720 : i32 to index
        %get3A_747 = arith.constant 80 : index
        %get3A_748 = tpu.vector_load %arg7[%get3A_746, %get3A_747] {strides = array<i32>} : memref<128x128xf32, #tpu.memory_space<vmem>>, vector<1x16xf32>,
        %get3A_749 = vector.shape_cast %get3A_748 : vector<1x16xf32> to vector<16xf32>
        %add3A_750 = arith.addf %add3A_704, %get3A_749 : vector<16xf32>
        %get3A_751 = arith.index_cast %add3A_720 : i32 to index
        %get3A_752 = arith.constant 96 : index
        %get3A_753 = tpu.vector_load %arg7[%get3A_751, %get3A_752] {strides = array<i32>} : memref<128x128xf32, #tpu.memory_space<vmem>>, vector<1x16xf32>,
        %get3A_754 = vector.shape_cast %get3A_753 : vector<1x16xf32> to vector<16xf32>
        %add3A_755 = arith.addf %add3A_709, %get3A_754 : vector<16xf32>
        %get3A_756 = arith.index_cast %add3A_720 : i32 to index
        %get3A_757 = arith.constant 112 : index
        %get3A_758 = tpu.vector_load %arg7[%get3A_756, %get3A_757] {strides = array<i32>} : memref<128x128xf32, #tpu.memory_space<vmem>>, vector<1x16xf32>,
        %get3A_759 = vector.shape_cast %get3A_758 : vector<1x16xf32> to vector<16xf32>
        %add3A_760 = arith.addf %add3A_714, %get3A_759 : vector<16xf32>
        %mul3A_761 = arith.constant 8 : i32
        %mul3A_762 = arith.muli %scan3A_615, %mul3A_761 : i32
        %add3A_763 = arith.constant 0 : i32
        %add3A_764 = arith.addi %add3A_763, %mul3A_762 : i32
        %add3A_765 = arith.constant 3 : i32
        %add3A_766 = arith.addi %add3A_764, %add3A_765 : i32
        %get3A_767 = arith.index_cast %add3A_766 : i32 to index
        %get3A_768 = arith.constant 0 : index
        %get3A_769 = tpu.vector_load %arg7[%get3A_767, %get3A_768] {strides = array<i32>} : memref<128x128xf32, #tpu.memory_space<vmem>>, vector<1x16xf32>,
        %get3A_770 = vector.shape_cast %get3A_769 : vector<1x16xf32> to vector<16xf32>
        %add3A_771 = arith.addf %add3A_725, %get3A_770 : vector<16xf32>
        %get3A_772 = arith.index_cast %add3A_766 : i32 to index
        %get3A_773 = arith.constant 16 : index
        %get3A_774 = tpu.vector_load %arg7[%get3A_772, %get3A_773] {strides = array<i32>} : memref<128x128xf32, #tpu.memory_space<vmem>>, vector<1x16xf32>,
        %get3A_775 = vector.shape_cast %get3A_774 : vector<1x16xf32> to vector<16xf32>
        %add3A_776 = arith.addf %add3A_730, %get3A_775 : vector<16xf32>
        %get3A_777 = arith.index_cast %add3A_766 : i32 to index
        %get3A_778 = arith.constant 32 : index
        %get3A_779 = tpu.vector_load %arg7[%get3A_777, %get3A_778] {strides = array<i32>} : memref<128x128xf32, #tpu.memory_space<vmem>>, vector<1x16xf32>,
        %get3A_780 = vector.shape_cast %get3A_779 : vector<1x16xf32> to vector<16xf32>
        %add3A_781 = arith.addf %add3A_735, %get3A_780 : vector<16xf32>
        %get3A_782 = arith.index_cast %add3A_766 : i32 to index
        %get3A_783 = arith.constant 48 : index
        %get3A_784 = tpu.vector_load %arg7[%get3A_782, %get3A_783] {strides = array<i32>} : memref<128x128xf32, #tpu.memory_space<vmem>>, vector<1x16xf32>,
        %get3A_785 = vector.shape_cast %get3A_784 : vector<1x16xf32> to vector<16xf32>
        %add3A_786 = arith.addf %add3A_740, %get3A_785 : vector<16xf32>
        %get3A_787 = arith.index_cast %add3A_766 : i32 to index
        %get3A_788 = arith.constant 64 : index
        %get3A_789 = tpu.vector_load %arg7[%get3A_787, %get3A_788] {strides = array<i32>} : memref<128x128xf32, #tpu.memory_space<vmem>>, vector<1x16xf32>,
        %get3A_790 = vector.shape_cast %get3A_789 : vector<1x16xf32> to vector<16xf32>
        %add3A_791 = arith.addf %add3A_745, %get3A_790 : vector<16xf32>
        %get3A_792 = arith.index_cast %add3A_766 : i32 to index
        %get3A_793 = arith.constant 80 : index
        %get3A_794 = tpu.vector_load %arg7[%get3A_792, %get3A_793] {strides = array<i32>} : memref<128x128xf32, #tpu.memory_space<vmem>>, vector<1x16xf32>,
        %get3A_795 = vector.shape_cast %get3A_794 : vector<1x16xf32> to vector<16xf32>
        %add3A_796 = arith.addf %add3A_750, %get3A_795 : vector<16xf32>
        %get3A_797 = arith.index_cast %add3A_766 : i32 to index
        %get3A_798 = arith.constant 96 : index
        %get3A_799 = tpu.vector_load %arg7[%get3A_797, %get3A_798] {strides = array<i32>} : memref<128x128xf32, #tpu.memory_space<vmem>>, vector<1x16xf32>,
        %get3A_800 = vector.shape_cast %get3A_799 : vector<1x16xf32> to vector<16xf32>
        %add3A_801 = arith.addf %add3A_755, %get3A_800 : vector<16xf32>
        %get3A_802 = arith.index_cast %add3A_766 : i32 to index
        %get3A_803 = arith.constant 112 : index
        %get3A_804 = tpu.vector_load %arg7[%get3A_802, %get3A_803] {strides = array<i32>} : memref<128x128xf32, #tpu.memory_space<vmem>>, vector<1x16xf32>,
        %get3A_805 = vector.shape_cast %get3A_804 : vector<1x16xf32> to vector<16xf32>
        %add3A_806 = arith.addf %add3A_760, %get3A_805 : vector<16xf32>
        %mul3A_807 = arith.constant 8 : i32
        %mul3A_808 = arith.muli %scan3A_615, %mul3A_807 : i32
        %add3A_809 = arith.constant 0 : i32
        %add3A_810 = arith.addi %add3A_809, %mul3A_808 : i32
        %add3A_811 = arith.constant 4 : i32
        %add3A_812 = arith.addi %add3A_810, %add3A_811 : i32
        %get3A_813 = arith.index_cast %add3A_812 : i32 to index
        %get3A_814 = arith.constant 0 : index
        %get3A_815 = tpu.vector_load %arg7[%get3A_813, %get3A_814] {strides = array<i32>} : memref<128x128xf32, #tpu.memory_space<vmem>>, vector<1x16xf32>,
        %get3A_816 = vector.shape_cast %get3A_815 : vector<1x16xf32> to vector<16xf32>
        %add3A_817 = arith.addf %add3A_771, %get3A_816 : vector<16xf32>
        %get3A_818 = arith.index_cast %add3A_812 : i32 to index
        %get3A_819 = arith.constant 16 : index
        %get3A_820 = tpu.vector_load %arg7[%get3A_818, %get3A_819] {strides = array<i32>} : memref<128x128xf32, #tpu.memory_space<vmem>>, vector<1x16xf32>,
        %get3A_821 = vector.shape_cast %get3A_820 : vector<1x16xf32> to vector<16xf32>
        %add3A_822 = arith.addf %add3A_776, %get3A_821 : vector<16xf32>
        %get3A_823 = arith.index_cast %add3A_812 : i32 to index
        %get3A_824 = arith.constant 32 : index
        %get3A_825 = tpu.vector_load %arg7[%get3A_823, %get3A_824] {strides = array<i32>} : memref<128x128xf32, #tpu.memory_space<vmem>>, vector<1x16xf32>,
        %get3A_826 = vector.shape_cast %get3A_825 : vector<1x16xf32> to vector<16xf32>
        %add3A_827 = arith.addf %add3A_781, %get3A_826 : vector<16xf32>
        %get3A_828 = arith.index_cast %add3A_812 : i32 to index
        %get3A_829 = arith.constant 48 : index
        %get3A_830 = tpu.vector_load %arg7[%get3A_828, %get3A_829] {strides = array<i32>} : memref<128x128xf32, #tpu.memory_space<vmem>>, vector<1x16xf32>,
        %get3A_831 = vector.shape_cast %get3A_830 : vector<1x16xf32> to vector<16xf32>
        %add3A_832 = arith.addf %add3A_786, %get3A_831 : vector<16xf32>
        %get3A_833 = arith.index_cast %add3A_812 : i32 to index
        %get3A_834 = arith.constant 64 : index
        %get3A_835 = tpu.vector_load %arg7[%get3A_833, %get3A_834] {strides = array<i32>} : memref<128x128xf32, #tpu.memory_space<vmem>>, vector<1x16xf32>,
        %get3A_836 = vector.shape_cast %get3A_835 : vector<1x16xf32> to vector<16xf32>
        %add3A_837 = arith.addf %add3A_791, %get3A_836 : vector<16xf32>
        %get3A_838 = arith.index_cast %add3A_812 : i32 to index
        %get3A_839 = arith.constant 80 : index
        %get3A_840 = tpu.vector_load %arg7[%get3A_838, %get3A_839] {strides = array<i32>} : memref<128x128xf32, #tpu.memory_space<vmem>>, vector<1x16xf32>,
        %get3A_841 = vector.shape_cast %get3A_840 : vector<1x16xf32> to vector<16xf32>
        %add3A_842 = arith.addf %add3A_796, %get3A_841 : vector<16xf32>
        %get3A_843 = arith.index_cast %add3A_812 : i32 to index
        %get3A_844 = arith.constant 96 : index
        %get3A_845 = tpu.vector_load %arg7[%get3A_843, %get3A_844] {strides = array<i32>} : memref<128x128xf32, #tpu.memory_space<vmem>>, vector<1x16xf32>,
        %get3A_846 = vector.shape_cast %get3A_845 : vector<1x16xf32> to vector<16xf32>
        %add3A_847 = arith.addf %add3A_801, %get3A_846 : vector<16xf32>
        %get3A_848 = arith.index_cast %add3A_812 : i32 to index
        %get3A_849 = arith.constant 112 : index
        %get3A_850 = tpu.vector_load %arg7[%get3A_848, %get3A_849] {strides = array<i32>} : memref<128x128xf32, #tpu.memory_space<vmem>>, vector<1x16xf32>,
        %get3A_851 = vector.shape_cast %get3A_850 : vector<1x16xf32> to vector<16xf32>
        %add3A_852 = arith.addf %add3A_806, %get3A_851 : vector<16xf32>
        %mul3A_853 = arith.constant 8 : i32
        %mul3A_854 = arith.muli %scan3A_615, %mul3A_853 : i32
        %add3A_855 = arith.constant 0 : i32
        %add3A_856 = arith.addi %add3A_855, %mul3A_854 : i32
        %add3A_857 = arith.constant 5 : i32
        %add3A_858 = arith.addi %add3A_856, %add3A_857 : i32
        %get3A_859 = arith.index_cast %add3A_858 : i32 to index
        %get3A_860 = arith.constant 0 : index
        %get3A_861 = tpu.vector_load %arg7[%get3A_859, %get3A_860] {strides = array<i32>} : memref<128x128xf32, #tpu.memory_space<vmem>>, vector<1x16xf32>,
        %get3A_862 = vector.shape_cast %get3A_861 : vector<1x16xf32> to vector<16xf32>
        %add3A_863 = arith.addf %add3A_817, %get3A_862 : vector<16xf32>
        %get3A_864 = arith.index_cast %add3A_858 : i32 to index
        %get3A_865 = arith.constant 16 : index
        %get3A_866 = tpu.vector_load %arg7[%get3A_864, %get3A_865] {strides = array<i32>} : memref<128x128xf32, #tpu.memory_space<vmem>>, vector<1x16xf32>,
        %get3A_867 = vector.shape_cast %get3A_866 : vector<1x16xf32> to vector<16xf32>
        %add3A_868 = arith.addf %add3A_822, %get3A_867 : vector<16xf32>
        %get3A_869 = arith.index_cast %add3A_858 : i32 to index
        %get3A_870 = arith.constant 32 : index
        %get3A_871 = tpu.vector_load %arg7[%get3A_869, %get3A_870] {strides = array<i32>} : memref<128x128xf32, #tpu.memory_space<vmem>>, vector<1x16xf32>,
        %get3A_872 = vector.shape_cast %get3A_871 : vector<1x16xf32> to vector<16xf32>
        %add3A_873 = arith.addf %add3A_827, %get3A_872 : vector<16xf32>
        %get3A_874 = arith.index_cast %add3A_858 : i32 to index
        %get3A_875 = arith.constant 48 : index
        %get3A_876 = tpu.vector_load %arg7[%get3A_874, %get3A_875] {strides = array<i32>} : memref<128x128xf32, #tpu.memory_space<vmem>>, vector<1x16xf32>,
        %get3A_877 = vector.shape_cast %get3A_876 : vector<1x16xf32> to vector<16xf32>
        %add3A_878 = arith.addf %add3A_832, %get3A_877 : vector<16xf32>
        %get3A_879 = arith.index_cast %add3A_858 : i32 to index
        %get3A_880 = arith.constant 64 : index
        %get3A_881 = tpu.vector_load %arg7[%get3A_879, %get3A_880] {strides = array<i32>} : memref<128x128xf32, #tpu.memory_space<vmem>>, vector<1x16xf32>,
        %get3A_882 = vector.shape_cast %get3A_881 : vector<1x16xf32> to vector<16xf32>
        %add3A_883 = arith.addf %add3A_837, %get3A_882 : vector<16xf32>
        %get3A_884 = arith.index_cast %add3A_858 : i32 to index
        %get3A_885 = arith.constant 80 : index
        %get3A_886 = tpu.vector_load %arg7[%get3A_884, %get3A_885] {strides = array<i32>} : memref<128x128xf32, #tpu.memory_space<vmem>>, vector<1x16xf32>,
        %get3A_887 = vector.shape_cast %get3A_886 : vector<1x16xf32> to vector<16xf32>
        %add3A_888 = arith.addf %add3A_842, %get3A_887 : vector<16xf32>
        %get3A_889 = arith.index_cast %add3A_858 : i32 to index
        %get3A_890 = arith.constant 96 : index
        %get3A_891 = tpu.vector_load %arg7[%get3A_889, %get3A_890] {strides = array<i32>} : memref<128x128xf32, #tpu.memory_space<vmem>>, vector<1x16xf32>,
        %get3A_892 = vector.shape_cast %get3A_891 : vector<1x16xf32> to vector<16xf32>
        %add3A_893 = arith.addf %add3A_847, %get3A_892 : vector<16xf32>
        %get3A_894 = arith.index_cast %add3A_858 : i32 to index
        %get3A_895 = arith.constant 112 : index
        %get3A_896 = tpu.vector_load %arg7[%get3A_894, %get3A_895] {strides = array<i32>} : memref<128x128xf32, #tpu.memory_space<vmem>>, vector<1x16xf32>,
        %get3A_897 = vector.shape_cast %get3A_896 : vector<1x16xf32> to vector<16xf32>
        %add3A_898 = arith.addf %add3A_852, %get3A_897 : vector<16xf32>
        %mul3A_899 = arith.constant 8 : i32
        %mul3A_900 = arith.muli %scan3A_615, %mul3A_899 : i32
        %add3A_901 = arith.constant 0 : i32
        %add3A_902 = arith.addi %add3A_901, %mul3A_900 : i32
        %add3A_903 = arith.constant 6 : i32
        %add3A_904 = arith.addi %add3A_902, %add3A_903 : i32
        %get3A_905 = arith.index_cast %add3A_904 : i32 to index
        %get3A_906 = arith.constant 0 : index
        %get3A_907 = tpu.vector_load %arg7[%get3A_905, %get3A_906] {strides = array<i32>} : memref<128x128xf32, #tpu.memory_space<vmem>>, vector<1x16xf32>,
        %get3A_908 = vector.shape_cast %get3A_907 : vector<1x16xf32> to vector<16xf32>
        %add3A_909 = arith.addf %add3A_863, %get3A_908 : vector<16xf32>
        %get3A_910 = arith.index_cast %add3A_904 : i32 to index
        %get3A_911 = arith.constant 16 : index
        %get3A_912 = tpu.vector_load %arg7[%get3A_910, %get3A_911] {strides = array<i32>} : memref<128x128xf32, #tpu.memory_space<vmem>>, vector<1x16xf32>,
        %get3A_913 = vector.shape_cast %get3A_912 : vector<1x16xf32> to vector<16xf32>
        %add3A_914 = arith.addf %add3A_868, %get3A_913 : vector<16xf32>
        %get3A_915 = arith.index_cast %add3A_904 : i32 to index
        %get3A_916 = arith.constant 32 : index
        %get3A_917 = tpu.vector_load %arg7[%get3A_915, %get3A_916] {strides = array<i32>} : memref<128x128xf32, #tpu.memory_space<vmem>>, vector<1x16xf32>,
        %get3A_918 = vector.shape_cast %get3A_917 : vector<1x16xf32> to vector<16xf32>
        %add3A_919 = arith.addf %add3A_873, %get3A_918 : vector<16xf32>
        %get3A_920 = arith.index_cast %add3A_904 : i32 to index
        %get3A_921 = arith.constant 48 : index
        %get3A_922 = tpu.vector_load %arg7[%get3A_920, %get3A_921] {strides = array<i32>} : memref<128x128xf32, #tpu.memory_space<vmem>>, vector<1x16xf32>,
        %get3A_923 = vector.shape_cast %get3A_922 : vector<1x16xf32> to vector<16xf32>
        %add3A_924 = arith.addf %add3A_878, %get3A_923 : vector<16xf32>
        %get3A_925 = arith.index_cast %add3A_904 : i32 to index
        %get3A_926 = arith.constant 64 : index
        %get3A_927 = tpu.vector_load %arg7[%get3A_925, %get3A_926] {strides = array<i32>} : memref<128x128xf32, #tpu.memory_space<vmem>>, vector<1x16xf32>,
        %get3A_928 = vector.shape_cast %get3A_927 : vector<1x16xf32> to vector<16xf32>
        %add3A_929 = arith.addf %add3A_883, %get3A_928 : vector<16xf32>
        %get3A_930 = arith.index_cast %add3A_904 : i32 to index
        %get3A_931 = arith.constant 80 : index
        %get3A_932 = tpu.vector_load %arg7[%get3A_930, %get3A_931] {strides = array<i32>} : memref<128x128xf32, #tpu.memory_space<vmem>>, vector<1x16xf32>,
        %get3A_933 = vector.shape_cast %get3A_932 : vector<1x16xf32> to vector<16xf32>
        %add3A_934 = arith.addf %add3A_888, %get3A_933 : vector<16xf32>
        %get3A_935 = arith.index_cast %add3A_904 : i32 to index
        %get3A_936 = arith.constant 96 : index
        %get3A_937 = tpu.vector_load %arg7[%get3A_935, %get3A_936] {strides = array<i32>} : memref<128x128xf32, #tpu.memory_space<vmem>>, vector<1x16xf32>,
        %get3A_938 = vector.shape_cast %get3A_937 : vector<1x16xf32> to vector<16xf32>
        %add3A_939 = arith.addf %add3A_893, %get3A_938 : vector<16xf32>
        %get3A_940 = arith.index_cast %add3A_904 : i32 to index
        %get3A_941 = arith.constant 112 : index
        %get3A_942 = tpu.vector_load %arg7[%get3A_940, %get3A_941] {strides = array<i32>} : memref<128x128xf32, #tpu.memory_space<vmem>>, vector<1x16xf32>,
        %get3A_943 = vector.shape_cast %get3A_942 : vector<1x16xf32> to vector<16xf32>
        %add3A_944 = arith.addf %add3A_898, %get3A_943 : vector<16xf32>
        %mul3A_945 = arith.constant 8 : i32
        %mul3A_946 = arith.muli %scan3A_615, %mul3A_945 : i32
        %add3A_947 = arith.constant 0 : i32
        %add3A_948 = arith.addi %add3A_947, %mul3A_946 : i32
        %add3A_949 = arith.constant 7 : i32
        %add3A_950 = arith.addi %add3A_948, %add3A_949 : i32
        %get3A_951 = arith.index_cast %add3A_950 : i32 to index
        %get3A_952 = arith.constant 0 : index
        %get3A_953 = tpu.vector_load %arg7[%get3A_951, %get3A_952] {strides = array<i32>} : memref<128x128xf32, #tpu.memory_space<vmem>>, vector<1x16xf32>,
        %get3A_954 = vector.shape_cast %get3A_953 : vector<1x16xf32> to vector<16xf32>
        %add3A_955 = arith.addf %add3A_909, %get3A_954 : vector<16xf32>
        %get3A_956 = arith.index_cast %add3A_950 : i32 to index
        %get3A_957 = arith.constant 16 : index
        %get3A_958 = tpu.vector_load %arg7[%get3A_956, %get3A_957] {strides = array<i32>} : memref<128x128xf32, #tpu.memory_space<vmem>>, vector<1x16xf32>,
        %get3A_959 = vector.shape_cast %get3A_958 : vector<1x16xf32> to vector<16xf32>
        %add3A_960 = arith.addf %add3A_914, %get3A_959 : vector<16xf32>
        %get3A_961 = arith.index_cast %add3A_950 : i32 to index
        %get3A_962 = arith.constant 32 : index
        %get3A_963 = tpu.vector_load %arg7[%get3A_961, %get3A_962] {strides = array<i32>} : memref<128x128xf32, #tpu.memory_space<vmem>>, vector<1x16xf32>,
        %get3A_964 = vector.shape_cast %get3A_963 : vector<1x16xf32> to vector<16xf32>
        %add3A_965 = arith.addf %add3A_919, %get3A_964 : vector<16xf32>
        %get3A_966 = arith.index_cast %add3A_950 : i32 to index
        %get3A_967 = arith.constant 48 : index
        %get3A_968 = tpu.vector_load %arg7[%get3A_966, %get3A_967] {strides = array<i32>} : memref<128x128xf32, #tpu.memory_space<vmem>>, vector<1x16xf32>,
        %get3A_969 = vector.shape_cast %get3A_968 : vector<1x16xf32> to vector<16xf32>
        %add3A_970 = arith.addf %add3A_924, %get3A_969 : vector<16xf32>
        %get3A_971 = arith.index_cast %add3A_950 : i32 to index
        %get3A_972 = arith.constant 64 : index
        %get3A_973 = tpu.vector_load %arg7[%get3A_971, %get3A_972] {strides = array<i32>} : memref<128x128xf32, #tpu.memory_space<vmem>>, vector<1x16xf32>,
        %get3A_974 = vector.shape_cast %get3A_973 : vector<1x16xf32> to vector<16xf32>
        %add3A_975 = arith.addf %add3A_929, %get3A_974 : vector<16xf32>
        %get3A_976 = arith.index_cast %add3A_950 : i32 to index
        %get3A_977 = arith.constant 80 : index
        %get3A_978 = tpu.vector_load %arg7[%get3A_976, %get3A_977] {strides = array<i32>} : memref<128x128xf32, #tpu.memory_space<vmem>>, vector<1x16xf32>,
        %get3A_979 = vector.shape_cast %get3A_978 : vector<1x16xf32> to vector<16xf32>
        %add3A_980 = arith.addf %add3A_934, %get3A_979 : vector<16xf32>
        %get3A_981 = arith.index_cast %add3A_950 : i32 to index
        %get3A_982 = arith.constant 96 : index
        %get3A_983 = tpu.vector_load %arg7[%get3A_981, %get3A_982] {strides = array<i32>} : memref<128x128xf32, #tpu.memory_space<vmem>>, vector<1x16xf32>,
        %get3A_984 = vector.shape_cast %get3A_983 : vector<1x16xf32> to vector<16xf32>
        %add3A_985 = arith.addf %add3A_939, %get3A_984 : vector<16xf32>
        %get3A_986 = arith.index_cast %add3A_950 : i32 to index
        %get3A_987 = arith.constant 112 : index
        %get3A_988 = tpu.vector_load %arg7[%get3A_986, %get3A_987] {strides = array<i32>} : memref<128x128xf32, #tpu.memory_space<vmem>>, vector<1x16xf32>,
        %get3A_989 = vector.shape_cast %get3A_988 : vector<1x16xf32> to vector<16xf32>
        %add3A_990 = arith.addf %add3A_944, %get3A_989 : vector<16xf32>
        scf.yield %add3A_955, %add3A_960, %add3A_965, %add3A_970, %add3A_975, %add3A_980, %add3A_985, %add3A_990 : vector<16xf32>, vector<16xf32>, vector<16xf32>, vector<16xf32>, vector<16xf32>, vector<16xf32>, vector<16xf32>, vector<16xf32>
      }
      %scan3A_58 = arith.constant 4 : i32
      %swap3A = arith.constant 0 : i32
      %swap3A_59 = arith.index_cast %swap3A : i32 to index
      %swap3A_60 = arith.constant 0 : index
      %swap3A_61 = tpu.vector_load %arg9[%swap3A_59, %swap3A_60] {strides = array<i32>} : memref<8x128xf32, #tpu.memory_space<vmem>>, vector<1x16xf32>,
      %swap3A_62 = vector.shape_cast %swap3A_61 : vector<1x16xf32> to vector<16xf32>
      %swap3A_63 = vector.shape_cast %scan3A_57#0 : vector<16xf32> to vector<1x16xf32>
      tpu.vector_store %arg9[%swap3A_59, %swap3A_60], %swap3A_63 {strides = array<i32>} : memref<8x128xf32, #tpu.memory_space<vmem>>, vector<1x16xf32>,
      %swap3A_64 = arith.constant 0 : i32
      %swap3A_65 = arith.index_cast %swap3A_64 : i32 to index
      %swap3A_66 = arith.constant 16 : index
      %swap3A_67 = tpu.vector_load %arg9[%swap3A_65, %swap3A_66] {strides = array<i32>} : memref<8x128xf32, #tpu.memory_space<vmem>>, vector<1x16xf32>,
      %swap3A_68 = vector.shape_cast %swap3A_67 : vector<1x16xf32> to vector<16xf32>
      %swap3A_69 = vector.shape_cast %scan3A_57#1 : vector<16xf32> to vector<1x16xf32>
      tpu.vector_store %arg9[%swap3A_65, %swap3A_66], %swap3A_69 {strides = array<i32>} : memref<8x128xf32, #tpu.memory_space<vmem>>, vector<1x16xf32>,
      %swap3A_70 = arith.constant 0 : i32
      %swap3A_71 = arith.index_cast %swap3A_70 : i32 to index
      %swap3A_72 = arith.constant 32 : index
      %swap3A_73 = tpu.vector_load %arg9[%swap3A_71, %swap3A_72] {strides = array<i32>} : memref<8x128xf32, #tpu.memory_space<vmem>>, vector<1x16xf32>,
      %swap3A_74 = vector.shape_cast %swap3A_73 : vector<1x16xf32> to vector<16xf32>
      %swap3A_75 = vector.shape_cast %scan3A_57#2 : vector<16xf32> to vector<1x16xf32>
      tpu.vector_store %arg9[%swap3A_71, %swap3A_72], %swap3A_75 {strides = array<i32>} : memref<8x128xf32, #tpu.memory_space<vmem>>, vector<1x16xf32>,
      %swap3A_76 = arith.constant 0 : i32
      %swap3A_77 = arith.index_cast %swap3A_76 : i32 to index
      %swap3A_78 = arith.constant 48 : index
      %swap3A_79 = tpu.vector_load %arg9[%swap3A_77, %swap3A_78] {strides = array<i32>} : memref<8x128xf32, #tpu.memory_space<vmem>>, vector<1x16xf32>,
      %swap3A_80 = vector.shape_cast %swap3A_79 : vector<1x16xf32> to vector<16xf32>
      %swap3A_81 = vector.shape_cast %scan3A_57#3 : vector<16xf32> to vector<1x16xf32>
      tpu.vector_store %arg9[%swap3A_77, %swap3A_78], %swap3A_81 {strides = array<i32>} : memref<8x128xf32, #tpu.memory_space<vmem>>, vector<1x16xf32>,
      %swap3A_82 = arith.constant 0 : i32
      %swap3A_83 = arith.index_cast %swap3A_82 : i32 to index
      %swap3A_84 = arith.constant 64 : index
      %swap3A_85 = tpu.vector_load %arg9[%swap3A_83, %swap3A_84] {strides = array<i32>} : memref<8x128xf32, #tpu.memory_space<vmem>>, vector<1x16xf32>,
      %swap3A_86 = vector.shape_cast %swap3A_85 : vector<1x16xf32> to vector<16xf32>
      %swap3A_87 = vector.shape_cast %scan3A_57#4 : vector<16xf32> to vector<1x16xf32>
      tpu.vector_store %arg9[%swap3A_83, %swap3A_84], %swap3A_87 {strides = array<i32>} : memref<8x128xf32, #tpu.memory_space<vmem>>, vector<1x16xf32>,
      %swap3A_88 = arith.constant 0 : i32
      %swap3A_89 = arith.index_cast %swap3A_88 : i32 to index
      %swap3A_90 = arith.constant 80 : index
      %swap3A_91 = tpu.vector_load %arg9[%swap3A_89, %swap3A_90] {strides = array<i32>} : memref<8x128xf32, #tpu.memory_space<vmem>>, vector<1x16xf32>,
      %swap3A_92 = vector.shape_cast %swap3A_91 : vector<1x16xf32> to vector<16xf32>
      %swap3A_93 = vector.shape_cast %scan3A_57#5 : vector<16xf32> to vector<1x16xf32>
      tpu.vector_store %arg9[%swap3A_89, %swap3A_90], %swap3A_93 {strides = array<i32>} : memref<8x128xf32, #tpu.memory_space<vmem>>, vector<1x16xf32>,
      %swap3A_94 = arith.constant 0 : i32
      %swap3A_95 = arith.index_cast %swap3A_94 : i32 to index
      %swap3A_96 = arith.constant 96 : index
      %swap3A_97 = tpu.vector_load %arg9[%swap3A_95, %swap3A_96] {strides = array<i32>} : memref<8x128xf32, #tpu.memory_space<vmem>>, vector<1x16xf32>,
      %swap3A_98 = vector.shape_cast %swap3A_97 : vector<1x16xf32> to vector<16xf32>
      %swap3A_99 = vector.shape_cast %scan3A_57#6 : vector<16xf32> to vector<1x16xf32>
      tpu.vector_store %arg9[%swap3A_95, %swap3A_96], %swap3A_99 {strides = array<i32>} : memref<8x128xf32, #tpu.memory_space<vmem>>, vector<1x16xf32>,
      %swap3A_100 = arith.constant 0 : i32
      %swap3A_101 = arith.index_cast %swap3A_100 : i32 to index
      %swap3A_102 = arith.constant 112 : index
      %swap3A_103 = tpu.vector_load %arg9[%swap3A_101, %swap3A_102] {strides = array<i32>} : memref<8x128xf32, #tpu.memory_space<vmem>>, vector<1x16xf32>,
      %swap3A_104 = vector.shape_cast %swap3A_103 : vector<1x16xf32> to vector<16xf32>
      %swap3A_105 = vector.shape_cast %scan3A_57#7 : vector<16xf32> to vector<1x16xf32>
      tpu.vector_store %arg9[%swap3A_101, %swap3A_102], %swap3A_105 {strides = array<i32>} : memref<8x128xf32, #tpu.memory_space<vmem>>, vector<1x16xf32>,
      %broadcast_in_dim3A_106 = arith.constant 0.000000e+00 : f32
      %broadcast_in_dim3A_107 = vector.broadcast %broadcast_in_dim3A_106 : f32 to vector<16xf32>
      %broadcast_in_dim3A_108 = arith.constant 0.000000e+00 : f32
      %broadcast_in_dim3A_109 = vector.broadcast %broadcast_in_dim3A_108 : f32 to vector<16xf32>
      %broadcast_in_dim3A_110 = arith.constant 0.000000e+00 : f32
      %broadcast_in_dim3A_111 = vector.broadcast %broadcast_in_dim3A_110 : f32 to vector<16xf32>
      %broadcast_in_dim3A_112 = arith.constant 0.000000e+00 : f32
      %broadcast_in_dim3A_113 = vector.broadcast %broadcast_in_dim3A_112 : f32 to vector<16xf32>
      %broadcast_in_dim3A_114 = arith.constant 0.000000e+00 : f32
      %broadcast_in_dim3A_115 = vector.broadcast %broadcast_in_dim3A_114 : f32 to vector<16xf32>
      %broadcast_in_dim3A_116 = arith.constant 0.000000e+00 : f32
      %broadcast_in_dim3A_117 = vector.broadcast %broadcast_in_dim3A_116 : f32 to vector<16xf32>
      %broadcast_in_dim3A_118 = arith.constant 0.000000e+00 : f32
      %broadcast_in_dim3A_119 = vector.broadcast %broadcast_in_dim3A_118 : f32 to vector<16xf32>
      %broadcast_in_dim3A_120 = arith.constant 0.000000e+00 : f32
      %broadcast_in_dim3A_121 = vector.broadcast %broadcast_in_dim3A_120 : f32 to vector<16xf32>
      %scan3A_122 = arith.constant 0 : i32
      %scan3A_123 = arith.constant 4 : i32
      %scan3A_124 = arith.addi %scan3A_122, %scan3A_123 : i32
      %scan3A_125 = arith.constant 1 : i32
      %scan3A_126:8 = scf.for %scan3A_615 = %scan3A_122 to %scan3A_124 step %scan3A_125 iter_args(%scan3A_616 = %broadcast_in_dim3A_107, %scan3A_617 = %broadcast_in_dim3A_109, %scan3A_618 = %broadcast_in_dim3A_111, %scan3A_619 = %broadcast_in_dim3A_113, %scan3A_620 = %broadcast_in_dim3A_115, %scan3A_621 = %broadcast_in_dim3A_117, %scan3A_622 = %broadcast_in_dim3A_119, %scan3A_623 = %broadcast_in_dim3A_121) -> (vector<16xf32>, vector<16xf32>, vector<16xf32>, vector<16xf32>, vector<16xf32>, vector<16xf32>, vector<16xf32>, vector<16xf32>)  : i32 {
        %mul3A_624 = arith.constant 8 : i32
        %mul3A_625 = arith.muli %scan3A_615, %mul3A_624 : i32
        %add3A_626 = arith.constant 32 : i32
        %add3A_627 = arith.addi %add3A_626, %mul3A_625 : i32
        %add3A_628 = arith.constant 0 : i32
        %add3A_629 = arith.addi %add3A_627, %add3A_628 : i32
        %get3A = arith.index_cast %add3A_629 : i32 to index
        %get3A_630 = arith.constant 0 : index
        %get3A_631 = tpu.vector_load %arg7[%get3A, %get3A_630] {strides = array<i32>} : memref<128x128xf32, #tpu.memory_space<vmem>>, vector<1x16xf32>,
        %get3A_632 = vector.shape_cast %get3A_631 : vector<1x16xf32> to vector<16xf32>
        %add3A_633 = arith.addf %scan3A_616, %get3A_632 : vector<16xf32>
        %get3A_634 = arith.index_cast %add3A_629 : i32 to index
        %get3A_635 = arith.constant 16 : index
        %get3A_636 = tpu.vector_load %arg7[%get3A_634, %get3A_635] {strides = array<i32>} : memref<128x128xf32, #tpu.memory_space<vmem>>, vector<1x16xf32>,
        %get3A_637 = vector.shape_cast %get3A_636 : vector<1x16xf32> to vector<16xf32>
        %add3A_638 = arith.addf %scan3A_617, %get3A_637 : vector<16xf32>
        %get3A_639 = arith.index_cast %add3A_629 : i32 to index
        %get3A_640 = arith.constant 32 : index
        %get3A_641 = tpu.vector_load %arg7[%get3A_639, %get3A_640] {strides = array<i32>} : memref<128x128xf32, #tpu.memory_space<vmem>>, vector<1x16xf32>,
        %get3A_642 = vector.shape_cast %get3A_641 : vector<1x16xf32> to vector<16xf32>
        %add3A_643 = arith.addf %scan3A_618, %get3A_642 : vector<16xf32>
        %get3A_644 = arith.index_cast %add3A_629 : i32 to index
        %get3A_645 = arith.constant 48 : index
        %get3A_646 = tpu.vector_load %arg7[%get3A_644, %get3A_645] {strides = array<i32>} : memref<128x128xf32, #tpu.memory_space<vmem>>, vector<1x16xf32>,
        %get3A_647 = vector.shape_cast %get3A_646 : vector<1x16xf32> to vector<16xf32>
        %add3A_648 = arith.addf %scan3A_619, %get3A_647 : vector<16xf32>
        %get3A_649 = arith.index_cast %add3A_629 : i32 to index
        %get3A_650 = arith.constant 64 : index
        %get3A_651 = tpu.vector_load %arg7[%get3A_649, %get3A_650] {strides = array<i32>} : memref<128x128xf32, #tpu.memory_space<vmem>>, vector<1x16xf32>,
        %get3A_652 = vector.shape_cast %get3A_651 : vector<1x16xf32> to vector<16xf32>
        %add3A_653 = arith.addf %scan3A_620, %get3A_652 : vector<16xf32>
        %get3A_654 = arith.index_cast %add3A_629 : i32 to index
        %get3A_655 = arith.constant 80 : index
        %get3A_656 = tpu.vector_load %arg7[%get3A_654, %get3A_655] {strides = array<i32>} : memref<128x128xf32, #tpu.memory_space<vmem>>, vector<1x16xf32>,
        %get3A_657 = vector.shape_cast %get3A_656 : vector<1x16xf32> to vector<16xf32>
        %add3A_658 = arith.addf %scan3A_621, %get3A_657 : vector<16xf32>
        %get3A_659 = arith.index_cast %add3A_629 : i32 to index
        %get3A_660 = arith.constant 96 : index
        %get3A_661 = tpu.vector_load %arg7[%get3A_659, %get3A_660] {strides = array<i32>} : memref<128x128xf32, #tpu.memory_space<vmem>>, vector<1x16xf32>,
        %get3A_662 = vector.shape_cast %get3A_661 : vector<1x16xf32> to vector<16xf32>
        %add3A_663 = arith.addf %scan3A_622, %get3A_662 : vector<16xf32>
        %get3A_664 = arith.index_cast %add3A_629 : i32 to index
        %get3A_665 = arith.constant 112 : index
        %get3A_666 = tpu.vector_load %arg7[%get3A_664, %get3A_665] {strides = array<i32>} : memref<128x128xf32, #tpu.memory_space<vmem>>, vector<1x16xf32>,
        %get3A_667 = vector.shape_cast %get3A_666 : vector<1x16xf32> to vector<16xf32>
        %add3A_668 = arith.addf %scan3A_623, %get3A_667 : vector<16xf32>
        %mul3A_669 = arith.constant 8 : i32
        %mul3A_670 = arith.muli %scan3A_615, %mul3A_669 : i32
        %add3A_671 = arith.constant 32 : i32
        %add3A_672 = arith.addi %add3A_671, %mul3A_670 : i32
        %add3A_673 = arith.constant 1 : i32
        %add3A_674 = arith.addi %add3A_672, %add3A_673 : i32
        %get3A_675 = arith.index_cast %add3A_674 : i32 to index
        %get3A_676 = arith.constant 0 : index
        %get3A_677 = tpu.vector_load %arg7[%get3A_675, %get3A_676] {strides = array<i32>} : memref<128x128xf32, #tpu.memory_space<vmem>>, vector<1x16xf32>,
        %get3A_678 = vector.shape_cast %get3A_677 : vector<1x16xf32> to vector<16xf32>
        %add3A_679 = arith.addf %add3A_633, %get3A_678 : vector<16xf32>
        %get3A_680 = arith.index_cast %add3A_674 : i32 to index
        %get3A_681 = arith.constant 16 : index
        %get3A_682 = tpu.vector_load %arg7[%get3A_680, %get3A_681] {strides = array<i32>} : memref<128x128xf32, #tpu.memory_space<vmem>>, vector<1x16xf32>,
        %get3A_683 = vector.shape_cast %get3A_682 : vector<1x16xf32> to vector<16xf32>
        %add3A_684 = arith.addf %add3A_638, %get3A_683 : vector<16xf32>
        %get3A_685 = arith.index_cast %add3A_674 : i32 to index
        %get3A_686 = arith.constant 32 : index
        %get3A_687 = tpu.vector_load %arg7[%get3A_685, %get3A_686] {strides = array<i32>} : memref<128x128xf32, #tpu.memory_space<vmem>>, vector<1x16xf32>,
        %get3A_688 = vector.shape_cast %get3A_687 : vector<1x16xf32> to vector<16xf32>
        %add3A_689 = arith.addf %add3A_643, %get3A_688 : vector<16xf32>
        %get3A_690 = arith.index_cast %add3A_674 : i32 to index
        %get3A_691 = arith.constant 48 : index
        %get3A_692 = tpu.vector_load %arg7[%get3A_690, %get3A_691] {strides = array<i32>} : memref<128x128xf32, #tpu.memory_space<vmem>>, vector<1x16xf32>,
        %get3A_693 = vector.shape_cast %get3A_692 : vector<1x16xf32> to vector<16xf32>
        %add3A_694 = arith.addf %add3A_648, %get3A_693 : vector<16xf32>
        %get3A_695 = arith.index_cast %add3A_674 : i32 to index
        %get3A_696 = arith.constant 64 : index
        %get3A_697 = tpu.vector_load %arg7[%get3A_695, %get3A_696] {strides = array<i32>} : memref<128x128xf32, #tpu.memory_space<vmem>>, vector<1x16xf32>,
        %get3A_698 = vector.shape_cast %get3A_697 : vector<1x16xf32> to vector<16xf32>
        %add3A_699 = arith.addf %add3A_653, %get3A_698 : vector<16xf32>
        %get3A_700 = arith.index_cast %add3A_674 : i32 to index
        %get3A_701 = arith.constant 80 : index
        %get3A_702 = tpu.vector_load %arg7[%get3A_700, %get3A_701] {strides = array<i32>} : memref<128x128xf32, #tpu.memory_space<vmem>>, vector<1x16xf32>,
        %get3A_703 = vector.shape_cast %get3A_702 : vector<1x16xf32> to vector<16xf32>
        %add3A_704 = arith.addf %add3A_658, %get3A_703 : vector<16xf32>
        %get3A_705 = arith.index_cast %add3A_674 : i32 to index
        %get3A_706 = arith.constant 96 : index
        %get3A_707 = tpu.vector_load %arg7[%get3A_705, %get3A_706] {strides = array<i32>} : memref<128x128xf32, #tpu.memory_space<vmem>>, vector<1x16xf32>,
        %get3A_708 = vector.shape_cast %get3A_707 : vector<1x16xf32> to vector<16xf32>
        %add3A_709 = arith.addf %add3A_663, %get3A_708 : vector<16xf32>
        %get3A_710 = arith.index_cast %add3A_674 : i32 to index
        %get3A_711 = arith.constant 112 : index
        %get3A_712 = tpu.vector_load %arg7[%get3A_710, %get3A_711] {strides = array<i32>} : memref<128x128xf32, #tpu.memory_space<vmem>>, vector<1x16xf32>,
        %get3A_713 = vector.shape_cast %get3A_712 : vector<1x16xf32> to vector<16xf32>
        %add3A_714 = arith.addf %add3A_668, %get3A_713 : vector<16xf32>
        %mul3A_715 = arith.constant 8 : i32
        %mul3A_716 = arith.muli %scan3A_615, %mul3A_715 : i32
        %add3A_717 = arith.constant 32 : i32
        %add3A_718 = arith.addi %add3A_717, %mul3A_716 : i32
        %add3A_719 = arith.constant 2 : i32
        %add3A_720 = arith.addi %add3A_718, %add3A_719 : i32
        %get3A_721 = arith.index_cast %add3A_720 : i32 to index
        %get3A_722 = arith.constant 0 : index
        %get3A_723 = tpu.vector_load %arg7[%get3A_721, %get3A_722] {strides = array<i32>} : memref<128x128xf32, #tpu.memory_space<vmem>>, vector<1x16xf32>,
        %get3A_724 = vector.shape_cast %get3A_723 : vector<1x16xf32> to vector<16xf32>
        %add3A_725 = arith.addf %add3A_679, %get3A_724 : vector<16xf32>
        %get3A_726 = arith.index_cast %add3A_720 : i32 to index
        %get3A_727 = arith.constant 16 : index
        %get3A_728 = tpu.vector_load %arg7[%get3A_726, %get3A_727] {strides = array<i32>} : memref<128x128xf32, #tpu.memory_space<vmem>>, vector<1x16xf32>,
        %get3A_729 = vector.shape_cast %get3A_728 : vector<1x16xf32> to vector<16xf32>
        %add3A_730 = arith.addf %add3A_684, %get3A_729 : vector<16xf32>
        %get3A_731 = arith.index_cast %add3A_720 : i32 to index
        %get3A_732 = arith.constant 32 : index
        %get3A_733 = tpu.vector_load %arg7[%get3A_731, %get3A_732] {strides = array<i32>} : memref<128x128xf32, #tpu.memory_space<vmem>>, vector<1x16xf32>,
        %get3A_734 = vector.shape_cast %get3A_733 : vector<1x16xf32> to vector<16xf32>
        %add3A_735 = arith.addf %add3A_689, %get3A_734 : vector<16xf32>
        %get3A_736 = arith.index_cast %add3A_720 : i32 to index
        %get3A_737 = arith.constant 48 : index
        %get3A_738 = tpu.vector_load %arg7[%get3A_736, %get3A_737] {strides = array<i32>} : memref<128x128xf32, #tpu.memory_space<vmem>>, vector<1x16xf32>,
        %get3A_739 = vector.shape_cast %get3A_738 : vector<1x16xf32> to vector<16xf32>
        %add3A_740 = arith.addf %add3A_694, %get3A_739 : vector<16xf32>
        %get3A_741 = arith.index_cast %add3A_720 : i32 to index
        %get3A_742 = arith.constant 64 : index
        %get3A_743 = tpu.vector_load %arg7[%get3A_741, %get3A_742] {strides = array<i32>} : memref<128x128xf32, #tpu.memory_space<vmem>>, vector<1x16xf32>,
        %get3A_744 = vector.shape_cast %get3A_743 : vector<1x16xf32> to vector<16xf32>
        %add3A_745 = arith.addf %add3A_699, %get3A_744 : vector<16xf32>
        %get3A_746 = arith.index_cast %add3A_720 : i32 to index
        %get3A_747 = arith.constant 80 : index
        %get3A_748 = tpu.vector_load %arg7[%get3A_746, %get3A_747] {strides = array<i32>} : memref<128x128xf32, #tpu.memory_space<vmem>>, vector<1x16xf32>,
        %get3A_749 = vector.shape_cast %get3A_748 : vector<1x16xf32> to vector<16xf32>
        %add3A_750 = arith.addf %add3A_704, %get3A_749 : vector<16xf32>
        %get3A_751 = arith.index_cast %add3A_720 : i32 to index
        %get3A_752 = arith.constant 96 : index
        %get3A_753 = tpu.vector_load %arg7[%get3A_751, %get3A_752] {strides = array<i32>} : memref<128x128xf32, #tpu.memory_space<vmem>>, vector<1x16xf32>,
        %get3A_754 = vector.shape_cast %get3A_753 : vector<1x16xf32> to vector<16xf32>
        %add3A_755 = arith.addf %add3A_709, %get3A_754 : vector<16xf32>
        %get3A_756 = arith.index_cast %add3A_720 : i32 to index
        %get3A_757 = arith.constant 112 : index
        %get3A_758 = tpu.vector_load %arg7[%get3A_756, %get3A_757] {strides = array<i32>} : memref<128x128xf32, #tpu.memory_space<vmem>>, vector<1x16xf32>,
        %get3A_759 = vector.shape_cast %get3A_758 : vector<1x16xf32> to vector<16xf32>
        %add3A_760 = arith.addf %add3A_714, %get3A_759 : vector<16xf32>
        %mul3A_761 = arith.constant 8 : i32
        %mul3A_762 = arith.muli %scan3A_615, %mul3A_761 : i32
        %add3A_763 = arith.constant 32 : i32
        %add3A_764 = arith.addi %add3A_763, %mul3A_762 : i32
        %add3A_765 = arith.constant 3 : i32
        %add3A_766 = arith.addi %add3A_764, %add3A_765 : i32
        %get3A_767 = arith.index_cast %add3A_766 : i32 to index
        %get3A_768 = arith.constant 0 : index
        %get3A_769 = tpu.vector_load %arg7[%get3A_767, %get3A_768] {strides = array<i32>} : memref<128x128xf32, #tpu.memory_space<vmem>>, vector<1x16xf32>,
        %get3A_770 = vector.shape_cast %get3A_769 : vector<1x16xf32> to vector<16xf32>
        %add3A_771 = arith.addf %add3A_725, %get3A_770 : vector<16xf32>
        %get3A_772 = arith.index_cast %add3A_766 : i32 to index
        %get3A_773 = arith.constant 16 : index
        %get3A_774 = tpu.vector_load %arg7[%get3A_772, %get3A_773] {strides = array<i32>} : memref<128x128xf32, #tpu.memory_space<vmem>>, vector<1x16xf32>,
        %get3A_775 = vector.shape_cast %get3A_774 : vector<1x16xf32> to vector<16xf32>
        %add3A_776 = arith.addf %add3A_730, %get3A_775 : vector<16xf32>
        %get3A_777 = arith.index_cast %add3A_766 : i32 to index
        %get3A_778 = arith.constant 32 : index
        %get3A_779 = tpu.vector_load %arg7[%get3A_777, %get3A_778] {strides = array<i32>} : memref<128x128xf32, #tpu.memory_space<vmem>>, vector<1x16xf32>,
        %get3A_780 = vector.shape_cast %get3A_779 : vector<1x16xf32> to vector<16xf32>
        %add3A_781 = arith.addf %add3A_735, %get3A_780 : vector<16xf32>
        %get3A_782 = arith.index_cast %add3A_766 : i32 to index
        %get3A_783 = arith.constant 48 : index
        %get3A_784 = tpu.vector_load %arg7[%get3A_782, %get3A_783] {strides = array<i32>} : memref<128x128xf32, #tpu.memory_space<vmem>>, vector<1x16xf32>,
        %get3A_785 = vector.shape_cast %get3A_784 : vector<1x16xf32> to vector<16xf32>
        %add3A_786 = arith.addf %add3A_740, %get3A_785 : vector<16xf32>
        %get3A_787 = arith.index_cast %add3A_766 : i32 to index
        %get3A_788 = arith.constant 64 : index
        %get3A_789 = tpu.vector_load %arg7[%get3A_787, %get3A_788] {strides = array<i32>} : memref<128x128xf32, #tpu.memory_space<vmem>>, vector<1x16xf32>,
        %get3A_790 = vector.shape_cast %get3A_789 : vector<1x16xf32> to vector<16xf32>
        %add3A_791 = arith.addf %add3A_745, %get3A_790 : vector<16xf32>
        %get3A_792 = arith.index_cast %add3A_766 : i32 to index
        %get3A_793 = arith.constant 80 : index
        %get3A_794 = tpu.vector_load %arg7[%get3A_792, %get3A_793] {strides = array<i32>} : memref<128x128xf32, #tpu.memory_space<vmem>>, vector<1x16xf32>,
        %get3A_795 = vector.shape_cast %get3A_794 : vector<1x16xf32> to vector<16xf32>
        %add3A_796 = arith.addf %add3A_750, %get3A_795 : vector<16xf32>
        %get3A_797 = arith.index_cast %add3A_766 : i32 to index
        %get3A_798 = arith.constant 96 : index
        %get3A_799 = tpu.vector_load %arg7[%get3A_797, %get3A_798] {strides = array<i32>} : memref<128x128xf32, #tpu.memory_space<vmem>>, vector<1x16xf32>,
        %get3A_800 = vector.shape_cast %get3A_799 : vector<1x16xf32> to vector<16xf32>
        %add3A_801 = arith.addf %add3A_755, %get3A_800 : vector<16xf32>
        %get3A_802 = arith.index_cast %add3A_766 : i32 to index
        %get3A_803 = arith.constant 112 : index
        %get3A_804 = tpu.vector_load %arg7[%get3A_802, %get3A_803] {strides = array<i32>} : memref<128x128xf32, #tpu.memory_space<vmem>>, vector<1x16xf32>,
        %get3A_805 = vector.shape_cast %get3A_804 : vector<1x16xf32> to vector<16xf32>
        %add3A_806 = arith.addf %add3A_760, %get3A_805 : vector<16xf32>
        %mul3A_807 = arith.constant 8 : i32
        %mul3A_808 = arith.muli %scan3A_615, %mul3A_807 : i32
        %add3A_809 = arith.constant 32 : i32
        %add3A_810 = arith.addi %add3A_809, %mul3A_808 : i32
        %add3A_811 = arith.constant 4 : i32
        %add3A_812 = arith.addi %add3A_810, %add3A_811 : i32
        %get3A_813 = arith.index_cast %add3A_812 : i32 to index
        %get3A_814 = arith.constant 0 : index
        %get3A_815 = tpu.vector_load %arg7[%get3A_813, %get3A_814] {strides = array<i32>} : memref<128x128xf32, #tpu.memory_space<vmem>>, vector<1x16xf32>,
        %get3A_816 = vector.shape_cast %get3A_815 : vector<1x16xf32> to vector<16xf32>
        %add3A_817 = arith.addf %add3A_771, %get3A_816 : vector<16xf32>
        %get3A_818 = arith.index_cast %add3A_812 : i32 to index
        %get3A_819 = arith.constant 16 : index
        %get3A_820 = tpu.vector_load %arg7[%get3A_818, %get3A_819] {strides = array<i32>} : memref<128x128xf32, #tpu.memory_space<vmem>>, vector<1x16xf32>,
        %get3A_821 = vector.shape_cast %get3A_820 : vector<1x16xf32> to vector<16xf32>
        %add3A_822 = arith.addf %add3A_776, %get3A_821 : vector<16xf32>
        %get3A_823 = arith.index_cast %add3A_812 : i32 to index
        %get3A_824 = arith.constant 32 : index
        %get3A_825 = tpu.vector_load %arg7[%get3A_823, %get3A_824] {strides = array<i32>} : memref<128x128xf32, #tpu.memory_space<vmem>>, vector<1x16xf32>,
        %get3A_826 = vector.shape_cast %get3A_825 : vector<1x16xf32> to vector<16xf32>
        %add3A_827 = arith.addf %add3A_781, %get3A_826 : vector<16xf32>
        %get3A_828 = arith.index_cast %add3A_812 : i32 to index
        %get3A_829 = arith.constant 48 : index
        %get3A_830 = tpu.vector_load %arg7[%get3A_828, %get3A_829] {strides = array<i32>} : memref<128x128xf32, #tpu.memory_space<vmem>>, vector<1x16xf32>,
        %get3A_831 = vector.shape_cast %get3A_830 : vector<1x16xf32> to vector<16xf32>
        %add3A_832 = arith.addf %add3A_786, %get3A_831 : vector<16xf32>
        %get3A_833 = arith.index_cast %add3A_812 : i32 to index
        %get3A_834 = arith.constant 64 : index
        %get3A_835 = tpu.vector_load %arg7[%get3A_833, %get3A_834] {strides = array<i32>} : memref<128x128xf32, #tpu.memory_space<vmem>>, vector<1x16xf32>,
        %get3A_836 = vector.shape_cast %get3A_835 : vector<1x16xf32> to vector<16xf32>
        %add3A_837 = arith.addf %add3A_791, %get3A_836 : vector<16xf32>
        %get3A_838 = arith.index_cast %add3A_812 : i32 to index
        %get3A_839 = arith.constant 80 : index
        %get3A_840 = tpu.vector_load %arg7[%get3A_838, %get3A_839] {strides = array<i32>} : memref<128x128xf32, #tpu.memory_space<vmem>>, vector<1x16xf32>,
        %get3A_841 = vector.shape_cast %get3A_840 : vector<1x16xf32> to vector<16xf32>
        %add3A_842 = arith.addf %add3A_796, %get3A_841 : vector<16xf32>
        %get3A_843 = arith.index_cast %add3A_812 : i32 to index
        %get3A_844 = arith.constant 96 : index
        %get3A_845 = tpu.vector_load %arg7[%get3A_843, %get3A_844] {strides = array<i32>} : memref<128x128xf32, #tpu.memory_space<vmem>>, vector<1x16xf32>,
        %get3A_846 = vector.shape_cast %get3A_845 : vector<1x16xf32> to vector<16xf32>
        %add3A_847 = arith.addf %add3A_801, %get3A_846 : vector<16xf32>
        %get3A_848 = arith.index_cast %add3A_812 : i32 to index
        %get3A_849 = arith.constant 112 : index
        %get3A_850 = tpu.vector_load %arg7[%get3A_848, %get3A_849] {strides = array<i32>} : memref<128x128xf32, #tpu.memory_space<vmem>>, vector<1x16xf32>,
        %get3A_851 = vector.shape_cast %get3A_850 : vector<1x16xf32> to vector<16xf32>
        %add3A_852 = arith.addf %add3A_806, %get3A_851 : vector<16xf32>
        %mul3A_853 = arith.constant 8 : i32
        %mul3A_854 = arith.muli %scan3A_615, %mul3A_853 : i32
        %add3A_855 = arith.constant 32 : i32
        %add3A_856 = arith.addi %add3A_855, %mul3A_854 : i32
        %add3A_857 = arith.constant 5 : i32
        %add3A_858 = arith.addi %add3A_856, %add3A_857 : i32
        %get3A_859 = arith.index_cast %add3A_858 : i32 to index
        %get3A_860 = arith.constant 0 : index
        %get3A_861 = tpu.vector_load %arg7[%get3A_859, %get3A_860] {strides = array<i32>} : memref<128x128xf32, #tpu.memory_space<vmem>>, vector<1x16xf32>,
        %get3A_862 = vector.shape_cast %get3A_861 : vector<1x16xf32> to vector<16xf32>
        %add3A_863 = arith.addf %add3A_817, %get3A_862 : vector<16xf32>
        %get3A_864 = arith.index_cast %add3A_858 : i32 to index
        %get3A_865 = arith.constant 16 : index
        %get3A_866 = tpu.vector_load %arg7[%get3A_864, %get3A_865] {strides = array<i32>} : memref<128x128xf32, #tpu.memory_space<vmem>>, vector<1x16xf32>,
        %get3A_867 = vector.shape_cast %get3A_866 : vector<1x16xf32> to vector<16xf32>
        %add3A_868 = arith.addf %add3A_822, %get3A_867 : vector<16xf32>
        %get3A_869 = arith.index_cast %add3A_858 : i32 to index
        %get3A_870 = arith.constant 32 : index
        %get3A_871 = tpu.vector_load %arg7[%get3A_869, %get3A_870] {strides = array<i32>} : memref<128x128xf32, #tpu.memory_space<vmem>>, vector<1x16xf32>,
        %get3A_872 = vector.shape_cast %get3A_871 : vector<1x16xf32> to vector<16xf32>
        %add3A_873 = arith.addf %add3A_827, %get3A_872 : vector<16xf32>
        %get3A_874 = arith.index_cast %add3A_858 : i32 to index
        %get3A_875 = arith.constant 48 : index
        %get3A_876 = tpu.vector_load %arg7[%get3A_874, %get3A_875] {strides = array<i32>} : memref<128x128xf32, #tpu.memory_space<vmem>>, vector<1x16xf32>,
        %get3A_877 = vector.shape_cast %get3A_876 : vector<1x16xf32> to vector<16xf32>
        %add3A_878 = arith.addf %add3A_832, %get3A_877 : vector<16xf32>
        %get3A_879 = arith.index_cast %add3A_858 : i32 to index
        %get3A_880 = arith.constant 64 : index
        %get3A_881 = tpu.vector_load %arg7[%get3A_879, %get3A_880] {strides = array<i32>} : memref<128x128xf32, #tpu.memory_space<vmem>>, vector<1x16xf32>,
        %get3A_882 = vector.shape_cast %get3A_881 : vector<1x16xf32> to vector<16xf32>
        %add3A_883 = arith.addf %add3A_837, %get3A_882 : vector<16xf32>
        %get3A_884 = arith.index_cast %add3A_858 : i32 to index
        %get3A_885 = arith.constant 80 : index
        %get3A_886 = tpu.vector_load %arg7[%get3A_884, %get3A_885] {strides = array<i32>} : memref<128x128xf32, #tpu.memory_space<vmem>>, vector<1x16xf32>,
        %get3A_887 = vector.shape_cast %get3A_886 : vector<1x16xf32> to vector<16xf32>
        %add3A_888 = arith.addf %add3A_842, %get3A_887 : vector<16xf32>
        %get3A_889 = arith.index_cast %add3A_858 : i32 to index
        %get3A_890 = arith.constant 96 : index
        %get3A_891 = tpu.vector_load %arg7[%get3A_889, %get3A_890] {strides = array<i32>} : memref<128x128xf32, #tpu.memory_space<vmem>>, vector<1x16xf32>,
        %get3A_892 = vector.shape_cast %get3A_891 : vector<1x16xf32> to vector<16xf32>
        %add3A_893 = arith.addf %add3A_847, %get3A_892 : vector<16xf32>
        %get3A_894 = arith.index_cast %add3A_858 : i32 to index
        %get3A_895 = arith.constant 112 : index
        %get3A_896 = tpu.vector_load %arg7[%get3A_894, %get3A_895] {strides = array<i32>} : memref<128x128xf32, #tpu.memory_space<vmem>>, vector<1x16xf32>,
        %get3A_897 = vector.shape_cast %get3A_896 : vector<1x16xf32> to vector<16xf32>
        %add3A_898 = arith.addf %add3A_852, %get3A_897 : vector<16xf32>
        %mul3A_899 = arith.constant 8 : i32
        %mul3A_900 = arith.muli %scan3A_615, %mul3A_899 : i32
        %add3A_901 = arith.constant 32 : i32
        %add3A_902 = arith.addi %add3A_901, %mul3A_900 : i32
        %add3A_903 = arith.constant 6 : i32
        %add3A_904 = arith.addi %add3A_902, %add3A_903 : i32
        %get3A_905 = arith.index_cast %add3A_904 : i32 to index
        %get3A_906 = arith.constant 0 : index
        %get3A_907 = tpu.vector_load %arg7[%get3A_905, %get3A_906] {strides = array<i32>} : memref<128x128xf32, #tpu.memory_space<vmem>>, vector<1x16xf32>,
        %get3A_908 = vector.shape_cast %get3A_907 : vector<1x16xf32> to vector<16xf32>
        %add3A_909 = arith.addf %add3A_863, %get3A_908 : vector<16xf32>
        %get3A_910 = arith.index_cast %add3A_904 : i32 to index
        %get3A_911 = arith.constant 16 : index
        %get3A_912 = tpu.vector_load %arg7[%get3A_910, %get3A_911] {strides = array<i32>} : memref<128x128xf32, #tpu.memory_space<vmem>>, vector<1x16xf32>,
        %get3A_913 = vector.shape_cast %get3A_912 : vector<1x16xf32> to vector<16xf32>
        %add3A_914 = arith.addf %add3A_868, %get3A_913 : vector<16xf32>
        %get3A_915 = arith.index_cast %add3A_904 : i32 to index
        %get3A_916 = arith.constant 32 : index
        %get3A_917 = tpu.vector_load %arg7[%get3A_915, %get3A_916] {strides = array<i32>} : memref<128x128xf32, #tpu.memory_space<vmem>>, vector<1x16xf32>,
        %get3A_918 = vector.shape_cast %get3A_917 : vector<1x16xf32> to vector<16xf32>
        %add3A_919 = arith.addf %add3A_873, %get3A_918 : vector<16xf32>
        %get3A_920 = arith.index_cast %add3A_904 : i32 to index
        %get3A_921 = arith.constant 48 : index
        %get3A_922 = tpu.vector_load %arg7[%get3A_920, %get3A_921] {strides = array<i32>} : memref<128x128xf32, #tpu.memory_space<vmem>>, vector<1x16xf32>,
        %get3A_923 = vector.shape_cast %get3A_922 : vector<1x16xf32> to vector<16xf32>
        %add3A_924 = arith.addf %add3A_878, %get3A_923 : vector<16xf32>
        %get3A_925 = arith.index_cast %add3A_904 : i32 to index
        %get3A_926 = arith.constant 64 : index
        %get3A_927 = tpu.vector_load %arg7[%get3A_925, %get3A_926] {strides = array<i32>} : memref<128x128xf32, #tpu.memory_space<vmem>>, vector<1x16xf32>,
        %get3A_928 = vector.shape_cast %get3A_927 : vector<1x16xf32> to vector<16xf32>
        %add3A_929 = arith.addf %add3A_883, %get3A_928 : vector<16xf32>
        %get3A_930 = arith.index_cast %add3A_904 : i32 to index
        %get3A_931 = arith.constant 80 : index
        %get3A_932 = tpu.vector_load %arg7[%get3A_930, %get3A_931] {strides = array<i32>} : memref<128x128xf32, #tpu.memory_space<vmem>>, vector<1x16xf32>,
        %get3A_933 = vector.shape_cast %get3A_932 : vector<1x16xf32> to vector<16xf32>
        %add3A_934 = arith.addf %add3A_888, %get3A_933 : vector<16xf32>
        %get3A_935 = arith.index_cast %add3A_904 : i32 to index
        %get3A_936 = arith.constant 96 : index
        %get3A_937 = tpu.vector_load %arg7[%get3A_935, %get3A_936] {strides = array<i32>} : memref<128x128xf32, #tpu.memory_space<vmem>>, vector<1x16xf32>,
        %get3A_938 = vector.shape_cast %get3A_937 : vector<1x16xf32> to vector<16xf32>
        %add3A_939 = arith.addf %add3A_893, %get3A_938 : vector<16xf32>
        %get3A_940 = arith.index_cast %add3A_904 : i32 to index
        %get3A_941 = arith.constant 112 : index
        %get3A_942 = tpu.vector_load %arg7[%get3A_940, %get3A_941] {strides = array<i32>} : memref<128x128xf32, #tpu.memory_space<vmem>>, vector<1x16xf32>,
        %get3A_943 = vector.shape_cast %get3A_942 : vector<1x16xf32> to vector<16xf32>
        %add3A_944 = arith.addf %add3A_898, %get3A_943 : vector<16xf32>
        %mul3A_945 = arith.constant 8 : i32
        %mul3A_946 = arith.muli %scan3A_615, %mul3A_945 : i32
        %add3A_947 = arith.constant 32 : i32
        %add3A_948 = arith.addi %add3A_947, %mul3A_946 : i32
        %add3A_949 = arith.constant 7 : i32
        %add3A_950 = arith.addi %add3A_948, %add3A_949 : i32
        %get3A_951 = arith.index_cast %add3A_950 : i32 to index
        %get3A_952 = arith.constant 0 : index
        %get3A_953 = tpu.vector_load %arg7[%get3A_951, %get3A_952] {strides = array<i32>} : memref<128x128xf32, #tpu.memory_space<vmem>>, vector<1x16xf32>,
        %get3A_954 = vector.shape_cast %get3A_953 : vector<1x16xf32> to vector<16xf32>
        %add3A_955 = arith.addf %add3A_909, %get3A_954 : vector<16xf32>
        %get3A_956 = arith.index_cast %add3A_950 : i32 to index
        %get3A_957 = arith.constant 16 : index
        %get3A_958 = tpu.vector_load %arg7[%get3A_956, %get3A_957] {strides = array<i32>} : memref<128x128xf32, #tpu.memory_space<vmem>>, vector<1x16xf32>,
        %get3A_959 = vector.shape_cast %get3A_958 : vector<1x16xf32> to vector<16xf32>
        %add3A_960 = arith.addf %add3A_914, %get3A_959 : vector<16xf32>
        %get3A_961 = arith.index_cast %add3A_950 : i32 to index
        %get3A_962 = arith.constant 32 : index
        %get3A_963 = tpu.vector_load %arg7[%get3A_961, %get3A_962] {strides = array<i32>} : memref<128x128xf32, #tpu.memory_space<vmem>>, vector<1x16xf32>,
        %get3A_964 = vector.shape_cast %get3A_963 : vector<1x16xf32> to vector<16xf32>
        %add3A_965 = arith.addf %add3A_919, %get3A_964 : vector<16xf32>
        %get3A_966 = arith.index_cast %add3A_950 : i32 to index
        %get3A_967 = arith.constant 48 : index
        %get3A_968 = tpu.vector_load %arg7[%get3A_966, %get3A_967] {strides = array<i32>} : memref<128x128xf32, #tpu.memory_space<vmem>>, vector<1x16xf32>,
        %get3A_969 = vector.shape_cast %get3A_968 : vector<1x16xf32> to vector<16xf32>
        %add3A_970 = arith.addf %add3A_924, %get3A_969 : vector<16xf32>
        %get3A_971 = arith.index_cast %add3A_950 : i32 to index
        %get3A_972 = arith.constant 64 : index
        %get3A_973 = tpu.vector_load %arg7[%get3A_971, %get3A_972] {strides = array<i32>} : memref<128x128xf32, #tpu.memory_space<vmem>>, vector<1x16xf32>,
        %get3A_974 = vector.shape_cast %get3A_973 : vector<1x16xf32> to vector<16xf32>
        %add3A_975 = arith.addf %add3A_929, %get3A_974 : vector<16xf32>
        %get3A_976 = arith.index_cast %add3A_950 : i32 to index
        %get3A_977 = arith.constant 80 : index
        %get3A_978 = tpu.vector_load %arg7[%get3A_976, %get3A_977] {strides = array<i32>} : memref<128x128xf32, #tpu.memory_space<vmem>>, vector<1x16xf32>,
        %get3A_979 = vector.shape_cast %get3A_978 : vector<1x16xf32> to vector<16xf32>
        %add3A_980 = arith.addf %add3A_934, %get3A_979 : vector<16xf32>
        %get3A_981 = arith.index_cast %add3A_950 : i32 to index
        %get3A_982 = arith.constant 96 : index
        %get3A_983 = tpu.vector_load %arg7[%get3A_981, %get3A_982] {strides = array<i32>} : memref<128x128xf32, #tpu.memory_space<vmem>>, vector<1x16xf32>,
        %get3A_984 = vector.shape_cast %get3A_983 : vector<1x16xf32> to vector<16xf32>
        %add3A_985 = arith.addf %add3A_939, %get3A_984 : vector<16xf32>
        %get3A_986 = arith.index_cast %add3A_950 : i32 to index
        %get3A_987 = arith.constant 112 : index
        %get3A_988 = tpu.vector_load %arg7[%get3A_986, %get3A_987] {strides = array<i32>} : memref<128x128xf32, #tpu.memory_space<vmem>>, vector<1x16xf32>,
        %get3A_989 = vector.shape_cast %get3A_988 : vector<1x16xf32> to vector<16xf32>
        %add3A_990 = arith.addf %add3A_944, %get3A_989 : vector<16xf32>
        scf.yield %add3A_955, %add3A_960, %add3A_965, %add3A_970, %add3A_975, %add3A_980, %add3A_985, %add3A_990 : vector<16xf32>, vector<16xf32>, vector<16xf32>, vector<16xf32>, vector<16xf32>, vector<16xf32>, vector<16xf32>, vector<16xf32>
      }
      %scan3A_127 = arith.constant 4 : i32
      %swap3A_128 = arith.constant 1 : i32
      %swap3A_129 = arith.index_cast %swap3A_128 : i32 to index
      %swap3A_130 = arith.constant 0 : index
      %swap3A_131 = tpu.vector_load %arg9[%swap3A_129, %swap3A_130] {strides = array<i32>} : memref<8x128xf32, #tpu.memory_space<vmem>>, vector<1x16xf32>,
      %swap3A_132 = vector.shape_cast %swap3A_131 : vector<1x16xf32> to vector<16xf32>
      %swap3A_133 = vector.shape_cast %scan3A_126#0 : vector<16xf32> to vector<1x16xf32>
      tpu.vector_store %arg9[%swap3A_129, %swap3A_130], %swap3A_133 {strides = array<i32>} : memref<8x128xf32, #tpu.memory_space<vmem>>, vector<1x16xf32>,
      %swap3A_134 = arith.constant 1 : i32
      %swap3A_135 = arith.index_cast %swap3A_134 : i32 to index
      %swap3A_136 = arith.constant 16 : index
      %swap3A_137 = tpu.vector_load %arg9[%swap3A_135, %swap3A_136] {strides = array<i32>} : memref<8x128xf32, #tpu.memory_space<vmem>>, vector<1x16xf32>,
      %swap3A_138 = vector.shape_cast %swap3A_137 : vector<1x16xf32> to vector<16xf32>
      %swap3A_139 = vector.shape_cast %scan3A_126#1 : vector<16xf32> to vector<1x16xf32>
      tpu.vector_store %arg9[%swap3A_135, %swap3A_136], %swap3A_139 {strides = array<i32>} : memref<8x128xf32, #tpu.memory_space<vmem>>, vector<1x16xf32>,
      %swap3A_140 = arith.constant 1 : i32
      %swap3A_141 = arith.index_cast %swap3A_140 : i32 to index
      %swap3A_142 = arith.constant 32 : index
      %swap3A_143 = tpu.vector_load %arg9[%swap3A_141, %swap3A_142] {strides = array<i32>} : memref<8x128xf32, #tpu.memory_space<vmem>>, vector<1x16xf32>,
      %swap3A_144 = vector.shape_cast %swap3A_143 : vector<1x16xf32> to vector<16xf32>
      %swap3A_145 = vector.shape_cast %scan3A_126#2 : vector<16xf32> to vector<1x16xf32>
      tpu.vector_store %arg9[%swap3A_141, %swap3A_142], %swap3A_145 {strides = array<i32>} : memref<8x128xf32, #tpu.memory_space<vmem>>, vector<1x16xf32>,
      %swap3A_146 = arith.constant 1 : i32
      %swap3A_147 = arith.index_cast %swap3A_146 : i32 to index
      %swap3A_148 = arith.constant 48 : index
      %swap3A_149 = tpu.vector_load %arg9[%swap3A_147, %swap3A_148] {strides = array<i32>} : memref<8x128xf32, #tpu.memory_space<vmem>>, vector<1x16xf32>,
      %swap3A_150 = vector.shape_cast %swap3A_149 : vector<1x16xf32> to vector<16xf32>
      %swap3A_151 = vector.shape_cast %scan3A_126#3 : vector<16xf32> to vector<1x16xf32>
      tpu.vector_store %arg9[%swap3A_147, %swap3A_148], %swap3A_151 {strides = array<i32>} : memref<8x128xf32, #tpu.memory_space<vmem>>, vector<1x16xf32>,
      %swap3A_152 = arith.constant 1 : i32
      %swap3A_153 = arith.index_cast %swap3A_152 : i32 to index
      %swap3A_154 = arith.constant 64 : index
      %swap3A_155 = tpu.vector_load %arg9[%swap3A_153, %swap3A_154] {strides = array<i32>} : memref<8x128xf32, #tpu.memory_space<vmem>>, vector<1x16xf32>,
      %swap3A_156 = vector.shape_cast %swap3A_155 : vector<1x16xf32> to vector<16xf32>
      %swap3A_157 = vector.shape_cast %scan3A_126#4 : vector<16xf32> to vector<1x16xf32>
      tpu.vector_store %arg9[%swap3A_153, %swap3A_154], %swap3A_157 {strides = array<i32>} : memref<8x128xf32, #tpu.memory_space<vmem>>, vector<1x16xf32>,
      %swap3A_158 = arith.constant 1 : i32
      %swap3A_159 = arith.index_cast %swap3A_158 : i32 to index
      %swap3A_160 = arith.constant 80 : index
      %swap3A_161 = tpu.vector_load %arg9[%swap3A_159, %swap3A_160] {strides = array<i32>} : memref<8x128xf32, #tpu.memory_space<vmem>>, vector<1x16xf32>,
      %swap3A_162 = vector.shape_cast %swap3A_161 : vector<1x16xf32> to vector<16xf32>
      %swap3A_163 = vector.shape_cast %scan3A_126#5 : vector<16xf32> to vector<1x16xf32>
      tpu.vector_store %arg9[%swap3A_159, %swap3A_160], %swap3A_163 {strides = array<i32>} : memref<8x128xf32, #tpu.memory_space<vmem>>, vector<1x16xf32>,
      %swap3A_164 = arith.constant 1 : i32
      %swap3A_165 = arith.index_cast %swap3A_164 : i32 to index
      %swap3A_166 = arith.constant 96 : index
      %swap3A_167 = tpu.vector_load %arg9[%swap3A_165, %swap3A_166] {strides = array<i32>} : memref<8x128xf32, #tpu.memory_space<vmem>>, vector<1x16xf32>,
      %swap3A_168 = vector.shape_cast %swap3A_167 : vector<1x16xf32> to vector<16xf32>
      %swap3A_169 = vector.shape_cast %scan3A_126#6 : vector<16xf32> to vector<1x16xf32>
      tpu.vector_store %arg9[%swap3A_165, %swap3A_166], %swap3A_169 {strides = array<i32>} : memref<8x128xf32, #tpu.memory_space<vmem>>, vector<1x16xf32>,
      %swap3A_170 = arith.constant 1 : i32
      %swap3A_171 = arith.index_cast %swap3A_170 : i32 to index
      %swap3A_172 = arith.constant 112 : index
      %swap3A_173 = tpu.vector_load %arg9[%swap3A_171, %swap3A_172] {strides = array<i32>} : memref<8x128xf32, #tpu.memory_space<vmem>>, vector<1x16xf32>,
      %swap3A_174 = vector.shape_cast %swap3A_173 : vector<1x16xf32> to vector<16xf32>
      %swap3A_175 = vector.shape_cast %scan3A_126#7 : vector<16xf32> to vector<1x16xf32>
      tpu.vector_store %arg9[%swap3A_171, %swap3A_172], %swap3A_175 {strides = array<i32>} : memref<8x128xf32, #tpu.memory_space<vmem>>, vector<1x16xf32>,
      %broadcast_in_dim3A_176 = arith.constant 0.000000e+00 : f32
      %broadcast_in_dim3A_177 = vector.broadcast %broadcast_in_dim3A_176 : f32 to vector<16xf32>
      %broadcast_in_dim3A_178 = arith.constant 0.000000e+00 : f32
      %broadcast_in_dim3A_179 = vector.broadcast %broadcast_in_dim3A_178 : f32 to vector<16xf32>
      %broadcast_in_dim3A_180 = arith.constant 0.000000e+00 : f32
      %broadcast_in_dim3A_181 = vector.broadcast %broadcast_in_dim3A_180 : f32 to vector<16xf32>
      %broadcast_in_dim3A_182 = arith.constant 0.000000e+00 : f32
      %broadcast_in_dim3A_183 = vector.broadcast %broadcast_in_dim3A_182 : f32 to vector<16xf32>
      %broadcast_in_dim3A_184 = arith.constant 0.000000e+00 : f32
      %broadcast_in_dim3A_185 = vector.broadcast %broadcast_in_dim3A_184 : f32 to vector<16xf32>
      %broadcast_in_dim3A_186 = arith.constant 0.000000e+00 : f32
      %broadcast_in_dim3A_187 = vector.broadcast %broadcast_in_dim3A_186 : f32 to vector<16xf32>
      %broadcast_in_dim3A_188 = arith.constant 0.000000e+00 : f32
      %broadcast_in_dim3A_189 = vector.broadcast %broadcast_in_dim3A_188 : f32 to vector<16xf32>
      %broadcast_in_dim3A_190 = arith.constant 0.000000e+00 : f32
      %broadcast_in_dim3A_191 = vector.broadcast %broadcast_in_dim3A_190 : f32 to vector<16xf32>
      %scan3A_192 = arith.constant 0 : i32
      %scan3A_193 = arith.constant 4 : i32
      %scan3A_194 = arith.addi %scan3A_192, %scan3A_193 : i32
      %scan3A_195 = arith.constant 1 : i32
      %scan3A_196:8 = scf.for %scan3A_615 = %scan3A_192 to %scan3A_194 step %scan3A_195 iter_args(%scan3A_616 = %broadcast_in_dim3A_177, %scan3A_617 = %broadcast_in_dim3A_179, %scan3A_618 = %broadcast_in_dim3A_181, %scan3A_619 = %broadcast_in_dim3A_183, %scan3A_620 = %broadcast_in_dim3A_185, %scan3A_621 = %broadcast_in_dim3A_187, %scan3A_622 = %broadcast_in_dim3A_189, %scan3A_623 = %broadcast_in_dim3A_191) -> (vector<16xf32>, vector<16xf32>, vector<16xf32>, vector<16xf32>, vector<16xf32>, vector<16xf32>, vector<16xf32>, vector<16xf32>)  : i32 {
        %mul3A_624 = arith.constant 8 : i32
        %mul3A_625 = arith.muli %scan3A_615, %mul3A_624 : i32
        %add3A_626 = arith.constant 64 : i32
        %add3A_627 = arith.addi %add3A_626, %mul3A_625 : i32
        %add3A_628 = arith.constant 0 : i32
        %add3A_629 = arith.addi %add3A_627, %add3A_628 : i32
        %get3A = arith.index_cast %add3A_629 : i32 to index
        %get3A_630 = arith.constant 0 : index
        %get3A_631 = tpu.vector_load %arg7[%get3A, %get3A_630] {strides = array<i32>} : memref<128x128xf32, #tpu.memory_space<vmem>>, vector<1x16xf32>,
        %get3A_632 = vector.shape_cast %get3A_631 : vector<1x16xf32> to vector<16xf32>
        %add3A_633 = arith.addf %scan3A_616, %get3A_632 : vector<16xf32>
        %get3A_634 = arith.index_cast %add3A_629 : i32 to index
        %get3A_635 = arith.constant 16 : index
        %get3A_636 = tpu.vector_load %arg7[%get3A_634, %get3A_635] {strides = array<i32>} : memref<128x128xf32, #tpu.memory_space<vmem>>, vector<1x16xf32>,
        %get3A_637 = vector.shape_cast %get3A_636 : vector<1x16xf32> to vector<16xf32>
        %add3A_638 = arith.addf %scan3A_617, %get3A_637 : vector<16xf32>
        %get3A_639 = arith.index_cast %add3A_629 : i32 to index
        %get3A_640 = arith.constant 32 : index
        %get3A_641 = tpu.vector_load %arg7[%get3A_639, %get3A_640] {strides = array<i32>} : memref<128x128xf32, #tpu.memory_space<vmem>>, vector<1x16xf32>,
        %get3A_642 = vector.shape_cast %get3A_641 : vector<1x16xf32> to vector<16xf32>
        %add3A_643 = arith.addf %scan3A_618, %get3A_642 : vector<16xf32>
        %get3A_644 = arith.index_cast %add3A_629 : i32 to index
        %get3A_645 = arith.constant 48 : index
        %get3A_646 = tpu.vector_load %arg7[%get3A_644, %get3A_645] {strides = array<i32>} : memref<128x128xf32, #tpu.memory_space<vmem>>, vector<1x16xf32>,
        %get3A_647 = vector.shape_cast %get3A_646 : vector<1x16xf32> to vector<16xf32>
        %add3A_648 = arith.addf %scan3A_619, %get3A_647 : vector<16xf32>
        %get3A_649 = arith.index_cast %add3A_629 : i32 to index
        %get3A_650 = arith.constant 64 : index
        %get3A_651 = tpu.vector_load %arg7[%get3A_649, %get3A_650] {strides = array<i32>} : memref<128x128xf32, #tpu.memory_space<vmem>>, vector<1x16xf32>,
        %get3A_652 = vector.shape_cast %get3A_651 : vector<1x16xf32> to vector<16xf32>
        %add3A_653 = arith.addf %scan3A_620, %get3A_652 : vector<16xf32>
        %get3A_654 = arith.index_cast %add3A_629 : i32 to index
        %get3A_655 = arith.constant 80 : index
        %get3A_656 = tpu.vector_load %arg7[%get3A_654, %get3A_655] {strides = array<i32>} : memref<128x128xf32, #tpu.memory_space<vmem>>, vector<1x16xf32>,
        %get3A_657 = vector.shape_cast %get3A_656 : vector<1x16xf32> to vector<16xf32>
        %add3A_658 = arith.addf %scan3A_621, %get3A_657 : vector<16xf32>
        %get3A_659 = arith.index_cast %add3A_629 : i32 to index
        %get3A_660 = arith.constant 96 : index
        %get3A_661 = tpu.vector_load %arg7[%get3A_659, %get3A_660] {strides = array<i32>} : memref<128x128xf32, #tpu.memory_space<vmem>>, vector<1x16xf32>,
        %get3A_662 = vector.shape_cast %get3A_661 : vector<1x16xf32> to vector<16xf32>
        %add3A_663 = arith.addf %scan3A_622, %get3A_662 : vector<16xf32>
        %get3A_664 = arith.index_cast %add3A_629 : i32 to index
        %get3A_665 = arith.constant 112 : index
        %get3A_666 = tpu.vector_load %arg7[%get3A_664, %get3A_665] {strides = array<i32>} : memref<128x128xf32, #tpu.memory_space<vmem>>, vector<1x16xf32>,
        %get3A_667 = vector.shape_cast %get3A_666 : vector<1x16xf32> to vector<16xf32>
        %add3A_668 = arith.addf %scan3A_623, %get3A_667 : vector<16xf32>
        %mul3A_669 = arith.constant 8 : i32
        %mul3A_670 = arith.muli %scan3A_615, %mul3A_669 : i32
        %add3A_671 = arith.constant 64 : i32
        %add3A_672 = arith.addi %add3A_671, %mul3A_670 : i32
        %add3A_673 = arith.constant 1 : i32
        %add3A_674 = arith.addi %add3A_672, %add3A_673 : i32
        %get3A_675 = arith.index_cast %add3A_674 : i32 to index
        %get3A_676 = arith.constant 0 : index
        %get3A_677 = tpu.vector_load %arg7[%get3A_675, %get3A_676] {strides = array<i32>} : memref<128x128xf32, #tpu.memory_space<vmem>>, vector<1x16xf32>,
        %get3A_678 = vector.shape_cast %get3A_677 : vector<1x16xf32> to vector<16xf32>
        %add3A_679 = arith.addf %add3A_633, %get3A_678 : vector<16xf32>
        %get3A_680 = arith.index_cast %add3A_674 : i32 to index
        %get3A_681 = arith.constant 16 : index
        %get3A_682 = tpu.vector_load %arg7[%get3A_680, %get3A_681] {strides = array<i32>} : memref<128x128xf32, #tpu.memory_space<vmem>>, vector<1x16xf32>,
        %get3A_683 = vector.shape_cast %get3A_682 : vector<1x16xf32> to vector<16xf32>
        %add3A_684 = arith.addf %add3A_638, %get3A_683 : vector<16xf32>
        %get3A_685 = arith.index_cast %add3A_674 : i32 to index
        %get3A_686 = arith.constant 32 : index
        %get3A_687 = tpu.vector_load %arg7[%get3A_685, %get3A_686] {strides = array<i32>} : memref<128x128xf32, #tpu.memory_space<vmem>>, vector<1x16xf32>,
        %get3A_688 = vector.shape_cast %get3A_687 : vector<1x16xf32> to vector<16xf32>
        %add3A_689 = arith.addf %add3A_643, %get3A_688 : vector<16xf32>
        %get3A_690 = arith.index_cast %add3A_674 : i32 to index
        %get3A_691 = arith.constant 48 : index
        %get3A_692 = tpu.vector_load %arg7[%get3A_690, %get3A_691] {strides = array<i32>} : memref<128x128xf32, #tpu.memory_space<vmem>>, vector<1x16xf32>,
        %get3A_693 = vector.shape_cast %get3A_692 : vector<1x16xf32> to vector<16xf32>
        %add3A_694 = arith.addf %add3A_648, %get3A_693 : vector<16xf32>
        %get3A_695 = arith.index_cast %add3A_674 : i32 to index
        %get3A_696 = arith.constant 64 : index
        %get3A_697 = tpu.vector_load %arg7[%get3A_695, %get3A_696] {strides = array<i32>} : memref<128x128xf32, #tpu.memory_space<vmem>>, vector<1x16xf32>,
        %get3A_698 = vector.shape_cast %get3A_697 : vector<1x16xf32> to vector<16xf32>
        %add3A_699 = arith.addf %add3A_653, %get3A_698 : vector<16xf32>
        %get3A_700 = arith.index_cast %add3A_674 : i32 to index
        %get3A_701 = arith.constant 80 : index
        %get3A_702 = tpu.vector_load %arg7[%get3A_700, %get3A_701] {strides = array<i32>} : memref<128x128xf32, #tpu.memory_space<vmem>>, vector<1x16xf32>,
        %get3A_703 = vector.shape_cast %get3A_702 : vector<1x16xf32> to vector<16xf32>
        %add3A_704 = arith.addf %add3A_658, %get3A_703 : vector<16xf32>
        %get3A_705 = arith.index_cast %add3A_674 : i32 to index
        %get3A_706 = arith.constant 96 : index
        %get3A_707 = tpu.vector_load %arg7[%get3A_705, %get3A_706] {strides = array<i32>} : memref<128x128xf32, #tpu.memory_space<vmem>>, vector<1x16xf32>,
        %get3A_708 = vector.shape_cast %get3A_707 : vector<1x16xf32> to vector<16xf32>
        %add3A_709 = arith.addf %add3A_663, %get3A_708 : vector<16xf32>
        %get3A_710 = arith.index_cast %add3A_674 : i32 to index
        %get3A_711 = arith.constant 112 : index
        %get3A_712 = tpu.vector_load %arg7[%get3A_710, %get3A_711] {strides = array<i32>} : memref<128x128xf32, #tpu.memory_space<vmem>>, vector<1x16xf32>,
        %get3A_713 = vector.shape_cast %get3A_712 : vector<1x16xf32> to vector<16xf32>
        %add3A_714 = arith.addf %add3A_668, %get3A_713 : vector<16xf32>
        %mul3A_715 = arith.constant 8 : i32
        %mul3A_716 = arith.muli %scan3A_615, %mul3A_715 : i32
        %add3A_717 = arith.constant 64 : i32
        %add3A_718 = arith.addi %add3A_717, %mul3A_716 : i32
        %add3A_719 = arith.constant 2 : i32
        %add3A_720 = arith.addi %add3A_718, %add3A_719 : i32
        %get3A_721 = arith.index_cast %add3A_720 : i32 to index
        %get3A_722 = arith.constant 0 : index
        %get3A_723 = tpu.vector_load %arg7[%get3A_721, %get3A_722] {strides = array<i32>} : memref<128x128xf32, #tpu.memory_space<vmem>>, vector<1x16xf32>,
        %get3A_724 = vector.shape_cast %get3A_723 : vector<1x16xf32> to vector<16xf32>
        %add3A_725 = arith.addf %add3A_679, %get3A_724 : vector<16xf32>
        %get3A_726 = arith.index_cast %add3A_720 : i32 to index
        %get3A_727 = arith.constant 16 : index
        %get3A_728 = tpu.vector_load %arg7[%get3A_726, %get3A_727] {strides = array<i32>} : memref<128x128xf32, #tpu.memory_space<vmem>>, vector<1x16xf32>,
        %get3A_729 = vector.shape_cast %get3A_728 : vector<1x16xf32> to vector<16xf32>
        %add3A_730 = arith.addf %add3A_684, %get3A_729 : vector<16xf32>
        %get3A_731 = arith.index_cast %add3A_720 : i32 to index
        %get3A_732 = arith.constant 32 : index
        %get3A_733 = tpu.vector_load %arg7[%get3A_731, %get3A_732] {strides = array<i32>} : memref<128x128xf32, #tpu.memory_space<vmem>>, vector<1x16xf32>,
        %get3A_734 = vector.shape_cast %get3A_733 : vector<1x16xf32> to vector<16xf32>
        %add3A_735 = arith.addf %add3A_689, %get3A_734 : vector<16xf32>
        %get3A_736 = arith.index_cast %add3A_720 : i32 to index
        %get3A_737 = arith.constant 48 : index
        %get3A_738 = tpu.vector_load %arg7[%get3A_736, %get3A_737] {strides = array<i32>} : memref<128x128xf32, #tpu.memory_space<vmem>>, vector<1x16xf32>,
        %get3A_739 = vector.shape_cast %get3A_738 : vector<1x16xf32> to vector<16xf32>
        %add3A_740 = arith.addf %add3A_694, %get3A_739 : vector<16xf32>
        %get3A_741 = arith.index_cast %add3A_720 : i32 to index
        %get3A_742 = arith.constant 64 : index
        %get3A_743 = tpu.vector_load %arg7[%get3A_741, %get3A_742] {strides = array<i32>} : memref<128x128xf32, #tpu.memory_space<vmem>>, vector<1x16xf32>,
        %get3A_744 = vector.shape_cast %get3A_743 : vector<1x16xf32> to vector<16xf32>
        %add3A_745 = arith.addf %add3A_699, %get3A_744 : vector<16xf32>
        %get3A_746 = arith.index_cast %add3A_720 : i32 to index
        %get3A_747 = arith.constant 80 : index
        %get3A_748 = tpu.vector_load %arg7[%get3A_746, %get3A_747] {strides = array<i32>} : memref<128x128xf32, #tpu.memory_space<vmem>>, vector<1x16xf32>,
        %get3A_749 = vector.shape_cast %get3A_748 : vector<1x16xf32> to vector<16xf32>
        %add3A_750 = arith.addf %add3A_704, %get3A_749 : vector<16xf32>
        %get3A_751 = arith.index_cast %add3A_720 : i32 to index
        %get3A_752 = arith.constant 96 : index
        %get3A_753 = tpu.vector_load %arg7[%get3A_751, %get3A_752] {strides = array<i32>} : memref<128x128xf32, #tpu.memory_space<vmem>>, vector<1x16xf32>,
        %get3A_754 = vector.shape_cast %get3A_753 : vector<1x16xf32> to vector<16xf32>
        %add3A_755 = arith.addf %add3A_709, %get3A_754 : vector<16xf32>
        %get3A_756 = arith.index_cast %add3A_720 : i32 to index
        %get3A_757 = arith.constant 112 : index
        %get3A_758 = tpu.vector_load %arg7[%get3A_756, %get3A_757] {strides = array<i32>} : memref<128x128xf32, #tpu.memory_space<vmem>>, vector<1x16xf32>,
        %get3A_759 = vector.shape_cast %get3A_758 : vector<1x16xf32> to vector<16xf32>
        %add3A_760 = arith.addf %add3A_714, %get3A_759 : vector<16xf32>
        %mul3A_761 = arith.constant 8 : i32
        %mul3A_762 = arith.muli %scan3A_615, %mul3A_761 : i32
        %add3A_763 = arith.constant 64 : i32
        %add3A_764 = arith.addi %add3A_763, %mul3A_762 : i32
        %add3A_765 = arith.constant 3 : i32
        %add3A_766 = arith.addi %add3A_764, %add3A_765 : i32
        %get3A_767 = arith.index_cast %add3A_766 : i32 to index
        %get3A_768 = arith.constant 0 : index
        %get3A_769 = tpu.vector_load %arg7[%get3A_767, %get3A_768] {strides = array<i32>} : memref<128x128xf32, #tpu.memory_space<vmem>>, vector<1x16xf32>,
        %get3A_770 = vector.shape_cast %get3A_769 : vector<1x16xf32> to vector<16xf32>
        %add3A_771 = arith.addf %add3A_725, %get3A_770 : vector<16xf32>
        %get3A_772 = arith.index_cast %add3A_766 : i32 to index
        %get3A_773 = arith.constant 16 : index
        %get3A_774 = tpu.vector_load %arg7[%get3A_772, %get3A_773] {strides = array<i32>} : memref<128x128xf32, #tpu.memory_space<vmem>>, vector<1x16xf32>,
        %get3A_775 = vector.shape_cast %get3A_774 : vector<1x16xf32> to vector<16xf32>
        %add3A_776 = arith.addf %add3A_730, %get3A_775 : vector<16xf32>
        %get3A_777 = arith.index_cast %add3A_766 : i32 to index
        %get3A_778 = arith.constant 32 : index
        %get3A_779 = tpu.vector_load %arg7[%get3A_777, %get3A_778] {strides = array<i32>} : memref<128x128xf32, #tpu.memory_space<vmem>>, vector<1x16xf32>,
        %get3A_780 = vector.shape_cast %get3A_779 : vector<1x16xf32> to vector<16xf32>
        %add3A_781 = arith.addf %add3A_735, %get3A_780 : vector<16xf32>
        %get3A_782 = arith.index_cast %add3A_766 : i32 to index
        %get3A_783 = arith.constant 48 : index
        %get3A_784 = tpu.vector_load %arg7[%get3A_782, %get3A_783] {strides = array<i32>} : memref<128x128xf32, #tpu.memory_space<vmem>>, vector<1x16xf32>,
        %get3A_785 = vector.shape_cast %get3A_784 : vector<1x16xf32> to vector<16xf32>
        %add3A_786 = arith.addf %add3A_740, %get3A_785 : vector<16xf32>
        %get3A_787 = arith.index_cast %add3A_766 : i32 to index
        %get3A_788 = arith.constant 64 : index
        %get3A_789 = tpu.vector_load %arg7[%get3A_787, %get3A_788] {strides = array<i32>} : memref<128x128xf32, #tpu.memory_space<vmem>>, vector<1x16xf32>,
        %get3A_790 = vector.shape_cast %get3A_789 : vector<1x16xf32> to vector<16xf32>
        %add3A_791 = arith.addf %add3A_745, %get3A_790 : vector<16xf32>
        %get3A_792 = arith.index_cast %add3A_766 : i32 to index
        %get3A_793 = arith.constant 80 : index
        %get3A_794 = tpu.vector_load %arg7[%get3A_792, %get3A_793] {strides = array<i32>} : memref<128x128xf32, #tpu.memory_space<vmem>>, vector<1x16xf32>,
        %get3A_795 = vector.shape_cast %get3A_794 : vector<1x16xf32> to vector<16xf32>
        %add3A_796 = arith.addf %add3A_750, %get3A_795 : vector<16xf32>
        %get3A_797 = arith.index_cast %add3A_766 : i32 to index
        %get3A_798 = arith.constant 96 : index
        %get3A_799 = tpu.vector_load %arg7[%get3A_797, %get3A_798] {strides = array<i32>} : memref<128x128xf32, #tpu.memory_space<vmem>>, vector<1x16xf32>,
        %get3A_800 = vector.shape_cast %get3A_799 : vector<1x16xf32> to vector<16xf32>
        %add3A_801 = arith.addf %add3A_755, %get3A_800 : vector<16xf32>
        %get3A_802 = arith.index_cast %add3A_766 : i32 to index
        %get3A_803 = arith.constant 112 : index
        %get3A_804 = tpu.vector_load %arg7[%get3A_802, %get3A_803] {strides = array<i32>} : memref<128x128xf32, #tpu.memory_space<vmem>>, vector<1x16xf32>,
        %get3A_805 = vector.shape_cast %get3A_804 : vector<1x16xf32> to vector<16xf32>
        %add3A_806 = arith.addf %add3A_760, %get3A_805 : vector<16xf32>
        %mul3A_807 = arith.constant 8 : i32
        %mul3A_808 = arith.muli %scan3A_615, %mul3A_807 : i32
        %add3A_809 = arith.constant 64 : i32
        %add3A_810 = arith.addi %add3A_809, %mul3A_808 : i32
        %add3A_811 = arith.constant 4 : i32
        %add3A_812 = arith.addi %add3A_810, %add3A_811 : i32
        %get3A_813 = arith.index_cast %add3A_812 : i32 to index
        %get3A_814 = arith.constant 0 : index
        %get3A_815 = tpu.vector_load %arg7[%get3A_813, %get3A_814] {strides = array<i32>} : memref<128x128xf32, #tpu.memory_space<vmem>>, vector<1x16xf32>,
        %get3A_816 = vector.shape_cast %get3A_815 : vector<1x16xf32> to vector<16xf32>
        %add3A_817 = arith.addf %add3A_771, %get3A_816 : vector<16xf32>
        %get3A_818 = arith.index_cast %add3A_812 : i32 to index
        %get3A_819 = arith.constant 16 : index
        %get3A_820 = tpu.vector_load %arg7[%get3A_818, %get3A_819] {strides = array<i32>} : memref<128x128xf32, #tpu.memory_space<vmem>>, vector<1x16xf32>,
        %get3A_821 = vector.shape_cast %get3A_820 : vector<1x16xf32> to vector<16xf32>
        %add3A_822 = arith.addf %add3A_776, %get3A_821 : vector<16xf32>
        %get3A_823 = arith.index_cast %add3A_812 : i32 to index
        %get3A_824 = arith.constant 32 : index
        %get3A_825 = tpu.vector_load %arg7[%get3A_823, %get3A_824] {strides = array<i32>} : memref<128x128xf32, #tpu.memory_space<vmem>>, vector<1x16xf32>,
        %get3A_826 = vector.shape_cast %get3A_825 : vector<1x16xf32> to vector<16xf32>
        %add3A_827 = arith.addf %add3A_781, %get3A_826 : vector<16xf32>
        %get3A_828 = arith.index_cast %add3A_812 : i32 to index
        %get3A_829 = arith.constant 48 : index
        %get3A_830 = tpu.vector_load %arg7[%get3A_828, %get3A_829] {strides = array<i32>} : memref<128x128xf32, #tpu.memory_space<vmem>>, vector<1x16xf32>,
        %get3A_831 = vector.shape_cast %get3A_830 : vector<1x16xf32> to vector<16xf32>
        %add3A_832 = arith.addf %add3A_786, %get3A_831 : vector<16xf32>
        %get3A_833 = arith.index_cast %add3A_812 : i32 to index
        %get3A_834 = arith.constant 64 : index
        %get3A_835 = tpu.vector_load %arg7[%get3A_833, %get3A_834] {strides = array<i32>} : memref<128x128xf32, #tpu.memory_space<vmem>>, vector<1x16xf32>,
        %get3A_836 = vector.shape_cast %get3A_835 : vector<1x16xf32> to vector<16xf32>
        %add3A_837 = arith.addf %add3A_791, %get3A_836 : vector<16xf32>
        %get3A_838 = arith.index_cast %add3A_812 : i32 to index
        %get3A_839 = arith.constant 80 : index
        %get3A_840 = tpu.vector_load %arg7[%get3A_838, %get3A_839] {strides = array<i32>} : memref<128x128xf32, #tpu.memory_space<vmem>>, vector<1x16xf32>,
        %get3A_841 = vector.shape_cast %get3A_840 : vector<1x16xf32> to vector<16xf32>
        %add3A_842 = arith.addf %add3A_796, %get3A_841 : vector<16xf32>
        %get3A_843 = arith.index_cast %add3A_812 : i32 to index
        %get3A_844 = arith.constant 96 : index
        %get3A_845 = tpu.vector_load %arg7[%get3A_843, %get3A_844] {strides = array<i32>} : memref<128x128xf32, #tpu.memory_space<vmem>>, vector<1x16xf32>,
        %get3A_846 = vector.shape_cast %get3A_845 : vector<1x16xf32> to vector<16xf32>
        %add3A_847 = arith.addf %add3A_801, %get3A_846 : vector<16xf32>
        %get3A_848 = arith.index_cast %add3A_812 : i32 to index
        %get3A_849 = arith.constant 112 : index
        %get3A_850 = tpu.vector_load %arg7[%get3A_848, %get3A_849] {strides = array<i32>} : memref<128x128xf32, #tpu.memory_space<vmem>>, vector<1x16xf32>,
        %get3A_851 = vector.shape_cast %get3A_850 : vector<1x16xf32> to vector<16xf32>
        %add3A_852 = arith.addf %add3A_806, %get3A_851 : vector<16xf32>
        %mul3A_853 = arith.constant 8 : i32
        %mul3A_854 = arith.muli %scan3A_615, %mul3A_853 : i32
        %add3A_855 = arith.constant 64 : i32
        %add3A_856 = arith.addi %add3A_855, %mul3A_854 : i32
        %add3A_857 = arith.constant 5 : i32
        %add3A_858 = arith.addi %add3A_856, %add3A_857 : i32
        %get3A_859 = arith.index_cast %add3A_858 : i32 to index
        %get3A_860 = arith.constant 0 : index
        %get3A_861 = tpu.vector_load %arg7[%get3A_859, %get3A_860] {strides = array<i32>} : memref<128x128xf32, #tpu.memory_space<vmem>>, vector<1x16xf32>,
        %get3A_862 = vector.shape_cast %get3A_861 : vector<1x16xf32> to vector<16xf32>
        %add3A_863 = arith.addf %add3A_817, %get3A_862 : vector<16xf32>
        %get3A_864 = arith.index_cast %add3A_858 : i32 to index
        %get3A_865 = arith.constant 16 : index
        %get3A_866 = tpu.vector_load %arg7[%get3A_864, %get3A_865] {strides = array<i32>} : memref<128x128xf32, #tpu.memory_space<vmem>>, vector<1x16xf32>,
        %get3A_867 = vector.shape_cast %get3A_866 : vector<1x16xf32> to vector<16xf32>
        %add3A_868 = arith.addf %add3A_822, %get3A_867 : vector<16xf32>
        %get3A_869 = arith.index_cast %add3A_858 : i32 to index
        %get3A_870 = arith.constant 32 : index
        %get3A_871 = tpu.vector_load %arg7[%get3A_869, %get3A_870] {strides = array<i32>} : memref<128x128xf32, #tpu.memory_space<vmem>>, vector<1x16xf32>,
        %get3A_872 = vector.shape_cast %get3A_871 : vector<1x16xf32> to vector<16xf32>
        %add3A_873 = arith.addf %add3A_827, %get3A_872 : vector<16xf32>
        %get3A_874 = arith.index_cast %add3A_858 : i32 to index
        %get3A_875 = arith.constant 48 : index
        %get3A_876 = tpu.vector_load %arg7[%get3A_874, %get3A_875] {strides = array<i32>} : memref<128x128xf32, #tpu.memory_space<vmem>>, vector<1x16xf32>,
        %get3A_877 = vector.shape_cast %get3A_876 : vector<1x16xf32> to vector<16xf32>
        %add3A_878 = arith.addf %add3A_832, %get3A_877 : vector<16xf32>
        %get3A_879 = arith.index_cast %add3A_858 : i32 to index
        %get3A_880 = arith.constant 64 : index
        %get3A_881 = tpu.vector_load %arg7[%get3A_879, %get3A_880] {strides = array<i32>} : memref<128x128xf32, #tpu.memory_space<vmem>>, vector<1x16xf32>,
        %get3A_882 = vector.shape_cast %get3A_881 : vector<1x16xf32> to vector<16xf32>
        %add3A_883 = arith.addf %add3A_837, %get3A_882 : vector<16xf32>
        %get3A_884 = arith.index_cast %add3A_858 : i32 to index
        %get3A_885 = arith.constant 80 : index
        %get3A_886 = tpu.vector_load %arg7[%get3A_884, %get3A_885] {strides = array<i32>} : memref<128x128xf32, #tpu.memory_space<vmem>>, vector<1x16xf32>,
        %get3A_887 = vector.shape_cast %get3A_886 : vector<1x16xf32> to vector<16xf32>
        %add3A_888 = arith.addf %add3A_842, %get3A_887 : vector<16xf32>
        %get3A_889 = arith.index_cast %add3A_858 : i32 to index
        %get3A_890 = arith.constant 96 : index
        %get3A_891 = tpu.vector_load %arg7[%get3A_889, %get3A_890] {strides = array<i32>} : memref<128x128xf32, #tpu.memory_space<vmem>>, vector<1x16xf32>,
        %get3A_892 = vector.shape_cast %get3A_891 : vector<1x16xf32> to vector<16xf32>
        %add3A_893 = arith.addf %add3A_847, %get3A_892 : vector<16xf32>
        %get3A_894 = arith.index_cast %add3A_858 : i32 to index
        %get3A_895 = arith.constant 112 : index
        %get3A_896 = tpu.vector_load %arg7[%get3A_894, %get3A_895] {strides = array<i32>} : memref<128x128xf32, #tpu.memory_space<vmem>>, vector<1x16xf32>,
        %get3A_897 = vector.shape_cast %get3A_896 : vector<1x16xf32> to vector<16xf32>
        %add3A_898 = arith.addf %add3A_852, %get3A_897 : vector<16xf32>
        %mul3A_899 = arith.constant 8 : i32
        %mul3A_900 = arith.muli %scan3A_615, %mul3A_899 : i32
        %add3A_901 = arith.constant 64 : i32
        %add3A_902 = arith.addi %add3A_901, %mul3A_900 : i32
        %add3A_903 = arith.constant 6 : i32
        %add3A_904 = arith.addi %add3A_902, %add3A_903 : i32
        %get3A_905 = arith.index_cast %add3A_904 : i32 to index
        %get3A_906 = arith.constant 0 : index
        %get3A_907 = tpu.vector_load %arg7[%get3A_905, %get3A_906] {strides = array<i32>} : memref<128x128xf32, #tpu.memory_space<vmem>>, vector<1x16xf32>,
        %get3A_908 = vector.shape_cast %get3A_907 : vector<1x16xf32> to vector<16xf32>
        %add3A_909 = arith.addf %add3A_863, %get3A_908 : vector<16xf32>
        %get3A_910 = arith.index_cast %add3A_904 : i32 to index
        %get3A_911 = arith.constant 16 : index
        %get3A_912 = tpu.vector_load %arg7[%get3A_910, %get3A_911] {strides = array<i32>} : memref<128x128xf32, #tpu.memory_space<vmem>>, vector<1x16xf32>,
        %get3A_913 = vector.shape_cast %get3A_912 : vector<1x16xf32> to vector<16xf32>
        %add3A_914 = arith.addf %add3A_868, %get3A_913 : vector<16xf32>
        %get3A_915 = arith.index_cast %add3A_904 : i32 to index
        %get3A_916 = arith.constant 32 : index
        %get3A_917 = tpu.vector_load %arg7[%get3A_915, %get3A_916] {strides = array<i32>} : memref<128x128xf32, #tpu.memory_space<vmem>>, vector<1x16xf32>,
        %get3A_918 = vector.shape_cast %get3A_917 : vector<1x16xf32> to vector<16xf32>
        %add3A_919 = arith.addf %add3A_873, %get3A_918 : vector<16xf32>
        %get3A_920 = arith.index_cast %add3A_904 : i32 to index
        %get3A_921 = arith.constant 48 : index
        %get3A_922 = tpu.vector_load %arg7[%get3A_920, %get3A_921] {strides = array<i32>} : memref<128x128xf32, #tpu.memory_space<vmem>>, vector<1x16xf32>,
        %get3A_923 = vector.shape_cast %get3A_922 : vector<1x16xf32> to vector<16xf32>
        %add3A_924 = arith.addf %add3A_878, %get3A_923 : vector<16xf32>
        %get3A_925 = arith.index_cast %add3A_904 : i32 to index
        %get3A_926 = arith.constant 64 : index
        %get3A_927 = tpu.vector_load %arg7[%get3A_925, %get3A_926] {strides = array<i32>} : memref<128x128xf32, #tpu.memory_space<vmem>>, vector<1x16xf32>,
        %get3A_928 = vector.shape_cast %get3A_927 : vector<1x16xf32> to vector<16xf32>
        %add3A_929 = arith.addf %add3A_883, %get3A_928 : vector<16xf32>
        %get3A_930 = arith.index_cast %add3A_904 : i32 to index
        %get3A_931 = arith.constant 80 : index
        %get3A_932 = tpu.vector_load %arg7[%get3A_930, %get3A_931] {strides = array<i32>} : memref<128x128xf32, #tpu.memory_space<vmem>>, vector<1x16xf32>,
        %get3A_933 = vector.shape_cast %get3A_932 : vector<1x16xf32> to vector<16xf32>
        %add3A_934 = arith.addf %add3A_888, %get3A_933 : vector<16xf32>
        %get3A_935 = arith.index_cast %add3A_904 : i32 to index
        %get3A_936 = arith.constant 96 : index
        %get3A_937 = tpu.vector_load %arg7[%get3A_935, %get3A_936] {strides = array<i32>} : memref<128x128xf32, #tpu.memory_space<vmem>>, vector<1x16xf32>,
        %get3A_938 = vector.shape_cast %get3A_937 : vector<1x16xf32> to vector<16xf32>
        %add3A_939 = arith.addf %add3A_893, %get3A_938 : vector<16xf32>
        %get3A_940 = arith.index_cast %add3A_904 : i32 to index
        %get3A_941 = arith.constant 112 : index
        %get3A_942 = tpu.vector_load %arg7[%get3A_940, %get3A_941] {strides = array<i32>} : memref<128x128xf32, #tpu.memory_space<vmem>>, vector<1x16xf32>,
        %get3A_943 = vector.shape_cast %get3A_942 : vector<1x16xf32> to vector<16xf32>
        %add3A_944 = arith.addf %add3A_898, %get3A_943 : vector<16xf32>
        %mul3A_945 = arith.constant 8 : i32
        %mul3A_946 = arith.muli %scan3A_615, %mul3A_945 : i32
        %add3A_947 = arith.constant 64 : i32
        %add3A_948 = arith.addi %add3A_947, %mul3A_946 : i32
        %add3A_949 = arith.constant 7 : i32
        %add3A_950 = arith.addi %add3A_948, %add3A_949 : i32
        %get3A_951 = arith.index_cast %add3A_950 : i32 to index
        %get3A_952 = arith.constant 0 : index
        %get3A_953 = tpu.vector_load %arg7[%get3A_951, %get3A_952] {strides = array<i32>} : memref<128x128xf32, #tpu.memory_space<vmem>>, vector<1x16xf32>,
        %get3A_954 = vector.shape_cast %get3A_953 : vector<1x16xf32> to vector<16xf32>
        %add3A_955 = arith.addf %add3A_909, %get3A_954 : vector<16xf32>
        %get3A_956 = arith.index_cast %add3A_950 : i32 to index
        %get3A_957 = arith.constant 16 : index
        %get3A_958 = tpu.vector_load %arg7[%get3A_956, %get3A_957] {strides = array<i32>} : memref<128x128xf32, #tpu.memory_space<vmem>>, vector<1x16xf32>,
        %get3A_959 = vector.shape_cast %get3A_958 : vector<1x16xf32> to vector<16xf32>
        %add3A_960 = arith.addf %add3A_914, %get3A_959 : vector<16xf32>
        %get3A_961 = arith.index_cast %add3A_950 : i32 to index
        %get3A_962 = arith.constant 32 : index
        %get3A_963 = tpu.vector_load %arg7[%get3A_961, %get3A_962] {strides = array<i32>} : memref<128x128xf32, #tpu.memory_space<vmem>>, vector<1x16xf32>,
        %get3A_964 = vector.shape_cast %get3A_963 : vector<1x16xf32> to vector<16xf32>
        %add3A_965 = arith.addf %add3A_919, %get3A_964 : vector<16xf32>
        %get3A_966 = arith.index_cast %add3A_950 : i32 to index
        %get3A_967 = arith.constant 48 : index
        %get3A_968 = tpu.vector_load %arg7[%get3A_966, %get3A_967] {strides = array<i32>} : memref<128x128xf32, #tpu.memory_space<vmem>>, vector<1x16xf32>,
        %get3A_969 = vector.shape_cast %get3A_968 : vector<1x16xf32> to vector<16xf32>
        %add3A_970 = arith.addf %add3A_924, %get3A_969 : vector<16xf32>
        %get3A_971 = arith.index_cast %add3A_950 : i32 to index
        %get3A_972 = arith.constant 64 : index
        %get3A_973 = tpu.vector_load %arg7[%get3A_971, %get3A_972] {strides = array<i32>} : memref<128x128xf32, #tpu.memory_space<vmem>>, vector<1x16xf32>,
        %get3A_974 = vector.shape_cast %get3A_973 : vector<1x16xf32> to vector<16xf32>
        %add3A_975 = arith.addf %add3A_929, %get3A_974 : vector<16xf32>
        %get3A_976 = arith.index_cast %add3A_950 : i32 to index
        %get3A_977 = arith.constant 80 : index
        %get3A_978 = tpu.vector_load %arg7[%get3A_976, %get3A_977] {strides = array<i32>} : memref<128x128xf32, #tpu.memory_space<vmem>>, vector<1x16xf32>,
        %get3A_979 = vector.shape_cast %get3A_978 : vector<1x16xf32> to vector<16xf32>
        %add3A_980 = arith.addf %add3A_934, %get3A_979 : vector<16xf32>
        %get3A_981 = arith.index_cast %add3A_950 : i32 to index
        %get3A_982 = arith.constant 96 : index
        %get3A_983 = tpu.vector_load %arg7[%get3A_981, %get3A_982] {strides = array<i32>} : memref<128x128xf32, #tpu.memory_space<vmem>>, vector<1x16xf32>,
        %get3A_984 = vector.shape_cast %get3A_983 : vector<1x16xf32> to vector<16xf32>
        %add3A_985 = arith.addf %add3A_939, %get3A_984 : vector<16xf32>
        %get3A_986 = arith.index_cast %add3A_950 : i32 to index
        %get3A_987 = arith.constant 112 : index
        %get3A_988 = tpu.vector_load %arg7[%get3A_986, %get3A_987] {strides = array<i32>} : memref<128x128xf32, #tpu.memory_space<vmem>>, vector<1x16xf32>,
        %get3A_989 = vector.shape_cast %get3A_988 : vector<1x16xf32> to vector<16xf32>
        %add3A_990 = arith.addf %add3A_944, %get3A_989 : vector<16xf32>
        scf.yield %add3A_955, %add3A_960, %add3A_965, %add3A_970, %add3A_975, %add3A_980, %add3A_985, %add3A_990 : vector<16xf32>, vector<16xf32>, vector<16xf32>, vector<16xf32>, vector<16xf32>, vector<16xf32>, vector<16xf32>, vector<16xf32>
      }
      %scan3A_197 = arith.constant 4 : i32
      %swap3A_198 = arith.constant 2 : i32
      %swap3A_199 = arith.index_cast %swap3A_198 : i32 to index
      %swap3A_200 = arith.constant 0 : index
      %swap3A_201 = tpu.vector_load %arg9[%swap3A_199, %swap3A_200] {strides = array<i32>} : memref<8x128xf32, #tpu.memory_space<vmem>>, vector<1x16xf32>,
      %swap3A_202 = vector.shape_cast %swap3A_201 : vector<1x16xf32> to vector<16xf32>
      %swap3A_203 = vector.shape_cast %scan3A_196#0 : vector<16xf32> to vector<1x16xf32>
      tpu.vector_store %arg9[%swap3A_199, %swap3A_200], %swap3A_203 {strides = array<i32>} : memref<8x128xf32, #tpu.memory_space<vmem>>, vector<1x16xf32>,
      %swap3A_204 = arith.constant 2 : i32
      %swap3A_205 = arith.index_cast %swap3A_204 : i32 to index
      %swap3A_206 = arith.constant 16 : index
      %swap3A_207 = tpu.vector_load %arg9[%swap3A_205, %swap3A_206] {strides = array<i32>} : memref<8x128xf32, #tpu.memory_space<vmem>>, vector<1x16xf32>,
      %swap3A_208 = vector.shape_cast %swap3A_207 : vector<1x16xf32> to vector<16xf32>
      %swap3A_209 = vector.shape_cast %scan3A_196#1 : vector<16xf32> to vector<1x16xf32>
      tpu.vector_store %arg9[%swap3A_205, %swap3A_206], %swap3A_209 {strides = array<i32>} : memref<8x128xf32, #tpu.memory_space<vmem>>, vector<1x16xf32>,
      %swap3A_210 = arith.constant 2 : i32
      %swap3A_211 = arith.index_cast %swap3A_210 : i32 to index
      %swap3A_212 = arith.constant 32 : index
      %swap3A_213 = tpu.vector_load %arg9[%swap3A_211, %swap3A_212] {strides = array<i32>} : memref<8x128xf32, #tpu.memory_space<vmem>>, vector<1x16xf32>,
      %swap3A_214 = vector.shape_cast %swap3A_213 : vector<1x16xf32> to vector<16xf32>
      %swap3A_215 = vector.shape_cast %scan3A_196#2 : vector<16xf32> to vector<1x16xf32>
      tpu.vector_store %arg9[%swap3A_211, %swap3A_212], %swap3A_215 {strides = array<i32>} : memref<8x128xf32, #tpu.memory_space<vmem>>, vector<1x16xf32>,
      %swap3A_216 = arith.constant 2 : i32
      %swap3A_217 = arith.index_cast %swap3A_216 : i32 to index
      %swap3A_218 = arith.constant 48 : index
      %swap3A_219 = tpu.vector_load %arg9[%swap3A_217, %swap3A_218] {strides = array<i32>} : memref<8x128xf32, #tpu.memory_space<vmem>>, vector<1x16xf32>,
      %swap3A_220 = vector.shape_cast %swap3A_219 : vector<1x16xf32> to vector<16xf32>
      %swap3A_221 = vector.shape_cast %scan3A_196#3 : vector<16xf32> to vector<1x16xf32>
      tpu.vector_store %arg9[%swap3A_217, %swap3A_218], %swap3A_221 {strides = array<i32>} : memref<8x128xf32, #tpu.memory_space<vmem>>, vector<1x16xf32>,
      %swap3A_222 = arith.constant 2 : i32
      %swap3A_223 = arith.index_cast %swap3A_222 : i32 to index
      %swap3A_224 = arith.constant 64 : index
      %swap3A_225 = tpu.vector_load %arg9[%swap3A_223, %swap3A_224] {strides = array<i32>} : memref<8x128xf32, #tpu.memory_space<vmem>>, vector<1x16xf32>,
      %swap3A_226 = vector.shape_cast %swap3A_225 : vector<1x16xf32> to vector<16xf32>
      %swap3A_227 = vector.shape_cast %scan3A_196#4 : vector<16xf32> to vector<1x16xf32>
      tpu.vector_store %arg9[%swap3A_223, %swap3A_224], %swap3A_227 {strides = array<i32>} : memref<8x128xf32, #tpu.memory_space<vmem>>, vector<1x16xf32>,
      %swap3A_228 = arith.constant 2 : i32
      %swap3A_229 = arith.index_cast %swap3A_228 : i32 to index
      %swap3A_230 = arith.constant 80 : index
      %swap3A_231 = tpu.vector_load %arg9[%swap3A_229, %swap3A_230] {strides = array<i32>} : memref<8x128xf32, #tpu.memory_space<vmem>>, vector<1x16xf32>,
      %swap3A_232 = vector.shape_cast %swap3A_231 : vector<1x16xf32> to vector<16xf32>
      %swap3A_233 = vector.shape_cast %scan3A_196#5 : vector<16xf32> to vector<1x16xf32>
      tpu.vector_store %arg9[%swap3A_229, %swap3A_230], %swap3A_233 {strides = array<i32>} : memref<8x128xf32, #tpu.memory_space<vmem>>, vector<1x16xf32>,
      %swap3A_234 = arith.constant 2 : i32
      %swap3A_235 = arith.index_cast %swap3A_234 : i32 to index
      %swap3A_236 = arith.constant 96 : index
      %swap3A_237 = tpu.vector_load %arg9[%swap3A_235, %swap3A_236] {strides = array<i32>} : memref<8x128xf32, #tpu.memory_space<vmem>>, vector<1x16xf32>,
      %swap3A_238 = vector.shape_cast %swap3A_237 : vector<1x16xf32> to vector<16xf32>
      %swap3A_239 = vector.shape_cast %scan3A_196#6 : vector<16xf32> to vector<1x16xf32>
      tpu.vector_store %arg9[%swap3A_235, %swap3A_236], %swap3A_239 {strides = array<i32>} : memref<8x128xf32, #tpu.memory_space<vmem>>, vector<1x16xf32>,
      %swap3A_240 = arith.constant 2 : i32
      %swap3A_241 = arith.index_cast %swap3A_240 : i32 to index
      %swap3A_242 = arith.constant 112 : index
      %swap3A_243 = tpu.vector_load %arg9[%swap3A_241, %swap3A_242] {strides = array<i32>} : memref<8x128xf32, #tpu.memory_space<vmem>>, vector<1x16xf32>,
      %swap3A_244 = vector.shape_cast %swap3A_243 : vector<1x16xf32> to vector<16xf32>
      %swap3A_245 = vector.shape_cast %scan3A_196#7 : vector<16xf32> to vector<1x16xf32>
      tpu.vector_store %arg9[%swap3A_241, %swap3A_242], %swap3A_245 {strides = array<i32>} : memref<8x128xf32, #tpu.memory_space<vmem>>, vector<1x16xf32>,
      %broadcast_in_dim3A_246 = arith.constant 0.000000e+00 : f32
      %broadcast_in_dim3A_247 = vector.broadcast %broadcast_in_dim3A_246 : f32 to vector<16xf32>
      %broadcast_in_dim3A_248 = arith.constant 0.000000e+00 : f32
      %broadcast_in_dim3A_249 = vector.broadcast %broadcast_in_dim3A_248 : f32 to vector<16xf32>
      %broadcast_in_dim3A_250 = arith.constant 0.000000e+00 : f32
      %broadcast_in_dim3A_251 = vector.broadcast %broadcast_in_dim3A_250 : f32 to vector<16xf32>
      %broadcast_in_dim3A_252 = arith.constant 0.000000e+00 : f32
      %broadcast_in_dim3A_253 = vector.broadcast %broadcast_in_dim3A_252 : f32 to vector<16xf32>
      %broadcast_in_dim3A_254 = arith.constant 0.000000e+00 : f32
      %broadcast_in_dim3A_255 = vector.broadcast %broadcast_in_dim3A_254 : f32 to vector<16xf32>
      %broadcast_in_dim3A_256 = arith.constant 0.000000e+00 : f32
      %broadcast_in_dim3A_257 = vector.broadcast %broadcast_in_dim3A_256 : f32 to vector<16xf32>
      %broadcast_in_dim3A_258 = arith.constant 0.000000e+00 : f32
      %broadcast_in_dim3A_259 = vector.broadcast %broadcast_in_dim3A_258 : f32 to vector<16xf32>
      %broadcast_in_dim3A_260 = arith.constant 0.000000e+00 : f32
      %broadcast_in_dim3A_261 = vector.broadcast %broadcast_in_dim3A_260 : f32 to vector<16xf32>
      %scan3A_262 = arith.constant 0 : i32
      %scan3A_263 = arith.constant 4 : i32
      %scan3A_264 = arith.addi %scan3A_262, %scan3A_263 : i32
      %scan3A_265 = arith.constant 1 : i32
      %scan3A_266:8 = scf.for %scan3A_615 = %scan3A_262 to %scan3A_264 step %scan3A_265 iter_args(%scan3A_616 = %broadcast_in_dim3A_247, %scan3A_617 = %broadcast_in_dim3A_249, %scan3A_618 = %broadcast_in_dim3A_251, %scan3A_619 = %broadcast_in_dim3A_253, %scan3A_620 = %broadcast_in_dim3A_255, %scan3A_621 = %broadcast_in_dim3A_257, %scan3A_622 = %broadcast_in_dim3A_259, %scan3A_623 = %broadcast_in_dim3A_261) -> (vector<16xf32>, vector<16xf32>, vector<16xf32>, vector<16xf32>, vector<16xf32>, vector<16xf32>, vector<16xf32>, vector<16xf32>)  : i32 {
        %mul3A_624 = arith.constant 8 : i32
        %mul3A_625 = arith.muli %scan3A_615, %mul3A_624 : i32
        %add3A_626 = arith.constant 96 : i32
        %add3A_627 = arith.addi %add3A_626, %mul3A_625 : i32
        %add3A_628 = arith.constant 0 : i32
        %add3A_629 = arith.addi %add3A_627, %add3A_628 : i32
        %get3A = arith.index_cast %add3A_629 : i32 to index
        %get3A_630 = arith.constant 0 : index
        %get3A_631 = tpu.vector_load %arg7[%get3A, %get3A_630] {strides = array<i32>} : memref<128x128xf32, #tpu.memory_space<vmem>>, vector<1x16xf32>,
        %get3A_632 = vector.shape_cast %get3A_631 : vector<1x16xf32> to vector<16xf32>
        %add3A_633 = arith.addf %scan3A_616, %get3A_632 : vector<16xf32>
        %get3A_634 = arith.index_cast %add3A_629 : i32 to index
        %get3A_635 = arith.constant 16 : index
        %get3A_636 = tpu.vector_load %arg7[%get3A_634, %get3A_635] {strides = array<i32>} : memref<128x128xf32, #tpu.memory_space<vmem>>, vector<1x16xf32>,
        %get3A_637 = vector.shape_cast %get3A_636 : vector<1x16xf32> to vector<16xf32>
        %add3A_638 = arith.addf %scan3A_617, %get3A_637 : vector<16xf32>
        %get3A_639 = arith.index_cast %add3A_629 : i32 to index
        %get3A_640 = arith.constant 32 : index
        %get3A_641 = tpu.vector_load %arg7[%get3A_639, %get3A_640] {strides = array<i32>} : memref<128x128xf32, #tpu.memory_space<vmem>>, vector<1x16xf32>,
        %get3A_642 = vector.shape_cast %get3A_641 : vector<1x16xf32> to vector<16xf32>
        %add3A_643 = arith.addf %scan3A_618, %get3A_642 : vector<16xf32>
        %get3A_644 = arith.index_cast %add3A_629 : i32 to index
        %get3A_645 = arith.constant 48 : index
        %get3A_646 = tpu.vector_load %arg7[%get3A_644, %get3A_645] {strides = array<i32>} : memref<128x128xf32, #tpu.memory_space<vmem>>, vector<1x16xf32>,
        %get3A_647 = vector.shape_cast %get3A_646 : vector<1x16xf32> to vector<16xf32>
        %add3A_648 = arith.addf %scan3A_619, %get3A_647 : vector<16xf32>
        %get3A_649 = arith.index_cast %add3A_629 : i32 to index
        %get3A_650 = arith.constant 64 : index
        %get3A_651 = tpu.vector_load %arg7[%get3A_649, %get3A_650] {strides = array<i32>} : memref<128x128xf32, #tpu.memory_space<vmem>>, vector<1x16xf32>,
        %get3A_652 = vector.shape_cast %get3A_651 : vector<1x16xf32> to vector<16xf32>
        %add3A_653 = arith.addf %scan3A_620, %get3A_652 : vector<16xf32>
        %get3A_654 = arith.index_cast %add3A_629 : i32 to index
        %get3A_655 = arith.constant 80 : index
        %get3A_656 = tpu.vector_load %arg7[%get3A_654, %get3A_655] {strides = array<i32>} : memref<128x128xf32, #tpu.memory_space<vmem>>, vector<1x16xf32>,
        %get3A_657 = vector.shape_cast %get3A_656 : vector<1x16xf32> to vector<16xf32>
        %add3A_658 = arith.addf %scan3A_621, %get3A_657 : vector<16xf32>
        %get3A_659 = arith.index_cast %add3A_629 : i32 to index
        %get3A_660 = arith.constant 96 : index
        %get3A_661 = tpu.vector_load %arg7[%get3A_659, %get3A_660] {strides = array<i32>} : memref<128x128xf32, #tpu.memory_space<vmem>>, vector<1x16xf32>,
        %get3A_662 = vector.shape_cast %get3A_661 : vector<1x16xf32> to vector<16xf32>
        %add3A_663 = arith.addf %scan3A_622, %get3A_662 : vector<16xf32>
        %get3A_664 = arith.index_cast %add3A_629 : i32 to index
        %get3A_665 = arith.constant 112 : index
        %get3A_666 = tpu.vector_load %arg7[%get3A_664, %get3A_665] {strides = array<i32>} : memref<128x128xf32, #tpu.memory_space<vmem>>, vector<1x16xf32>,
        %get3A_667 = vector.shape_cast %get3A_666 : vector<1x16xf32> to vector<16xf32>
        %add3A_668 = arith.addf %scan3A_623, %get3A_667 : vector<16xf32>
        %mul3A_669 = arith.constant 8 : i32
        %mul3A_670 = arith.muli %scan3A_615, %mul3A_669 : i32
        %add3A_671 = arith.constant 96 : i32
        %add3A_672 = arith.addi %add3A_671, %mul3A_670 : i32
        %add3A_673 = arith.constant 1 : i32
        %add3A_674 = arith.addi %add3A_672, %add3A_673 : i32
        %get3A_675 = arith.index_cast %add3A_674 : i32 to index
        %get3A_676 = arith.constant 0 : index
        %get3A_677 = tpu.vector_load %arg7[%get3A_675, %get3A_676] {strides = array<i32>} : memref<128x128xf32, #tpu.memory_space<vmem>>, vector<1x16xf32>,
        %get3A_678 = vector.shape_cast %get3A_677 : vector<1x16xf32> to vector<16xf32>
        %add3A_679 = arith.addf %add3A_633, %get3A_678 : vector<16xf32>
        %get3A_680 = arith.index_cast %add3A_674 : i32 to index
        %get3A_681 = arith.constant 16 : index
        %get3A_682 = tpu.vector_load %arg7[%get3A_680, %get3A_681] {strides = array<i32>} : memref<128x128xf32, #tpu.memory_space<vmem>>, vector<1x16xf32>,
        %get3A_683 = vector.shape_cast %get3A_682 : vector<1x16xf32> to vector<16xf32>
        %add3A_684 = arith.addf %add3A_638, %get3A_683 : vector<16xf32>
        %get3A_685 = arith.index_cast %add3A_674 : i32 to index
        %get3A_686 = arith.constant 32 : index
        %get3A_687 = tpu.vector_load %arg7[%get3A_685, %get3A_686] {strides = array<i32>} : memref<128x128xf32, #tpu.memory_space<vmem>>, vector<1x16xf32>,
        %get3A_688 = vector.shape_cast %get3A_687 : vector<1x16xf32> to vector<16xf32>
        %add3A_689 = arith.addf %add3A_643, %get3A_688 : vector<16xf32>
        %get3A_690 = arith.index_cast %add3A_674 : i32 to index
        %get3A_691 = arith.constant 48 : index
        %get3A_692 = tpu.vector_load %arg7[%get3A_690, %get3A_691] {strides = array<i32>} : memref<128x128xf32, #tpu.memory_space<vmem>>, vector<1x16xf32>,
        %get3A_693 = vector.shape_cast %get3A_692 : vector<1x16xf32> to vector<16xf32>
        %add3A_694 = arith.addf %add3A_648, %get3A_693 : vector<16xf32>
        %get3A_695 = arith.index_cast %add3A_674 : i32 to index
        %get3A_696 = arith.constant 64 : index
        %get3A_697 = tpu.vector_load %arg7[%get3A_695, %get3A_696] {strides = array<i32>} : memref<128x128xf32, #tpu.memory_space<vmem>>, vector<1x16xf32>,
        %get3A_698 = vector.shape_cast %get3A_697 : vector<1x16xf32> to vector<16xf32>
        %add3A_699 = arith.addf %add3A_653, %get3A_698 : vector<16xf32>
        %get3A_700 = arith.index_cast %add3A_674 : i32 to index
        %get3A_701 = arith.constant 80 : index
        %get3A_702 = tpu.vector_load %arg7[%get3A_700, %get3A_701] {strides = array<i32>} : memref<128x128xf32, #tpu.memory_space<vmem>>, vector<1x16xf32>,
        %get3A_703 = vector.shape_cast %get3A_702 : vector<1x16xf32> to vector<16xf32>
        %add3A_704 = arith.addf %add3A_658, %get3A_703 : vector<16xf32>
        %get3A_705 = arith.index_cast %add3A_674 : i32 to index
        %get3A_706 = arith.constant 96 : index
        %get3A_707 = tpu.vector_load %arg7[%get3A_705, %get3A_706] {strides = array<i32>} : memref<128x128xf32, #tpu.memory_space<vmem>>, vector<1x16xf32>,
        %get3A_708 = vector.shape_cast %get3A_707 : vector<1x16xf32> to vector<16xf32>
        %add3A_709 = arith.addf %add3A_663, %get3A_708 : vector<16xf32>
        %get3A_710 = arith.index_cast %add3A_674 : i32 to index
        %get3A_711 = arith.constant 112 : index
        %get3A_712 = tpu.vector_load %arg7[%get3A_710, %get3A_711] {strides = array<i32>} : memref<128x128xf32, #tpu.memory_space<vmem>>, vector<1x16xf32>,
        %get3A_713 = vector.shape_cast %get3A_712 : vector<1x16xf32> to vector<16xf32>
        %add3A_714 = arith.addf %add3A_668, %get3A_713 : vector<16xf32>
        %mul3A_715 = arith.constant 8 : i32
        %mul3A_716 = arith.muli %scan3A_615, %mul3A_715 : i32
        %add3A_717 = arith.constant 96 : i32
        %add3A_718 = arith.addi %add3A_717, %mul3A_716 : i32
        %add3A_719 = arith.constant 2 : i32
        %add3A_720 = arith.addi %add3A_718, %add3A_719 : i32
        %get3A_721 = arith.index_cast %add3A_720 : i32 to index
        %get3A_722 = arith.constant 0 : index
        %get3A_723 = tpu.vector_load %arg7[%get3A_721, %get3A_722] {strides = array<i32>} : memref<128x128xf32, #tpu.memory_space<vmem>>, vector<1x16xf32>,
        %get3A_724 = vector.shape_cast %get3A_723 : vector<1x16xf32> to vector<16xf32>
        %add3A_725 = arith.addf %add3A_679, %get3A_724 : vector<16xf32>
        %get3A_726 = arith.index_cast %add3A_720 : i32 to index
        %get3A_727 = arith.constant 16 : index
        %get3A_728 = tpu.vector_load %arg7[%get3A_726, %get3A_727] {strides = array<i32>} : memref<128x128xf32, #tpu.memory_space<vmem>>, vector<1x16xf32>,
        %get3A_729 = vector.shape_cast %get3A_728 : vector<1x16xf32> to vector<16xf32>
        %add3A_730 = arith.addf %add3A_684, %get3A_729 : vector<16xf32>
        %get3A_731 = arith.index_cast %add3A_720 : i32 to index
        %get3A_732 = arith.constant 32 : index
        %get3A_733 = tpu.vector_load %arg7[%get3A_731, %get3A_732] {strides = array<i32>} : memref<128x128xf32, #tpu.memory_space<vmem>>, vector<1x16xf32>,
        %get3A_734 = vector.shape_cast %get3A_733 : vector<1x16xf32> to vector<16xf32>
        %add3A_735 = arith.addf %add3A_689, %get3A_734 : vector<16xf32>
        %get3A_736 = arith.index_cast %add3A_720 : i32 to index
        %get3A_737 = arith.constant 48 : index
        %get3A_738 = tpu.vector_load %arg7[%get3A_736, %get3A_737] {strides = array<i32>} : memref<128x128xf32, #tpu.memory_space<vmem>>, vector<1x16xf32>,
        %get3A_739 = vector.shape_cast %get3A_738 : vector<1x16xf32> to vector<16xf32>
        %add3A_740 = arith.addf %add3A_694, %get3A_739 : vector<16xf32>
        %get3A_741 = arith.index_cast %add3A_720 : i32 to index
        %get3A_742 = arith.constant 64 : index
        %get3A_743 = tpu.vector_load %arg7[%get3A_741, %get3A_742] {strides = array<i32>} : memref<128x128xf32, #tpu.memory_space<vmem>>, vector<1x16xf32>,
        %get3A_744 = vector.shape_cast %get3A_743 : vector<1x16xf32> to vector<16xf32>
        %add3A_745 = arith.addf %add3A_699, %get3A_744 : vector<16xf32>
        %get3A_746 = arith.index_cast %add3A_720 : i32 to index
        %get3A_747 = arith.constant 80 : index
        %get3A_748 = tpu.vector_load %arg7[%get3A_746, %get3A_747] {strides = array<i32>} : memref<128x128xf32, #tpu.memory_space<vmem>>, vector<1x16xf32>,
        %get3A_749 = vector.shape_cast %get3A_748 : vector<1x16xf32> to vector<16xf32>
        %add3A_750 = arith.addf %add3A_704, %get3A_749 : vector<16xf32>
        %get3A_751 = arith.index_cast %add3A_720 : i32 to index
        %get3A_752 = arith.constant 96 : index
        %get3A_753 = tpu.vector_load %arg7[%get3A_751, %get3A_752] {strides = array<i32>} : memref<128x128xf32, #tpu.memory_space<vmem>>, vector<1x16xf32>,
        %get3A_754 = vector.shape_cast %get3A_753 : vector<1x16xf32> to vector<16xf32>
        %add3A_755 = arith.addf %add3A_709, %get3A_754 : vector<16xf32>
        %get3A_756 = arith.index_cast %add3A_720 : i32 to index
        %get3A_757 = arith.constant 112 : index
        %get3A_758 = tpu.vector_load %arg7[%get3A_756, %get3A_757] {strides = array<i32>} : memref<128x128xf32, #tpu.memory_space<vmem>>, vector<1x16xf32>,
        %get3A_759 = vector.shape_cast %get3A_758 : vector<1x16xf32> to vector<16xf32>
        %add3A_760 = arith.addf %add3A_714, %get3A_759 : vector<16xf32>
        %mul3A_761 = arith.constant 8 : i32
        %mul3A_762 = arith.muli %scan3A_615, %mul3A_761 : i32
        %add3A_763 = arith.constant 96 : i32
        %add3A_764 = arith.addi %add3A_763, %mul3A_762 : i32
        %add3A_765 = arith.constant 3 : i32
        %add3A_766 = arith.addi %add3A_764, %add3A_765 : i32
        %get3A_767 = arith.index_cast %add3A_766 : i32 to index
        %get3A_768 = arith.constant 0 : index
        %get3A_769 = tpu.vector_load %arg7[%get3A_767, %get3A_768] {strides = array<i32>} : memref<128x128xf32, #tpu.memory_space<vmem>>, vector<1x16xf32>,
        %get3A_770 = vector.shape_cast %get3A_769 : vector<1x16xf32> to vector<16xf32>
        %add3A_771 = arith.addf %add3A_725, %get3A_770 : vector<16xf32>
        %get3A_772 = arith.index_cast %add3A_766 : i32 to index
        %get3A_773 = arith.constant 16 : index
        %get3A_774 = tpu.vector_load %arg7[%get3A_772, %get3A_773] {strides = array<i32>} : memref<128x128xf32, #tpu.memory_space<vmem>>, vector<1x16xf32>,
        %get3A_775 = vector.shape_cast %get3A_774 : vector<1x16xf32> to vector<16xf32>
        %add3A_776 = arith.addf %add3A_730, %get3A_775 : vector<16xf32>
        %get3A_777 = arith.index_cast %add3A_766 : i32 to index
        %get3A_778 = arith.constant 32 : index
        %get3A_779 = tpu.vector_load %arg7[%get3A_777, %get3A_778] {strides = array<i32>} : memref<128x128xf32, #tpu.memory_space<vmem>>, vector<1x16xf32>,
        %get3A_780 = vector.shape_cast %get3A_779 : vector<1x16xf32> to vector<16xf32>
        %add3A_781 = arith.addf %add3A_735, %get3A_780 : vector<16xf32>
        %get3A_782 = arith.index_cast %add3A_766 : i32 to index
        %get3A_783 = arith.constant 48 : index
        %get3A_784 = tpu.vector_load %arg7[%get3A_782, %get3A_783] {strides = array<i32>} : memref<128x128xf32, #tpu.memory_space<vmem>>, vector<1x16xf32>,
        %get3A_785 = vector.shape_cast %get3A_784 : vector<1x16xf32> to vector<16xf32>
        %add3A_786 = arith.addf %add3A_740, %get3A_785 : vector<16xf32>
        %get3A_787 = arith.index_cast %add3A_766 : i32 to index
        %get3A_788 = arith.constant 64 : index
        %get3A_789 = tpu.vector_load %arg7[%get3A_787, %get3A_788] {strides = array<i32>} : memref<128x128xf32, #tpu.memory_space<vmem>>, vector<1x16xf32>,
        %get3A_790 = vector.shape_cast %get3A_789 : vector<1x16xf32> to vector<16xf32>
        %add3A_791 = arith.addf %add3A_745, %get3A_790 : vector<16xf32>
        %get3A_792 = arith.index_cast %add3A_766 : i32 to index
        %get3A_793 = arith.constant 80 : index
        %get3A_794 = tpu.vector_load %arg7[%get3A_792, %get3A_793] {strides = array<i32>} : memref<128x128xf32, #tpu.memory_space<vmem>>, vector<1x16xf32>,
        %get3A_795 = vector.shape_cast %get3A_794 : vector<1x16xf32> to vector<16xf32>
        %add3A_796 = arith.addf %add3A_750, %get3A_795 : vector<16xf32>
        %get3A_797 = arith.index_cast %add3A_766 : i32 to index
        %get3A_798 = arith.constant 96 : index
        %get3A_799 = tpu.vector_load %arg7[%get3A_797, %get3A_798] {strides = array<i32>} : memref<128x128xf32, #tpu.memory_space<vmem>>, vector<1x16xf32>,
        %get3A_800 = vector.shape_cast %get3A_799 : vector<1x16xf32> to vector<16xf32>
        %add3A_801 = arith.addf %add3A_755, %get3A_800 : vector<16xf32>
        %get3A_802 = arith.index_cast %add3A_766 : i32 to index
        %get3A_803 = arith.constant 112 : index
        %get3A_804 = tpu.vector_load %arg7[%get3A_802, %get3A_803] {strides = array<i32>} : memref<128x128xf32, #tpu.memory_space<vmem>>, vector<1x16xf32>,
        %get3A_805 = vector.shape_cast %get3A_804 : vector<1x16xf32> to vector<16xf32>
        %add3A_806 = arith.addf %add3A_760, %get3A_805 : vector<16xf32>
        %mul3A_807 = arith.constant 8 : i32
        %mul3A_808 = arith.muli %scan3A_615, %mul3A_807 : i32
        %add3A_809 = arith.constant 96 : i32
        %add3A_810 = arith.addi %add3A_809, %mul3A_808 : i32
        %add3A_811 = arith.constant 4 : i32
        %add3A_812 = arith.addi %add3A_810, %add3A_811 : i32
        %get3A_813 = arith.index_cast %add3A_812 : i32 to index
        %get3A_814 = arith.constant 0 : index
        %get3A_815 = tpu.vector_load %arg7[%get3A_813, %get3A_814] {strides = array<i32>} : memref<128x128xf32, #tpu.memory_space<vmem>>, vector<1x16xf32>,
        %get3A_816 = vector.shape_cast %get3A_815 : vector<1x16xf32> to vector<16xf32>
        %add3A_817 = arith.addf %add3A_771, %get3A_816 : vector<16xf32>
        %get3A_818 = arith.index_cast %add3A_812 : i32 to index
        %get3A_819 = arith.constant 16 : index
        %get3A_820 = tpu.vector_load %arg7[%get3A_818, %get3A_819] {strides = array<i32>} : memref<128x128xf32, #tpu.memory_space<vmem>>, vector<1x16xf32>,
        %get3A_821 = vector.shape_cast %get3A_820 : vector<1x16xf32> to vector<16xf32>
        %add3A_822 = arith.addf %add3A_776, %get3A_821 : vector<16xf32>
        %get3A_823 = arith.index_cast %add3A_812 : i32 to index
        %get3A_824 = arith.constant 32 : index
        %get3A_825 = tpu.vector_load %arg7[%get3A_823, %get3A_824] {strides = array<i32>} : memref<128x128xf32, #tpu.memory_space<vmem>>, vector<1x16xf32>,
        %get3A_826 = vector.shape_cast %get3A_825 : vector<1x16xf32> to vector<16xf32>
        %add3A_827 = arith.addf %add3A_781, %get3A_826 : vector<16xf32>
        %get3A_828 = arith.index_cast %add3A_812 : i32 to index
        %get3A_829 = arith.constant 48 : index
        %get3A_830 = tpu.vector_load %arg7[%get3A_828, %get3A_829] {strides = array<i32>} : memref<128x128xf32, #tpu.memory_space<vmem>>, vector<1x16xf32>,
        %get3A_831 = vector.shape_cast %get3A_830 : vector<1x16xf32> to vector<16xf32>
        %add3A_832 = arith.addf %add3A_786, %get3A_831 : vector<16xf32>
        %get3A_833 = arith.index_cast %add3A_812 : i32 to index
        %get3A_834 = arith.constant 64 : index
        %get3A_835 = tpu.vector_load %arg7[%get3A_833, %get3A_834] {strides = array<i32>} : memref<128x128xf32, #tpu.memory_space<vmem>>, vector<1x16xf32>,
        %get3A_836 = vector.shape_cast %get3A_835 : vector<1x16xf32> to vector<16xf32>
        %add3A_837 = arith.addf %add3A_791, %get3A_836 : vector<16xf32>
        %get3A_838 = arith.index_cast %add3A_812 : i32 to index
        %get3A_839 = arith.constant 80 : index
        %get3A_840 = tpu.vector_load %arg7[%get3A_838, %get3A_839] {strides = array<i32>} : memref<128x128xf32, #tpu.memory_space<vmem>>, vector<1x16xf32>,
        %get3A_841 = vector.shape_cast %get3A_840 : vector<1x16xf32> to vector<16xf32>
        %add3A_842 = arith.addf %add3A_796, %get3A_841 : vector<16xf32>
        %get3A_843 = arith.index_cast %add3A_812 : i32 to index
        %get3A_844 = arith.constant 96 : index
        %get3A_845 = tpu.vector_load %arg7[%get3A_843, %get3A_844] {strides = array<i32>} : memref<128x128xf32, #tpu.memory_space<vmem>>, vector<1x16xf32>,
        %get3A_846 = vector.shape_cast %get3A_845 : vector<1x16xf32> to vector<16xf32>
        %add3A_847 = arith.addf %add3A_801, %get3A_846 : vector<16xf32>
        %get3A_848 = arith.index_cast %add3A_812 : i32 to index
        %get3A_849 = arith.constant 112 : index
        %get3A_850 = tpu.vector_load %arg7[%get3A_848, %get3A_849] {strides = array<i32>} : memref<128x128xf32, #tpu.memory_space<vmem>>, vector<1x16xf32>,
        %get3A_851 = vector.shape_cast %get3A_850 : vector<1x16xf32> to vector<16xf32>
        %add3A_852 = arith.addf %add3A_806, %get3A_851 : vector<16xf32>
        %mul3A_853 = arith.constant 8 : i32
        %mul3A_854 = arith.muli %scan3A_615, %mul3A_853 : i32
        %add3A_855 = arith.constant 96 : i32
        %add3A_856 = arith.addi %add3A_855, %mul3A_854 : i32
        %add3A_857 = arith.constant 5 : i32
        %add3A_858 = arith.addi %add3A_856, %add3A_857 : i32
        %get3A_859 = arith.index_cast %add3A_858 : i32 to index
        %get3A_860 = arith.constant 0 : index
        %get3A_861 = tpu.vector_load %arg7[%get3A_859, %get3A_860] {strides = array<i32>} : memref<128x128xf32, #tpu.memory_space<vmem>>, vector<1x16xf32>,
        %get3A_862 = vector.shape_cast %get3A_861 : vector<1x16xf32> to vector<16xf32>
        %add3A_863 = arith.addf %add3A_817, %get3A_862 : vector<16xf32>
        %get3A_864 = arith.index_cast %add3A_858 : i32 to index
        %get3A_865 = arith.constant 16 : index
        %get3A_866 = tpu.vector_load %arg7[%get3A_864, %get3A_865] {strides = array<i32>} : memref<128x128xf32, #tpu.memory_space<vmem>>, vector<1x16xf32>,
        %get3A_867 = vector.shape_cast %get3A_866 : vector<1x16xf32> to vector<16xf32>
        %add3A_868 = arith.addf %add3A_822, %get3A_867 : vector<16xf32>
        %get3A_869 = arith.index_cast %add3A_858 : i32 to index
        %get3A_870 = arith.constant 32 : index
        %get3A_871 = tpu.vector_load %arg7[%get3A_869, %get3A_870] {strides = array<i32>} : memref<128x128xf32, #tpu.memory_space<vmem>>, vector<1x16xf32>,
        %get3A_872 = vector.shape_cast %get3A_871 : vector<1x16xf32> to vector<16xf32>
        %add3A_873 = arith.addf %add3A_827, %get3A_872 : vector<16xf32>
        %get3A_874 = arith.index_cast %add3A_858 : i32 to index
        %get3A_875 = arith.constant 48 : index
        %get3A_876 = tpu.vector_load %arg7[%get3A_874, %get3A_875] {strides = array<i32>} : memref<128x128xf32, #tpu.memory_space<vmem>>, vector<1x16xf32>,
        %get3A_877 = vector.shape_cast %get3A_876 : vector<1x16xf32> to vector<16xf32>
        %add3A_878 = arith.addf %add3A_832, %get3A_877 : vector<16xf32>
        %get3A_879 = arith.index_cast %add3A_858 : i32 to index
        %get3A_880 = arith.constant 64 : index
        %get3A_881 = tpu.vector_load %arg7[%get3A_879, %get3A_880] {strides = array<i32>} : memref<128x128xf32, #tpu.memory_space<vmem>>, vector<1x16xf32>,
        %get3A_882 = vector.shape_cast %get3A_881 : vector<1x16xf32> to vector<16xf32>
        %add3A_883 = arith.addf %add3A_837, %get3A_882 : vector<16xf32>
        %get3A_884 = arith.index_cast %add3A_858 : i32 to index
        %get3A_885 = arith.constant 80 : index
        %get3A_886 = tpu.vector_load %arg7[%get3A_884, %get3A_885] {strides = array<i32>} : memref<128x128xf32, #tpu.memory_space<vmem>>, vector<1x16xf32>,
        %get3A_887 = vector.shape_cast %get3A_886 : vector<1x16xf32> to vector<16xf32>
        %add3A_888 = arith.addf %add3A_842, %get3A_887 : vector<16xf32>
        %get3A_889 = arith.index_cast %add3A_858 : i32 to index
        %get3A_890 = arith.constant 96 : index
        %get3A_891 = tpu.vector_load %arg7[%get3A_889, %get3A_890] {strides = array<i32>} : memref<128x128xf32, #tpu.memory_space<vmem>>, vector<1x16xf32>,
        %get3A_892 = vector.shape_cast %get3A_891 : vector<1x16xf32> to vector<16xf32>
        %add3A_893 = arith.addf %add3A_847, %get3A_892 : vector<16xf32>
        %get3A_894 = arith.index_cast %add3A_858 : i32 to index
        %get3A_895 = arith.constant 112 : index
        %get3A_896 = tpu.vector_load %arg7[%get3A_894, %get3A_895] {strides = array<i32>} : memref<128x128xf32, #tpu.memory_space<vmem>>, vector<1x16xf32>,
        %get3A_897 = vector.shape_cast %get3A_896 : vector<1x16xf32> to vector<16xf32>
        %add3A_898 = arith.addf %add3A_852, %get3A_897 : vector<16xf32>
        %mul3A_899 = arith.constant 8 : i32
        %mul3A_900 = arith.muli %scan3A_615, %mul3A_899 : i32
        %add3A_901 = arith.constant 96 : i32
        %add3A_902 = arith.addi %add3A_901, %mul3A_900 : i32
        %add3A_903 = arith.constant 6 : i32
        %add3A_904 = arith.addi %add3A_902, %add3A_903 : i32
        %get3A_905 = arith.index_cast %add3A_904 : i32 to index
        %get3A_906 = arith.constant 0 : index
        %get3A_907 = tpu.vector_load %arg7[%get3A_905, %get3A_906] {strides = array<i32>} : memref<128x128xf32, #tpu.memory_space<vmem>>, vector<1x16xf32>,
        %get3A_908 = vector.shape_cast %get3A_907 : vector<1x16xf32> to vector<16xf32>
        %add3A_909 = arith.addf %add3A_863, %get3A_908 : vector<16xf32>
        %get3A_910 = arith.index_cast %add3A_904 : i32 to index
        %get3A_911 = arith.constant 16 : index
        %get3A_912 = tpu.vector_load %arg7[%get3A_910, %get3A_911] {strides = array<i32>} : memref<128x128xf32, #tpu.memory_space<vmem>>, vector<1x16xf32>,
        %get3A_913 = vector.shape_cast %get3A_912 : vector<1x16xf32> to vector<16xf32>
        %add3A_914 = arith.addf %add3A_868, %get3A_913 : vector<16xf32>
        %get3A_915 = arith.index_cast %add3A_904 : i32 to index
        %get3A_916 = arith.constant 32 : index
        %get3A_917 = tpu.vector_load %arg7[%get3A_915, %get3A_916] {strides = array<i32>} : memref<128x128xf32, #tpu.memory_space<vmem>>, vector<1x16xf32>,
        %get3A_918 = vector.shape_cast %get3A_917 : vector<1x16xf32> to vector<16xf32>
        %add3A_919 = arith.addf %add3A_873, %get3A_918 : vector<16xf32>
        %get3A_920 = arith.index_cast %add3A_904 : i32 to index
        %get3A_921 = arith.constant 48 : index
        %get3A_922 = tpu.vector_load %arg7[%get3A_920, %get3A_921] {strides = array<i32>} : memref<128x128xf32, #tpu.memory_space<vmem>>, vector<1x16xf32>,
        %get3A_923 = vector.shape_cast %get3A_922 : vector<1x16xf32> to vector<16xf32>
        %add3A_924 = arith.addf %add3A_878, %get3A_923 : vector<16xf32>
        %get3A_925 = arith.index_cast %add3A_904 : i32 to index
        %get3A_926 = arith.constant 64 : index
        %get3A_927 = tpu.vector_load %arg7[%get3A_925, %get3A_926] {strides = array<i32>} : memref<128x128xf32, #tpu.memory_space<vmem>>, vector<1x16xf32>,
        %get3A_928 = vector.shape_cast %get3A_927 : vector<1x16xf32> to vector<16xf32>
        %add3A_929 = arith.addf %add3A_883, %get3A_928 : vector<16xf32>
        %get3A_930 = arith.index_cast %add3A_904 : i32 to index
        %get3A_931 = arith.constant 80 : index
        %get3A_932 = tpu.vector_load %arg7[%get3A_930, %get3A_931] {strides = array<i32>} : memref<128x128xf32, #tpu.memory_space<vmem>>, vector<1x16xf32>,
        %get3A_933 = vector.shape_cast %get3A_932 : vector<1x16xf32> to vector<16xf32>
        %add3A_934 = arith.addf %add3A_888, %get3A_933 : vector<16xf32>
        %get3A_935 = arith.index_cast %add3A_904 : i32 to index
        %get3A_936 = arith.constant 96 : index
        %get3A_937 = tpu.vector_load %arg7[%get3A_935, %get3A_936] {strides = array<i32>} : memref<128x128xf32, #tpu.memory_space<vmem>>, vector<1x16xf32>,
        %get3A_938 = vector.shape_cast %get3A_937 : vector<1x16xf32> to vector<16xf32>
        %add3A_939 = arith.addf %add3A_893, %get3A_938 : vector<16xf32>
        %get3A_940 = arith.index_cast %add3A_904 : i32 to index
        %get3A_941 = arith.constant 112 : index
        %get3A_942 = tpu.vector_load %arg7[%get3A_940, %get3A_941] {strides = array<i32>} : memref<128x128xf32, #tpu.memory_space<vmem>>, vector<1x16xf32>,
        %get3A_943 = vector.shape_cast %get3A_942 : vector<1x16xf32> to vector<16xf32>
        %add3A_944 = arith.addf %add3A_898, %get3A_943 : vector<16xf32>
        %mul3A_945 = arith.constant 8 : i32
        %mul3A_946 = arith.muli %scan3A_615, %mul3A_945 : i32
        %add3A_947 = arith.constant 96 : i32
        %add3A_948 = arith.addi %add3A_947, %mul3A_946 : i32
        %add3A_949 = arith.constant 7 : i32
        %add3A_950 = arith.addi %add3A_948, %add3A_949 : i32
        %get3A_951 = arith.index_cast %add3A_950 : i32 to index
        %get3A_952 = arith.constant 0 : index
        %get3A_953 = tpu.vector_load %arg7[%get3A_951, %get3A_952] {strides = array<i32>} : memref<128x128xf32, #tpu.memory_space<vmem>>, vector<1x16xf32>,
        %get3A_954 = vector.shape_cast %get3A_953 : vector<1x16xf32> to vector<16xf32>
        %add3A_955 = arith.addf %add3A_909, %get3A_954 : vector<16xf32>
        %get3A_956 = arith.index_cast %add3A_950 : i32 to index
        %get3A_957 = arith.constant 16 : index
        %get3A_958 = tpu.vector_load %arg7[%get3A_956, %get3A_957] {strides = array<i32>} : memref<128x128xf32, #tpu.memory_space<vmem>>, vector<1x16xf32>,
        %get3A_959 = vector.shape_cast %get3A_958 : vector<1x16xf32> to vector<16xf32>
        %add3A_960 = arith.addf %add3A_914, %get3A_959 : vector<16xf32>
        %get3A_961 = arith.index_cast %add3A_950 : i32 to index
        %get3A_962 = arith.constant 32 : index
        %get3A_963 = tpu.vector_load %arg7[%get3A_961, %get3A_962] {strides = array<i32>} : memref<128x128xf32, #tpu.memory_space<vmem>>, vector<1x16xf32>,
        %get3A_964 = vector.shape_cast %get3A_963 : vector<1x16xf32> to vector<16xf32>
        %add3A_965 = arith.addf %add3A_919, %get3A_964 : vector<16xf32>
        %get3A_966 = arith.index_cast %add3A_950 : i32 to index
        %get3A_967 = arith.constant 48 : index
        %get3A_968 = tpu.vector_load %arg7[%get3A_966, %get3A_967] {strides = array<i32>} : memref<128x128xf32, #tpu.memory_space<vmem>>, vector<1x16xf32>,
        %get3A_969 = vector.shape_cast %get3A_968 : vector<1x16xf32> to vector<16xf32>
        %add3A_970 = arith.addf %add3A_924, %get3A_969 : vector<16xf32>
        %get3A_971 = arith.index_cast %add3A_950 : i32 to index
        %get3A_972 = arith.constant 64 : index
        %get3A_973 = tpu.vector_load %arg7[%get3A_971, %get3A_972] {strides = array<i32>} : memref<128x128xf32, #tpu.memory_space<vmem>>, vector<1x16xf32>,
        %get3A_974 = vector.shape_cast %get3A_973 : vector<1x16xf32> to vector<16xf32>
        %add3A_975 = arith.addf %add3A_929, %get3A_974 : vector<16xf32>
        %get3A_976 = arith.index_cast %add3A_950 : i32 to index
        %get3A_977 = arith.constant 80 : index
        %get3A_978 = tpu.vector_load %arg7[%get3A_976, %get3A_977] {strides = array<i32>} : memref<128x128xf32, #tpu.memory_space<vmem>>, vector<1x16xf32>,
        %get3A_979 = vector.shape_cast %get3A_978 : vector<1x16xf32> to vector<16xf32>
        %add3A_980 = arith.addf %add3A_934, %get3A_979 : vector<16xf32>
        %get3A_981 = arith.index_cast %add3A_950 : i32 to index
        %get3A_982 = arith.constant 96 : index
        %get3A_983 = tpu.vector_load %arg7[%get3A_981, %get3A_982] {strides = array<i32>} : memref<128x128xf32, #tpu.memory_space<vmem>>, vector<1x16xf32>,
        %get3A_984 = vector.shape_cast %get3A_983 : vector<1x16xf32> to vector<16xf32>
        %add3A_985 = arith.addf %add3A_939, %get3A_984 : vector<16xf32>
        %get3A_986 = arith.index_cast %add3A_950 : i32 to index
        %get3A_987 = arith.constant 112 : index
        %get3A_988 = tpu.vector_load %arg7[%get3A_986, %get3A_987] {strides = array<i32>} : memref<128x128xf32, #tpu.memory_space<vmem>>, vector<1x16xf32>,
        %get3A_989 = vector.shape_cast %get3A_988 : vector<1x16xf32> to vector<16xf32>
        %add3A_990 = arith.addf %add3A_944, %get3A_989 : vector<16xf32>
        scf.yield %add3A_955, %add3A_960, %add3A_965, %add3A_970, %add3A_975, %add3A_980, %add3A_985, %add3A_990 : vector<16xf32>, vector<16xf32>, vector<16xf32>, vector<16xf32>, vector<16xf32>, vector<16xf32>, vector<16xf32>, vector<16xf32>
      }
      %scan3A_267 = arith.constant 4 : i32
      %swap3A_268 = arith.constant 3 : i32
      %swap3A_269 = arith.index_cast %swap3A_268 : i32 to index
      %swap3A_270 = arith.constant 0 : index
      %swap3A_271 = tpu.vector_load %arg9[%swap3A_269, %swap3A_270] {strides = array<i32>} : memref<8x128xf32, #tpu.memory_space<vmem>>, vector<1x16xf32>,
      %swap3A_272 = vector.shape_cast %swap3A_271 : vector<1x16xf32> to vector<16xf32>
      %swap3A_273 = vector.shape_cast %scan3A_266#0 : vector<16xf32> to vector<1x16xf32>
      tpu.vector_store %arg9[%swap3A_269, %swap3A_270], %swap3A_273 {strides = array<i32>} : memref<8x128xf32, #tpu.memory_space<vmem>>, vector<1x16xf32>,
      %swap3A_274 = arith.constant 3 : i32
      %swap3A_275 = arith.index_cast %swap3A_274 : i32 to index
      %swap3A_276 = arith.constant 16 : index
      %swap3A_277 = tpu.vector_load %arg9[%swap3A_275, %swap3A_276] {strides = array<i32>} : memref<8x128xf32, #tpu.memory_space<vmem>>, vector<1x16xf32>,
      %swap3A_278 = vector.shape_cast %swap3A_277 : vector<1x16xf32> to vector<16xf32>
      %swap3A_279 = vector.shape_cast %scan3A_266#1 : vector<16xf32> to vector<1x16xf32>
      tpu.vector_store %arg9[%swap3A_275, %swap3A_276], %swap3A_279 {strides = array<i32>} : memref<8x128xf32, #tpu.memory_space<vmem>>, vector<1x16xf32>,
      %swap3A_280 = arith.constant 3 : i32
      %swap3A_281 = arith.index_cast %swap3A_280 : i32 to index
      %swap3A_282 = arith.constant 32 : index
      %swap3A_283 = tpu.vector_load %arg9[%swap3A_281, %swap3A_282] {strides = array<i32>} : memref<8x128xf32, #tpu.memory_space<vmem>>, vector<1x16xf32>,
      %swap3A_284 = vector.shape_cast %swap3A_283 : vector<1x16xf32> to vector<16xf32>
      %swap3A_285 = vector.shape_cast %scan3A_266#2 : vector<16xf32> to vector<1x16xf32>
      tpu.vector_store %arg9[%swap3A_281, %swap3A_282], %swap3A_285 {strides = array<i32>} : memref<8x128xf32, #tpu.memory_space<vmem>>, vector<1x16xf32>,
      %swap3A_286 = arith.constant 3 : i32
      %swap3A_287 = arith.index_cast %swap3A_286 : i32 to index
      %swap3A_288 = arith.constant 48 : index
      %swap3A_289 = tpu.vector_load %arg9[%swap3A_287, %swap3A_288] {strides = array<i32>} : memref<8x128xf32, #tpu.memory_space<vmem>>, vector<1x16xf32>,
      %swap3A_290 = vector.shape_cast %swap3A_289 : vector<1x16xf32> to vector<16xf32>
      %swap3A_291 = vector.shape_cast %scan3A_266#3 : vector<16xf32> to vector<1x16xf32>
      tpu.vector_store %arg9[%swap3A_287, %swap3A_288], %swap3A_291 {strides = array<i32>} : memref<8x128xf32, #tpu.memory_space<vmem>>, vector<1x16xf32>,
      %swap3A_292 = arith.constant 3 : i32
      %swap3A_293 = arith.index_cast %swap3A_292 : i32 to index
      %swap3A_294 = arith.constant 64 : index
      %swap3A_295 = tpu.vector_load %arg9[%swap3A_293, %swap3A_294] {strides = array<i32>} : memref<8x128xf32, #tpu.memory_space<vmem>>, vector<1x16xf32>,
      %swap3A_296 = vector.shape_cast %swap3A_295 : vector<1x16xf32> to vector<16xf32>
      %swap3A_297 = vector.shape_cast %scan3A_266#4 : vector<16xf32> to vector<1x16xf32>
      tpu.vector_store %arg9[%swap3A_293, %swap3A_294], %swap3A_297 {strides = array<i32>} : memref<8x128xf32, #tpu.memory_space<vmem>>, vector<1x16xf32>,
      %swap3A_298 = arith.constant 3 : i32
      %swap3A_299 = arith.index_cast %swap3A_298 : i32 to index
      %swap3A_300 = arith.constant 80 : index
      %swap3A_301 = tpu.vector_load %arg9[%swap3A_299, %swap3A_300] {strides = array<i32>} : memref<8x128xf32, #tpu.memory_space<vmem>>, vector<1x16xf32>,
      %swap3A_302 = vector.shape_cast %swap3A_301 : vector<1x16xf32> to vector<16xf32>
      %swap3A_303 = vector.shape_cast %scan3A_266#5 : vector<16xf32> to vector<1x16xf32>
      tpu.vector_store %arg9[%swap3A_299, %swap3A_300], %swap3A_303 {strides = array<i32>} : memref<8x128xf32, #tpu.memory_space<vmem>>, vector<1x16xf32>,
      %swap3A_304 = arith.constant 3 : i32
      %swap3A_305 = arith.index_cast %swap3A_304 : i32 to index
      %swap3A_306 = arith.constant 96 : index
      %swap3A_307 = tpu.vector_load %arg9[%swap3A_305, %swap3A_306] {strides = array<i32>} : memref<8x128xf32, #tpu.memory_space<vmem>>, vector<1x16xf32>,
      %swap3A_308 = vector.shape_cast %swap3A_307 : vector<1x16xf32> to vector<16xf32>
      %swap3A_309 = vector.shape_cast %scan3A_266#6 : vector<16xf32> to vector<1x16xf32>
      tpu.vector_store %arg9[%swap3A_305, %swap3A_306], %swap3A_309 {strides = array<i32>} : memref<8x128xf32, #tpu.memory_space<vmem>>, vector<1x16xf32>,
      %swap3A_310 = arith.constant 3 : i32
      %swap3A_311 = arith.index_cast %swap3A_310 : i32 to index
      %swap3A_312 = arith.constant 112 : index
      %swap3A_313 = tpu.vector_load %arg9[%swap3A_311, %swap3A_312] {strides = array<i32>} : memref<8x128xf32, #tpu.memory_space<vmem>>, vector<1x16xf32>,
      %swap3A_314 = vector.shape_cast %swap3A_313 : vector<1x16xf32> to vector<16xf32>
      %swap3A_315 = vector.shape_cast %scan3A_266#7 : vector<16xf32> to vector<1x16xf32>
      tpu.vector_store %arg9[%swap3A_311, %swap3A_312], %swap3A_315 {strides = array<i32>} : memref<8x128xf32, #tpu.memory_space<vmem>>, vector<1x16xf32>,
      %add3A_316 = arith.constant 1 : i32
      %add3A_317 = arith.addi %mul3A_24, %add3A_316 : i32
      %add3A_318 = arith.constant 1 : i32
      %add3A_319 = arith.addi %add3A_317, %add3A_318 : i32
      %lt3A_320 = arith.constant 80 : i32
      %lt3A_321 = arith.cmpi slt, %add3A_319, %lt3A_320 : i32
      %convert_element_type3A_322 = arith.extui %lt3A_321 : i1 to i32
      %cond3A_323 = arith.constant 0 : i32
      %cond3A_324 = arith.cmpi ne, %convert_element_type3A_322, %cond3A_323 : i32
      scf.if %cond3A_324 {
        %mul3A_615 = arith.constant 128 : i32
        %mul3A_616 = arith.muli %add3A_319, %mul3A_615 : i32
        %multiple_of3A_617 = tpu.assume_multiple %mul3A_616, 128 : i32
        %dma_start3A_618 = tpu.memref_slice %arg6[%multiple_of3A_617] : memref<10240xi32, #tpu.memory_space<vmem>> -> memref<128xi32, #tpu.memory_space<vmem>>
        %dma_start3A_619 = arith.constant 0 : i32
        %dma_start3A_620 = arith.constant 0 : i32
        %dma_start3A_621 = tpu.memref_slice %arg5[%dma_start3A_619, %dma_start3A_620] : memref<10000x128xf32, #tpu.memory_space<vmem_shared>> -> memref<10000x128xf32, #tpu.memory_space<vmem_shared>>
        tpu.enqueue_indirect_dma source(%dma_start3A_621 : memref<10000x128xf32, #tpu.memory_space<vmem_shared>>) target(%arg7 : memref<128x128xf32, #tpu.memory_space<vmem>>) offsets(%dma_start3A_618 : memref<128xi32, #tpu.memory_space<vmem>>) semaphore(%arg10 : memref<!tpu.dma_semaphore, #tpu.memory_space<semaphore_mem>>)
      } else {
      }
      %dma_wait3A_325 = arith.constant 0 : i32
      %dma_wait3A_326 = arith.constant 0 : i32
      %dma_wait3A_327 = tpu.memref_slice %arg5[%dma_wait3A_325, %dma_wait3A_326] : memref<10000x128xf32, #tpu.memory_space<vmem_shared>> -> memref<128x128xf32, #tpu.memory_space<vmem_shared>>
      %dma_wait3A_328 = arith.constant 0 : i32
      %dma_wait3A_329 = arith.constant 0 : i32
      %dma_wait3A_330 = tpu.memref_slice %arg5[%dma_wait3A_328, %dma_wait3A_329] : memref<10000x128xf32, #tpu.memory_space<vmem_shared>> -> memref<128x128xf32, #tpu.memory_space<vmem_shared>>
      tpu.wait_dma2 semaphore(%arg11 : memref<!tpu.dma_semaphore, #tpu.memory_space<semaphore_mem>>) src(%dma_wait3A_330 : memref<128x128xf32, #tpu.memory_space<vmem_shared>>) dst(%arg8 : memref<128x128xf32, #tpu.memory_space<vmem>>)
      %broadcast_in_dim3A_331 = arith.constant 0.000000e+00 : f32
      %broadcast_in_dim3A_332 = vector.broadcast %broadcast_in_dim3A_331 : f32 to vector<16xf32>
      %broadcast_in_dim3A_333 = arith.constant 0.000000e+00 : f32
      %broadcast_in_dim3A_334 = vector.broadcast %broadcast_in_dim3A_333 : f32 to vector<16xf32>
      %broadcast_in_dim3A_335 = arith.constant 0.000000e+00 : f32
      %broadcast_in_dim3A_336 = vector.broadcast %broadcast_in_dim3A_335 : f32 to vector<16xf32>
      %broadcast_in_dim3A_337 = arith.constant 0.000000e+00 : f32
      %broadcast_in_dim3A_338 = vector.broadcast %broadcast_in_dim3A_337 : f32 to vector<16xf32>
      %broadcast_in_dim3A_339 = arith.constant 0.000000e+00 : f32
      %broadcast_in_dim3A_340 = vector.broadcast %broadcast_in_dim3A_339 : f32 to vector<16xf32>
      %broadcast_in_dim3A_341 = arith.constant 0.000000e+00 : f32
      %broadcast_in_dim3A_342 = vector.broadcast %broadcast_in_dim3A_341 : f32 to vector<16xf32>
      %broadcast_in_dim3A_343 = arith.constant 0.000000e+00 : f32
      %broadcast_in_dim3A_344 = vector.broadcast %broadcast_in_dim3A_343 : f32 to vector<16xf32>
      %broadcast_in_dim3A_345 = arith.constant 0.000000e+00 : f32
      %broadcast_in_dim3A_346 = vector.broadcast %broadcast_in_dim3A_345 : f32 to vector<16xf32>
      %scan3A_347 = arith.constant 0 : i32
      %scan3A_348 = arith.constant 4 : i32
      %scan3A_349 = arith.addi %scan3A_347, %scan3A_348 : i32
      %scan3A_350 = arith.constant 1 : i32
      %scan3A_351:8 = scf.for %scan3A_615 = %scan3A_347 to %scan3A_349 step %scan3A_350 iter_args(%scan3A_616 = %broadcast_in_dim3A_332, %scan3A_617 = %broadcast_in_dim3A_334, %scan3A_618 = %broadcast_in_dim3A_336, %scan3A_619 = %broadcast_in_dim3A_338, %scan3A_620 = %broadcast_in_dim3A_340, %scan3A_621 = %broadcast_in_dim3A_342, %scan3A_622 = %broadcast_in_dim3A_344, %scan3A_623 = %broadcast_in_dim3A_346) -> (vector<16xf32>, vector<16xf32>, vector<16xf32>, vector<16xf32>, vector<16xf32>, vector<16xf32>, vector<16xf32>, vector<16xf32>)  : i32 {
        %mul3A_624 = arith.constant 8 : i32
        %mul3A_625 = arith.muli %scan3A_615, %mul3A_624 : i32
        %add3A_626 = arith.constant 0 : i32
        %add3A_627 = arith.addi %add3A_626, %mul3A_625 : i32
        %add3A_628 = arith.constant 0 : i32
        %add3A_629 = arith.addi %add3A_627, %add3A_628 : i32
        %get3A = arith.index_cast %add3A_629 : i32 to index
        %get3A_630 = arith.constant 0 : index
        %get3A_631 = tpu.vector_load %arg8[%get3A, %get3A_630] {strides = array<i32>} : memref<128x128xf32, #tpu.memory_space<vmem>>, vector<1x16xf32>,
        %get3A_632 = vector.shape_cast %get3A_631 : vector<1x16xf32> to vector<16xf32>
        %add3A_633 = arith.addf %scan3A_616, %get3A_632 : vector<16xf32>
        %get3A_634 = arith.index_cast %add3A_629 : i32 to index
        %get3A_635 = arith.constant 16 : index
        %get3A_636 = tpu.vector_load %arg8[%get3A_634, %get3A_635] {strides = array<i32>} : memref<128x128xf32, #tpu.memory_space<vmem>>, vector<1x16xf32>,
        %get3A_637 = vector.shape_cast %get3A_636 : vector<1x16xf32> to vector<16xf32>
        %add3A_638 = arith.addf %scan3A_617, %get3A_637 : vector<16xf32>
        %get3A_639 = arith.index_cast %add3A_629 : i32 to index
        %get3A_640 = arith.constant 32 : index
        %get3A_641 = tpu.vector_load %arg8[%get3A_639, %get3A_640] {strides = array<i32>} : memref<128x128xf32, #tpu.memory_space<vmem>>, vector<1x16xf32>,
        %get3A_642 = vector.shape_cast %get3A_641 : vector<1x16xf32> to vector<16xf32>
        %add3A_643 = arith.addf %scan3A_618, %get3A_642 : vector<16xf32>
        %get3A_644 = arith.index_cast %add3A_629 : i32 to index
        %get3A_645 = arith.constant 48 : index
        %get3A_646 = tpu.vector_load %arg8[%get3A_644, %get3A_645] {strides = array<i32>} : memref<128x128xf32, #tpu.memory_space<vmem>>, vector<1x16xf32>,
        %get3A_647 = vector.shape_cast %get3A_646 : vector<1x16xf32> to vector<16xf32>
        %add3A_648 = arith.addf %scan3A_619, %get3A_647 : vector<16xf32>
        %get3A_649 = arith.index_cast %add3A_629 : i32 to index
        %get3A_650 = arith.constant 64 : index
        %get3A_651 = tpu.vector_load %arg8[%get3A_649, %get3A_650] {strides = array<i32>} : memref<128x128xf32, #tpu.memory_space<vmem>>, vector<1x16xf32>,
        %get3A_652 = vector.shape_cast %get3A_651 : vector<1x16xf32> to vector<16xf32>
        %add3A_653 = arith.addf %scan3A_620, %get3A_652 : vector<16xf32>
        %get3A_654 = arith.index_cast %add3A_629 : i32 to index
        %get3A_655 = arith.constant 80 : index
        %get3A_656 = tpu.vector_load %arg8[%get3A_654, %get3A_655] {strides = array<i32>} : memref<128x128xf32, #tpu.memory_space<vmem>>, vector<1x16xf32>,
        %get3A_657 = vector.shape_cast %get3A_656 : vector<1x16xf32> to vector<16xf32>
        %add3A_658 = arith.addf %scan3A_621, %get3A_657 : vector<16xf32>
        %get3A_659 = arith.index_cast %add3A_629 : i32 to index
        %get3A_660 = arith.constant 96 : index
        %get3A_661 = tpu.vector_load %arg8[%get3A_659, %get3A_660] {strides = array<i32>} : memref<128x128xf32, #tpu.memory_space<vmem>>, vector<1x16xf32>,
        %get3A_662 = vector.shape_cast %get3A_661 : vector<1x16xf32> to vector<16xf32>
        %add3A_663 = arith.addf %scan3A_622, %get3A_662 : vector<16xf32>
        %get3A_664 = arith.index_cast %add3A_629 : i32 to index
        %get3A_665 = arith.constant 112 : index
        %get3A_666 = tpu.vector_load %arg8[%get3A_664, %get3A_665] {strides = array<i32>} : memref<128x128xf32, #tpu.memory_space<vmem>>, vector<1x16xf32>,
        %get3A_667 = vector.shape_cast %get3A_666 : vector<1x16xf32> to vector<16xf32>
        %add3A_668 = arith.addf %scan3A_623, %get3A_667 : vector<16xf32>
        %mul3A_669 = arith.constant 8 : i32
        %mul3A_670 = arith.muli %scan3A_615, %mul3A_669 : i32
        %add3A_671 = arith.constant 0 : i32
        %add3A_672 = arith.addi %add3A_671, %mul3A_670 : i32
        %add3A_673 = arith.constant 1 : i32
        %add3A_674 = arith.addi %add3A_672, %add3A_673 : i32
        %get3A_675 = arith.index_cast %add3A_674 : i32 to index
        %get3A_676 = arith.constant 0 : index
        %get3A_677 = tpu.vector_load %arg8[%get3A_675, %get3A_676] {strides = array<i32>} : memref<128x128xf32, #tpu.memory_space<vmem>>, vector<1x16xf32>,
        %get3A_678 = vector.shape_cast %get3A_677 : vector<1x16xf32> to vector<16xf32>
        %add3A_679 = arith.addf %add3A_633, %get3A_678 : vector<16xf32>
        %get3A_680 = arith.index_cast %add3A_674 : i32 to index
        %get3A_681 = arith.constant 16 : index
        %get3A_682 = tpu.vector_load %arg8[%get3A_680, %get3A_681] {strides = array<i32>} : memref<128x128xf32, #tpu.memory_space<vmem>>, vector<1x16xf32>,
        %get3A_683 = vector.shape_cast %get3A_682 : vector<1x16xf32> to vector<16xf32>
        %add3A_684 = arith.addf %add3A_638, %get3A_683 : vector<16xf32>
        %get3A_685 = arith.index_cast %add3A_674 : i32 to index
        %get3A_686 = arith.constant 32 : index
        %get3A_687 = tpu.vector_load %arg8[%get3A_685, %get3A_686] {strides = array<i32>} : memref<128x128xf32, #tpu.memory_space<vmem>>, vector<1x16xf32>,
        %get3A_688 = vector.shape_cast %get3A_687 : vector<1x16xf32> to vector<16xf32>
        %add3A_689 = arith.addf %add3A_643, %get3A_688 : vector<16xf32>
        %get3A_690 = arith.index_cast %add3A_674 : i32 to index
        %get3A_691 = arith.constant 48 : index
        %get3A_692 = tpu.vector_load %arg8[%get3A_690, %get3A_691] {strides = array<i32>} : memref<128x128xf32, #tpu.memory_space<vmem>>, vector<1x16xf32>,
        %get3A_693 = vector.shape_cast %get3A_692 : vector<1x16xf32> to vector<16xf32>
        %add3A_694 = arith.addf %add3A_648, %get3A_693 : vector<16xf32>
        %get3A_695 = arith.index_cast %add3A_674 : i32 to index
        %get3A_696 = arith.constant 64 : index
        %get3A_697 = tpu.vector_load %arg8[%get3A_695, %get3A_696] {strides = array<i32>} : memref<128x128xf32, #tpu.memory_space<vmem>>, vector<1x16xf32>,
        %get3A_698 = vector.shape_cast %get3A_697 : vector<1x16xf32> to vector<16xf32>
        %add3A_699 = arith.addf %add3A_653, %get3A_698 : vector<16xf32>
        %get3A_700 = arith.index_cast %add3A_674 : i32 to index
        %get3A_701 = arith.constant 80 : index
        %get3A_702 = tpu.vector_load %arg8[%get3A_700, %get3A_701] {strides = array<i32>} : memref<128x128xf32, #tpu.memory_space<vmem>>, vector<1x16xf32>,
        %get3A_703 = vector.shape_cast %get3A_702 : vector<1x16xf32> to vector<16xf32>
        %add3A_704 = arith.addf %add3A_658, %get3A_703 : vector<16xf32>
        %get3A_705 = arith.index_cast %add3A_674 : i32 to index
        %get3A_706 = arith.constant 96 : index
        %get3A_707 = tpu.vector_load %arg8[%get3A_705, %get3A_706] {strides = array<i32>} : memref<128x128xf32, #tpu.memory_space<vmem>>, vector<1x16xf32>,
        %get3A_708 = vector.shape_cast %get3A_707 : vector<1x16xf32> to vector<16xf32>
        %add3A_709 = arith.addf %add3A_663, %get3A_708 : vector<16xf32>
        %get3A_710 = arith.index_cast %add3A_674 : i32 to index
        %get3A_711 = arith.constant 112 : index
        %get3A_712 = tpu.vector_load %arg8[%get3A_710, %get3A_711] {strides = array<i32>} : memref<128x128xf32, #tpu.memory_space<vmem>>, vector<1x16xf32>,
        %get3A_713 = vector.shape_cast %get3A_712 : vector<1x16xf32> to vector<16xf32>
        %add3A_714 = arith.addf %add3A_668, %get3A_713 : vector<16xf32>
        %mul3A_715 = arith.constant 8 : i32
        %mul3A_716 = arith.muli %scan3A_615, %mul3A_715 : i32
        %add3A_717 = arith.constant 0 : i32
        %add3A_718 = arith.addi %add3A_717, %mul3A_716 : i32
        %add3A_719 = arith.constant 2 : i32
        %add3A_720 = arith.addi %add3A_718, %add3A_719 : i32
        %get3A_721 = arith.index_cast %add3A_720 : i32 to index
        %get3A_722 = arith.constant 0 : index
        %get3A_723 = tpu.vector_load %arg8[%get3A_721, %get3A_722] {strides = array<i32>} : memref<128x128xf32, #tpu.memory_space<vmem>>, vector<1x16xf32>,
        %get3A_724 = vector.shape_cast %get3A_723 : vector<1x16xf32> to vector<16xf32>
        %add3A_725 = arith.addf %add3A_679, %get3A_724 : vector<16xf32>
        %get3A_726 = arith.index_cast %add3A_720 : i32 to index
        %get3A_727 = arith.constant 16 : index
        %get3A_728 = tpu.vector_load %arg8[%get3A_726, %get3A_727] {strides = array<i32>} : memref<128x128xf32, #tpu.memory_space<vmem>>, vector<1x16xf32>,
        %get3A_729 = vector.shape_cast %get3A_728 : vector<1x16xf32> to vector<16xf32>
        %add3A_730 = arith.addf %add3A_684, %get3A_729 : vector<16xf32>
        %get3A_731 = arith.index_cast %add3A_720 : i32 to index
        %get3A_732 = arith.constant 32 : index
        %get3A_733 = tpu.vector_load %arg8[%get3A_731, %get3A_732] {strides = array<i32>} : memref<128x128xf32, #tpu.memory_space<vmem>>, vector<1x16xf32>,
        %get3A_734 = vector.shape_cast %get3A_733 : vector<1x16xf32> to vector<16xf32>
        %add3A_735 = arith.addf %add3A_689, %get3A_734 : vector<16xf32>
        %get3A_736 = arith.index_cast %add3A_720 : i32 to index
        %get3A_737 = arith.constant 48 : index
        %get3A_738 = tpu.vector_load %arg8[%get3A_736, %get3A_737] {strides = array<i32>} : memref<128x128xf32, #tpu.memory_space<vmem>>, vector<1x16xf32>,
        %get3A_739 = vector.shape_cast %get3A_738 : vector<1x16xf32> to vector<16xf32>
        %add3A_740 = arith.addf %add3A_694, %get3A_739 : vector<16xf32>
        %get3A_741 = arith.index_cast %add3A_720 : i32 to index
        %get3A_742 = arith.constant 64 : index
        %get3A_743 = tpu.vector_load %arg8[%get3A_741, %get3A_742] {strides = array<i32>} : memref<128x128xf32, #tpu.memory_space<vmem>>, vector<1x16xf32>,
        %get3A_744 = vector.shape_cast %get3A_743 : vector<1x16xf32> to vector<16xf32>
        %add3A_745 = arith.addf %add3A_699, %get3A_744 : vector<16xf32>
        %get3A_746 = arith.index_cast %add3A_720 : i32 to index
        %get3A_747 = arith.constant 80 : index
        %get3A_748 = tpu.vector_load %arg8[%get3A_746, %get3A_747] {strides = array<i32>} : memref<128x128xf32, #tpu.memory_space<vmem>>, vector<1x16xf32>,
        %get3A_749 = vector.shape_cast %get3A_748 : vector<1x16xf32> to vector<16xf32>
        %add3A_750 = arith.addf %add3A_704, %get3A_749 : vector<16xf32>
        %get3A_751 = arith.index_cast %add3A_720 : i32 to index
        %get3A_752 = arith.constant 96 : index
        %get3A_753 = tpu.vector_load %arg8[%get3A_751, %get3A_752] {strides = array<i32>} : memref<128x128xf32, #tpu.memory_space<vmem>>, vector<1x16xf32>,
        %get3A_754 = vector.shape_cast %get3A_753 : vector<1x16xf32> to vector<16xf32>
        %add3A_755 = arith.addf %add3A_709, %get3A_754 : vector<16xf32>
        %get3A_756 = arith.index_cast %add3A_720 : i32 to index
        %get3A_757 = arith.constant 112 : index
        %get3A_758 = tpu.vector_load %arg8[%get3A_756, %get3A_757] {strides = array<i32>} : memref<128x128xf32, #tpu.memory_space<vmem>>, vector<1x16xf32>,
        %get3A_759 = vector.shape_cast %get3A_758 : vector<1x16xf32> to vector<16xf32>
        %add3A_760 = arith.addf %add3A_714, %get3A_759 : vector<16xf32>
        %mul3A_761 = arith.constant 8 : i32
        %mul3A_762 = arith.muli %scan3A_615, %mul3A_761 : i32
        %add3A_763 = arith.constant 0 : i32
        %add3A_764 = arith.addi %add3A_763, %mul3A_762 : i32
        %add3A_765 = arith.constant 3 : i32
        %add3A_766 = arith.addi %add3A_764, %add3A_765 : i32
        %get3A_767 = arith.index_cast %add3A_766 : i32 to index
        %get3A_768 = arith.constant 0 : index
        %get3A_769 = tpu.vector_load %arg8[%get3A_767, %get3A_768] {strides = array<i32>} : memref<128x128xf32, #tpu.memory_space<vmem>>, vector<1x16xf32>,
        %get3A_770 = vector.shape_cast %get3A_769 : vector<1x16xf32> to vector<16xf32>
        %add3A_771 = arith.addf %add3A_725, %get3A_770 : vector<16xf32>
        %get3A_772 = arith.index_cast %add3A_766 : i32 to index
        %get3A_773 = arith.constant 16 : index
        %get3A_774 = tpu.vector_load %arg8[%get3A_772, %get3A_773] {strides = array<i32>} : memref<128x128xf32, #tpu.memory_space<vmem>>, vector<1x16xf32>,
        %get3A_775 = vector.shape_cast %get3A_774 : vector<1x16xf32> to vector<16xf32>
        %add3A_776 = arith.addf %add3A_730, %get3A_775 : vector<16xf32>
        %get3A_777 = arith.index_cast %add3A_766 : i32 to index
        %get3A_778 = arith.constant 32 : index
        %get3A_779 = tpu.vector_load %arg8[%get3A_777, %get3A_778] {strides = array<i32>} : memref<128x128xf32, #tpu.memory_space<vmem>>, vector<1x16xf32>,
        %get3A_780 = vector.shape_cast %get3A_779 : vector<1x16xf32> to vector<16xf32>
        %add3A_781 = arith.addf %add3A_735, %get3A_780 : vector<16xf32>
        %get3A_782 = arith.index_cast %add3A_766 : i32 to index
        %get3A_783 = arith.constant 48 : index
        %get3A_784 = tpu.vector_load %arg8[%get3A_782, %get3A_783] {strides = array<i32>} : memref<128x128xf32, #tpu.memory_space<vmem>>, vector<1x16xf32>,
        %get3A_785 = vector.shape_cast %get3A_784 : vector<1x16xf32> to vector<16xf32>
        %add3A_786 = arith.addf %add3A_740, %get3A_785 : vector<16xf32>
        %get3A_787 = arith.index_cast %add3A_766 : i32 to index
        %get3A_788 = arith.constant 64 : index
        %get3A_789 = tpu.vector_load %arg8[%get3A_787, %get3A_788] {strides = array<i32>} : memref<128x128xf32, #tpu.memory_space<vmem>>, vector<1x16xf32>,
        %get3A_790 = vector.shape_cast %get3A_789 : vector<1x16xf32> to vector<16xf32>
        %add3A_791 = arith.addf %add3A_745, %get3A_790 : vector<16xf32>
        %get3A_792 = arith.index_cast %add3A_766 : i32 to index
        %get3A_793 = arith.constant 80 : index
        %get3A_794 = tpu.vector_load %arg8[%get3A_792, %get3A_793] {strides = array<i32>} : memref<128x128xf32, #tpu.memory_space<vmem>>, vector<1x16xf32>,
        %get3A_795 = vector.shape_cast %get3A_794 : vector<1x16xf32> to vector<16xf32>
        %add3A_796 = arith.addf %add3A_750, %get3A_795 : vector<16xf32>
        %get3A_797 = arith.index_cast %add3A_766 : i32 to index
        %get3A_798 = arith.constant 96 : index
        %get3A_799 = tpu.vector_load %arg8[%get3A_797, %get3A_798] {strides = array<i32>} : memref<128x128xf32, #tpu.memory_space<vmem>>, vector<1x16xf32>,
        %get3A_800 = vector.shape_cast %get3A_799 : vector<1x16xf32> to vector<16xf32>
        %add3A_801 = arith.addf %add3A_755, %get3A_800 : vector<16xf32>
        %get3A_802 = arith.index_cast %add3A_766 : i32 to index
        %get3A_803 = arith.constant 112 : index
        %get3A_804 = tpu.vector_load %arg8[%get3A_802, %get3A_803] {strides = array<i32>} : memref<128x128xf32, #tpu.memory_space<vmem>>, vector<1x16xf32>,
        %get3A_805 = vector.shape_cast %get3A_804 : vector<1x16xf32> to vector<16xf32>
        %add3A_806 = arith.addf %add3A_760, %get3A_805 : vector<16xf32>
        %mul3A_807 = arith.constant 8 : i32
        %mul3A_808 = arith.muli %scan3A_615, %mul3A_807 : i32
        %add3A_809 = arith.constant 0 : i32
        %add3A_810 = arith.addi %add3A_809, %mul3A_808 : i32
        %add3A_811 = arith.constant 4 : i32
        %add3A_812 = arith.addi %add3A_810, %add3A_811 : i32
        %get3A_813 = arith.index_cast %add3A_812 : i32 to index
        %get3A_814 = arith.constant 0 : index
        %get3A_815 = tpu.vector_load %arg8[%get3A_813, %get3A_814] {strides = array<i32>} : memref<128x128xf32, #tpu.memory_space<vmem>>, vector<1x16xf32>,
        %get3A_816 = vector.shape_cast %get3A_815 : vector<1x16xf32> to vector<16xf32>
        %add3A_817 = arith.addf %add3A_771, %get3A_816 : vector<16xf32>
        %get3A_818 = arith.index_cast %add3A_812 : i32 to index
        %get3A_819 = arith.constant 16 : index
        %get3A_820 = tpu.vector_load %arg8[%get3A_818, %get3A_819] {strides = array<i32>} : memref<128x128xf32, #tpu.memory_space<vmem>>, vector<1x16xf32>,
        %get3A_821 = vector.shape_cast %get3A_820 : vector<1x16xf32> to vector<16xf32>
        %add3A_822 = arith.addf %add3A_776, %get3A_821 : vector<16xf32>
        %get3A_823 = arith.index_cast %add3A_812 : i32 to index
        %get3A_824 = arith.constant 32 : index
        %get3A_825 = tpu.vector_load %arg8[%get3A_823, %get3A_824] {strides = array<i32>} : memref<128x128xf32, #tpu.memory_space<vmem>>, vector<1x16xf32>,
        %get3A_826 = vector.shape_cast %get3A_825 : vector<1x16xf32> to vector<16xf32>
        %add3A_827 = arith.addf %add3A_781, %get3A_826 : vector<16xf32>
        %get3A_828 = arith.index_cast %add3A_812 : i32 to index
        %get3A_829 = arith.constant 48 : index
        %get3A_830 = tpu.vector_load %arg8[%get3A_828, %get3A_829] {strides = array<i32>} : memref<128x128xf32, #tpu.memory_space<vmem>>, vector<1x16xf32>,
        %get3A_831 = vector.shape_cast %get3A_830 : vector<1x16xf32> to vector<16xf32>
        %add3A_832 = arith.addf %add3A_786, %get3A_831 : vector<16xf32>
        %get3A_833 = arith.index_cast %add3A_812 : i32 to index
        %get3A_834 = arith.constant 64 : index
        %get3A_835 = tpu.vector_load %arg8[%get3A_833, %get3A_834] {strides = array<i32>} : memref<128x128xf32, #tpu.memory_space<vmem>>, vector<1x16xf32>,
        %get3A_836 = vector.shape_cast %get3A_835 : vector<1x16xf32> to vector<16xf32>
        %add3A_837 = arith.addf %add3A_791, %get3A_836 : vector<16xf32>
        %get3A_838 = arith.index_cast %add3A_812 : i32 to index
        %get3A_839 = arith.constant 80 : index
        %get3A_840 = tpu.vector_load %arg8[%get3A_838, %get3A_839] {strides = array<i32>} : memref<128x128xf32, #tpu.memory_space<vmem>>, vector<1x16xf32>,
        %get3A_841 = vector.shape_cast %get3A_840 : vector<1x16xf32> to vector<16xf32>
        %add3A_842 = arith.addf %add3A_796, %get3A_841 : vector<16xf32>
        %get3A_843 = arith.index_cast %add3A_812 : i32 to index
        %get3A_844 = arith.constant 96 : index
        %get3A_845 = tpu.vector_load %arg8[%get3A_843, %get3A_844] {strides = array<i32>} : memref<128x128xf32, #tpu.memory_space<vmem>>, vector<1x16xf32>,
        %get3A_846 = vector.shape_cast %get3A_845 : vector<1x16xf32> to vector<16xf32>
        %add3A_847 = arith.addf %add3A_801, %get3A_846 : vector<16xf32>
        %get3A_848 = arith.index_cast %add3A_812 : i32 to index
        %get3A_849 = arith.constant 112 : index
        %get3A_850 = tpu.vector_load %arg8[%get3A_848, %get3A_849] {strides = array<i32>} : memref<128x128xf32, #tpu.memory_space<vmem>>, vector<1x16xf32>,
        %get3A_851 = vector.shape_cast %get3A_850 : vector<1x16xf32> to vector<16xf32>
        %add3A_852 = arith.addf %add3A_806, %get3A_851 : vector<16xf32>
        %mul3A_853 = arith.constant 8 : i32
        %mul3A_854 = arith.muli %scan3A_615, %mul3A_853 : i32
        %add3A_855 = arith.constant 0 : i32
        %add3A_856 = arith.addi %add3A_855, %mul3A_854 : i32
        %add3A_857 = arith.constant 5 : i32
        %add3A_858 = arith.addi %add3A_856, %add3A_857 : i32
        %get3A_859 = arith.index_cast %add3A_858 : i32 to index
        %get3A_860 = arith.constant 0 : index
        %get3A_861 = tpu.vector_load %arg8[%get3A_859, %get3A_860] {strides = array<i32>} : memref<128x128xf32, #tpu.memory_space<vmem>>, vector<1x16xf32>,
        %get3A_862 = vector.shape_cast %get3A_861 : vector<1x16xf32> to vector<16xf32>
        %add3A_863 = arith.addf %add3A_817, %get3A_862 : vector<16xf32>
        %get3A_864 = arith.index_cast %add3A_858 : i32 to index
        %get3A_865 = arith.constant 16 : index
        %get3A_866 = tpu.vector_load %arg8[%get3A_864, %get3A_865] {strides = array<i32>} : memref<128x128xf32, #tpu.memory_space<vmem>>, vector<1x16xf32>,
        %get3A_867 = vector.shape_cast %get3A_866 : vector<1x16xf32> to vector<16xf32>
        %add3A_868 = arith.addf %add3A_822, %get3A_867 : vector<16xf32>
        %get3A_869 = arith.index_cast %add3A_858 : i32 to index
        %get3A_870 = arith.constant 32 : index
        %get3A_871 = tpu.vector_load %arg8[%get3A_869, %get3A_870] {strides = array<i32>} : memref<128x128xf32, #tpu.memory_space<vmem>>, vector<1x16xf32>,
        %get3A_872 = vector.shape_cast %get3A_871 : vector<1x16xf32> to vector<16xf32>
        %add3A_873 = arith.addf %add3A_827, %get3A_872 : vector<16xf32>
        %get3A_874 = arith.index_cast %add3A_858 : i32 to index
        %get3A_875 = arith.constant 48 : index
        %get3A_876 = tpu.vector_load %arg8[%get3A_874, %get3A_875] {strides = array<i32>} : memref<128x128xf32, #tpu.memory_space<vmem>>, vector<1x16xf32>,
        %get3A_877 = vector.shape_cast %get3A_876 : vector<1x16xf32> to vector<16xf32>
        %add3A_878 = arith.addf %add3A_832, %get3A_877 : vector<16xf32>
        %get3A_879 = arith.index_cast %add3A_858 : i32 to index
        %get3A_880 = arith.constant 64 : index
        %get3A_881 = tpu.vector_load %arg8[%get3A_879, %get3A_880] {strides = array<i32>} : memref<128x128xf32, #tpu.memory_space<vmem>>, vector<1x16xf32>,
        %get3A_882 = vector.shape_cast %get3A_881 : vector<1x16xf32> to vector<16xf32>
        %add3A_883 = arith.addf %add3A_837, %get3A_882 : vector<16xf32>
        %get3A_884 = arith.index_cast %add3A_858 : i32 to index
        %get3A_885 = arith.constant 80 : index
        %get3A_886 = tpu.vector_load %arg8[%get3A_884, %get3A_885] {strides = array<i32>} : memref<128x128xf32, #tpu.memory_space<vmem>>, vector<1x16xf32>,
        %get3A_887 = vector.shape_cast %get3A_886 : vector<1x16xf32> to vector<16xf32>
        %add3A_888 = arith.addf %add3A_842, %get3A_887 : vector<16xf32>
        %get3A_889 = arith.index_cast %add3A_858 : i32 to index
        %get3A_890 = arith.constant 96 : index
        %get3A_891 = tpu.vector_load %arg8[%get3A_889, %get3A_890] {strides = array<i32>} : memref<128x128xf32, #tpu.memory_space<vmem>>, vector<1x16xf32>,
        %get3A_892 = vector.shape_cast %get3A_891 : vector<1x16xf32> to vector<16xf32>
        %add3A_893 = arith.addf %add3A_847, %get3A_892 : vector<16xf32>
        %get3A_894 = arith.index_cast %add3A_858 : i32 to index
        %get3A_895 = arith.constant 112 : index
        %get3A_896 = tpu.vector_load %arg8[%get3A_894, %get3A_895] {strides = array<i32>} : memref<128x128xf32, #tpu.memory_space<vmem>>, vector<1x16xf32>,
        %get3A_897 = vector.shape_cast %get3A_896 : vector<1x16xf32> to vector<16xf32>
        %add3A_898 = arith.addf %add3A_852, %get3A_897 : vector<16xf32>
        %mul3A_899 = arith.constant 8 : i32
        %mul3A_900 = arith.muli %scan3A_615, %mul3A_899 : i32
        %add3A_901 = arith.constant 0 : i32
        %add3A_902 = arith.addi %add3A_901, %mul3A_900 : i32
        %add3A_903 = arith.constant 6 : i32
        %add3A_904 = arith.addi %add3A_902, %add3A_903 : i32
        %get3A_905 = arith.index_cast %add3A_904 : i32 to index
        %get3A_906 = arith.constant 0 : index
        %get3A_907 = tpu.vector_load %arg8[%get3A_905, %get3A_906] {strides = array<i32>} : memref<128x128xf32, #tpu.memory_space<vmem>>, vector<1x16xf32>,
        %get3A_908 = vector.shape_cast %get3A_907 : vector<1x16xf32> to vector<16xf32>
        %add3A_909 = arith.addf %add3A_863, %get3A_908 : vector<16xf32>
        %get3A_910 = arith.index_cast %add3A_904 : i32 to index
        %get3A_911 = arith.constant 16 : index
        %get3A_912 = tpu.vector_load %arg8[%get3A_910, %get3A_911] {strides = array<i32>} : memref<128x128xf32, #tpu.memory_space<vmem>>, vector<1x16xf32>,
        %get3A_913 = vector.shape_cast %get3A_912 : vector<1x16xf32> to vector<16xf32>
        %add3A_914 = arith.addf %add3A_868, %get3A_913 : vector<16xf32>
        %get3A_915 = arith.index_cast %add3A_904 : i32 to index
        %get3A_916 = arith.constant 32 : index
        %get3A_917 = tpu.vector_load %arg8[%get3A_915, %get3A_916] {strides = array<i32>} : memref<128x128xf32, #tpu.memory_space<vmem>>, vector<1x16xf32>,
        %get3A_918 = vector.shape_cast %get3A_917 : vector<1x16xf32> to vector<16xf32>
        %add3A_919 = arith.addf %add3A_873, %get3A_918 : vector<16xf32>
        %get3A_920 = arith.index_cast %add3A_904 : i32 to index
        %get3A_921 = arith.constant 48 : index
        %get3A_922 = tpu.vector_load %arg8[%get3A_920, %get3A_921] {strides = array<i32>} : memref<128x128xf32, #tpu.memory_space<vmem>>, vector<1x16xf32>,
        %get3A_923 = vector.shape_cast %get3A_922 : vector<1x16xf32> to vector<16xf32>
        %add3A_924 = arith.addf %add3A_878, %get3A_923 : vector<16xf32>
        %get3A_925 = arith.index_cast %add3A_904 : i32 to index
        %get3A_926 = arith.constant 64 : index
        %get3A_927 = tpu.vector_load %arg8[%get3A_925, %get3A_926] {strides = array<i32>} : memref<128x128xf32, #tpu.memory_space<vmem>>, vector<1x16xf32>,
        %get3A_928 = vector.shape_cast %get3A_927 : vector<1x16xf32> to vector<16xf32>
        %add3A_929 = arith.addf %add3A_883, %get3A_928 : vector<16xf32>
        %get3A_930 = arith.index_cast %add3A_904 : i32 to index
        %get3A_931 = arith.constant 80 : index
        %get3A_932 = tpu.vector_load %arg8[%get3A_930, %get3A_931] {strides = array<i32>} : memref<128x128xf32, #tpu.memory_space<vmem>>, vector<1x16xf32>,
        %get3A_933 = vector.shape_cast %get3A_932 : vector<1x16xf32> to vector<16xf32>
        %add3A_934 = arith.addf %add3A_888, %get3A_933 : vector<16xf32>
        %get3A_935 = arith.index_cast %add3A_904 : i32 to index
        %get3A_936 = arith.constant 96 : index
        %get3A_937 = tpu.vector_load %arg8[%get3A_935, %get3A_936] {strides = array<i32>} : memref<128x128xf32, #tpu.memory_space<vmem>>, vector<1x16xf32>,
        %get3A_938 = vector.shape_cast %get3A_937 : vector<1x16xf32> to vector<16xf32>
        %add3A_939 = arith.addf %add3A_893, %get3A_938 : vector<16xf32>
        %get3A_940 = arith.index_cast %add3A_904 : i32 to index
        %get3A_941 = arith.constant 112 : index
        %get3A_942 = tpu.vector_load %arg8[%get3A_940, %get3A_941] {strides = array<i32>} : memref<128x128xf32, #tpu.memory_space<vmem>>, vector<1x16xf32>,
        %get3A_943 = vector.shape_cast %get3A_942 : vector<1x16xf32> to vector<16xf32>
        %add3A_944 = arith.addf %add3A_898, %get3A_943 : vector<16xf32>
        %mul3A_945 = arith.constant 8 : i32
        %mul3A_946 = arith.muli %scan3A_615, %mul3A_945 : i32
        %add3A_947 = arith.constant 0 : i32
        %add3A_948 = arith.addi %add3A_947, %mul3A_946 : i32
        %add3A_949 = arith.constant 7 : i32
        %add3A_950 = arith.addi %add3A_948, %add3A_949 : i32
        %get3A_951 = arith.index_cast %add3A_950 : i32 to index
        %get3A_952 = arith.constant 0 : index
        %get3A_953 = tpu.vector_load %arg8[%get3A_951, %get3A_952] {strides = array<i32>} : memref<128x128xf32, #tpu.memory_space<vmem>>, vector<1x16xf32>,
        %get3A_954 = vector.shape_cast %get3A_953 : vector<1x16xf32> to vector<16xf32>
        %add3A_955 = arith.addf %add3A_909, %get3A_954 : vector<16xf32>
        %get3A_956 = arith.index_cast %add3A_950 : i32 to index
        %get3A_957 = arith.constant 16 : index
        %get3A_958 = tpu.vector_load %arg8[%get3A_956, %get3A_957] {strides = array<i32>} : memref<128x128xf32, #tpu.memory_space<vmem>>, vector<1x16xf32>,
        %get3A_959 = vector.shape_cast %get3A_958 : vector<1x16xf32> to vector<16xf32>
        %add3A_960 = arith.addf %add3A_914, %get3A_959 : vector<16xf32>
        %get3A_961 = arith.index_cast %add3A_950 : i32 to index
        %get3A_962 = arith.constant 32 : index
        %get3A_963 = tpu.vector_load %arg8[%get3A_961, %get3A_962] {strides = array<i32>} : memref<128x128xf32, #tpu.memory_space<vmem>>, vector<1x16xf32>,
        %get3A_964 = vector.shape_cast %get3A_963 : vector<1x16xf32> to vector<16xf32>
        %add3A_965 = arith.addf %add3A_919, %get3A_964 : vector<16xf32>
        %get3A_966 = arith.index_cast %add3A_950 : i32 to index
        %get3A_967 = arith.constant 48 : index
        %get3A_968 = tpu.vector_load %arg8[%get3A_966, %get3A_967] {strides = array<i32>} : memref<128x128xf32, #tpu.memory_space<vmem>>, vector<1x16xf32>,
        %get3A_969 = vector.shape_cast %get3A_968 : vector<1x16xf32> to vector<16xf32>
        %add3A_970 = arith.addf %add3A_924, %get3A_969 : vector<16xf32>
        %get3A_971 = arith.index_cast %add3A_950 : i32 to index
        %get3A_972 = arith.constant 64 : index
        %get3A_973 = tpu.vector_load %arg8[%get3A_971, %get3A_972] {strides = array<i32>} : memref<128x128xf32, #tpu.memory_space<vmem>>, vector<1x16xf32>,
        %get3A_974 = vector.shape_cast %get3A_973 : vector<1x16xf32> to vector<16xf32>
        %add3A_975 = arith.addf %add3A_929, %get3A_974 : vector<16xf32>
        %get3A_976 = arith.index_cast %add3A_950 : i32 to index
        %get3A_977 = arith.constant 80 : index
        %get3A_978 = tpu.vector_load %arg8[%get3A_976, %get3A_977] {strides = array<i32>} : memref<128x128xf32, #tpu.memory_space<vmem>>, vector<1x16xf32>,
        %get3A_979 = vector.shape_cast %get3A_978 : vector<1x16xf32> to vector<16xf32>
        %add3A_980 = arith.addf %add3A_934, %get3A_979 : vector<16xf32>
        %get3A_981 = arith.index_cast %add3A_950 : i32 to index
        %get3A_982 = arith.constant 96 : index
        %get3A_983 = tpu.vector_load %arg8[%get3A_981, %get3A_982] {strides = array<i32>} : memref<128x128xf32, #tpu.memory_space<vmem>>, vector<1x16xf32>,
        %get3A_984 = vector.shape_cast %get3A_983 : vector<1x16xf32> to vector<16xf32>
        %add3A_985 = arith.addf %add3A_939, %get3A_984 : vector<16xf32>
        %get3A_986 = arith.index_cast %add3A_950 : i32 to index
        %get3A_987 = arith.constant 112 : index
        %get3A_988 = tpu.vector_load %arg8[%get3A_986, %get3A_987] {strides = array<i32>} : memref<128x128xf32, #tpu.memory_space<vmem>>, vector<1x16xf32>,
        %get3A_989 = vector.shape_cast %get3A_988 : vector<1x16xf32> to vector<16xf32>
        %add3A_990 = arith.addf %add3A_944, %get3A_989 : vector<16xf32>
        scf.yield %add3A_955, %add3A_960, %add3A_965, %add3A_970, %add3A_975, %add3A_980, %add3A_985, %add3A_990 : vector<16xf32>, vector<16xf32>, vector<16xf32>, vector<16xf32>, vector<16xf32>, vector<16xf32>, vector<16xf32>, vector<16xf32>
      }
      %scan3A_352 = arith.constant 4 : i32
      %swap3A_353 = arith.constant 4 : i32
      %swap3A_354 = arith.index_cast %swap3A_353 : i32 to index
      %swap3A_355 = arith.constant 0 : index
      %swap3A_356 = tpu.vector_load %arg9[%swap3A_354, %swap3A_355] {strides = array<i32>} : memref<8x128xf32, #tpu.memory_space<vmem>>, vector<1x16xf32>,
      %swap3A_357 = vector.shape_cast %swap3A_356 : vector<1x16xf32> to vector<16xf32>
      %swap3A_358 = vector.shape_cast %scan3A_351#0 : vector<16xf32> to vector<1x16xf32>
      tpu.vector_store %arg9[%swap3A_354, %swap3A_355], %swap3A_358 {strides = array<i32>} : memref<8x128xf32, #tpu.memory_space<vmem>>, vector<1x16xf32>,
      %swap3A_359 = arith.constant 4 : i32
      %swap3A_360 = arith.index_cast %swap3A_359 : i32 to index
      %swap3A_361 = arith.constant 16 : index
      %swap3A_362 = tpu.vector_load %arg9[%swap3A_360, %swap3A_361] {strides = array<i32>} : memref<8x128xf32, #tpu.memory_space<vmem>>, vector<1x16xf32>,
      %swap3A_363 = vector.shape_cast %swap3A_362 : vector<1x16xf32> to vector<16xf32>
      %swap3A_364 = vector.shape_cast %scan3A_351#1 : vector<16xf32> to vector<1x16xf32>
      tpu.vector_store %arg9[%swap3A_360, %swap3A_361], %swap3A_364 {strides = array<i32>} : memref<8x128xf32, #tpu.memory_space<vmem>>, vector<1x16xf32>,
      %swap3A_365 = arith.constant 4 : i32
      %swap3A_366 = arith.index_cast %swap3A_365 : i32 to index
      %swap3A_367 = arith.constant 32 : index
      %swap3A_368 = tpu.vector_load %arg9[%swap3A_366, %swap3A_367] {strides = array<i32>} : memref<8x128xf32, #tpu.memory_space<vmem>>, vector<1x16xf32>,
      %swap3A_369 = vector.shape_cast %swap3A_368 : vector<1x16xf32> to vector<16xf32>
      %swap3A_370 = vector.shape_cast %scan3A_351#2 : vector<16xf32> to vector<1x16xf32>
      tpu.vector_store %arg9[%swap3A_366, %swap3A_367], %swap3A_370 {strides = array<i32>} : memref<8x128xf32, #tpu.memory_space<vmem>>, vector<1x16xf32>,
      %swap3A_371 = arith.constant 4 : i32
      %swap3A_372 = arith.index_cast %swap3A_371 : i32 to index
      %swap3A_373 = arith.constant 48 : index
      %swap3A_374 = tpu.vector_load %arg9[%swap3A_372, %swap3A_373] {strides = array<i32>} : memref<8x128xf32, #tpu.memory_space<vmem>>, vector<1x16xf32>,
      %swap3A_375 = vector.shape_cast %swap3A_374 : vector<1x16xf32> to vector<16xf32>
      %swap3A_376 = vector.shape_cast %scan3A_351#3 : vector<16xf32> to vector<1x16xf32>
      tpu.vector_store %arg9[%swap3A_372, %swap3A_373], %swap3A_376 {strides = array<i32>} : memref<8x128xf32, #tpu.memory_space<vmem>>, vector<1x16xf32>,
      %swap3A_377 = arith.constant 4 : i32
      %swap3A_378 = arith.index_cast %swap3A_377 : i32 to index
      %swap3A_379 = arith.constant 64 : index
      %swap3A_380 = tpu.vector_load %arg9[%swap3A_378, %swap3A_379] {strides = array<i32>} : memref<8x128xf32, #tpu.memory_space<vmem>>, vector<1x16xf32>,
      %swap3A_381 = vector.shape_cast %swap3A_380 : vector<1x16xf32> to vector<16xf32>
      %swap3A_382 = vector.shape_cast %scan3A_351#4 : vector<16xf32> to vector<1x16xf32>
      tpu.vector_store %arg9[%swap3A_378, %swap3A_379], %swap3A_382 {strides = array<i32>} : memref<8x128xf32, #tpu.memory_space<vmem>>, vector<1x16xf32>,
      %swap3A_383 = arith.constant 4 : i32
      %swap3A_384 = arith.index_cast %swap3A_383 : i32 to index
      %swap3A_385 = arith.constant 80 : index
      %swap3A_386 = tpu.vector_load %arg9[%swap3A_384, %swap3A_385] {strides = array<i32>} : memref<8x128xf32, #tpu.memory_space<vmem>>, vector<1x16xf32>,
      %swap3A_387 = vector.shape_cast %swap3A_386 : vector<1x16xf32> to vector<16xf32>
      %swap3A_388 = vector.shape_cast %scan3A_351#5 : vector<16xf32> to vector<1x16xf32>
      tpu.vector_store %arg9[%swap3A_384, %swap3A_385], %swap3A_388 {strides = array<i32>} : memref<8x128xf32, #tpu.memory_space<vmem>>, vector<1x16xf32>,
      %swap3A_389 = arith.constant 4 : i32
      %swap3A_390 = arith.index_cast %swap3A_389 : i32 to index
      %swap3A_391 = arith.constant 96 : index
      %swap3A_392 = tpu.vector_load %arg9[%swap3A_390, %swap3A_391] {strides = array<i32>} : memref<8x128xf32, #tpu.memory_space<vmem>>, vector<1x16xf32>,
      %swap3A_393 = vector.shape_cast %swap3A_392 : vector<1x16xf32> to vector<16xf32>
      %swap3A_394 = vector.shape_cast %scan3A_351#6 : vector<16xf32> to vector<1x16xf32>
      tpu.vector_store %arg9[%swap3A_390, %swap3A_391], %swap3A_394 {strides = array<i32>} : memref<8x128xf32, #tpu.memory_space<vmem>>, vector<1x16xf32>,
      %swap3A_395 = arith.constant 4 : i32
      %swap3A_396 = arith.index_cast %swap3A_395 : i32 to index
      %swap3A_397 = arith.constant 112 : index
      %swap3A_398 = tpu.vector_load %arg9[%swap3A_396, %swap3A_397] {strides = array<i32>} : memref<8x128xf32, #tpu.memory_space<vmem>>, vector<1x16xf32>,
      %swap3A_399 = vector.shape_cast %swap3A_398 : vector<1x16xf32> to vector<16xf32>
      %swap3A_400 = vector.shape_cast %scan3A_351#7 : vector<16xf32> to vector<1x16xf32>
      tpu.vector_store %arg9[%swap3A_396, %swap3A_397], %swap3A_400 {strides = array<i32>} : memref<8x128xf32, #tpu.memory_space<vmem>>, vector<1x16xf32>,
      %broadcast_in_dim3A_401 = arith.constant 0.000000e+00 : f32
      %broadcast_in_dim3A_402 = vector.broadcast %broadcast_in_dim3A_401 : f32 to vector<16xf32>
      %broadcast_in_dim3A_403 = arith.constant 0.000000e+00 : f32
      %broadcast_in_dim3A_404 = vector.broadcast %broadcast_in_dim3A_403 : f32 to vector<16xf32>
      %broadcast_in_dim3A_405 = arith.constant 0.000000e+00 : f32
      %broadcast_in_dim3A_406 = vector.broadcast %broadcast_in_dim3A_405 : f32 to vector<16xf32>
      %broadcast_in_dim3A_407 = arith.constant 0.000000e+00 : f32
      %broadcast_in_dim3A_408 = vector.broadcast %broadcast_in_dim3A_407 : f32 to vector<16xf32>
      %broadcast_in_dim3A_409 = arith.constant 0.000000e+00 : f32
      %broadcast_in_dim3A_410 = vector.broadcast %broadcast_in_dim3A_409 : f32 to vector<16xf32>
      %broadcast_in_dim3A_411 = arith.constant 0.000000e+00 : f32
      %broadcast_in_dim3A_412 = vector.broadcast %broadcast_in_dim3A_411 : f32 to vector<16xf32>
      %broadcast_in_dim3A_413 = arith.constant 0.000000e+00 : f32
      %broadcast_in_dim3A_414 = vector.broadcast %broadcast_in_dim3A_413 : f32 to vector<16xf32>
      %broadcast_in_dim3A_415 = arith.constant 0.000000e+00 : f32
      %broadcast_in_dim3A_416 = vector.broadcast %broadcast_in_dim3A_415 : f32 to vector<16xf32>
      %scan3A_417 = arith.constant 0 : i32
      %scan3A_418 = arith.constant 4 : i32
      %scan3A_419 = arith.addi %scan3A_417, %scan3A_418 : i32
      %scan3A_420 = arith.constant 1 : i32
      %scan3A_421:8 = scf.for %scan3A_615 = %scan3A_417 to %scan3A_419 step %scan3A_420 iter_args(%scan3A_616 = %broadcast_in_dim3A_402, %scan3A_617 = %broadcast_in_dim3A_404, %scan3A_618 = %broadcast_in_dim3A_406, %scan3A_619 = %broadcast_in_dim3A_408, %scan3A_620 = %broadcast_in_dim3A_410, %scan3A_621 = %broadcast_in_dim3A_412, %scan3A_622 = %broadcast_in_dim3A_414, %scan3A_623 = %broadcast_in_dim3A_416) -> (vector<16xf32>, vector<16xf32>, vector<16xf32>, vector<16xf32>, vector<16xf32>, vector<16xf32>, vector<16xf32>, vector<16xf32>)  : i32 {
        %mul3A_624 = arith.constant 8 : i32
        %mul3A_625 = arith.muli %scan3A_615, %mul3A_624 : i32
        %add3A_626 = arith.constant 32 : i32
        %add3A_627 = arith.addi %add3A_626, %mul3A_625 : i32
        %add3A_628 = arith.constant 0 : i32
        %add3A_629 = arith.addi %add3A_627, %add3A_628 : i32
        %get3A = arith.index_cast %add3A_629 : i32 to index
        %get3A_630 = arith.constant 0 : index
        %get3A_631 = tpu.vector_load %arg8[%get3A, %get3A_630] {strides = array<i32>} : memref<128x128xf32, #tpu.memory_space<vmem>>, vector<1x16xf32>,
        %get3A_632 = vector.shape_cast %get3A_631 : vector<1x16xf32> to vector<16xf32>
        %add3A_633 = arith.addf %scan3A_616, %get3A_632 : vector<16xf32>
        %get3A_634 = arith.index_cast %add3A_629 : i32 to index
        %get3A_635 = arith.constant 16 : index
        %get3A_636 = tpu.vector_load %arg8[%get3A_634, %get3A_635] {strides = array<i32>} : memref<128x128xf32, #tpu.memory_space<vmem>>, vector<1x16xf32>,
        %get3A_637 = vector.shape_cast %get3A_636 : vector<1x16xf32> to vector<16xf32>
        %add3A_638 = arith.addf %scan3A_617, %get3A_637 : vector<16xf32>
        %get3A_639 = arith.index_cast %add3A_629 : i32 to index
        %get3A_640 = arith.constant 32 : index
        %get3A_641 = tpu.vector_load %arg8[%get3A_639, %get3A_640] {strides = array<i32>} : memref<128x128xf32, #tpu.memory_space<vmem>>, vector<1x16xf32>,
        %get3A_642 = vector.shape_cast %get3A_641 : vector<1x16xf32> to vector<16xf32>
        %add3A_643 = arith.addf %scan3A_618, %get3A_642 : vector<16xf32>
        %get3A_644 = arith.index_cast %add3A_629 : i32 to index
        %get3A_645 = arith.constant 48 : index
        %get3A_646 = tpu.vector_load %arg8[%get3A_644, %get3A_645] {strides = array<i32>} : memref<128x128xf32, #tpu.memory_space<vmem>>, vector<1x16xf32>,
        %get3A_647 = vector.shape_cast %get3A_646 : vector<1x16xf32> to vector<16xf32>
        %add3A_648 = arith.addf %scan3A_619, %get3A_647 : vector<16xf32>
        %get3A_649 = arith.index_cast %add3A_629 : i32 to index
        %get3A_650 = arith.constant 64 : index
        %get3A_651 = tpu.vector_load %arg8[%get3A_649, %get3A_650] {strides = array<i32>} : memref<128x128xf32, #tpu.memory_space<vmem>>, vector<1x16xf32>,
        %get3A_652 = vector.shape_cast %get3A_651 : vector<1x16xf32> to vector<16xf32>
        %add3A_653 = arith.addf %scan3A_620, %get3A_652 : vector<16xf32>
        %get3A_654 = arith.index_cast %add3A_629 : i32 to index
        %get3A_655 = arith.constant 80 : index
        %get3A_656 = tpu.vector_load %arg8[%get3A_654, %get3A_655] {strides = array<i32>} : memref<128x128xf32, #tpu.memory_space<vmem>>, vector<1x16xf32>,
        %get3A_657 = vector.shape_cast %get3A_656 : vector<1x16xf32> to vector<16xf32>
        %add3A_658 = arith.addf %scan3A_621, %get3A_657 : vector<16xf32>
        %get3A_659 = arith.index_cast %add3A_629 : i32 to index
        %get3A_660 = arith.constant 96 : index
        %get3A_661 = tpu.vector_load %arg8[%get3A_659, %get3A_660] {strides = array<i32>} : memref<128x128xf32, #tpu.memory_space<vmem>>, vector<1x16xf32>,
        %get3A_662 = vector.shape_cast %get3A_661 : vector<1x16xf32> to vector<16xf32>
        %add3A_663 = arith.addf %scan3A_622, %get3A_662 : vector<16xf32>
        %get3A_664 = arith.index_cast %add3A_629 : i32 to index
        %get3A_665 = arith.constant 112 : index
        %get3A_666 = tpu.vector_load %arg8[%get3A_664, %get3A_665] {strides = array<i32>} : memref<128x128xf32, #tpu.memory_space<vmem>>, vector<1x16xf32>,
        %get3A_667 = vector.shape_cast %get3A_666 : vector<1x16xf32> to vector<16xf32>
        %add3A_668 = arith.addf %scan3A_623, %get3A_667 : vector<16xf32>
        %mul3A_669 = arith.constant 8 : i32
        %mul3A_670 = arith.muli %scan3A_615, %mul3A_669 : i32
        %add3A_671 = arith.constant 32 : i32
        %add3A_672 = arith.addi %add3A_671, %mul3A_670 : i32
        %add3A_673 = arith.constant 1 : i32
        %add3A_674 = arith.addi %add3A_672, %add3A_673 : i32
        %get3A_675 = arith.index_cast %add3A_674 : i32 to index
        %get3A_676 = arith.constant 0 : index
        %get3A_677 = tpu.vector_load %arg8[%get3A_675, %get3A_676] {strides = array<i32>} : memref<128x128xf32, #tpu.memory_space<vmem>>, vector<1x16xf32>,
        %get3A_678 = vector.shape_cast %get3A_677 : vector<1x16xf32> to vector<16xf32>
        %add3A_679 = arith.addf %add3A_633, %get3A_678 : vector<16xf32>
        %get3A_680 = arith.index_cast %add3A_674 : i32 to index
        %get3A_681 = arith.constant 16 : index
        %get3A_682 = tpu.vector_load %arg8[%get3A_680, %get3A_681] {strides = array<i32>} : memref<128x128xf32, #tpu.memory_space<vmem>>, vector<1x16xf32>,
        %get3A_683 = vector.shape_cast %get3A_682 : vector<1x16xf32> to vector<16xf32>
        %add3A_684 = arith.addf %add3A_638, %get3A_683 : vector<16xf32>
        %get3A_685 = arith.index_cast %add3A_674 : i32 to index
        %get3A_686 = arith.constant 32 : index
        %get3A_687 = tpu.vector_load %arg8[%get3A_685, %get3A_686] {strides = array<i32>} : memref<128x128xf32, #tpu.memory_space<vmem>>, vector<1x16xf32>,
        %get3A_688 = vector.shape_cast %get3A_687 : vector<1x16xf32> to vector<16xf32>
        %add3A_689 = arith.addf %add3A_643, %get3A_688 : vector<16xf32>
        %get3A_690 = arith.index_cast %add3A_674 : i32 to index
        %get3A_691 = arith.constant 48 : index
        %get3A_692 = tpu.vector_load %arg8[%get3A_690, %get3A_691] {strides = array<i32>} : memref<128x128xf32, #tpu.memory_space<vmem>>, vector<1x16xf32>,
        %get3A_693 = vector.shape_cast %get3A_692 : vector<1x16xf32> to vector<16xf32>
        %add3A_694 = arith.addf %add3A_648, %get3A_693 : vector<16xf32>
        %get3A_695 = arith.index_cast %add3A_674 : i32 to index
        %get3A_696 = arith.constant 64 : index
        %get3A_697 = tpu.vector_load %arg8[%get3A_695, %get3A_696] {strides = array<i32>} : memref<128x128xf32, #tpu.memory_space<vmem>>, vector<1x16xf32>,
        %get3A_698 = vector.shape_cast %get3A_697 : vector<1x16xf32> to vector<16xf32>
        %add3A_699 = arith.addf %add3A_653, %get3A_698 : vector<16xf32>
        %get3A_700 = arith.index_cast %add3A_674 : i32 to index
        %get3A_701 = arith.constant 80 : index
        %get3A_702 = tpu.vector_load %arg8[%get3A_700, %get3A_701] {strides = array<i32>} : memref<128x128xf32, #tpu.memory_space<vmem>>, vector<1x16xf32>,
        %get3A_703 = vector.shape_cast %get3A_702 : vector<1x16xf32> to vector<16xf32>
        %add3A_704 = arith.addf %add3A_658, %get3A_703 : vector<16xf32>
        %get3A_705 = arith.index_cast %add3A_674 : i32 to index
        %get3A_706 = arith.constant 96 : index
        %get3A_707 = tpu.vector_load %arg8[%get3A_705, %get3A_706] {strides = array<i32>} : memref<128x128xf32, #tpu.memory_space<vmem>>, vector<1x16xf32>,
        %get3A_708 = vector.shape_cast %get3A_707 : vector<1x16xf32> to vector<16xf32>
        %add3A_709 = arith.addf %add3A_663, %get3A_708 : vector<16xf32>
        %get3A_710 = arith.index_cast %add3A_674 : i32 to index
        %get3A_711 = arith.constant 112 : index
        %get3A_712 = tpu.vector_load %arg8[%get3A_710, %get3A_711] {strides = array<i32>} : memref<128x128xf32, #tpu.memory_space<vmem>>, vector<1x16xf32>,
        %get3A_713 = vector.shape_cast %get3A_712 : vector<1x16xf32> to vector<16xf32>
        %add3A_714 = arith.addf %add3A_668, %get3A_713 : vector<16xf32>
        %mul3A_715 = arith.constant 8 : i32
        %mul3A_716 = arith.muli %scan3A_615, %mul3A_715 : i32
        %add3A_717 = arith.constant 32 : i32
        %add3A_718 = arith.addi %add3A_717, %mul3A_716 : i32
        %add3A_719 = arith.constant 2 : i32
        %add3A_720 = arith.addi %add3A_718, %add3A_719 : i32
        %get3A_721 = arith.index_cast %add3A_720 : i32 to index
        %get3A_722 = arith.constant 0 : index
        %get3A_723 = tpu.vector_load %arg8[%get3A_721, %get3A_722] {strides = array<i32>} : memref<128x128xf32, #tpu.memory_space<vmem>>, vector<1x16xf32>,
        %get3A_724 = vector.shape_cast %get3A_723 : vector<1x16xf32> to vector<16xf32>
        %add3A_725 = arith.addf %add3A_679, %get3A_724 : vector<16xf32>
        %get3A_726 = arith.index_cast %add3A_720 : i32 to index
        %get3A_727 = arith.constant 16 : index
        %get3A_728 = tpu.vector_load %arg8[%get3A_726, %get3A_727] {strides = array<i32>} : memref<128x128xf32, #tpu.memory_space<vmem>>, vector<1x16xf32>,
        %get3A_729 = vector.shape_cast %get3A_728 : vector<1x16xf32> to vector<16xf32>
        %add3A_730 = arith.addf %add3A_684, %get3A_729 : vector<16xf32>
        %get3A_731 = arith.index_cast %add3A_720 : i32 to index
        %get3A_732 = arith.constant 32 : index
        %get3A_733 = tpu.vector_load %arg8[%get3A_731, %get3A_732] {strides = array<i32>} : memref<128x128xf32, #tpu.memory_space<vmem>>, vector<1x16xf32>,
        %get3A_734 = vector.shape_cast %get3A_733 : vector<1x16xf32> to vector<16xf32>
        %add3A_735 = arith.addf %add3A_689, %get3A_734 : vector<16xf32>
        %get3A_736 = arith.index_cast %add3A_720 : i32 to index
        %get3A_737 = arith.constant 48 : index
        %get3A_738 = tpu.vector_load %arg8[%get3A_736, %get3A_737] {strides = array<i32>} : memref<128x128xf32, #tpu.memory_space<vmem>>, vector<1x16xf32>,
        %get3A_739 = vector.shape_cast %get3A_738 : vector<1x16xf32> to vector<16xf32>
        %add3A_740 = arith.addf %add3A_694, %get3A_739 : vector<16xf32>
        %get3A_741 = arith.index_cast %add3A_720 : i32 to index
        %get3A_742 = arith.constant 64 : index
        %get3A_743 = tpu.vector_load %arg8[%get3A_741, %get3A_742] {strides = array<i32>} : memref<128x128xf32, #tpu.memory_space<vmem>>, vector<1x16xf32>,
        %get3A_744 = vector.shape_cast %get3A_743 : vector<1x16xf32> to vector<16xf32>
        %add3A_745 = arith.addf %add3A_699, %get3A_744 : vector<16xf32>
        %get3A_746 = arith.index_cast %add3A_720 : i32 to index
        %get3A_747 = arith.constant 80 : index
        %get3A_748 = tpu.vector_load %arg8[%get3A_746, %get3A_747] {strides = array<i32>} : memref<128x128xf32, #tpu.memory_space<vmem>>, vector<1x16xf32>,
        %get3A_749 = vector.shape_cast %get3A_748 : vector<1x16xf32> to vector<16xf32>
        %add3A_750 = arith.addf %add3A_704, %get3A_749 : vector<16xf32>
        %get3A_751 = arith.index_cast %add3A_720 : i32 to index
        %get3A_752 = arith.constant 96 : index
        %get3A_753 = tpu.vector_load %arg8[%get3A_751, %get3A_752] {strides = array<i32>} : memref<128x128xf32, #tpu.memory_space<vmem>>, vector<1x16xf32>,
        %get3A_754 = vector.shape_cast %get3A_753 : vector<1x16xf32> to vector<16xf32>
        %add3A_755 = arith.addf %add3A_709, %get3A_754 : vector<16xf32>
        %get3A_756 = arith.index_cast %add3A_720 : i32 to index
        %get3A_757 = arith.constant 112 : index
        %get3A_758 = tpu.vector_load %arg8[%get3A_756, %get3A_757] {strides = array<i32>} : memref<128x128xf32, #tpu.memory_space<vmem>>, vector<1x16xf32>,
        %get3A_759 = vector.shape_cast %get3A_758 : vector<1x16xf32> to vector<16xf32>
        %add3A_760 = arith.addf %add3A_714, %get3A_759 : vector<16xf32>
        %mul3A_761 = arith.constant 8 : i32
        %mul3A_762 = arith.muli %scan3A_615, %mul3A_761 : i32
        %add3A_763 = arith.constant 32 : i32
        %add3A_764 = arith.addi %add3A_763, %mul3A_762 : i32
        %add3A_765 = arith.constant 3 : i32
        %add3A_766 = arith.addi %add3A_764, %add3A_765 : i32
        %get3A_767 = arith.index_cast %add3A_766 : i32 to index
        %get3A_768 = arith.constant 0 : index
        %get3A_769 = tpu.vector_load %arg8[%get3A_767, %get3A_768] {strides = array<i32>} : memref<128x128xf32, #tpu.memory_space<vmem>>, vector<1x16xf32>,
        %get3A_770 = vector.shape_cast %get3A_769 : vector<1x16xf32> to vector<16xf32>
        %add3A_771 = arith.addf %add3A_725, %get3A_770 : vector<16xf32>
        %get3A_772 = arith.index_cast %add3A_766 : i32 to index
        %get3A_773 = arith.constant 16 : index
        %get3A_774 = tpu.vector_load %arg8[%get3A_772, %get3A_773] {strides = array<i32>} : memref<128x128xf32, #tpu.memory_space<vmem>>, vector<1x16xf32>,
        %get3A_775 = vector.shape_cast %get3A_774 : vector<1x16xf32> to vector<16xf32>
        %add3A_776 = arith.addf %add3A_730, %get3A_775 : vector<16xf32>
        %get3A_777 = arith.index_cast %add3A_766 : i32 to index
        %get3A_778 = arith.constant 32 : index
        %get3A_779 = tpu.vector_load %arg8[%get3A_777, %get3A_778] {strides = array<i32>} : memref<128x128xf32, #tpu.memory_space<vmem>>, vector<1x16xf32>,
        %get3A_780 = vector.shape_cast %get3A_779 : vector<1x16xf32> to vector<16xf32>
        %add3A_781 = arith.addf %add3A_735, %get3A_780 : vector<16xf32>
        %get3A_782 = arith.index_cast %add3A_766 : i32 to index
        %get3A_783 = arith.constant 48 : index
        %get3A_784 = tpu.vector_load %arg8[%get3A_782, %get3A_783] {strides = array<i32>} : memref<128x128xf32, #tpu.memory_space<vmem>>, vector<1x16xf32>,
        %get3A_785 = vector.shape_cast %get3A_784 : vector<1x16xf32> to vector<16xf32>
        %add3A_786 = arith.addf %add3A_740, %get3A_785 : vector<16xf32>
        %get3A_787 = arith.index_cast %add3A_766 : i32 to index
        %get3A_788 = arith.constant 64 : index
        %get3A_789 = tpu.vector_load %arg8[%get3A_787, %get3A_788] {strides = array<i32>} : memref<128x128xf32, #tpu.memory_space<vmem>>, vector<1x16xf32>,
        %get3A_790 = vector.shape_cast %get3A_789 : vector<1x16xf32> to vector<16xf32>
        %add3A_791 = arith.addf %add3A_745, %get3A_790 : vector<16xf32>
        %get3A_792 = arith.index_cast %add3A_766 : i32 to index
        %get3A_793 = arith.constant 80 : index
        %get3A_794 = tpu.vector_load %arg8[%get3A_792, %get3A_793] {strides = array<i32>} : memref<128x128xf32, #tpu.memory_space<vmem>>, vector<1x16xf32>,
        %get3A_795 = vector.shape_cast %get3A_794 : vector<1x16xf32> to vector<16xf32>
        %add3A_796 = arith.addf %add3A_750, %get3A_795 : vector<16xf32>
        %get3A_797 = arith.index_cast %add3A_766 : i32 to index
        %get3A_798 = arith.constant 96 : index
        %get3A_799 = tpu.vector_load %arg8[%get3A_797, %get3A_798] {strides = array<i32>} : memref<128x128xf32, #tpu.memory_space<vmem>>, vector<1x16xf32>,
        %get3A_800 = vector.shape_cast %get3A_799 : vector<1x16xf32> to vector<16xf32>
        %add3A_801 = arith.addf %add3A_755, %get3A_800 : vector<16xf32>
        %get3A_802 = arith.index_cast %add3A_766 : i32 to index
        %get3A_803 = arith.constant 112 : index
        %get3A_804 = tpu.vector_load %arg8[%get3A_802, %get3A_803] {strides = array<i32>} : memref<128x128xf32, #tpu.memory_space<vmem>>, vector<1x16xf32>,
        %get3A_805 = vector.shape_cast %get3A_804 : vector<1x16xf32> to vector<16xf32>
        %add3A_806 = arith.addf %add3A_760, %get3A_805 : vector<16xf32>
        %mul3A_807 = arith.constant 8 : i32
        %mul3A_808 = arith.muli %scan3A_615, %mul3A_807 : i32
        %add3A_809 = arith.constant 32 : i32
        %add3A_810 = arith.addi %add3A_809, %mul3A_808 : i32
        %add3A_811 = arith.constant 4 : i32
        %add3A_812 = arith.addi %add3A_810, %add3A_811 : i32
        %get3A_813 = arith.index_cast %add3A_812 : i32 to index
        %get3A_814 = arith.constant 0 : index
        %get3A_815 = tpu.vector_load %arg8[%get3A_813, %get3A_814] {strides = array<i32>} : memref<128x128xf32, #tpu.memory_space<vmem>>, vector<1x16xf32>,
        %get3A_816 = vector.shape_cast %get3A_815 : vector<1x16xf32> to vector<16xf32>
        %add3A_817 = arith.addf %add3A_771, %get3A_816 : vector<16xf32>
        %get3A_818 = arith.index_cast %add3A_812 : i32 to index
        %get3A_819 = arith.constant 16 : index
        %get3A_820 = tpu.vector_load %arg8[%get3A_818, %get3A_819] {strides = array<i32>} : memref<128x128xf32, #tpu.memory_space<vmem>>, vector<1x16xf32>,
        %get3A_821 = vector.shape_cast %get3A_820 : vector<1x16xf32> to vector<16xf32>
        %add3A_822 = arith.addf %add3A_776, %get3A_821 : vector<16xf32>
        %get3A_823 = arith.index_cast %add3A_812 : i32 to index
        %get3A_824 = arith.constant 32 : index
        %get3A_825 = tpu.vector_load %arg8[%get3A_823, %get3A_824] {strides = array<i32>} : memref<128x128xf32, #tpu.memory_space<vmem>>, vector<1x16xf32>,
        %get3A_826 = vector.shape_cast %get3A_825 : vector<1x16xf32> to vector<16xf32>
        %add3A_827 = arith.addf %add3A_781, %get3A_826 : vector<16xf32>
        %get3A_828 = arith.index_cast %add3A_812 : i32 to index
        %get3A_829 = arith.constant 48 : index
        %get3A_830 = tpu.vector_load %arg8[%get3A_828, %get3A_829] {strides = array<i32>} : memref<128x128xf32, #tpu.memory_space<vmem>>, vector<1x16xf32>,
        %get3A_831 = vector.shape_cast %get3A_830 : vector<1x16xf32> to vector<16xf32>
        %add3A_832 = arith.addf %add3A_786, %get3A_831 : vector<16xf32>
        %get3A_833 = arith.index_cast %add3A_812 : i32 to index
        %get3A_834 = arith.constant 64 : index
        %get3A_835 = tpu.vector_load %arg8[%get3A_833, %get3A_834] {strides = array<i32>} : memref<128x128xf32, #tpu.memory_space<vmem>>, vector<1x16xf32>,
        %get3A_836 = vector.shape_cast %get3A_835 : vector<1x16xf32> to vector<16xf32>
        %add3A_837 = arith.addf %add3A_791, %get3A_836 : vector<16xf32>
        %get3A_838 = arith.index_cast %add3A_812 : i32 to index
        %get3A_839 = arith.constant 80 : index
        %get3A_840 = tpu.vector_load %arg8[%get3A_838, %get3A_839] {strides = array<i32>} : memref<128x128xf32, #tpu.memory_space<vmem>>, vector<1x16xf32>,
        %get3A_841 = vector.shape_cast %get3A_840 : vector<1x16xf32> to vector<16xf32>
        %add3A_842 = arith.addf %add3A_796, %get3A_841 : vector<16xf32>
        %get3A_843 = arith.index_cast %add3A_812 : i32 to index
        %get3A_844 = arith.constant 96 : index
        %get3A_845 = tpu.vector_load %arg8[%get3A_843, %get3A_844] {strides = array<i32>} : memref<128x128xf32, #tpu.memory_space<vmem>>, vector<1x16xf32>,
        %get3A_846 = vector.shape_cast %get3A_845 : vector<1x16xf32> to vector<16xf32>
        %add3A_847 = arith.addf %add3A_801, %get3A_846 : vector<16xf32>
        %get3A_848 = arith.index_cast %add3A_812 : i32 to index
        %get3A_849 = arith.constant 112 : index
        %get3A_850 = tpu.vector_load %arg8[%get3A_848, %get3A_849] {strides = array<i32>} : memref<128x128xf32, #tpu.memory_space<vmem>>, vector<1x16xf32>,
        %get3A_851 = vector.shape_cast %get3A_850 : vector<1x16xf32> to vector<16xf32>
        %add3A_852 = arith.addf %add3A_806, %get3A_851 : vector<16xf32>
        %mul3A_853 = arith.constant 8 : i32
        %mul3A_854 = arith.muli %scan3A_615, %mul3A_853 : i32
        %add3A_855 = arith.constant 32 : i32
        %add3A_856 = arith.addi %add3A_855, %mul3A_854 : i32
        %add3A_857 = arith.constant 5 : i32
        %add3A_858 = arith.addi %add3A_856, %add3A_857 : i32
        %get3A_859 = arith.index_cast %add3A_858 : i32 to index
        %get3A_860 = arith.constant 0 : index
        %get3A_861 = tpu.vector_load %arg8[%get3A_859, %get3A_860] {strides = array<i32>} : memref<128x128xf32, #tpu.memory_space<vmem>>, vector<1x16xf32>,
        %get3A_862 = vector.shape_cast %get3A_861 : vector<1x16xf32> to vector<16xf32>
        %add3A_863 = arith.addf %add3A_817, %get3A_862 : vector<16xf32>
        %get3A_864 = arith.index_cast %add3A_858 : i32 to index
        %get3A_865 = arith.constant 16 : index
        %get3A_866 = tpu.vector_load %arg8[%get3A_864, %get3A_865] {strides = array<i32>} : memref<128x128xf32, #tpu.memory_space<vmem>>, vector<1x16xf32>,
        %get3A_867 = vector.shape_cast %get3A_866 : vector<1x16xf32> to vector<16xf32>
        %add3A_868 = arith.addf %add3A_822, %get3A_867 : vector<16xf32>
        %get3A_869 = arith.index_cast %add3A_858 : i32 to index
        %get3A_870 = arith.constant 32 : index
        %get3A_871 = tpu.vector_load %arg8[%get3A_869, %get3A_870] {strides = array<i32>} : memref<128x128xf32, #tpu.memory_space<vmem>>, vector<1x16xf32>,
        %get3A_872 = vector.shape_cast %get3A_871 : vector<1x16xf32> to vector<16xf32>
        %add3A_873 = arith.addf %add3A_827, %get3A_872 : vector<16xf32>
        %get3A_874 = arith.index_cast %add3A_858 : i32 to index
        %get3A_875 = arith.constant 48 : index
        %get3A_876 = tpu.vector_load %arg8[%get3A_874, %get3A_875] {strides = array<i32>} : memref<128x128xf32, #tpu.memory_space<vmem>>, vector<1x16xf32>,
        %get3A_877 = vector.shape_cast %get3A_876 : vector<1x16xf32> to vector<16xf32>
        %add3A_878 = arith.addf %add3A_832, %get3A_877 : vector<16xf32>
        %get3A_879 = arith.index_cast %add3A_858 : i32 to index
        %get3A_880 = arith.constant 64 : index
        %get3A_881 = tpu.vector_load %arg8[%get3A_879, %get3A_880] {strides = array<i32>} : memref<128x128xf32, #tpu.memory_space<vmem>>, vector<1x16xf32>,
        %get3A_882 = vector.shape_cast %get3A_881 : vector<1x16xf32> to vector<16xf32>
        %add3A_883 = arith.addf %add3A_837, %get3A_882 : vector<16xf32>
        %get3A_884 = arith.index_cast %add3A_858 : i32 to index
        %get3A_885 = arith.constant 80 : index
        %get3A_886 = tpu.vector_load %arg8[%get3A_884, %get3A_885] {strides = array<i32>} : memref<128x128xf32, #tpu.memory_space<vmem>>, vector<1x16xf32>,
        %get3A_887 = vector.shape_cast %get3A_886 : vector<1x16xf32> to vector<16xf32>
        %add3A_888 = arith.addf %add3A_842, %get3A_887 : vector<16xf32>
        %get3A_889 = arith.index_cast %add3A_858 : i32 to index
        %get3A_890 = arith.constant 96 : index
        %get3A_891 = tpu.vector_load %arg8[%get3A_889, %get3A_890] {strides = array<i32>} : memref<128x128xf32, #tpu.memory_space<vmem>>, vector<1x16xf32>,
        %get3A_892 = vector.shape_cast %get3A_891 : vector<1x16xf32> to vector<16xf32>
        %add3A_893 = arith.addf %add3A_847, %get3A_892 : vector<16xf32>
        %get3A_894 = arith.index_cast %add3A_858 : i32 to index
        %get3A_895 = arith.constant 112 : index
        %get3A_896 = tpu.vector_load %arg8[%get3A_894, %get3A_895] {strides = array<i32>} : memref<128x128xf32, #tpu.memory_space<vmem>>, vector<1x16xf32>,
        %get3A_897 = vector.shape_cast %get3A_896 : vector<1x16xf32> to vector<16xf32>
        %add3A_898 = arith.addf %add3A_852, %get3A_897 : vector<16xf32>
        %mul3A_899 = arith.constant 8 : i32
        %mul3A_900 = arith.muli %scan3A_615, %mul3A_899 : i32
        %add3A_901 = arith.constant 32 : i32
        %add3A_902 = arith.addi %add3A_901, %mul3A_900 : i32
        %add3A_903 = arith.constant 6 : i32
        %add3A_904 = arith.addi %add3A_902, %add3A_903 : i32
        %get3A_905 = arith.index_cast %add3A_904 : i32 to index
        %get3A_906 = arith.constant 0 : index
        %get3A_907 = tpu.vector_load %arg8[%get3A_905, %get3A_906] {strides = array<i32>} : memref<128x128xf32, #tpu.memory_space<vmem>>, vector<1x16xf32>,
        %get3A_908 = vector.shape_cast %get3A_907 : vector<1x16xf32> to vector<16xf32>
        %add3A_909 = arith.addf %add3A_863, %get3A_908 : vector<16xf32>
        %get3A_910 = arith.index_cast %add3A_904 : i32 to index
        %get3A_911 = arith.constant 16 : index
        %get3A_912 = tpu.vector_load %arg8[%get3A_910, %get3A_911] {strides = array<i32>} : memref<128x128xf32, #tpu.memory_space<vmem>>, vector<1x16xf32>,
        %get3A_913 = vector.shape_cast %get3A_912 : vector<1x16xf32> to vector<16xf32>
        %add3A_914 = arith.addf %add3A_868, %get3A_913 : vector<16xf32>
        %get3A_915 = arith.index_cast %add3A_904 : i32 to index
        %get3A_916 = arith.constant 32 : index
        %get3A_917 = tpu.vector_load %arg8[%get3A_915, %get3A_916] {strides = array<i32>} : memref<128x128xf32, #tpu.memory_space<vmem>>, vector<1x16xf32>,
        %get3A_918 = vector.shape_cast %get3A_917 : vector<1x16xf32> to vector<16xf32>
        %add3A_919 = arith.addf %add3A_873, %get3A_918 : vector<16xf32>
        %get3A_920 = arith.index_cast %add3A_904 : i32 to index
        %get3A_921 = arith.constant 48 : index
        %get3A_922 = tpu.vector_load %arg8[%get3A_920, %get3A_921] {strides = array<i32>} : memref<128x128xf32, #tpu.memory_space<vmem>>, vector<1x16xf32>,
        %get3A_923 = vector.shape_cast %get3A_922 : vector<1x16xf32> to vector<16xf32>
        %add3A_924 = arith.addf %add3A_878, %get3A_923 : vector<16xf32>
        %get3A_925 = arith.index_cast %add3A_904 : i32 to index
        %get3A_926 = arith.constant 64 : index
        %get3A_927 = tpu.vector_load %arg8[%get3A_925, %get3A_926] {strides = array<i32>} : memref<128x128xf32, #tpu.memory_space<vmem>>, vector<1x16xf32>,
        %get3A_928 = vector.shape_cast %get3A_927 : vector<1x16xf32> to vector<16xf32>
        %add3A_929 = arith.addf %add3A_883, %get3A_928 : vector<16xf32>
        %get3A_930 = arith.index_cast %add3A_904 : i32 to index
        %get3A_931 = arith.constant 80 : index
        %get3A_932 = tpu.vector_load %arg8[%get3A_930, %get3A_931] {strides = array<i32>} : memref<128x128xf32, #tpu.memory_space<vmem>>, vector<1x16xf32>,
        %get3A_933 = vector.shape_cast %get3A_932 : vector<1x16xf32> to vector<16xf32>
        %add3A_934 = arith.addf %add3A_888, %get3A_933 : vector<16xf32>
        %get3A_935 = arith.index_cast %add3A_904 : i32 to index
        %get3A_936 = arith.constant 96 : index
        %get3A_937 = tpu.vector_load %arg8[%get3A_935, %get3A_936] {strides = array<i32>} : memref<128x128xf32, #tpu.memory_space<vmem>>, vector<1x16xf32>,
        %get3A_938 = vector.shape_cast %get3A_937 : vector<1x16xf32> to vector<16xf32>
        %add3A_939 = arith.addf %add3A_893, %get3A_938 : vector<16xf32>
        %get3A_940 = arith.index_cast %add3A_904 : i32 to index
        %get3A_941 = arith.constant 112 : index
        %get3A_942 = tpu.vector_load %arg8[%get3A_940, %get3A_941] {strides = array<i32>} : memref<128x128xf32, #tpu.memory_space<vmem>>, vector<1x16xf32>,
        %get3A_943 = vector.shape_cast %get3A_942 : vector<1x16xf32> to vector<16xf32>
        %add3A_944 = arith.addf %add3A_898, %get3A_943 : vector<16xf32>
        %mul3A_945 = arith.constant 8 : i32
        %mul3A_946 = arith.muli %scan3A_615, %mul3A_945 : i32
        %add3A_947 = arith.constant 32 : i32
        %add3A_948 = arith.addi %add3A_947, %mul3A_946 : i32
        %add3A_949 = arith.constant 7 : i32
        %add3A_950 = arith.addi %add3A_948, %add3A_949 : i32
        %get3A_951 = arith.index_cast %add3A_950 : i32 to index
        %get3A_952 = arith.constant 0 : index
        %get3A_953 = tpu.vector_load %arg8[%get3A_951, %get3A_952] {strides = array<i32>} : memref<128x128xf32, #tpu.memory_space<vmem>>, vector<1x16xf32>,
        %get3A_954 = vector.shape_cast %get3A_953 : vector<1x16xf32> to vector<16xf32>
        %add3A_955 = arith.addf %add3A_909, %get3A_954 : vector<16xf32>
        %get3A_956 = arith.index_cast %add3A_950 : i32 to index
        %get3A_957 = arith.constant 16 : index
        %get3A_958 = tpu.vector_load %arg8[%get3A_956, %get3A_957] {strides = array<i32>} : memref<128x128xf32, #tpu.memory_space<vmem>>, vector<1x16xf32>,
        %get3A_959 = vector.shape_cast %get3A_958 : vector<1x16xf32> to vector<16xf32>
        %add3A_960 = arith.addf %add3A_914, %get3A_959 : vector<16xf32>
        %get3A_961 = arith.index_cast %add3A_950 : i32 to index
        %get3A_962 = arith.constant 32 : index
        %get3A_963 = tpu.vector_load %arg8[%get3A_961, %get3A_962] {strides = array<i32>} : memref<128x128xf32, #tpu.memory_space<vmem>>, vector<1x16xf32>,
        %get3A_964 = vector.shape_cast %get3A_963 : vector<1x16xf32> to vector<16xf32>
        %add3A_965 = arith.addf %add3A_919, %get3A_964 : vector<16xf32>
        %get3A_966 = arith.index_cast %add3A_950 : i32 to index
        %get3A_967 = arith.constant 48 : index
        %get3A_968 = tpu.vector_load %arg8[%get3A_966, %get3A_967] {strides = array<i32>} : memref<128x128xf32, #tpu.memory_space<vmem>>, vector<1x16xf32>,
        %get3A_969 = vector.shape_cast %get3A_968 : vector<1x16xf32> to vector<16xf32>
        %add3A_970 = arith.addf %add3A_924, %get3A_969 : vector<16xf32>
        %get3A_971 = arith.index_cast %add3A_950 : i32 to index
        %get3A_972 = arith.constant 64 : index
        %get3A_973 = tpu.vector_load %arg8[%get3A_971, %get3A_972] {strides = array<i32>} : memref<128x128xf32, #tpu.memory_space<vmem>>, vector<1x16xf32>,
        %get3A_974 = vector.shape_cast %get3A_973 : vector<1x16xf32> to vector<16xf32>
        %add3A_975 = arith.addf %add3A_929, %get3A_974 : vector<16xf32>
        %get3A_976 = arith.index_cast %add3A_950 : i32 to index
        %get3A_977 = arith.constant 80 : index
        %get3A_978 = tpu.vector_load %arg8[%get3A_976, %get3A_977] {strides = array<i32>} : memref<128x128xf32, #tpu.memory_space<vmem>>, vector<1x16xf32>,
        %get3A_979 = vector.shape_cast %get3A_978 : vector<1x16xf32> to vector<16xf32>
        %add3A_980 = arith.addf %add3A_934, %get3A_979 : vector<16xf32>
        %get3A_981 = arith.index_cast %add3A_950 : i32 to index
        %get3A_982 = arith.constant 96 : index
        %get3A_983 = tpu.vector_load %arg8[%get3A_981, %get3A_982] {strides = array<i32>} : memref<128x128xf32, #tpu.memory_space<vmem>>, vector<1x16xf32>,
        %get3A_984 = vector.shape_cast %get3A_983 : vector<1x16xf32> to vector<16xf32>
        %add3A_985 = arith.addf %add3A_939, %get3A_984 : vector<16xf32>
        %get3A_986 = arith.index_cast %add3A_950 : i32 to index
        %get3A_987 = arith.constant 112 : index
        %get3A_988 = tpu.vector_load %arg8[%get3A_986, %get3A_987] {strides = array<i32>} : memref<128x128xf32, #tpu.memory_space<vmem>>, vector<1x16xf32>,
        %get3A_989 = vector.shape_cast %get3A_988 : vector<1x16xf32> to vector<16xf32>
        %add3A_990 = arith.addf %add3A_944, %get3A_989 : vector<16xf32>
        scf.yield %add3A_955, %add3A_960, %add3A_965, %add3A_970, %add3A_975, %add3A_980, %add3A_985, %add3A_990 : vector<16xf32>, vector<16xf32>, vector<16xf32>, vector<16xf32>, vector<16xf32>, vector<16xf32>, vector<16xf32>, vector<16xf32>
      }
      %scan3A_422 = arith.constant 4 : i32
      %swap3A_423 = arith.constant 5 : i32
      %swap3A_424 = arith.index_cast %swap3A_423 : i32 to index
      %swap3A_425 = arith.constant 0 : index
      %swap3A_426 = tpu.vector_load %arg9[%swap3A_424, %swap3A_425] {strides = array<i32>} : memref<8x128xf32, #tpu.memory_space<vmem>>, vector<1x16xf32>,
      %swap3A_427 = vector.shape_cast %swap3A_426 : vector<1x16xf32> to vector<16xf32>
      %swap3A_428 = vector.shape_cast %scan3A_421#0 : vector<16xf32> to vector<1x16xf32>
      tpu.vector_store %arg9[%swap3A_424, %swap3A_425], %swap3A_428 {strides = array<i32>} : memref<8x128xf32, #tpu.memory_space<vmem>>, vector<1x16xf32>,
      %swap3A_429 = arith.constant 5 : i32
      %swap3A_430 = arith.index_cast %swap3A_429 : i32 to index
      %swap3A_431 = arith.constant 16 : index
      %swap3A_432 = tpu.vector_load %arg9[%swap3A_430, %swap3A_431] {strides = array<i32>} : memref<8x128xf32, #tpu.memory_space<vmem>>, vector<1x16xf32>,
      %swap3A_433 = vector.shape_cast %swap3A_432 : vector<1x16xf32> to vector<16xf32>
      %swap3A_434 = vector.shape_cast %scan3A_421#1 : vector<16xf32> to vector<1x16xf32>
      tpu.vector_store %arg9[%swap3A_430, %swap3A_431], %swap3A_434 {strides = array<i32>} : memref<8x128xf32, #tpu.memory_space<vmem>>, vector<1x16xf32>,
      %swap3A_435 = arith.constant 5 : i32
      %swap3A_436 = arith.index_cast %swap3A_435 : i32 to index
      %swap3A_437 = arith.constant 32 : index
      %swap3A_438 = tpu.vector_load %arg9[%swap3A_436, %swap3A_437] {strides = array<i32>} : memref<8x128xf32, #tpu.memory_space<vmem>>, vector<1x16xf32>,
      %swap3A_439 = vector.shape_cast %swap3A_438 : vector<1x16xf32> to vector<16xf32>
      %swap3A_440 = vector.shape_cast %scan3A_421#2 : vector<16xf32> to vector<1x16xf32>
      tpu.vector_store %arg9[%swap3A_436, %swap3A_437], %swap3A_440 {strides = array<i32>} : memref<8x128xf32, #tpu.memory_space<vmem>>, vector<1x16xf32>,
      %swap3A_441 = arith.constant 5 : i32
      %swap3A_442 = arith.index_cast %swap3A_441 : i32 to index
      %swap3A_443 = arith.constant 48 : index
      %swap3A_444 = tpu.vector_load %arg9[%swap3A_442, %swap3A_443] {strides = array<i32>} : memref<8x128xf32, #tpu.memory_space<vmem>>, vector<1x16xf32>,
      %swap3A_445 = vector.shape_cast %swap3A_444 : vector<1x16xf32> to vector<16xf32>
      %swap3A_446 = vector.shape_cast %scan3A_421#3 : vector<16xf32> to vector<1x16xf32>
      tpu.vector_store %arg9[%swap3A_442, %swap3A_443], %swap3A_446 {strides = array<i32>} : memref<8x128xf32, #tpu.memory_space<vmem>>, vector<1x16xf32>,
      %swap3A_447 = arith.constant 5 : i32
      %swap3A_448 = arith.index_cast %swap3A_447 : i32 to index
      %swap3A_449 = arith.constant 64 : index
      %swap3A_450 = tpu.vector_load %arg9[%swap3A_448, %swap3A_449] {strides = array<i32>} : memref<8x128xf32, #tpu.memory_space<vmem>>, vector<1x16xf32>,
      %swap3A_451 = vector.shape_cast %swap3A_450 : vector<1x16xf32> to vector<16xf32>
      %swap3A_452 = vector.shape_cast %scan3A_421#4 : vector<16xf32> to vector<1x16xf32>
      tpu.vector_store %arg9[%swap3A_448, %swap3A_449], %swap3A_452 {strides = array<i32>} : memref<8x128xf32, #tpu.memory_space<vmem>>, vector<1x16xf32>,
      %swap3A_453 = arith.constant 5 : i32
      %swap3A_454 = arith.index_cast %swap3A_453 : i32 to index
      %swap3A_455 = arith.constant 80 : index
      %swap3A_456 = tpu.vector_load %arg9[%swap3A_454, %swap3A_455] {strides = array<i32>} : memref<8x128xf32, #tpu.memory_space<vmem>>, vector<1x16xf32>,
      %swap3A_457 = vector.shape_cast %swap3A_456 : vector<1x16xf32> to vector<16xf32>
      %swap3A_458 = vector.shape_cast %scan3A_421#5 : vector<16xf32> to vector<1x16xf32>
      tpu.vector_store %arg9[%swap3A_454, %swap3A_455], %swap3A_458 {strides = array<i32>} : memref<8x128xf32, #tpu.memory_space<vmem>>, vector<1x16xf32>,
      %swap3A_459 = arith.constant 5 : i32
      %swap3A_460 = arith.index_cast %swap3A_459 : i32 to index
      %swap3A_461 = arith.constant 96 : index
      %swap3A_462 = tpu.vector_load %arg9[%swap3A_460, %swap3A_461] {strides = array<i32>} : memref<8x128xf32, #tpu.memory_space<vmem>>, vector<1x16xf32>,
      %swap3A_463 = vector.shape_cast %swap3A_462 : vector<1x16xf32> to vector<16xf32>
      %swap3A_464 = vector.shape_cast %scan3A_421#6 : vector<16xf32> to vector<1x16xf32>
      tpu.vector_store %arg9[%swap3A_460, %swap3A_461], %swap3A_464 {strides = array<i32>} : memref<8x128xf32, #tpu.memory_space<vmem>>, vector<1x16xf32>,
      %swap3A_465 = arith.constant 5 : i32
      %swap3A_466 = arith.index_cast %swap3A_465 : i32 to index
      %swap3A_467 = arith.constant 112 : index
      %swap3A_468 = tpu.vector_load %arg9[%swap3A_466, %swap3A_467] {strides = array<i32>} : memref<8x128xf32, #tpu.memory_space<vmem>>, vector<1x16xf32>,
      %swap3A_469 = vector.shape_cast %swap3A_468 : vector<1x16xf32> to vector<16xf32>
      %swap3A_470 = vector.shape_cast %scan3A_421#7 : vector<16xf32> to vector<1x16xf32>
      tpu.vector_store %arg9[%swap3A_466, %swap3A_467], %swap3A_470 {strides = array<i32>} : memref<8x128xf32, #tpu.memory_space<vmem>>, vector<1x16xf32>,
      %broadcast_in_dim3A_471 = arith.constant 0.000000e+00 : f32
      %broadcast_in_dim3A_472 = vector.broadcast %broadcast_in_dim3A_471 : f32 to vector<16xf32>
      %broadcast_in_dim3A_473 = arith.constant 0.000000e+00 : f32
      %broadcast_in_dim3A_474 = vector.broadcast %broadcast_in_dim3A_473 : f32 to vector<16xf32>
      %broadcast_in_dim3A_475 = arith.constant 0.000000e+00 : f32
      %broadcast_in_dim3A_476 = vector.broadcast %broadcast_in_dim3A_475 : f32 to vector<16xf32>
      %broadcast_in_dim3A_477 = arith.constant 0.000000e+00 : f32
      %broadcast_in_dim3A_478 = vector.broadcast %broadcast_in_dim3A_477 : f32 to vector<16xf32>
      %broadcast_in_dim3A_479 = arith.constant 0.000000e+00 : f32
      %broadcast_in_dim3A_480 = vector.broadcast %broadcast_in_dim3A_479 : f32 to vector<16xf32>
      %broadcast_in_dim3A_481 = arith.constant 0.000000e+00 : f32
      %broadcast_in_dim3A_482 = vector.broadcast %broadcast_in_dim3A_481 : f32 to vector<16xf32>
      %broadcast_in_dim3A_483 = arith.constant 0.000000e+00 : f32
      %broadcast_in_dim3A_484 = vector.broadcast %broadcast_in_dim3A_483 : f32 to vector<16xf32>
      %broadcast_in_dim3A_485 = arith.constant 0.000000e+00 : f32
      %broadcast_in_dim3A_486 = vector.broadcast %broadcast_in_dim3A_485 : f32 to vector<16xf32>
      %scan3A_487 = arith.constant 0 : i32
      %scan3A_488 = arith.constant 4 : i32
      %scan3A_489 = arith.addi %scan3A_487, %scan3A_488 : i32
      %scan3A_490 = arith.constant 1 : i32
      %scan3A_491:8 = scf.for %scan3A_615 = %scan3A_487 to %scan3A_489 step %scan3A_490 iter_args(%scan3A_616 = %broadcast_in_dim3A_472, %scan3A_617 = %broadcast_in_dim3A_474, %scan3A_618 = %broadcast_in_dim3A_476, %scan3A_619 = %broadcast_in_dim3A_478, %scan3A_620 = %broadcast_in_dim3A_480, %scan3A_621 = %broadcast_in_dim3A_482, %scan3A_622 = %broadcast_in_dim3A_484, %scan3A_623 = %broadcast_in_dim3A_486) -> (vector<16xf32>, vector<16xf32>, vector<16xf32>, vector<16xf32>, vector<16xf32>, vector<16xf32>, vector<16xf32>, vector<16xf32>)  : i32 {
        %mul3A_624 = arith.constant 8 : i32
        %mul3A_625 = arith.muli %scan3A_615, %mul3A_624 : i32
        %add3A_626 = arith.constant 64 : i32
        %add3A_627 = arith.addi %add3A_626, %mul3A_625 : i32
        %add3A_628 = arith.constant 0 : i32
        %add3A_629 = arith.addi %add3A_627, %add3A_628 : i32
        %get3A = arith.index_cast %add3A_629 : i32 to index
        %get3A_630 = arith.constant 0 : index
        %get3A_631 = tpu.vector_load %arg8[%get3A, %get3A_630] {strides = array<i32>} : memref<128x128xf32, #tpu.memory_space<vmem>>, vector<1x16xf32>,
        %get3A_632 = vector.shape_cast %get3A_631 : vector<1x16xf32> to vector<16xf32>
        %add3A_633 = arith.addf %scan3A_616, %get3A_632 : vector<16xf32>
        %get3A_634 = arith.index_cast %add3A_629 : i32 to index
        %get3A_635 = arith.constant 16 : index
        %get3A_636 = tpu.vector_load %arg8[%get3A_634, %get3A_635] {strides = array<i32>} : memref<128x128xf32, #tpu.memory_space<vmem>>, vector<1x16xf32>,
        %get3A_637 = vector.shape_cast %get3A_636 : vector<1x16xf32> to vector<16xf32>
        %add3A_638 = arith.addf %scan3A_617, %get3A_637 : vector<16xf32>
        %get3A_639 = arith.index_cast %add3A_629 : i32 to index
        %get3A_640 = arith.constant 32 : index
        %get3A_641 = tpu.vector_load %arg8[%get3A_639, %get3A_640] {strides = array<i32>} : memref<128x128xf32, #tpu.memory_space<vmem>>, vector<1x16xf32>,
        %get3A_642 = vector.shape_cast %get3A_641 : vector<1x16xf32> to vector<16xf32>
        %add3A_643 = arith.addf %scan3A_618, %get3A_642 : vector<16xf32>
        %get3A_644 = arith.index_cast %add3A_629 : i32 to index
        %get3A_645 = arith.constant 48 : index
        %get3A_646 = tpu.vector_load %arg8[%get3A_644, %get3A_645] {strides = array<i32>} : memref<128x128xf32, #tpu.memory_space<vmem>>, vector<1x16xf32>,
        %get3A_647 = vector.shape_cast %get3A_646 : vector<1x16xf32> to vector<16xf32>
        %add3A_648 = arith.addf %scan3A_619, %get3A_647 : vector<16xf32>
        %get3A_649 = arith.index_cast %add3A_629 : i32 to index
        %get3A_650 = arith.constant 64 : index
        %get3A_651 = tpu.vector_load %arg8[%get3A_649, %get3A_650] {strides = array<i32>} : memref<128x128xf32, #tpu.memory_space<vmem>>, vector<1x16xf32>,
        %get3A_652 = vector.shape_cast %get3A_651 : vector<1x16xf32> to vector<16xf32>
        %add3A_653 = arith.addf %scan3A_620, %get3A_652 : vector<16xf32>
        %get3A_654 = arith.index_cast %add3A_629 : i32 to index
        %get3A_655 = arith.constant 80 : index
        %get3A_656 = tpu.vector_load %arg8[%get3A_654, %get3A_655] {strides = array<i32>} : memref<128x128xf32, #tpu.memory_space<vmem>>, vector<1x16xf32>,
        %get3A_657 = vector.shape_cast %get3A_656 : vector<1x16xf32> to vector<16xf32>
        %add3A_658 = arith.addf %scan3A_621, %get3A_657 : vector<16xf32>
        %get3A_659 = arith.index_cast %add3A_629 : i32 to index
        %get3A_660 = arith.constant 96 : index
        %get3A_661 = tpu.vector_load %arg8[%get3A_659, %get3A_660] {strides = array<i32>} : memref<128x128xf32, #tpu.memory_space<vmem>>, vector<1x16xf32>,
        %get3A_662 = vector.shape_cast %get3A_661 : vector<1x16xf32> to vector<16xf32>
        %add3A_663 = arith.addf %scan3A_622, %get3A_662 : vector<16xf32>
        %get3A_664 = arith.index_cast %add3A_629 : i32 to index
        %get3A_665 = arith.constant 112 : index
        %get3A_666 = tpu.vector_load %arg8[%get3A_664, %get3A_665] {strides = array<i32>} : memref<128x128xf32, #tpu.memory_space<vmem>>, vector<1x16xf32>,
        %get3A_667 = vector.shape_cast %get3A_666 : vector<1x16xf32> to vector<16xf32>
        %add3A_668 = arith.addf %scan3A_623, %get3A_667 : vector<16xf32>
        %mul3A_669 = arith.constant 8 : i32
        %mul3A_670 = arith.muli %scan3A_615, %mul3A_669 : i32
        %add3A_671 = arith.constant 64 : i32
        %add3A_672 = arith.addi %add3A_671, %mul3A_670 : i32
        %add3A_673 = arith.constant 1 : i32
        %add3A_674 = arith.addi %add3A_672, %add3A_673 : i32
        %get3A_675 = arith.index_cast %add3A_674 : i32 to index
        %get3A_676 = arith.constant 0 : index
        %get3A_677 = tpu.vector_load %arg8[%get3A_675, %get3A_676] {strides = array<i32>} : memref<128x128xf32, #tpu.memory_space<vmem>>, vector<1x16xf32>,
        %get3A_678 = vector.shape_cast %get3A_677 : vector<1x16xf32> to vector<16xf32>
        %add3A_679 = arith.addf %add3A_633, %get3A_678 : vector<16xf32>
        %get3A_680 = arith.index_cast %add3A_674 : i32 to index
        %get3A_681 = arith.constant 16 : index
        %get3A_682 = tpu.vector_load %arg8[%get3A_680, %get3A_681] {strides = array<i32>} : memref<128x128xf32, #tpu.memory_space<vmem>>, vector<1x16xf32>,
        %get3A_683 = vector.shape_cast %get3A_682 : vector<1x16xf32> to vector<16xf32>
        %add3A_684 = arith.addf %add3A_638, %get3A_683 : vector<16xf32>
        %get3A_685 = arith.index_cast %add3A_674 : i32 to index
        %get3A_686 = arith.constant 32 : index
        %get3A_687 = tpu.vector_load %arg8[%get3A_685, %get3A_686] {strides = array<i32>} : memref<128x128xf32, #tpu.memory_space<vmem>>, vector<1x16xf32>,
        %get3A_688 = vector.shape_cast %get3A_687 : vector<1x16xf32> to vector<16xf32>
        %add3A_689 = arith.addf %add3A_643, %get3A_688 : vector<16xf32>
        %get3A_690 = arith.index_cast %add3A_674 : i32 to index
        %get3A_691 = arith.constant 48 : index
        %get3A_692 = tpu.vector_load %arg8[%get3A_690, %get3A_691] {strides = array<i32>} : memref<128x128xf32, #tpu.memory_space<vmem>>, vector<1x16xf32>,
        %get3A_693 = vector.shape_cast %get3A_692 : vector<1x16xf32> to vector<16xf32>
        %add3A_694 = arith.addf %add3A_648, %get3A_693 : vector<16xf32>
        %get3A_695 = arith.index_cast %add3A_674 : i32 to index
        %get3A_696 = arith.constant 64 : index
        %get3A_697 = tpu.vector_load %arg8[%get3A_695, %get3A_696] {strides = array<i32>} : memref<128x128xf32, #tpu.memory_space<vmem>>, vector<1x16xf32>,
        %get3A_698 = vector.shape_cast %get3A_697 : vector<1x16xf32> to vector<16xf32>
        %add3A_699 = arith.addf %add3A_653, %get3A_698 : vector<16xf32>
        %get3A_700 = arith.index_cast %add3A_674 : i32 to index
        %get3A_701 = arith.constant 80 : index
        %get3A_702 = tpu.vector_load %arg8[%get3A_700, %get3A_701] {strides = array<i32>} : memref<128x128xf32, #tpu.memory_space<vmem>>, vector<1x16xf32>,
        %get3A_703 = vector.shape_cast %get3A_702 : vector<1x16xf32> to vector<16xf32>
        %add3A_704 = arith.addf %add3A_658, %get3A_703 : vector<16xf32>
        %get3A_705 = arith.index_cast %add3A_674 : i32 to index
        %get3A_706 = arith.constant 96 : index
        %get3A_707 = tpu.vector_load %arg8[%get3A_705, %get3A_706] {strides = array<i32>} : memref<128x128xf32, #tpu.memory_space<vmem>>, vector<1x16xf32>,
        %get3A_708 = vector.shape_cast %get3A_707 : vector<1x16xf32> to vector<16xf32>
        %add3A_709 = arith.addf %add3A_663, %get3A_708 : vector<16xf32>
        %get3A_710 = arith.index_cast %add3A_674 : i32 to index
        %get3A_711 = arith.constant 112 : index
        %get3A_712 = tpu.vector_load %arg8[%get3A_710, %get3A_711] {strides = array<i32>} : memref<128x128xf32, #tpu.memory_space<vmem>>, vector<1x16xf32>,
        %get3A_713 = vector.shape_cast %get3A_712 : vector<1x16xf32> to vector<16xf32>
        %add3A_714 = arith.addf %add3A_668, %get3A_713 : vector<16xf32>
        %mul3A_715 = arith.constant 8 : i32
        %mul3A_716 = arith.muli %scan3A_615, %mul3A_715 : i32
        %add3A_717 = arith.constant 64 : i32
        %add3A_718 = arith.addi %add3A_717, %mul3A_716 : i32
        %add3A_719 = arith.constant 2 : i32
        %add3A_720 = arith.addi %add3A_718, %add3A_719 : i32
        %get3A_721 = arith.index_cast %add3A_720 : i32 to index
        %get3A_722 = arith.constant 0 : index
        %get3A_723 = tpu.vector_load %arg8[%get3A_721, %get3A_722] {strides = array<i32>} : memref<128x128xf32, #tpu.memory_space<vmem>>, vector<1x16xf32>,
        %get3A_724 = vector.shape_cast %get3A_723 : vector<1x16xf32> to vector<16xf32>
        %add3A_725 = arith.addf %add3A_679, %get3A_724 : vector<16xf32>
        %get3A_726 = arith.index_cast %add3A_720 : i32 to index
        %get3A_727 = arith.constant 16 : index
        %get3A_728 = tpu.vector_load %arg8[%get3A_726, %get3A_727] {strides = array<i32>} : memref<128x128xf32, #tpu.memory_space<vmem>>, vector<1x16xf32>,
        %get3A_729 = vector.shape_cast %get3A_728 : vector<1x16xf32> to vector<16xf32>
        %add3A_730 = arith.addf %add3A_684, %get3A_729 : vector<16xf32>
        %get3A_731 = arith.index_cast %add3A_720 : i32 to index
        %get3A_732 = arith.constant 32 : index
        %get3A_733 = tpu.vector_load %arg8[%get3A_731, %get3A_732] {strides = array<i32>} : memref<128x128xf32, #tpu.memory_space<vmem>>, vector<1x16xf32>,
        %get3A_734 = vector.shape_cast %get3A_733 : vector<1x16xf32> to vector<16xf32>
        %add3A_735 = arith.addf %add3A_689, %get3A_734 : vector<16xf32>
        %get3A_736 = arith.index_cast %add3A_720 : i32 to index
        %get3A_737 = arith.constant 48 : index
        %get3A_738 = tpu.vector_load %arg8[%get3A_736, %get3A_737] {strides = array<i32>} : memref<128x128xf32, #tpu.memory_space<vmem>>, vector<1x16xf32>,
        %get3A_739 = vector.shape_cast %get3A_738 : vector<1x16xf32> to vector<16xf32>
        %add3A_740 = arith.addf %add3A_694, %get3A_739 : vector<16xf32>
        %get3A_741 = arith.index_cast %add3A_720 : i32 to index
        %get3A_742 = arith.constant 64 : index
        %get3A_743 = tpu.vector_load %arg8[%get3A_741, %get3A_742] {strides = array<i32>} : memref<128x128xf32, #tpu.memory_space<vmem>>, vector<1x16xf32>,
        %get3A_744 = vector.shape_cast %get3A_743 : vector<1x16xf32> to vector<16xf32>
        %add3A_745 = arith.addf %add3A_699, %get3A_744 : vector<16xf32>
        %get3A_746 = arith.index_cast %add3A_720 : i32 to index
        %get3A_747 = arith.constant 80 : index
        %get3A_748 = tpu.vector_load %arg8[%get3A_746, %get3A_747] {strides = array<i32>} : memref<128x128xf32, #tpu.memory_space<vmem>>, vector<1x16xf32>,
        %get3A_749 = vector.shape_cast %get3A_748 : vector<1x16xf32> to vector<16xf32>
        %add3A_750 = arith.addf %add3A_704, %get3A_749 : vector<16xf32>
        %get3A_751 = arith.index_cast %add3A_720 : i32 to index
        %get3A_752 = arith.constant 96 : index
        %get3A_753 = tpu.vector_load %arg8[%get3A_751, %get3A_752] {strides = array<i32>} : memref<128x128xf32, #tpu.memory_space<vmem>>, vector<1x16xf32>,
        %get3A_754 = vector.shape_cast %get3A_753 : vector<1x16xf32> to vector<16xf32>
        %add3A_755 = arith.addf %add3A_709, %get3A_754 : vector<16xf32>
        %get3A_756 = arith.index_cast %add3A_720 : i32 to index
        %get3A_757 = arith.constant 112 : index
        %get3A_758 = tpu.vector_load %arg8[%get3A_756, %get3A_757] {strides = array<i32>} : memref<128x128xf32, #tpu.memory_space<vmem>>, vector<1x16xf32>,
        %get3A_759 = vector.shape_cast %get3A_758 : vector<1x16xf32> to vector<16xf32>
        %add3A_760 = arith.addf %add3A_714, %get3A_759 : vector<16xf32>
        %mul3A_761 = arith.constant 8 : i32
        %mul3A_762 = arith.muli %scan3A_615, %mul3A_761 : i32
        %add3A_763 = arith.constant 64 : i32
        %add3A_764 = arith.addi %add3A_763, %mul3A_762 : i32
        %add3A_765 = arith.constant 3 : i32
        %add3A_766 = arith.addi %add3A_764, %add3A_765 : i32
        %get3A_767 = arith.index_cast %add3A_766 : i32 to index
        %get3A_768 = arith.constant 0 : index
        %get3A_769 = tpu.vector_load %arg8[%get3A_767, %get3A_768] {strides = array<i32>} : memref<128x128xf32, #tpu.memory_space<vmem>>, vector<1x16xf32>,
        %get3A_770 = vector.shape_cast %get3A_769 : vector<1x16xf32> to vector<16xf32>
        %add3A_771 = arith.addf %add3A_725, %get3A_770 : vector<16xf32>
        %get3A_772 = arith.index_cast %add3A_766 : i32 to index
        %get3A_773 = arith.constant 16 : index
        %get3A_774 = tpu.vector_load %arg8[%get3A_772, %get3A_773] {strides = array<i32>} : memref<128x128xf32, #tpu.memory_space<vmem>>, vector<1x16xf32>,
        %get3A_775 = vector.shape_cast %get3A_774 : vector<1x16xf32> to vector<16xf32>
        %add3A_776 = arith.addf %add3A_730, %get3A_775 : vector<16xf32>
        %get3A_777 = arith.index_cast %add3A_766 : i32 to index
        %get3A_778 = arith.constant 32 : index
        %get3A_779 = tpu.vector_load %arg8[%get3A_777, %get3A_778] {strides = array<i32>} : memref<128x128xf32, #tpu.memory_space<vmem>>, vector<1x16xf32>,
        %get3A_780 = vector.shape_cast %get3A_779 : vector<1x16xf32> to vector<16xf32>
        %add3A_781 = arith.addf %add3A_735, %get3A_780 : vector<16xf32>
        %get3A_782 = arith.index_cast %add3A_766 : i32 to index
        %get3A_783 = arith.constant 48 : index
        %get3A_784 = tpu.vector_load %arg8[%get3A_782, %get3A_783] {strides = array<i32>} : memref<128x128xf32, #tpu.memory_space<vmem>>, vector<1x16xf32>,
        %get3A_785 = vector.shape_cast %get3A_784 : vector<1x16xf32> to vector<16xf32>
        %add3A_786 = arith.addf %add3A_740, %get3A_785 : vector<16xf32>
        %get3A_787 = arith.index_cast %add3A_766 : i32 to index
        %get3A_788 = arith.constant 64 : index
        %get3A_789 = tpu.vector_load %arg8[%get3A_787, %get3A_788] {strides = array<i32>} : memref<128x128xf32, #tpu.memory_space<vmem>>, vector<1x16xf32>,
        %get3A_790 = vector.shape_cast %get3A_789 : vector<1x16xf32> to vector<16xf32>
        %add3A_791 = arith.addf %add3A_745, %get3A_790 : vector<16xf32>
        %get3A_792 = arith.index_cast %add3A_766 : i32 to index
        %get3A_793 = arith.constant 80 : index
        %get3A_794 = tpu.vector_load %arg8[%get3A_792, %get3A_793] {strides = array<i32>} : memref<128x128xf32, #tpu.memory_space<vmem>>, vector<1x16xf32>,
        %get3A_795 = vector.shape_cast %get3A_794 : vector<1x16xf32> to vector<16xf32>
        %add3A_796 = arith.addf %add3A_750, %get3A_795 : vector<16xf32>
        %get3A_797 = arith.index_cast %add3A_766 : i32 to index
        %get3A_798 = arith.constant 96 : index
        %get3A_799 = tpu.vector_load %arg8[%get3A_797, %get3A_798] {strides = array<i32>} : memref<128x128xf32, #tpu.memory_space<vmem>>, vector<1x16xf32>,
        %get3A_800 = vector.shape_cast %get3A_799 : vector<1x16xf32> to vector<16xf32>
        %add3A_801 = arith.addf %add3A_755, %get3A_800 : vector<16xf32>
        %get3A_802 = arith.index_cast %add3A_766 : i32 to index
        %get3A_803 = arith.constant 112 : index
        %get3A_804 = tpu.vector_load %arg8[%get3A_802, %get3A_803] {strides = array<i32>} : memref<128x128xf32, #tpu.memory_space<vmem>>, vector<1x16xf32>,
        %get3A_805 = vector.shape_cast %get3A_804 : vector<1x16xf32> to vector<16xf32>
        %add3A_806 = arith.addf %add3A_760, %get3A_805 : vector<16xf32>
        %mul3A_807 = arith.constant 8 : i32
        %mul3A_808 = arith.muli %scan3A_615, %mul3A_807 : i32
        %add3A_809 = arith.constant 64 : i32
        %add3A_810 = arith.addi %add3A_809, %mul3A_808 : i32
        %add3A_811 = arith.constant 4 : i32
        %add3A_812 = arith.addi %add3A_810, %add3A_811 : i32
        %get3A_813 = arith.index_cast %add3A_812 : i32 to index
        %get3A_814 = arith.constant 0 : index
        %get3A_815 = tpu.vector_load %arg8[%get3A_813, %get3A_814] {strides = array<i32>} : memref<128x128xf32, #tpu.memory_space<vmem>>, vector<1x16xf32>,
        %get3A_816 = vector.shape_cast %get3A_815 : vector<1x16xf32> to vector<16xf32>
        %add3A_817 = arith.addf %add3A_771, %get3A_816 : vector<16xf32>
        %get3A_818 = arith.index_cast %add3A_812 : i32 to index
        %get3A_819 = arith.constant 16 : index
        %get3A_820 = tpu.vector_load %arg8[%get3A_818, %get3A_819] {strides = array<i32>} : memref<128x128xf32, #tpu.memory_space<vmem>>, vector<1x16xf32>,
        %get3A_821 = vector.shape_cast %get3A_820 : vector<1x16xf32> to vector<16xf32>
        %add3A_822 = arith.addf %add3A_776, %get3A_821 : vector<16xf32>
        %get3A_823 = arith.index_cast %add3A_812 : i32 to index
        %get3A_824 = arith.constant 32 : index
        %get3A_825 = tpu.vector_load %arg8[%get3A_823, %get3A_824] {strides = array<i32>} : memref<128x128xf32, #tpu.memory_space<vmem>>, vector<1x16xf32>,
        %get3A_826 = vector.shape_cast %get3A_825 : vector<1x16xf32> to vector<16xf32>
        %add3A_827 = arith.addf %add3A_781, %get3A_826 : vector<16xf32>
        %get3A_828 = arith.index_cast %add3A_812 : i32 to index
        %get3A_829 = arith.constant 48 : index
        %get3A_830 = tpu.vector_load %arg8[%get3A_828, %get3A_829] {strides = array<i32>} : memref<128x128xf32, #tpu.memory_space<vmem>>, vector<1x16xf32>,
        %get3A_831 = vector.shape_cast %get3A_830 : vector<1x16xf32> to vector<16xf32>
        %add3A_832 = arith.addf %add3A_786, %get3A_831 : vector<16xf32>
        %get3A_833 = arith.index_cast %add3A_812 : i32 to index
        %get3A_834 = arith.constant 64 : index
        %get3A_835 = tpu.vector_load %arg8[%get3A_833, %get3A_834] {strides = array<i32>} : memref<128x128xf32, #tpu.memory_space<vmem>>, vector<1x16xf32>,
        %get3A_836 = vector.shape_cast %get3A_835 : vector<1x16xf32> to vector<16xf32>
        %add3A_837 = arith.addf %add3A_791, %get3A_836 : vector<16xf32>
        %get3A_838 = arith.index_cast %add3A_812 : i32 to index
        %get3A_839 = arith.constant 80 : index
        %get3A_840 = tpu.vector_load %arg8[%get3A_838, %get3A_839] {strides = array<i32>} : memref<128x128xf32, #tpu.memory_space<vmem>>, vector<1x16xf32>,
        %get3A_841 = vector.shape_cast %get3A_840 : vector<1x16xf32> to vector<16xf32>
        %add3A_842 = arith.addf %add3A_796, %get3A_841 : vector<16xf32>
        %get3A_843 = arith.index_cast %add3A_812 : i32 to index
        %get3A_844 = arith.constant 96 : index
        %get3A_845 = tpu.vector_load %arg8[%get3A_843, %get3A_844] {strides = array<i32>} : memref<128x128xf32, #tpu.memory_space<vmem>>, vector<1x16xf32>,
        %get3A_846 = vector.shape_cast %get3A_845 : vector<1x16xf32> to vector<16xf32>
        %add3A_847 = arith.addf %add3A_801, %get3A_846 : vector<16xf32>
        %get3A_848 = arith.index_cast %add3A_812 : i32 to index
        %get3A_849 = arith.constant 112 : index
        %get3A_850 = tpu.vector_load %arg8[%get3A_848, %get3A_849] {strides = array<i32>} : memref<128x128xf32, #tpu.memory_space<vmem>>, vector<1x16xf32>,
        %get3A_851 = vector.shape_cast %get3A_850 : vector<1x16xf32> to vector<16xf32>
        %add3A_852 = arith.addf %add3A_806, %get3A_851 : vector<16xf32>
        %mul3A_853 = arith.constant 8 : i32
        %mul3A_854 = arith.muli %scan3A_615, %mul3A_853 : i32
        %add3A_855 = arith.constant 64 : i32
        %add3A_856 = arith.addi %add3A_855, %mul3A_854 : i32
        %add3A_857 = arith.constant 5 : i32
        %add3A_858 = arith.addi %add3A_856, %add3A_857 : i32
        %get3A_859 = arith.index_cast %add3A_858 : i32 to index
        %get3A_860 = arith.constant 0 : index
        %get3A_861 = tpu.vector_load %arg8[%get3A_859, %get3A_860] {strides = array<i32>} : memref<128x128xf32, #tpu.memory_space<vmem>>, vector<1x16xf32>,
        %get3A_862 = vector.shape_cast %get3A_861 : vector<1x16xf32> to vector<16xf32>
        %add3A_863 = arith.addf %add3A_817, %get3A_862 : vector<16xf32>
        %get3A_864 = arith.index_cast %add3A_858 : i32 to index
        %get3A_865 = arith.constant 16 : index
        %get3A_866 = tpu.vector_load %arg8[%get3A_864, %get3A_865] {strides = array<i32>} : memref<128x128xf32, #tpu.memory_space<vmem>>, vector<1x16xf32>,
        %get3A_867 = vector.shape_cast %get3A_866 : vector<1x16xf32> to vector<16xf32>
        %add3A_868 = arith.addf %add3A_822, %get3A_867 : vector<16xf32>
        %get3A_869 = arith.index_cast %add3A_858 : i32 to index
        %get3A_870 = arith.constant 32 : index
        %get3A_871 = tpu.vector_load %arg8[%get3A_869, %get3A_870] {strides = array<i32>} : memref<128x128xf32, #tpu.memory_space<vmem>>, vector<1x16xf32>,
        %get3A_872 = vector.shape_cast %get3A_871 : vector<1x16xf32> to vector<16xf32>
        %add3A_873 = arith.addf %add3A_827, %get3A_872 : vector<16xf32>
        %get3A_874 = arith.index_cast %add3A_858 : i32 to index
        %get3A_875 = arith.constant 48 : index
        %get3A_876 = tpu.vector_load %arg8[%get3A_874, %get3A_875] {strides = array<i32>} : memref<128x128xf32, #tpu.memory_space<vmem>>, vector<1x16xf32>,
        %get3A_877 = vector.shape_cast %get3A_876 : vector<1x16xf32> to vector<16xf32>
        %add3A_878 = arith.addf %add3A_832, %get3A_877 : vector<16xf32>
        %get3A_879 = arith.index_cast %add3A_858 : i32 to index
        %get3A_880 = arith.constant 64 : index
        %get3A_881 = tpu.vector_load %arg8[%get3A_879, %get3A_880] {strides = array<i32>} : memref<128x128xf32, #tpu.memory_space<vmem>>, vector<1x16xf32>,
        %get3A_882 = vector.shape_cast %get3A_881 : vector<1x16xf32> to vector<16xf32>
        %add3A_883 = arith.addf %add3A_837, %get3A_882 : vector<16xf32>
        %get3A_884 = arith.index_cast %add3A_858 : i32 to index
        %get3A_885 = arith.constant 80 : index
        %get3A_886 = tpu.vector_load %arg8[%get3A_884, %get3A_885] {strides = array<i32>} : memref<128x128xf32, #tpu.memory_space<vmem>>, vector<1x16xf32>,
        %get3A_887 = vector.shape_cast %get3A_886 : vector<1x16xf32> to vector<16xf32>
        %add3A_888 = arith.addf %add3A_842, %get3A_887 : vector<16xf32>
        %get3A_889 = arith.index_cast %add3A_858 : i32 to index
        %get3A_890 = arith.constant 96 : index
        %get3A_891 = tpu.vector_load %arg8[%get3A_889, %get3A_890] {strides = array<i32>} : memref<128x128xf32, #tpu.memory_space<vmem>>, vector<1x16xf32>,
        %get3A_892 = vector.shape_cast %get3A_891 : vector<1x16xf32> to vector<16xf32>
        %add3A_893 = arith.addf %add3A_847, %get3A_892 : vector<16xf32>
        %get3A_894 = arith.index_cast %add3A_858 : i32 to index
        %get3A_895 = arith.constant 112 : index
        %get3A_896 = tpu.vector_load %arg8[%get3A_894, %get3A_895] {strides = array<i32>} : memref<128x128xf32, #tpu.memory_space<vmem>>, vector<1x16xf32>,
        %get3A_897 = vector.shape_cast %get3A_896 : vector<1x16xf32> to vector<16xf32>
        %add3A_898 = arith.addf %add3A_852, %get3A_897 : vector<16xf32>
        %mul3A_899 = arith.constant 8 : i32
        %mul3A_900 = arith.muli %scan3A_615, %mul3A_899 : i32
        %add3A_901 = arith.constant 64 : i32
        %add3A_902 = arith.addi %add3A_901, %mul3A_900 : i32
        %add3A_903 = arith.constant 6 : i32
        %add3A_904 = arith.addi %add3A_902, %add3A_903 : i32
        %get3A_905 = arith.index_cast %add3A_904 : i32 to index
        %get3A_906 = arith.constant 0 : index
        %get3A_907 = tpu.vector_load %arg8[%get3A_905, %get3A_906] {strides = array<i32>} : memref<128x128xf32, #tpu.memory_space<vmem>>, vector<1x16xf32>,
        %get3A_908 = vector.shape_cast %get3A_907 : vector<1x16xf32> to vector<16xf32>
        %add3A_909 = arith.addf %add3A_863, %get3A_908 : vector<16xf32>
        %get3A_910 = arith.index_cast %add3A_904 : i32 to index
        %get3A_911 = arith.constant 16 : index
        %get3A_912 = tpu.vector_load %arg8[%get3A_910, %get3A_911] {strides = array<i32>} : memref<128x128xf32, #tpu.memory_space<vmem>>, vector<1x16xf32>,
        %get3A_913 = vector.shape_cast %get3A_912 : vector<1x16xf32> to vector<16xf32>
        %add3A_914 = arith.addf %add3A_868, %get3A_913 : vector<16xf32>
        %get3A_915 = arith.index_cast %add3A_904 : i32 to index
        %get3A_916 = arith.constant 32 : index
        %get3A_917 = tpu.vector_load %arg8[%get3A_915, %get3A_916] {strides = array<i32>} : memref<128x128xf32, #tpu.memory_space<vmem>>, vector<1x16xf32>,
        %get3A_918 = vector.shape_cast %get3A_917 : vector<1x16xf32> to vector<16xf32>
        %add3A_919 = arith.addf %add3A_873, %get3A_918 : vector<16xf32>
        %get3A_920 = arith.index_cast %add3A_904 : i32 to index
        %get3A_921 = arith.constant 48 : index
        %get3A_922 = tpu.vector_load %arg8[%get3A_920, %get3A_921] {strides = array<i32>} : memref<128x128xf32, #tpu.memory_space<vmem>>, vector<1x16xf32>,
        %get3A_923 = vector.shape_cast %get3A_922 : vector<1x16xf32> to vector<16xf32>
        %add3A_924 = arith.addf %add3A_878, %get3A_923 : vector<16xf32>
        %get3A_925 = arith.index_cast %add3A_904 : i32 to index
        %get3A_926 = arith.constant 64 : index
        %get3A_927 = tpu.vector_load %arg8[%get3A_925, %get3A_926] {strides = array<i32>} : memref<128x128xf32, #tpu.memory_space<vmem>>, vector<1x16xf32>,
        %get3A_928 = vector.shape_cast %get3A_927 : vector<1x16xf32> to vector<16xf32>
        %add3A_929 = arith.addf %add3A_883, %get3A_928 : vector<16xf32>
        %get3A_930 = arith.index_cast %add3A_904 : i32 to index
        %get3A_931 = arith.constant 80 : index
        %get3A_932 = tpu.vector_load %arg8[%get3A_930, %get3A_931] {strides = array<i32>} : memref<128x128xf32, #tpu.memory_space<vmem>>, vector<1x16xf32>,
        %get3A_933 = vector.shape_cast %get3A_932 : vector<1x16xf32> to vector<16xf32>
        %add3A_934 = arith.addf %add3A_888, %get3A_933 : vector<16xf32>
        %get3A_935 = arith.index_cast %add3A_904 : i32 to index
        %get3A_936 = arith.constant 96 : index
        %get3A_937 = tpu.vector_load %arg8[%get3A_935, %get3A_936] {strides = array<i32>} : memref<128x128xf32, #tpu.memory_space<vmem>>, vector<1x16xf32>,
        %get3A_938 = vector.shape_cast %get3A_937 : vector<1x16xf32> to vector<16xf32>
        %add3A_939 = arith.addf %add3A_893, %get3A_938 : vector<16xf32>
        %get3A_940 = arith.index_cast %add3A_904 : i32 to index
        %get3A_941 = arith.constant 112 : index
        %get3A_942 = tpu.vector_load %arg8[%get3A_940, %get3A_941] {strides = array<i32>} : memref<128x128xf32, #tpu.memory_space<vmem>>, vector<1x16xf32>,
        %get3A_943 = vector.shape_cast %get3A_942 : vector<1x16xf32> to vector<16xf32>
        %add3A_944 = arith.addf %add3A_898, %get3A_943 : vector<16xf32>
        %mul3A_945 = arith.constant 8 : i32
        %mul3A_946 = arith.muli %scan3A_615, %mul3A_945 : i32
        %add3A_947 = arith.constant 64 : i32
        %add3A_948 = arith.addi %add3A_947, %mul3A_946 : i32
        %add3A_949 = arith.constant 7 : i32
        %add3A_950 = arith.addi %add3A_948, %add3A_949 : i32
        %get3A_951 = arith.index_cast %add3A_950 : i32 to index
        %get3A_952 = arith.constant 0 : index
        %get3A_953 = tpu.vector_load %arg8[%get3A_951, %get3A_952] {strides = array<i32>} : memref<128x128xf32, #tpu.memory_space<vmem>>, vector<1x16xf32>,
        %get3A_954 = vector.shape_cast %get3A_953 : vector<1x16xf32> to vector<16xf32>
        %add3A_955 = arith.addf %add3A_909, %get3A_954 : vector<16xf32>
        %get3A_956 = arith.index_cast %add3A_950 : i32 to index
        %get3A_957 = arith.constant 16 : index
        %get3A_958 = tpu.vector_load %arg8[%get3A_956, %get3A_957] {strides = array<i32>} : memref<128x128xf32, #tpu.memory_space<vmem>>, vector<1x16xf32>,
        %get3A_959 = vector.shape_cast %get3A_958 : vector<1x16xf32> to vector<16xf32>
        %add3A_960 = arith.addf %add3A_914, %get3A_959 : vector<16xf32>
        %get3A_961 = arith.index_cast %add3A_950 : i32 to index
        %get3A_962 = arith.constant 32 : index
        %get3A_963 = tpu.vector_load %arg8[%get3A_961, %get3A_962] {strides = array<i32>} : memref<128x128xf32, #tpu.memory_space<vmem>>, vector<1x16xf32>,
        %get3A_964 = vector.shape_cast %get3A_963 : vector<1x16xf32> to vector<16xf32>
        %add3A_965 = arith.addf %add3A_919, %get3A_964 : vector<16xf32>
        %get3A_966 = arith.index_cast %add3A_950 : i32 to index
        %get3A_967 = arith.constant 48 : index
        %get3A_968 = tpu.vector_load %arg8[%get3A_966, %get3A_967] {strides = array<i32>} : memref<128x128xf32, #tpu.memory_space<vmem>>, vector<1x16xf32>,
        %get3A_969 = vector.shape_cast %get3A_968 : vector<1x16xf32> to vector<16xf32>
        %add3A_970 = arith.addf %add3A_924, %get3A_969 : vector<16xf32>
        %get3A_971 = arith.index_cast %add3A_950 : i32 to index
        %get3A_972 = arith.constant 64 : index
        %get3A_973 = tpu.vector_load %arg8[%get3A_971, %get3A_972] {strides = array<i32>} : memref<128x128xf32, #tpu.memory_space<vmem>>, vector<1x16xf32>,
        %get3A_974 = vector.shape_cast %get3A_973 : vector<1x16xf32> to vector<16xf32>
        %add3A_975 = arith.addf %add3A_929, %get3A_974 : vector<16xf32>
        %get3A_976 = arith.index_cast %add3A_950 : i32 to index
        %get3A_977 = arith.constant 80 : index
        %get3A_978 = tpu.vector_load %arg8[%get3A_976, %get3A_977] {strides = array<i32>} : memref<128x128xf32, #tpu.memory_space<vmem>>, vector<1x16xf32>,
        %get3A_979 = vector.shape_cast %get3A_978 : vector<1x16xf32> to vector<16xf32>
        %add3A_980 = arith.addf %add3A_934, %get3A_979 : vector<16xf32>
        %get3A_981 = arith.index_cast %add3A_950 : i32 to index
        %get3A_982 = arith.constant 96 : index
        %get3A_983 = tpu.vector_load %arg8[%get3A_981, %get3A_982] {strides = array<i32>} : memref<128x128xf32, #tpu.memory_space<vmem>>, vector<1x16xf32>,
        %get3A_984 = vector.shape_cast %get3A_983 : vector<1x16xf32> to vector<16xf32>
        %add3A_985 = arith.addf %add3A_939, %get3A_984 : vector<16xf32>
        %get3A_986 = arith.index_cast %add3A_950 : i32 to index
        %get3A_987 = arith.constant 112 : index
        %get3A_988 = tpu.vector_load %arg8[%get3A_986, %get3A_987] {strides = array<i32>} : memref<128x128xf32, #tpu.memory_space<vmem>>, vector<1x16xf32>,
        %get3A_989 = vector.shape_cast %get3A_988 : vector<1x16xf32> to vector<16xf32>
        %add3A_990 = arith.addf %add3A_944, %get3A_989 : vector<16xf32>
        scf.yield %add3A_955, %add3A_960, %add3A_965, %add3A_970, %add3A_975, %add3A_980, %add3A_985, %add3A_990 : vector<16xf32>, vector<16xf32>, vector<16xf32>, vector<16xf32>, vector<16xf32>, vector<16xf32>, vector<16xf32>, vector<16xf32>
      }
      %scan3A_492 = arith.constant 4 : i32
      %swap3A_493 = arith.constant 6 : i32
      %swap3A_494 = arith.index_cast %swap3A_493 : i32 to index
      %swap3A_495 = arith.constant 0 : index
      %swap3A_496 = tpu.vector_load %arg9[%swap3A_494, %swap3A_495] {strides = array<i32>} : memref<8x128xf32, #tpu.memory_space<vmem>>, vector<1x16xf32>,
      %swap3A_497 = vector.shape_cast %swap3A_496 : vector<1x16xf32> to vector<16xf32>
      %swap3A_498 = vector.shape_cast %scan3A_491#0 : vector<16xf32> to vector<1x16xf32>
      tpu.vector_store %arg9[%swap3A_494, %swap3A_495], %swap3A_498 {strides = array<i32>} : memref<8x128xf32, #tpu.memory_space<vmem>>, vector<1x16xf32>,
      %swap3A_499 = arith.constant 6 : i32
      %swap3A_500 = arith.index_cast %swap3A_499 : i32 to index
      %swap3A_501 = arith.constant 16 : index
      %swap3A_502 = tpu.vector_load %arg9[%swap3A_500, %swap3A_501] {strides = array<i32>} : memref<8x128xf32, #tpu.memory_space<vmem>>, vector<1x16xf32>,
      %swap3A_503 = vector.shape_cast %swap3A_502 : vector<1x16xf32> to vector<16xf32>
      %swap3A_504 = vector.shape_cast %scan3A_491#1 : vector<16xf32> to vector<1x16xf32>
      tpu.vector_store %arg9[%swap3A_500, %swap3A_501], %swap3A_504 {strides = array<i32>} : memref<8x128xf32, #tpu.memory_space<vmem>>, vector<1x16xf32>,
      %swap3A_505 = arith.constant 6 : i32
      %swap3A_506 = arith.index_cast %swap3A_505 : i32 to index
      %swap3A_507 = arith.constant 32 : index
      %swap3A_508 = tpu.vector_load %arg9[%swap3A_506, %swap3A_507] {strides = array<i32>} : memref<8x128xf32, #tpu.memory_space<vmem>>, vector<1x16xf32>,
      %swap3A_509 = vector.shape_cast %swap3A_508 : vector<1x16xf32> to vector<16xf32>
      %swap3A_510 = vector.shape_cast %scan3A_491#2 : vector<16xf32> to vector<1x16xf32>
      tpu.vector_store %arg9[%swap3A_506, %swap3A_507], %swap3A_510 {strides = array<i32>} : memref<8x128xf32, #tpu.memory_space<vmem>>, vector<1x16xf32>,
      %swap3A_511 = arith.constant 6 : i32
      %swap3A_512 = arith.index_cast %swap3A_511 : i32 to index
      %swap3A_513 = arith.constant 48 : index
      %swap3A_514 = tpu.vector_load %arg9[%swap3A_512, %swap3A_513] {strides = array<i32>} : memref<8x128xf32, #tpu.memory_space<vmem>>, vector<1x16xf32>,
      %swap3A_515 = vector.shape_cast %swap3A_514 : vector<1x16xf32> to vector<16xf32>
      %swap3A_516 = vector.shape_cast %scan3A_491#3 : vector<16xf32> to vector<1x16xf32>
      tpu.vector_store %arg9[%swap3A_512, %swap3A_513], %swap3A_516 {strides = array<i32>} : memref<8x128xf32, #tpu.memory_space<vmem>>, vector<1x16xf32>,
      %swap3A_517 = arith.constant 6 : i32
      %swap3A_518 = arith.index_cast %swap3A_517 : i32 to index
      %swap3A_519 = arith.constant 64 : index
      %swap3A_520 = tpu.vector_load %arg9[%swap3A_518, %swap3A_519] {strides = array<i32>} : memref<8x128xf32, #tpu.memory_space<vmem>>, vector<1x16xf32>,
      %swap3A_521 = vector.shape_cast %swap3A_520 : vector<1x16xf32> to vector<16xf32>
      %swap3A_522 = vector.shape_cast %scan3A_491#4 : vector<16xf32> to vector<1x16xf32>
      tpu.vector_store %arg9[%swap3A_518, %swap3A_519], %swap3A_522 {strides = array<i32>} : memref<8x128xf32, #tpu.memory_space<vmem>>, vector<1x16xf32>,
      %swap3A_523 = arith.constant 6 : i32
      %swap3A_524 = arith.index_cast %swap3A_523 : i32 to index
      %swap3A_525 = arith.constant 80 : index
      %swap3A_526 = tpu.vector_load %arg9[%swap3A_524, %swap3A_525] {strides = array<i32>} : memref<8x128xf32, #tpu.memory_space<vmem>>, vector<1x16xf32>,
      %swap3A_527 = vector.shape_cast %swap3A_526 : vector<1x16xf32> to vector<16xf32>
      %swap3A_528 = vector.shape_cast %scan3A_491#5 : vector<16xf32> to vector<1x16xf32>
      tpu.vector_store %arg9[%swap3A_524, %swap3A_525], %swap3A_528 {strides = array<i32>} : memref<8x128xf32, #tpu.memory_space<vmem>>, vector<1x16xf32>,
      %swap3A_529 = arith.constant 6 : i32
      %swap3A_530 = arith.index_cast %swap3A_529 : i32 to index
      %swap3A_531 = arith.constant 96 : index
      %swap3A_532 = tpu.vector_load %arg9[%swap3A_530, %swap3A_531] {strides = array<i32>} : memref<8x128xf32, #tpu.memory_space<vmem>>, vector<1x16xf32>,
      %swap3A_533 = vector.shape_cast %swap3A_532 : vector<1x16xf32> to vector<16xf32>
      %swap3A_534 = vector.shape_cast %scan3A_491#6 : vector<16xf32> to vector<1x16xf32>
      tpu.vector_store %arg9[%swap3A_530, %swap3A_531], %swap3A_534 {strides = array<i32>} : memref<8x128xf32, #tpu.memory_space<vmem>>, vector<1x16xf32>,
      %swap3A_535 = arith.constant 6 : i32
      %swap3A_536 = arith.index_cast %swap3A_535 : i32 to index
      %swap3A_537 = arith.constant 112 : index
      %swap3A_538 = tpu.vector_load %arg9[%swap3A_536, %swap3A_537] {strides = array<i32>} : memref<8x128xf32, #tpu.memory_space<vmem>>, vector<1x16xf32>,
      %swap3A_539 = vector.shape_cast %swap3A_538 : vector<1x16xf32> to vector<16xf32>
      %swap3A_540 = vector.shape_cast %scan3A_491#7 : vector<16xf32> to vector<1x16xf32>
      tpu.vector_store %arg9[%swap3A_536, %swap3A_537], %swap3A_540 {strides = array<i32>} : memref<8x128xf32, #tpu.memory_space<vmem>>, vector<1x16xf32>,
      %broadcast_in_dim3A_541 = arith.constant 0.000000e+00 : f32
      %broadcast_in_dim3A_542 = vector.broadcast %broadcast_in_dim3A_541 : f32 to vector<16xf32>
      %broadcast_in_dim3A_543 = arith.constant 0.000000e+00 : f32
      %broadcast_in_dim3A_544 = vector.broadcast %broadcast_in_dim3A_543 : f32 to vector<16xf32>
      %broadcast_in_dim3A_545 = arith.constant 0.000000e+00 : f32
      %broadcast_in_dim3A_546 = vector.broadcast %broadcast_in_dim3A_545 : f32 to vector<16xf32>
      %broadcast_in_dim3A_547 = arith.constant 0.000000e+00 : f32
      %broadcast_in_dim3A_548 = vector.broadcast %broadcast_in_dim3A_547 : f32 to vector<16xf32>
      %broadcast_in_dim3A_549 = arith.constant 0.000000e+00 : f32
      %broadcast_in_dim3A_550 = vector.broadcast %broadcast_in_dim3A_549 : f32 to vector<16xf32>
      %broadcast_in_dim3A_551 = arith.constant 0.000000e+00 : f32
      %broadcast_in_dim3A_552 = vector.broadcast %broadcast_in_dim3A_551 : f32 to vector<16xf32>
      %broadcast_in_dim3A_553 = arith.constant 0.000000e+00 : f32
      %broadcast_in_dim3A_554 = vector.broadcast %broadcast_in_dim3A_553 : f32 to vector<16xf32>
      %broadcast_in_dim3A_555 = arith.constant 0.000000e+00 : f32
      %broadcast_in_dim3A_556 = vector.broadcast %broadcast_in_dim3A_555 : f32 to vector<16xf32>
      %scan3A_557 = arith.constant 0 : i32
      %scan3A_558 = arith.constant 4 : i32
      %scan3A_559 = arith.addi %scan3A_557, %scan3A_558 : i32
      %scan3A_560 = arith.constant 1 : i32
      %scan3A_561:8 = scf.for %scan3A_615 = %scan3A_557 to %scan3A_559 step %scan3A_560 iter_args(%scan3A_616 = %broadcast_in_dim3A_542, %scan3A_617 = %broadcast_in_dim3A_544, %scan3A_618 = %broadcast_in_dim3A_546, %scan3A_619 = %broadcast_in_dim3A_548, %scan3A_620 = %broadcast_in_dim3A_550, %scan3A_621 = %broadcast_in_dim3A_552, %scan3A_622 = %broadcast_in_dim3A_554, %scan3A_623 = %broadcast_in_dim3A_556) -> (vector<16xf32>, vector<16xf32>, vector<16xf32>, vector<16xf32>, vector<16xf32>, vector<16xf32>, vector<16xf32>, vector<16xf32>)  : i32 {
        %mul3A_624 = arith.constant 8 : i32
        %mul3A_625 = arith.muli %scan3A_615, %mul3A_624 : i32
        %add3A_626 = arith.constant 96 : i32
        %add3A_627 = arith.addi %add3A_626, %mul3A_625 : i32
        %add3A_628 = arith.constant 0 : i32
        %add3A_629 = arith.addi %add3A_627, %add3A_628 : i32
        %get3A = arith.index_cast %add3A_629 : i32 to index
        %get3A_630 = arith.constant 0 : index
        %get3A_631 = tpu.vector_load %arg8[%get3A, %get3A_630] {strides = array<i32>} : memref<128x128xf32, #tpu.memory_space<vmem>>, vector<1x16xf32>,
        %get3A_632 = vector.shape_cast %get3A_631 : vector<1x16xf32> to vector<16xf32>
        %add3A_633 = arith.addf %scan3A_616, %get3A_632 : vector<16xf32>
        %get3A_634 = arith.index_cast %add3A_629 : i32 to index
        %get3A_635 = arith.constant 16 : index
        %get3A_636 = tpu.vector_load %arg8[%get3A_634, %get3A_635] {strides = array<i32>} : memref<128x128xf32, #tpu.memory_space<vmem>>, vector<1x16xf32>,
        %get3A_637 = vector.shape_cast %get3A_636 : vector<1x16xf32> to vector<16xf32>
        %add3A_638 = arith.addf %scan3A_617, %get3A_637 : vector<16xf32>
        %get3A_639 = arith.index_cast %add3A_629 : i32 to index
        %get3A_640 = arith.constant 32 : index
        %get3A_641 = tpu.vector_load %arg8[%get3A_639, %get3A_640] {strides = array<i32>} : memref<128x128xf32, #tpu.memory_space<vmem>>, vector<1x16xf32>,
        %get3A_642 = vector.shape_cast %get3A_641 : vector<1x16xf32> to vector<16xf32>
        %add3A_643 = arith.addf %scan3A_618, %get3A_642 : vector<16xf32>
        %get3A_644 = arith.index_cast %add3A_629 : i32 to index
        %get3A_645 = arith.constant 48 : index
        %get3A_646 = tpu.vector_load %arg8[%get3A_644, %get3A_645] {strides = array<i32>} : memref<128x128xf32, #tpu.memory_space<vmem>>, vector<1x16xf32>,
        %get3A_647 = vector.shape_cast %get3A_646 : vector<1x16xf32> to vector<16xf32>
        %add3A_648 = arith.addf %scan3A_619, %get3A_647 : vector<16xf32>
        %get3A_649 = arith.index_cast %add3A_629 : i32 to index
        %get3A_650 = arith.constant 64 : index
        %get3A_651 = tpu.vector_load %arg8[%get3A_649, %get3A_650] {strides = array<i32>} : memref<128x128xf32, #tpu.memory_space<vmem>>, vector<1x16xf32>,
        %get3A_652 = vector.shape_cast %get3A_651 : vector<1x16xf32> to vector<16xf32>
        %add3A_653 = arith.addf %scan3A_620, %get3A_652 : vector<16xf32>
        %get3A_654 = arith.index_cast %add3A_629 : i32 to index
        %get3A_655 = arith.constant 80 : index
        %get3A_656 = tpu.vector_load %arg8[%get3A_654, %get3A_655] {strides = array<i32>} : memref<128x128xf32, #tpu.memory_space<vmem>>, vector<1x16xf32>,
        %get3A_657 = vector.shape_cast %get3A_656 : vector<1x16xf32> to vector<16xf32>
        %add3A_658 = arith.addf %scan3A_621, %get3A_657 : vector<16xf32>
        %get3A_659 = arith.index_cast %add3A_629 : i32 to index
        %get3A_660 = arith.constant 96 : index
        %get3A_661 = tpu.vector_load %arg8[%get3A_659, %get3A_660] {strides = array<i32>} : memref<128x128xf32, #tpu.memory_space<vmem>>, vector<1x16xf32>,
        %get3A_662 = vector.shape_cast %get3A_661 : vector<1x16xf32> to vector<16xf32>
        %add3A_663 = arith.addf %scan3A_622, %get3A_662 : vector<16xf32>
        %get3A_664 = arith.index_cast %add3A_629 : i32 to index
        %get3A_665 = arith.constant 112 : index
        %get3A_666 = tpu.vector_load %arg8[%get3A_664, %get3A_665] {strides = array<i32>} : memref<128x128xf32, #tpu.memory_space<vmem>>, vector<1x16xf32>,
        %get3A_667 = vector.shape_cast %get3A_666 : vector<1x16xf32> to vector<16xf32>
        %add3A_668 = arith.addf %scan3A_623, %get3A_667 : vector<16xf32>
        %mul3A_669 = arith.constant 8 : i32
        %mul3A_670 = arith.muli %scan3A_615, %mul3A_669 : i32
        %add3A_671 = arith.constant 96 : i32
        %add3A_672 = arith.addi %add3A_671, %mul3A_670 : i32
        %add3A_673 = arith.constant 1 : i32
        %add3A_674 = arith.addi %add3A_672, %add3A_673 : i32
        %get3A_675 = arith.index_cast %add3A_674 : i32 to index
        %get3A_676 = arith.constant 0 : index
        %get3A_677 = tpu.vector_load %arg8[%get3A_675, %get3A_676] {strides = array<i32>} : memref<128x128xf32, #tpu.memory_space<vmem>>, vector<1x16xf32>,
        %get3A_678 = vector.shape_cast %get3A_677 : vector<1x16xf32> to vector<16xf32>
        %add3A_679 = arith.addf %add3A_633, %get3A_678 : vector<16xf32>
        %get3A_680 = arith.index_cast %add3A_674 : i32 to index
        %get3A_681 = arith.constant 16 : index
        %get3A_682 = tpu.vector_load %arg8[%get3A_680, %get3A_681] {strides = array<i32>} : memref<128x128xf32, #tpu.memory_space<vmem>>, vector<1x16xf32>,
        %get3A_683 = vector.shape_cast %get3A_682 : vector<1x16xf32> to vector<16xf32>
        %add3A_684 = arith.addf %add3A_638, %get3A_683 : vector<16xf32>
        %get3A_685 = arith.index_cast %add3A_674 : i32 to index
        %get3A_686 = arith.constant 32 : index
        %get3A_687 = tpu.vector_load %arg8[%get3A_685, %get3A_686] {strides = array<i32>} : memref<128x128xf32, #tpu.memory_space<vmem>>, vector<1x16xf32>,
        %get3A_688 = vector.shape_cast %get3A_687 : vector<1x16xf32> to vector<16xf32>
        %add3A_689 = arith.addf %add3A_643, %get3A_688 : vector<16xf32>
        %get3A_690 = arith.index_cast %add3A_674 : i32 to index
        %get3A_691 = arith.constant 48 : index
        %get3A_692 = tpu.vector_load %arg8[%get3A_690, %get3A_691] {strides = array<i32>} : memref<128x128xf32, #tpu.memory_space<vmem>>, vector<1x16xf32>,
        %get3A_693 = vector.shape_cast %get3A_692 : vector<1x16xf32> to vector<16xf32>
        %add3A_694 = arith.addf %add3A_648, %get3A_693 : vector<16xf32>
        %get3A_695 = arith.index_cast %add3A_674 : i32 to index
        %get3A_696 = arith.constant 64 : index
        %get3A_697 = tpu.vector_load %arg8[%get3A_695, %get3A_696] {strides = array<i32>} : memref<128x128xf32, #tpu.memory_space<vmem>>, vector<1x16xf32>,
        %get3A_698 = vector.shape_cast %get3A_697 : vector<1x16xf32> to vector<16xf32>
        %add3A_699 = arith.addf %add3A_653, %get3A_698 : vector<16xf32>
        %get3A_700 = arith.index_cast %add3A_674 : i32 to index
        %get3A_701 = arith.constant 80 : index
        %get3A_702 = tpu.vector_load %arg8[%get3A_700, %get3A_701] {strides = array<i32>} : memref<128x128xf32, #tpu.memory_space<vmem>>, vector<1x16xf32>,
        %get3A_703 = vector.shape_cast %get3A_702 : vector<1x16xf32> to vector<16xf32>
        %add3A_704 = arith.addf %add3A_658, %get3A_703 : vector<16xf32>
        %get3A_705 = arith.index_cast %add3A_674 : i32 to index
        %get3A_706 = arith.constant 96 : index
        %get3A_707 = tpu.vector_load %arg8[%get3A_705, %get3A_706] {strides = array<i32>} : memref<128x128xf32, #tpu.memory_space<vmem>>, vector<1x16xf32>,
        %get3A_708 = vector.shape_cast %get3A_707 : vector<1x16xf32> to vector<16xf32>
        %add3A_709 = arith.addf %add3A_663, %get3A_708 : vector<16xf32>
        %get3A_710 = arith.index_cast %add3A_674 : i32 to index
        %get3A_711 = arith.constant 112 : index
        %get3A_712 = tpu.vector_load %arg8[%get3A_710, %get3A_711] {strides = array<i32>} : memref<128x128xf32, #tpu.memory_space<vmem>>, vector<1x16xf32>,
        %get3A_713 = vector.shape_cast %get3A_712 : vector<1x16xf32> to vector<16xf32>
        %add3A_714 = arith.addf %add3A_668, %get3A_713 : vector<16xf32>
        %mul3A_715 = arith.constant 8 : i32
        %mul3A_716 = arith.muli %scan3A_615, %mul3A_715 : i32
        %add3A_717 = arith.constant 96 : i32
        %add3A_718 = arith.addi %add3A_717, %mul3A_716 : i32
        %add3A_719 = arith.constant 2 : i32
        %add3A_720 = arith.addi %add3A_718, %add3A_719 : i32
        %get3A_721 = arith.index_cast %add3A_720 : i32 to index
        %get3A_722 = arith.constant 0 : index
        %get3A_723 = tpu.vector_load %arg8[%get3A_721, %get3A_722] {strides = array<i32>} : memref<128x128xf32, #tpu.memory_space<vmem>>, vector<1x16xf32>,
        %get3A_724 = vector.shape_cast %get3A_723 : vector<1x16xf32> to vector<16xf32>
        %add3A_725 = arith.addf %add3A_679, %get3A_724 : vector<16xf32>
        %get3A_726 = arith.index_cast %add3A_720 : i32 to index
        %get3A_727 = arith.constant 16 : index
        %get3A_728 = tpu.vector_load %arg8[%get3A_726, %get3A_727] {strides = array<i32>} : memref<128x128xf32, #tpu.memory_space<vmem>>, vector<1x16xf32>,
        %get3A_729 = vector.shape_cast %get3A_728 : vector<1x16xf32> to vector<16xf32>
        %add3A_730 = arith.addf %add3A_684, %get3A_729 : vector<16xf32>
        %get3A_731 = arith.index_cast %add3A_720 : i32 to index
        %get3A_732 = arith.constant 32 : index
        %get3A_733 = tpu.vector_load %arg8[%get3A_731, %get3A_732] {strides = array<i32>} : memref<128x128xf32, #tpu.memory_space<vmem>>, vector<1x16xf32>,
        %get3A_734 = vector.shape_cast %get3A_733 : vector<1x16xf32> to vector<16xf32>
        %add3A_735 = arith.addf %add3A_689, %get3A_734 : vector<16xf32>
        %get3A_736 = arith.index_cast %add3A_720 : i32 to index
        %get3A_737 = arith.constant 48 : index
        %get3A_738 = tpu.vector_load %arg8[%get3A_736, %get3A_737] {strides = array<i32>} : memref<128x128xf32, #tpu.memory_space<vmem>>, vector<1x16xf32>,
        %get3A_739 = vector.shape_cast %get3A_738 : vector<1x16xf32> to vector<16xf32>
        %add3A_740 = arith.addf %add3A_694, %get3A_739 : vector<16xf32>
        %get3A_741 = arith.index_cast %add3A_720 : i32 to index
        %get3A_742 = arith.constant 64 : index
        %get3A_743 = tpu.vector_load %arg8[%get3A_741, %get3A_742] {strides = array<i32>} : memref<128x128xf32, #tpu.memory_space<vmem>>, vector<1x16xf32>,
        %get3A_744 = vector.shape_cast %get3A_743 : vector<1x16xf32> to vector<16xf32>
        %add3A_745 = arith.addf %add3A_699, %get3A_744 : vector<16xf32>
        %get3A_746 = arith.index_cast %add3A_720 : i32 to index
        %get3A_747 = arith.constant 80 : index
        %get3A_748 = tpu.vector_load %arg8[%get3A_746, %get3A_747] {strides = array<i32>} : memref<128x128xf32, #tpu.memory_space<vmem>>, vector<1x16xf32>,
        %get3A_749 = vector.shape_cast %get3A_748 : vector<1x16xf32> to vector<16xf32>
        %add3A_750 = arith.addf %add3A_704, %get3A_749 : vector<16xf32>
        %get3A_751 = arith.index_cast %add3A_720 : i32 to index
        %get3A_752 = arith.constant 96 : index
        %get3A_753 = tpu.vector_load %arg8[%get3A_751, %get3A_752] {strides = array<i32>} : memref<128x128xf32, #tpu.memory_space<vmem>>, vector<1x16xf32>,
        %get3A_754 = vector.shape_cast %get3A_753 : vector<1x16xf32> to vector<16xf32>
        %add3A_755 = arith.addf %add3A_709, %get3A_754 : vector<16xf32>
        %get3A_756 = arith.index_cast %add3A_720 : i32 to index
        %get3A_757 = arith.constant 112 : index
        %get3A_758 = tpu.vector_load %arg8[%get3A_756, %get3A_757] {strides = array<i32>} : memref<128x128xf32, #tpu.memory_space<vmem>>, vector<1x16xf32>,
        %get3A_759 = vector.shape_cast %get3A_758 : vector<1x16xf32> to vector<16xf32>
        %add3A_760 = arith.addf %add3A_714, %get3A_759 : vector<16xf32>
        %mul3A_761 = arith.constant 8 : i32
        %mul3A_762 = arith.muli %scan3A_615, %mul3A_761 : i32
        %add3A_763 = arith.constant 96 : i32
        %add3A_764 = arith.addi %add3A_763, %mul3A_762 : i32
        %add3A_765 = arith.constant 3 : i32
        %add3A_766 = arith.addi %add3A_764, %add3A_765 : i32
        %get3A_767 = arith.index_cast %add3A_766 : i32 to index
        %get3A_768 = arith.constant 0 : index
        %get3A_769 = tpu.vector_load %arg8[%get3A_767, %get3A_768] {strides = array<i32>} : memref<128x128xf32, #tpu.memory_space<vmem>>, vector<1x16xf32>,
        %get3A_770 = vector.shape_cast %get3A_769 : vector<1x16xf32> to vector<16xf32>
        %add3A_771 = arith.addf %add3A_725, %get3A_770 : vector<16xf32>
        %get3A_772 = arith.index_cast %add3A_766 : i32 to index
        %get3A_773 = arith.constant 16 : index
        %get3A_774 = tpu.vector_load %arg8[%get3A_772, %get3A_773] {strides = array<i32>} : memref<128x128xf32, #tpu.memory_space<vmem>>, vector<1x16xf32>,
        %get3A_775 = vector.shape_cast %get3A_774 : vector<1x16xf32> to vector<16xf32>
        %add3A_776 = arith.addf %add3A_730, %get3A_775 : vector<16xf32>
        %get3A_777 = arith.index_cast %add3A_766 : i32 to index
        %get3A_778 = arith.constant 32 : index
        %get3A_779 = tpu.vector_load %arg8[%get3A_777, %get3A_778] {strides = array<i32>} : memref<128x128xf32, #tpu.memory_space<vmem>>, vector<1x16xf32>,
        %get3A_780 = vector.shape_cast %get3A_779 : vector<1x16xf32> to vector<16xf32>
        %add3A_781 = arith.addf %add3A_735, %get3A_780 : vector<16xf32>
        %get3A_782 = arith.index_cast %add3A_766 : i32 to index
        %get3A_783 = arith.constant 48 : index
        %get3A_784 = tpu.vector_load %arg8[%get3A_782, %get3A_783] {strides = array<i32>} : memref<128x128xf32, #tpu.memory_space<vmem>>, vector<1x16xf32>,
        %get3A_785 = vector.shape_cast %get3A_784 : vector<1x16xf32> to vector<16xf32>
        %add3A_786 = arith.addf %add3A_740, %get3A_785 : vector<16xf32>
        %get3A_787 = arith.index_cast %add3A_766 : i32 to index
        %get3A_788 = arith.constant 64 : index
        %get3A_789 = tpu.vector_load %arg8[%get3A_787, %get3A_788] {strides = array<i32>} : memref<128x128xf32, #tpu.memory_space<vmem>>, vector<1x16xf32>,
        %get3A_790 = vector.shape_cast %get3A_789 : vector<1x16xf32> to vector<16xf32>
        %add3A_791 = arith.addf %add3A_745, %get3A_790 : vector<16xf32>
        %get3A_792 = arith.index_cast %add3A_766 : i32 to index
        %get3A_793 = arith.constant 80 : index
        %get3A_794 = tpu.vector_load %arg8[%get3A_792, %get3A_793] {strides = array<i32>} : memref<128x128xf32, #tpu.memory_space<vmem>>, vector<1x16xf32>,
        %get3A_795 = vector.shape_cast %get3A_794 : vector<1x16xf32> to vector<16xf32>
        %add3A_796 = arith.addf %add3A_750, %get3A_795 : vector<16xf32>
        %get3A_797 = arith.index_cast %add3A_766 : i32 to index
        %get3A_798 = arith.constant 96 : index
        %get3A_799 = tpu.vector_load %arg8[%get3A_797, %get3A_798] {strides = array<i32>} : memref<128x128xf32, #tpu.memory_space<vmem>>, vector<1x16xf32>,
        %get3A_800 = vector.shape_cast %get3A_799 : vector<1x16xf32> to vector<16xf32>
        %add3A_801 = arith.addf %add3A_755, %get3A_800 : vector<16xf32>
        %get3A_802 = arith.index_cast %add3A_766 : i32 to index
        %get3A_803 = arith.constant 112 : index
        %get3A_804 = tpu.vector_load %arg8[%get3A_802, %get3A_803] {strides = array<i32>} : memref<128x128xf32, #tpu.memory_space<vmem>>, vector<1x16xf32>,
        %get3A_805 = vector.shape_cast %get3A_804 : vector<1x16xf32> to vector<16xf32>
        %add3A_806 = arith.addf %add3A_760, %get3A_805 : vector<16xf32>
        %mul3A_807 = arith.constant 8 : i32
        %mul3A_808 = arith.muli %scan3A_615, %mul3A_807 : i32
        %add3A_809 = arith.constant 96 : i32
        %add3A_810 = arith.addi %add3A_809, %mul3A_808 : i32
        %add3A_811 = arith.constant 4 : i32
        %add3A_812 = arith.addi %add3A_810, %add3A_811 : i32
        %get3A_813 = arith.index_cast %add3A_812 : i32 to index
        %get3A_814 = arith.constant 0 : index
        %get3A_815 = tpu.vector_load %arg8[%get3A_813, %get3A_814] {strides = array<i32>} : memref<128x128xf32, #tpu.memory_space<vmem>>, vector<1x16xf32>,
        %get3A_816 = vector.shape_cast %get3A_815 : vector<1x16xf32> to vector<16xf32>
        %add3A_817 = arith.addf %add3A_771, %get3A_816 : vector<16xf32>
        %get3A_818 = arith.index_cast %add3A_812 : i32 to index
        %get3A_819 = arith.constant 16 : index
        %get3A_820 = tpu.vector_load %arg8[%get3A_818, %get3A_819] {strides = array<i32>} : memref<128x128xf32, #tpu.memory_space<vmem>>, vector<1x16xf32>,
        %get3A_821 = vector.shape_cast %get3A_820 : vector<1x16xf32> to vector<16xf32>
        %add3A_822 = arith.addf %add3A_776, %get3A_821 : vector<16xf32>
        %get3A_823 = arith.index_cast %add3A_812 : i32 to index
        %get3A_824 = arith.constant 32 : index
        %get3A_825 = tpu.vector_load %arg8[%get3A_823, %get3A_824] {strides = array<i32>} : memref<128x128xf32, #tpu.memory_space<vmem>>, vector<1x16xf32>,
        %get3A_826 = vector.shape_cast %get3A_825 : vector<1x16xf32> to vector<16xf32>
        %add3A_827 = arith.addf %add3A_781, %get3A_826 : vector<16xf32>
        %get3A_828 = arith.index_cast %add3A_812 : i32 to index
        %get3A_829 = arith.constant 48 : index
        %get3A_830 = tpu.vector_load %arg8[%get3A_828, %get3A_829] {strides = array<i32>} : memref<128x128xf32, #tpu.memory_space<vmem>>, vector<1x16xf32>,
        %get3A_831 = vector.shape_cast %get3A_830 : vector<1x16xf32> to vector<16xf32>
        %add3A_832 = arith.addf %add3A_786, %get3A_831 : vector<16xf32>
        %get3A_833 = arith.index_cast %add3A_812 : i32 to index
        %get3A_834 = arith.constant 64 : index
        %get3A_835 = tpu.vector_load %arg8[%get3A_833, %get3A_834] {strides = array<i32>} : memref<128x128xf32, #tpu.memory_space<vmem>>, vector<1x16xf32>,
        %get3A_836 = vector.shape_cast %get3A_835 : vector<1x16xf32> to vector<16xf32>
        %add3A_837 = arith.addf %add3A_791, %get3A_836 : vector<16xf32>
        %get3A_838 = arith.index_cast %add3A_812 : i32 to index
        %get3A_839 = arith.constant 80 : index
        %get3A_840 = tpu.vector_load %arg8[%get3A_838, %get3A_839] {strides = array<i32>} : memref<128x128xf32, #tpu.memory_space<vmem>>, vector<1x16xf32>,
        %get3A_841 = vector.shape_cast %get3A_840 : vector<1x16xf32> to vector<16xf32>
        %add3A_842 = arith.addf %add3A_796, %get3A_841 : vector<16xf32>
        %get3A_843 = arith.index_cast %add3A_812 : i32 to index
        %get3A_844 = arith.constant 96 : index
        %get3A_845 = tpu.vector_load %arg8[%get3A_843, %get3A_844] {strides = array<i32>} : memref<128x128xf32, #tpu.memory_space<vmem>>, vector<1x16xf32>,
        %get3A_846 = vector.shape_cast %get3A_845 : vector<1x16xf32> to vector<16xf32>
        %add3A_847 = arith.addf %add3A_801, %get3A_846 : vector<16xf32>
        %get3A_848 = arith.index_cast %add3A_812 : i32 to index
        %get3A_849 = arith.constant 112 : index
        %get3A_850 = tpu.vector_load %arg8[%get3A_848, %get3A_849] {strides = array<i32>} : memref<128x128xf32, #tpu.memory_space<vmem>>, vector<1x16xf32>,
        %get3A_851 = vector.shape_cast %get3A_850 : vector<1x16xf32> to vector<16xf32>
        %add3A_852 = arith.addf %add3A_806, %get3A_851 : vector<16xf32>
        %mul3A_853 = arith.constant 8 : i32
        %mul3A_854 = arith.muli %scan3A_615, %mul3A_853 : i32
        %add3A_855 = arith.constant 96 : i32
        %add3A_856 = arith.addi %add3A_855, %mul3A_854 : i32
        %add3A_857 = arith.constant 5 : i32
        %add3A_858 = arith.addi %add3A_856, %add3A_857 : i32
        %get3A_859 = arith.index_cast %add3A_858 : i32 to index
        %get3A_860 = arith.constant 0 : index
        %get3A_861 = tpu.vector_load %arg8[%get3A_859, %get3A_860] {strides = array<i32>} : memref<128x128xf32, #tpu.memory_space<vmem>>, vector<1x16xf32>,
        %get3A_862 = vector.shape_cast %get3A_861 : vector<1x16xf32> to vector<16xf32>
        %add3A_863 = arith.addf %add3A_817, %get3A_862 : vector<16xf32>
        %get3A_864 = arith.index_cast %add3A_858 : i32 to index
        %get3A_865 = arith.constant 16 : index
        %get3A_866 = tpu.vector_load %arg8[%get3A_864, %get3A_865] {strides = array<i32>} : memref<128x128xf32, #tpu.memory_space<vmem>>, vector<1x16xf32>,
        %get3A_867 = vector.shape_cast %get3A_866 : vector<1x16xf32> to vector<16xf32>
        %add3A_868 = arith.addf %add3A_822, %get3A_867 : vector<16xf32>
        %get3A_869 = arith.index_cast %add3A_858 : i32 to index
        %get3A_870 = arith.constant 32 : index
        %get3A_871 = tpu.vector_load %arg8[%get3A_869, %get3A_870] {strides = array<i32>} : memref<128x128xf32, #tpu.memory_space<vmem>>, vector<1x16xf32>,
        %get3A_872 = vector.shape_cast %get3A_871 : vector<1x16xf32> to vector<16xf32>
        %add3A_873 = arith.addf %add3A_827, %get3A_872 : vector<16xf32>
        %get3A_874 = arith.index_cast %add3A_858 : i32 to index
        %get3A_875 = arith.constant 48 : index
        %get3A_876 = tpu.vector_load %arg8[%get3A_874, %get3A_875] {strides = array<i32>} : memref<128x128xf32, #tpu.memory_space<vmem>>, vector<1x16xf32>,
        %get3A_877 = vector.shape_cast %get3A_876 : vector<1x16xf32> to vector<16xf32>
        %add3A_878 = arith.addf %add3A_832, %get3A_877 : vector<16xf32>
        %get3A_879 = arith.index_cast %add3A_858 : i32 to index
        %get3A_880 = arith.constant 64 : index
        %get3A_881 = tpu.vector_load %arg8[%get3A_879, %get3A_880] {strides = array<i32>} : memref<128x128xf32, #tpu.memory_space<vmem>>, vector<1x16xf32>,
        %get3A_882 = vector.shape_cast %get3A_881 : vector<1x16xf32> to vector<16xf32>
        %add3A_883 = arith.addf %add3A_837, %get3A_882 : vector<16xf32>
        %get3A_884 = arith.index_cast %add3A_858 : i32 to index
        %get3A_885 = arith.constant 80 : index
        %get3A_886 = tpu.vector_load %arg8[%get3A_884, %get3A_885] {strides = array<i32>} : memref<128x128xf32, #tpu.memory_space<vmem>>, vector<1x16xf32>,
        %get3A_887 = vector.shape_cast %get3A_886 : vector<1x16xf32> to vector<16xf32>
        %add3A_888 = arith.addf %add3A_842, %get3A_887 : vector<16xf32>
        %get3A_889 = arith.index_cast %add3A_858 : i32 to index
        %get3A_890 = arith.constant 96 : index
        %get3A_891 = tpu.vector_load %arg8[%get3A_889, %get3A_890] {strides = array<i32>} : memref<128x128xf32, #tpu.memory_space<vmem>>, vector<1x16xf32>,
        %get3A_892 = vector.shape_cast %get3A_891 : vector<1x16xf32> to vector<16xf32>
        %add3A_893 = arith.addf %add3A_847, %get3A_892 : vector<16xf32>
        %get3A_894 = arith.index_cast %add3A_858 : i32 to index
        %get3A_895 = arith.constant 112 : index
        %get3A_896 = tpu.vector_load %arg8[%get3A_894, %get3A_895] {strides = array<i32>} : memref<128x128xf32, #tpu.memory_space<vmem>>, vector<1x16xf32>,
        %get3A_897 = vector.shape_cast %get3A_896 : vector<1x16xf32> to vector<16xf32>
        %add3A_898 = arith.addf %add3A_852, %get3A_897 : vector<16xf32>
        %mul3A_899 = arith.constant 8 : i32
        %mul3A_900 = arith.muli %scan3A_615, %mul3A_899 : i32
        %add3A_901 = arith.constant 96 : i32
        %add3A_902 = arith.addi %add3A_901, %mul3A_900 : i32
        %add3A_903 = arith.constant 6 : i32
        %add3A_904 = arith.addi %add3A_902, %add3A_903 : i32
        %get3A_905 = arith.index_cast %add3A_904 : i32 to index
        %get3A_906 = arith.constant 0 : index
        %get3A_907 = tpu.vector_load %arg8[%get3A_905, %get3A_906] {strides = array<i32>} : memref<128x128xf32, #tpu.memory_space<vmem>>, vector<1x16xf32>,
        %get3A_908 = vector.shape_cast %get3A_907 : vector<1x16xf32> to vector<16xf32>
        %add3A_909 = arith.addf %add3A_863, %get3A_908 : vector<16xf32>
        %get3A_910 = arith.index_cast %add3A_904 : i32 to index
        %get3A_911 = arith.constant 16 : index
        %get3A_912 = tpu.vector_load %arg8[%get3A_910, %get3A_911] {strides = array<i32>} : memref<128x128xf32, #tpu.memory_space<vmem>>, vector<1x16xf32>,
        %get3A_913 = vector.shape_cast %get3A_912 : vector<1x16xf32> to vector<16xf32>
        %add3A_914 = arith.addf %add3A_868, %get3A_913 : vector<16xf32>
        %get3A_915 = arith.index_cast %add3A_904 : i32 to index
        %get3A_916 = arith.constant 32 : index
        %get3A_917 = tpu.vector_load %arg8[%get3A_915, %get3A_916] {strides = array<i32>} : memref<128x128xf32, #tpu.memory_space<vmem>>, vector<1x16xf32>,
        %get3A_918 = vector.shape_cast %get3A_917 : vector<1x16xf32> to vector<16xf32>
        %add3A_919 = arith.addf %add3A_873, %get3A_918 : vector<16xf32>
        %get3A_920 = arith.index_cast %add3A_904 : i32 to index
        %get3A_921 = arith.constant 48 : index
        %get3A_922 = tpu.vector_load %arg8[%get3A_920, %get3A_921] {strides = array<i32>} : memref<128x128xf32, #tpu.memory_space<vmem>>, vector<1x16xf32>,
        %get3A_923 = vector.shape_cast %get3A_922 : vector<1x16xf32> to vector<16xf32>
        %add3A_924 = arith.addf %add3A_878, %get3A_923 : vector<16xf32>
        %get3A_925 = arith.index_cast %add3A_904 : i32 to index
        %get3A_926 = arith.constant 64 : index
        %get3A_927 = tpu.vector_load %arg8[%get3A_925, %get3A_926] {strides = array<i32>} : memref<128x128xf32, #tpu.memory_space<vmem>>, vector<1x16xf32>,
        %get3A_928 = vector.shape_cast %get3A_927 : vector<1x16xf32> to vector<16xf32>
        %add3A_929 = arith.addf %add3A_883, %get3A_928 : vector<16xf32>
        %get3A_930 = arith.index_cast %add3A_904 : i32 to index
        %get3A_931 = arith.constant 80 : index
        %get3A_932 = tpu.vector_load %arg8[%get3A_930, %get3A_931] {strides = array<i32>} : memref<128x128xf32, #tpu.memory_space<vmem>>, vector<1x16xf32>,
        %get3A_933 = vector.shape_cast %get3A_932 : vector<1x16xf32> to vector<16xf32>
        %add3A_934 = arith.addf %add3A_888, %get3A_933 : vector<16xf32>
        %get3A_935 = arith.index_cast %add3A_904 : i32 to index
        %get3A_936 = arith.constant 96 : index
        %get3A_937 = tpu.vector_load %arg8[%get3A_935, %get3A_936] {strides = array<i32>} : memref<128x128xf32, #tpu.memory_space<vmem>>, vector<1x16xf32>,
        %get3A_938 = vector.shape_cast %get3A_937 : vector<1x16xf32> to vector<16xf32>
        %add3A_939 = arith.addf %add3A_893, %get3A_938 : vector<16xf32>
        %get3A_940 = arith.index_cast %add3A_904 : i32 to index
        %get3A_941 = arith.constant 112 : index
        %get3A_942 = tpu.vector_load %arg8[%get3A_940, %get3A_941] {strides = array<i32>} : memref<128x128xf32, #tpu.memory_space<vmem>>, vector<1x16xf32>,
        %get3A_943 = vector.shape_cast %get3A_942 : vector<1x16xf32> to vector<16xf32>
        %add3A_944 = arith.addf %add3A_898, %get3A_943 : vector<16xf32>
        %mul3A_945 = arith.constant 8 : i32
        %mul3A_946 = arith.muli %scan3A_615, %mul3A_945 : i32
        %add3A_947 = arith.constant 96 : i32
        %add3A_948 = arith.addi %add3A_947, %mul3A_946 : i32
        %add3A_949 = arith.constant 7 : i32
        %add3A_950 = arith.addi %add3A_948, %add3A_949 : i32
        %get3A_951 = arith.index_cast %add3A_950 : i32 to index
        %get3A_952 = arith.constant 0 : index
        %get3A_953 = tpu.vector_load %arg8[%get3A_951, %get3A_952] {strides = array<i32>} : memref<128x128xf32, #tpu.memory_space<vmem>>, vector<1x16xf32>,
        %get3A_954 = vector.shape_cast %get3A_953 : vector<1x16xf32> to vector<16xf32>
        %add3A_955 = arith.addf %add3A_909, %get3A_954 : vector<16xf32>
        %get3A_956 = arith.index_cast %add3A_950 : i32 to index
        %get3A_957 = arith.constant 16 : index
        %get3A_958 = tpu.vector_load %arg8[%get3A_956, %get3A_957] {strides = array<i32>} : memref<128x128xf32, #tpu.memory_space<vmem>>, vector<1x16xf32>,
        %get3A_959 = vector.shape_cast %get3A_958 : vector<1x16xf32> to vector<16xf32>
        %add3A_960 = arith.addf %add3A_914, %get3A_959 : vector<16xf32>
        %get3A_961 = arith.index_cast %add3A_950 : i32 to index
        %get3A_962 = arith.constant 32 : index
        %get3A_963 = tpu.vector_load %arg8[%get3A_961, %get3A_962] {strides = array<i32>} : memref<128x128xf32, #tpu.memory_space<vmem>>, vector<1x16xf32>,
        %get3A_964 = vector.shape_cast %get3A_963 : vector<1x16xf32> to vector<16xf32>
        %add3A_965 = arith.addf %add3A_919, %get3A_964 : vector<16xf32>
        %get3A_966 = arith.index_cast %add3A_950 : i32 to index
        %get3A_967 = arith.constant 48 : index
        %get3A_968 = tpu.vector_load %arg8[%get3A_966, %get3A_967] {strides = array<i32>} : memref<128x128xf32, #tpu.memory_space<vmem>>, vector<1x16xf32>,
        %get3A_969 = vector.shape_cast %get3A_968 : vector<1x16xf32> to vector<16xf32>
        %add3A_970 = arith.addf %add3A_924, %get3A_969 : vector<16xf32>
        %get3A_971 = arith.index_cast %add3A_950 : i32 to index
        %get3A_972 = arith.constant 64 : index
        %get3A_973 = tpu.vector_load %arg8[%get3A_971, %get3A_972] {strides = array<i32>} : memref<128x128xf32, #tpu.memory_space<vmem>>, vector<1x16xf32>,
        %get3A_974 = vector.shape_cast %get3A_973 : vector<1x16xf32> to vector<16xf32>
        %add3A_975 = arith.addf %add3A_929, %get3A_974 : vector<16xf32>
        %get3A_976 = arith.index_cast %add3A_950 : i32 to index
        %get3A_977 = arith.constant 80 : index
        %get3A_978 = tpu.vector_load %arg8[%get3A_976, %get3A_977] {strides = array<i32>} : memref<128x128xf32, #tpu.memory_space<vmem>>, vector<1x16xf32>,
        %get3A_979 = vector.shape_cast %get3A_978 : vector<1x16xf32> to vector<16xf32>
        %add3A_980 = arith.addf %add3A_934, %get3A_979 : vector<16xf32>
        %get3A_981 = arith.index_cast %add3A_950 : i32 to index
        %get3A_982 = arith.constant 96 : index
        %get3A_983 = tpu.vector_load %arg8[%get3A_981, %get3A_982] {strides = array<i32>} : memref<128x128xf32, #tpu.memory_space<vmem>>, vector<1x16xf32>,
        %get3A_984 = vector.shape_cast %get3A_983 : vector<1x16xf32> to vector<16xf32>
        %add3A_985 = arith.addf %add3A_939, %get3A_984 : vector<16xf32>
        %get3A_986 = arith.index_cast %add3A_950 : i32 to index
        %get3A_987 = arith.constant 112 : index
        %get3A_988 = tpu.vector_load %arg8[%get3A_986, %get3A_987] {strides = array<i32>} : memref<128x128xf32, #tpu.memory_space<vmem>>, vector<1x16xf32>,
        %get3A_989 = vector.shape_cast %get3A_988 : vector<1x16xf32> to vector<16xf32>
        %add3A_990 = arith.addf %add3A_944, %get3A_989 : vector<16xf32>
        scf.yield %add3A_955, %add3A_960, %add3A_965, %add3A_970, %add3A_975, %add3A_980, %add3A_985, %add3A_990 : vector<16xf32>, vector<16xf32>, vector<16xf32>, vector<16xf32>, vector<16xf32>, vector<16xf32>, vector<16xf32>, vector<16xf32>
      }
      %scan3A_562 = arith.constant 4 : i32
      %swap3A_563 = arith.constant 7 : i32
      %swap3A_564 = arith.index_cast %swap3A_563 : i32 to index
      %swap3A_565 = arith.constant 0 : index
      %swap3A_566 = tpu.vector_load %arg9[%swap3A_564, %swap3A_565] {strides = array<i32>} : memref<8x128xf32, #tpu.memory_space<vmem>>, vector<1x16xf32>,
      %swap3A_567 = vector.shape_cast %swap3A_566 : vector<1x16xf32> to vector<16xf32>
      %swap3A_568 = vector.shape_cast %scan3A_561#0 : vector<16xf32> to vector<1x16xf32>
      tpu.vector_store %arg9[%swap3A_564, %swap3A_565], %swap3A_568 {strides = array<i32>} : memref<8x128xf32, #tpu.memory_space<vmem>>, vector<1x16xf32>,
      %swap3A_569 = arith.constant 7 : i32
      %swap3A_570 = arith.index_cast %swap3A_569 : i32 to index
      %swap3A_571 = arith.constant 16 : index
      %swap3A_572 = tpu.vector_load %arg9[%swap3A_570, %swap3A_571] {strides = array<i32>} : memref<8x128xf32, #tpu.memory_space<vmem>>, vector<1x16xf32>,
      %swap3A_573 = vector.shape_cast %swap3A_572 : vector<1x16xf32> to vector<16xf32>
      %swap3A_574 = vector.shape_cast %scan3A_561#1 : vector<16xf32> to vector<1x16xf32>
      tpu.vector_store %arg9[%swap3A_570, %swap3A_571], %swap3A_574 {strides = array<i32>} : memref<8x128xf32, #tpu.memory_space<vmem>>, vector<1x16xf32>,
      %swap3A_575 = arith.constant 7 : i32
      %swap3A_576 = arith.index_cast %swap3A_575 : i32 to index
      %swap3A_577 = arith.constant 32 : index
      %swap3A_578 = tpu.vector_load %arg9[%swap3A_576, %swap3A_577] {strides = array<i32>} : memref<8x128xf32, #tpu.memory_space<vmem>>, vector<1x16xf32>,
      %swap3A_579 = vector.shape_cast %swap3A_578 : vector<1x16xf32> to vector<16xf32>
      %swap3A_580 = vector.shape_cast %scan3A_561#2 : vector<16xf32> to vector<1x16xf32>
      tpu.vector_store %arg9[%swap3A_576, %swap3A_577], %swap3A_580 {strides = array<i32>} : memref<8x128xf32, #tpu.memory_space<vmem>>, vector<1x16xf32>,
      %swap3A_581 = arith.constant 7 : i32
      %swap3A_582 = arith.index_cast %swap3A_581 : i32 to index
      %swap3A_583 = arith.constant 48 : index
      %swap3A_584 = tpu.vector_load %arg9[%swap3A_582, %swap3A_583] {strides = array<i32>} : memref<8x128xf32, #tpu.memory_space<vmem>>, vector<1x16xf32>,
      %swap3A_585 = vector.shape_cast %swap3A_584 : vector<1x16xf32> to vector<16xf32>
      %swap3A_586 = vector.shape_cast %scan3A_561#3 : vector<16xf32> to vector<1x16xf32>
      tpu.vector_store %arg9[%swap3A_582, %swap3A_583], %swap3A_586 {strides = array<i32>} : memref<8x128xf32, #tpu.memory_space<vmem>>, vector<1x16xf32>,
      %swap3A_587 = arith.constant 7 : i32
      %swap3A_588 = arith.index_cast %swap3A_587 : i32 to index
      %swap3A_589 = arith.constant 64 : index
      %swap3A_590 = tpu.vector_load %arg9[%swap3A_588, %swap3A_589] {strides = array<i32>} : memref<8x128xf32, #tpu.memory_space<vmem>>, vector<1x16xf32>,
      %swap3A_591 = vector.shape_cast %swap3A_590 : vector<1x16xf32> to vector<16xf32>
      %swap3A_592 = vector.shape_cast %scan3A_561#4 : vector<16xf32> to vector<1x16xf32>
      tpu.vector_store %arg9[%swap3A_588, %swap3A_589], %swap3A_592 {strides = array<i32>} : memref<8x128xf32, #tpu.memory_space<vmem>>, vector<1x16xf32>,
      %swap3A_593 = arith.constant 7 : i32
      %swap3A_594 = arith.index_cast %swap3A_593 : i32 to index
      %swap3A_595 = arith.constant 80 : index
      %swap3A_596 = tpu.vector_load %arg9[%swap3A_594, %swap3A_595] {strides = array<i32>} : memref<8x128xf32, #tpu.memory_space<vmem>>, vector<1x16xf32>,
      %swap3A_597 = vector.shape_cast %swap3A_596 : vector<1x16xf32> to vector<16xf32>
      %swap3A_598 = vector.shape_cast %scan3A_561#5 : vector<16xf32> to vector<1x16xf32>
      tpu.vector_store %arg9[%swap3A_594, %swap3A_595], %swap3A_598 {strides = array<i32>} : memref<8x128xf32, #tpu.memory_space<vmem>>, vector<1x16xf32>,
      %swap3A_599 = arith.constant 7 : i32
      %swap3A_600 = arith.index_cast %swap3A_599 : i32 to index
      %swap3A_601 = arith.constant 96 : index
      %swap3A_602 = tpu.vector_load %arg9[%swap3A_600, %swap3A_601] {strides = array<i32>} : memref<8x128xf32, #tpu.memory_space<vmem>>, vector<1x16xf32>,
      %swap3A_603 = vector.shape_cast %swap3A_602 : vector<1x16xf32> to vector<16xf32>
      %swap3A_604 = vector.shape_cast %scan3A_561#6 : vector<16xf32> to vector<1x16xf32>
      tpu.vector_store %arg9[%swap3A_600, %swap3A_601], %swap3A_604 {strides = array<i32>} : memref<8x128xf32, #tpu.memory_space<vmem>>, vector<1x16xf32>,
      %swap3A_605 = arith.constant 7 : i32
      %swap3A_606 = arith.index_cast %swap3A_605 : i32 to index
      %swap3A_607 = arith.constant 112 : index
      %swap3A_608 = tpu.vector_load %arg9[%swap3A_606, %swap3A_607] {strides = array<i32>} : memref<8x128xf32, #tpu.memory_space<vmem>>, vector<1x16xf32>,
      %swap3A_609 = vector.shape_cast %swap3A_608 : vector<1x16xf32> to vector<16xf32>
      %swap3A_610 = vector.shape_cast %scan3A_561#7 : vector<16xf32> to vector<1x16xf32>
      tpu.vector_store %arg9[%swap3A_606, %swap3A_607], %swap3A_610 {strides = array<i32>} : memref<8x128xf32, #tpu.memory_space<vmem>>, vector<1x16xf32>,
      %mul3A_611 = arith.constant 8 : i32
      %mul3A_612 = arith.muli %scan3A_22, %mul3A_611 : i32
      %add3A_613 = arith.addi %multiple_of3A, %mul3A_612 : i32
      %multiple_of3A_614 = tpu.assume_multiple %add3A_613, 8 : i32
      "tpu.region"() ({
        %run_scoped3A = tpu.sem_alloc : memref<!tpu.dma_semaphore, #tpu.memory_space<semaphore_mem>>
        %dma_start3A_615 = arith.constant 0 : i32
        %dma_start3A_616 = tpu.memref_slice %arg4[%multiple_of3A_614, %dma_start3A_615] : memref<10000x128xf32, #tpu.memory_space<hbm>> -> memref<8x128xf32, #tpu.memory_space<hbm>>
        %dma_start3A_617 = arith.constant 0 : i32
        %dma_start3A_618 = tpu.memref_slice %arg4[%multiple_of3A_614, %dma_start3A_617] : memref<10000x128xf32, #tpu.memory_space<hbm>> -> memref<8x128xf32, #tpu.memory_space<hbm>>
        tpu.enqueue_dma source(%arg9 : memref<8x128xf32, #tpu.memory_space<vmem>>) target(%dma_start3A_618 : memref<8x128xf32, #tpu.memory_space<hbm>>) target_semaphore(%run_scoped3A : memref<!tpu.dma_semaphore, #tpu.memory_space<semaphore_mem>>)
        %dma_wait3A_619 = arith.constant 0 : i32
        %dma_wait3A_620 = tpu.memref_slice %arg4[%multiple_of3A_614, %dma_wait3A_619] : memref<10000x128xf32, #tpu.memory_space<hbm>> -> memref<8x128xf32, #tpu.memory_space<hbm>>
        %dma_wait3A_621 = arith.constant 0 : i32
        %dma_wait3A_622 = tpu.memref_slice %arg4[%multiple_of3A_614, %dma_wait3A_621] : memref<10000x128xf32, #tpu.memory_space<hbm>> -> memref<8x128xf32, #tpu.memory_space<hbm>>
        tpu.wait_dma2 semaphore(%run_scoped3A : memref<!tpu.dma_semaphore, #tpu.memory_space<semaphore_mem>>) src(%arg9 : memref<8x128xf32, #tpu.memory_space<vmem>>) dst(%dma_wait3A_622 : memref<8x128xf32, #tpu.memory_space<hbm>>)
        tpu.yield
      }) : () -> ()
    }
    %scan3A_21 = arith.constant 40 : i32
    return
  }
}

module attributes {stable_mosaic.version = 14 : i64} {
  func.func @body(%arg0: i32, %arg1: memref<400x128xf32, #tpu.memory_space<vmem>>, %arg2: memref<400x128xf32, #tpu.memory_space<vmem>>, %arg3: memref<1x16xi32, #tpu.memory_space<vmem>>, %arg4: memref<1x16xi32, #tpu.memory_space<vmem>>, %arg5: memref<128x128xf32, #tpu.memory_space<vmem>>, %arg6: memref<1x128xf32, #tpu.memory_space<vmem>>, %arg7: memref<128x10xf32, #tpu.memory_space<vmem>>, %arg8: memref<1x10xf32, #tpu.memory_space<vmem>>, %arg9: memref<2x16x10xf32, #tpu.memory_space<vmem>>, %arg10: memref<16x128xf32, #tpu.memory_space<vmem>>, %arg11: memref<16x128xf32, #tpu.memory_space<vmem>>) attributes {dimension_semantics = [#tpu.dimension_semantics<arbitrary>], iteration_bounds = array<i64: 25>, scalar_prefetch = 0 : i64, scratch_operands = 2 : i64, tpu.core_type = #tpu.core_type<tc>, window_params = [{transform_indices = @transform_0, window_bounds = array<i64: 400, 128>}, {transform_indices = @transform_1, window_bounds = array<i64: 400, 128>}, {pipeline_mode = #tpu.pipeline_mode<synchronous>, transform_indices = @transform_2, window_bounds = array<i64: 1, 16>}, {pipeline_mode = #tpu.pipeline_mode<synchronous>, transform_indices = @transform_3, window_bounds = array<i64: 1, 16>}, {pipeline_mode = #tpu.pipeline_mode<synchronous>, transform_indices = @transform_4, window_bounds = array<i64: 128, 128>}, {pipeline_mode = #tpu.pipeline_mode<synchronous>, transform_indices = @transform_5, window_bounds = array<i64: 1, 128>}, {pipeline_mode = #tpu.pipeline_mode<synchronous>, transform_indices = @transform_6, window_bounds = array<i64: 128, 10>}, {pipeline_mode = #tpu.pipeline_mode<synchronous>, transform_indices = @transform_7, window_bounds = array<i64: 1, 10>}, {pipeline_mode = #tpu.pipeline_mode<synchronous>, transform_indices = @transform_8, window_bounds = array<i64: 2, 16, 10>}]} {
    %eq3A = arith.constant 0 : i32
    %eq3A_0 = arith.cmpi eq, %arg0, %eq3A : i32
    %convert_element_type3A = arith.extui %eq3A_0 : i1 to i32
    %cond3A = arith.constant 0 : i32
    %cond3A_1 = arith.cmpi ne, %convert_element_type3A, %cond3A : i32
    scf.if %cond3A_1 {
      %broadcast_in_dim3A = arith.constant 0.000000e+00 : f32
      %broadcast_in_dim3A_53 = vector.broadcast %broadcast_in_dim3A : f32 to vector<16x128xf32>
      %swap3A_54 = arith.constant 0 : index
      %swap3A_55 = arith.constant 0 : index
      %swap3A_56 = vector.load %arg10[%swap3A_54, %swap3A_55] : memref<16x128xf32, #tpu.memory_space<vmem>>, vector<16x128xf32>
      tpu.vector_store %arg10[%swap3A_54, %swap3A_55], %broadcast_in_dim3A_53 {strides = array<i32>} : memref<16x128xf32, #tpu.memory_space<vmem>>, vector<16x128xf32>,
      %broadcast_in_dim3A_57 = arith.constant 0.000000e+00 : f32
      %broadcast_in_dim3A_58 = vector.broadcast %broadcast_in_dim3A_57 : f32 to vector<16x128xf32>
      %swap3A_59 = arith.constant 0 : index
      %swap3A_60 = arith.constant 0 : index
      %swap3A_61 = vector.load %arg11[%swap3A_59, %swap3A_60] : memref<16x128xf32, #tpu.memory_space<vmem>>, vector<16x128xf32>
      tpu.vector_store %arg11[%swap3A_59, %swap3A_60], %broadcast_in_dim3A_58 {strides = array<i32>} : memref<16x128xf32, #tpu.memory_space<vmem>>, vector<16x128xf32>,
    } else {
    }
    %get3A = arith.constant 0 : index
    %get3A_2 = arith.constant 0 : index
    %get3A_3 = vector.load %arg1[%get3A, %get3A_2] : memref<400x128xf32, #tpu.memory_space<vmem>>, vector<400x128xf32>
    %get3A_4 = arith.constant 0 : index
    %get3A_5 = arith.constant 0 : index
    %get3A_6 = vector.load %arg2[%get3A_4, %get3A_5] : memref<400x128xf32, #tpu.memory_space<vmem>>, vector<400x128xf32>
    %add3A = arith.addf %get3A_6, %get3A_3 : vector<400x128xf32>
    %iota3A = tpu.iota {dimensions = array<i32: 0>} : vector<400x16xi32>
    %mul3A = arith.constant 400 : i32
    %mul3A_7 = arith.muli %arg0, %mul3A : i32
    %add3A_8 = vector.broadcast %mul3A_7 : i32 to vector<400x16xi32>
    %add3A_9 = arith.addi %iota3A, %add3A_8 : vector<400x16xi32>
    %get3A_10 = arith.constant 0 : index
    %get3A_11 = arith.constant 0 : index
    %get3A_12 = vector.load %arg3[%get3A_10, %get3A_11] : memref<1x16xi32, #tpu.memory_space<vmem>>, vector<1x16xi32>
    %ge3A = vector.broadcast %get3A_12 : vector<1x16xi32> to vector<400x16xi32>
    %ge3A_13 = arith.cmpi sge, %add3A_9, %ge3A : vector<400x16xi32>
    %get3A_14 = arith.constant 0 : index
    %get3A_15 = arith.constant 0 : index
    %get3A_16 = vector.load %arg4[%get3A_14, %get3A_15] : memref<1x16xi32, #tpu.memory_space<vmem>>, vector<1x16xi32>
    %lt3A = vector.broadcast %get3A_16 : vector<1x16xi32> to vector<400x16xi32>
    %lt3A_17 = arith.cmpi slt, %add3A_9, %lt3A : vector<400x16xi32>
    %and3A = arith.andi %ge3A_13, %lt3A_17 : vector<400x16xi1>
    %convert_element_type3A_18 = arith.extui %and3A : vector<400x16xi1> to vector<400x16xi32>
    %convert_element_type3A_19 = arith.sitofp %convert_element_type3A_18 : vector<400x16xi32> to vector<400x16xf32>
    %get3A_20 = arith.constant 0 : index
    %get3A_21 = arith.constant 0 : index
    %get3A_22 = vector.load %arg5[%get3A_20, %get3A_21] : memref<128x128xf32, #tpu.memory_space<vmem>>, vector<128x128xf32>
    %dot_general3A = arith.constant dense<0.000000e+00> : vector<400x128xf32>
    %dot_general3A_23 = tpu.matmul %add3A, %get3A_22, %dot_general3A {dimension_numbers = #tpu.dot_dimension_numbers<[1], [0], [0], [1], [0, 0, 1, 1], [], []>, precision = #tpu.contract_precision<fp32>, transpose_lhs_hint = false} : vector<400x128xf32>, vector<128x128xf32>, vector<400x128xf32> -> vector<400x128xf32>
    %get3A_24 = arith.constant 0 : index
    %get3A_25 = arith.constant 0 : index
    %get3A_26 = vector.load %arg6[%get3A_24, %get3A_25] : memref<1x128xf32, #tpu.memory_space<vmem>>, vector<1x128xf32>
    %add3A_27 = vector.broadcast %get3A_26 : vector<1x128xf32> to vector<400x128xf32>
    %add3A_28 = arith.addf %dot_general3A_23, %add3A_27 : vector<400x128xf32>
    %max3A = arith.constant 0.000000e+00 : f32
    %max3A_29 = vector.broadcast %max3A : f32 to vector<400x128xf32>
    %max3A_30 = arith.maximumf %add3A_28, %max3A_29 : vector<400x128xf32>
    %get3A_31 = arith.constant 0 : index
    %get3A_32 = arith.constant 0 : index
    %get3A_33 = vector.load %arg10[%get3A_31, %get3A_32] : memref<16x128xf32, #tpu.memory_space<vmem>>, vector<16x128xf32>
    %dot_general3A_34 = arith.constant dense<0.000000e+00> : vector<16x128xf32>
    %dot_general3A_35 = tpu.matmul %convert_element_type3A_19, %get3A_3, %dot_general3A_34 {dimension_numbers = #tpu.dot_dimension_numbers<[0], [0], [1], [1], [0, 1, 1, 1], [], []>, precision = #tpu.contract_precision<fp32>, transpose_lhs_hint = false} : vector<400x16xf32>, vector<400x128xf32>, vector<16x128xf32> -> vector<16x128xf32>
    %add3A_36 = arith.addf %get3A_33, %dot_general3A_35 : vector<16x128xf32>
    %swap3A = arith.constant 0 : index
    %swap3A_37 = arith.constant 0 : index
    %swap3A_38 = vector.load %arg10[%swap3A, %swap3A_37] : memref<16x128xf32, #tpu.memory_space<vmem>>, vector<16x128xf32>
    tpu.vector_store %arg10[%swap3A, %swap3A_37], %add3A_36 {strides = array<i32>} : memref<16x128xf32, #tpu.memory_space<vmem>>, vector<16x128xf32>,
    %get3A_39 = arith.constant 0 : index
    %get3A_40 = arith.constant 0 : index
    %get3A_41 = vector.load %arg11[%get3A_39, %get3A_40] : memref<16x128xf32, #tpu.memory_space<vmem>>, vector<16x128xf32>
    %dot_general3A_42 = arith.constant dense<0.000000e+00> : vector<16x128xf32>
    %dot_general3A_43 = tpu.matmul %convert_element_type3A_19, %max3A_30, %dot_general3A_42 {dimension_numbers = #tpu.dot_dimension_numbers<[0], [0], [1], [1], [0, 1, 1, 1], [], []>, precision = #tpu.contract_precision<fp32>, transpose_lhs_hint = false} : vector<400x16xf32>, vector<400x128xf32>, vector<16x128xf32> -> vector<16x128xf32>
    %add3A_44 = arith.addf %get3A_41, %dot_general3A_43 : vector<16x128xf32>
    %swap3A_45 = arith.constant 0 : index
    %swap3A_46 = arith.constant 0 : index
    %swap3A_47 = vector.load %arg11[%swap3A_45, %swap3A_46] : memref<16x128xf32, #tpu.memory_space<vmem>>, vector<16x128xf32>
    tpu.vector_store %arg11[%swap3A_45, %swap3A_46], %add3A_44 {strides = array<i32>} : memref<16x128xf32, #tpu.memory_space<vmem>>, vector<16x128xf32>,
    %eq3A_48 = arith.constant 24 : i32
    %eq3A_49 = arith.cmpi eq, %arg0, %eq3A_48 : i32
    %convert_element_type3A_50 = arith.extui %eq3A_49 : i1 to i32
    %cond3A_51 = arith.constant 0 : i32
    %cond3A_52 = arith.cmpi ne, %convert_element_type3A_50, %cond3A_51 : i32
    scf.if %cond3A_52 {
      %get3A_53 = arith.constant 0 : index
      %get3A_54 = arith.constant 0 : index
      %get3A_55 = vector.load %arg10[%get3A_53, %get3A_54] : memref<16x128xf32, #tpu.memory_space<vmem>>, vector<16x128xf32>
      %get3A_56 = arith.constant 0 : index
      %get3A_57 = arith.constant 0 : index
      %get3A_58 = vector.load %arg7[%get3A_56, %get3A_57] : memref<128x10xf32, #tpu.memory_space<vmem>>, vector<128x10xf32>
      %dot_general3A_59 = arith.constant dense<0.000000e+00> : vector<16x10xf32>
      %dot_general3A_60 = tpu.matmul %get3A_55, %get3A_58, %dot_general3A_59 {dimension_numbers = #tpu.dot_dimension_numbers<[1], [0], [0], [1], [0, 0, 1, 1], [], []>, precision = #tpu.contract_precision<fp32>, transpose_lhs_hint = false} : vector<16x128xf32>, vector<128x10xf32>, vector<16x10xf32> -> vector<16x10xf32>
      %get3A_61 = arith.constant 0 : index
      %get3A_62 = arith.constant 0 : index
      %get3A_63 = vector.load %arg8[%get3A_61, %get3A_62] : memref<1x10xf32, #tpu.memory_space<vmem>>, vector<1x10xf32>
      %add3A_64 = vector.broadcast %get3A_63 : vector<1x10xf32> to vector<16x10xf32>
      %add3A_65 = arith.addf %dot_general3A_60, %add3A_64 : vector<16x10xf32>
      %get3A_66 = arith.constant 0 : index
      %get3A_67 = arith.constant 0 : index
      %get3A_68 = vector.load %arg11[%get3A_66, %get3A_67] : memref<16x128xf32, #tpu.memory_space<vmem>>, vector<16x128xf32>
      %get3A_69 = arith.constant 0 : index
      %get3A_70 = arith.constant 0 : index
      %get3A_71 = vector.load %arg7[%get3A_69, %get3A_70] : memref<128x10xf32, #tpu.memory_space<vmem>>, vector<128x10xf32>
      %dot_general3A_72 = arith.constant dense<0.000000e+00> : vector<16x10xf32>
      %dot_general3A_73 = tpu.matmul %get3A_68, %get3A_71, %dot_general3A_72 {dimension_numbers = #tpu.dot_dimension_numbers<[1], [0], [0], [1], [0, 0, 1, 1], [], []>, precision = #tpu.contract_precision<fp32>, transpose_lhs_hint = false} : vector<16x128xf32>, vector<128x10xf32>, vector<16x10xf32> -> vector<16x10xf32>
      %get3A_74 = arith.constant 0 : index
      %get3A_75 = arith.constant 0 : index
      %get3A_76 = vector.load %arg8[%get3A_74, %get3A_75] : memref<1x10xf32, #tpu.memory_space<vmem>>, vector<1x10xf32>
      %add3A_77 = vector.broadcast %get3A_76 : vector<1x10xf32> to vector<16x10xf32>
      %add3A_78 = arith.addf %dot_general3A_73, %add3A_77 : vector<16x10xf32>
      %stack3A = vector.shape_cast %add3A_65 : vector<16x10xf32> to vector<1x16x10xf32>
      %stack3A_79 = vector.shape_cast %add3A_78 : vector<16x10xf32> to vector<1x16x10xf32>
      %stack3A_80 = tpu.concatenate %stack3A, %stack3A_79 in 0 : vector<1x16x10xf32>, vector<1x16x10xf32> -> vector<2x16x10xf32>
      %swap3A_81 = arith.constant 0 : index
      %swap3A_82 = arith.constant 0 : index
      %swap3A_83 = arith.constant 0 : index
      %swap3A_84 = vector.load %arg9[%swap3A_81, %swap3A_82, %swap3A_83] : memref<2x16x10xf32, #tpu.memory_space<vmem>>, vector<2x16x10xf32>
      tpu.vector_store %arg9[%swap3A_81, %swap3A_82, %swap3A_83], %stack3A_80 {strides = array<i32>} : memref<2x16x10xf32, #tpu.memory_space<vmem>>, vector<2x16x10xf32>,
    } else {
    }
    return
  }
  func.func @transform_0(%arg0: i32) -> (i32, i32) {
    %c0_i32 = arith.constant 0 : i32
    %c0_i32_0 = arith.constant 0 : i32
    return %arg0, %c0_i32 : i32, i32
  }
  func.func @transform_1(%arg0: i32) -> (i32, i32) {
    %c0_i32 = arith.constant 0 : i32
    %c0_i32_0 = arith.constant 0 : i32
    return %arg0, %c0_i32 : i32, i32
  }
  func.func @transform_2(%arg0: i32) -> (i32, i32) {
    %c0_i32 = arith.constant 0 : i32
    %c0_i32_0 = arith.constant 0 : i32
    %c0_i32_1 = arith.constant 0 : i32
    return %c0_i32, %c0_i32_0 : i32, i32
  }
  func.func @transform_3(%arg0: i32) -> (i32, i32) {
    %c0_i32 = arith.constant 0 : i32
    %c0_i32_0 = arith.constant 0 : i32
    %c0_i32_1 = arith.constant 0 : i32
    return %c0_i32, %c0_i32_0 : i32, i32
  }
  func.func @transform_4(%arg0: i32) -> (i32, i32) {
    %c0_i32 = arith.constant 0 : i32
    %c0_i32_0 = arith.constant 0 : i32
    %c0_i32_1 = arith.constant 0 : i32
    return %c0_i32, %c0_i32_0 : i32, i32
  }
  func.func @transform_5(%arg0: i32) -> (i32, i32) {
    %c0_i32 = arith.constant 0 : i32
    %c0_i32_0 = arith.constant 0 : i32
    %c0_i32_1 = arith.constant 0 : i32
    return %c0_i32, %c0_i32_0 : i32, i32
  }
  func.func @transform_6(%arg0: i32) -> (i32, i32) {
    %c0_i32 = arith.constant 0 : i32
    %c0_i32_0 = arith.constant 0 : i32
    %c0_i32_1 = arith.constant 0 : i32
    return %c0_i32, %c0_i32_0 : i32, i32
  }
  func.func @transform_7(%arg0: i32) -> (i32, i32) {
    %c0_i32 = arith.constant 0 : i32
    %c0_i32_0 = arith.constant 0 : i32
    %c0_i32_1 = arith.constant 0 : i32
    return %c0_i32, %c0_i32_0 : i32, i32
  }
  func.func @transform_8(%arg0: i32) -> (i32, i32, i32) {
    %c0_i32 = arith.constant 0 : i32
    %c0_i32_0 = arith.constant 0 : i32
    %c0_i32_1 = arith.constant 0 : i32
    %c0_i32_2 = arith.constant 0 : i32
    return %c0_i32, %c0_i32_0, %c0_i32_1 : i32, i32, i32
  }
}

</mosaic_0001>

<sc_bundles>
// kernel: kernel.4.cloned.1.call-start
scs
__scs_entry_jumppad:
0x0: {  	(pc) =	sbr.rel $0x88, $3  }
0x1: {  	(tag) =	ssettag $0x0;
	lr =	simm.s32 $0x1  }
0x2: {  	[smem:$0x3F9A] =	sst lr;
	_ =	strace $0xD0000000  }
0x3: {  	_ = 	snop  }
0x4: {  	_ = 	snop  }
0x5: {  	_ = 	snop  }
0x6: {  	_ = 	snop  }
0x7: {  	_ = 	snop  }
__scs_overlays_trampoline_lowered:
0x8: {  	[smem:$0x3FA9] =	sst s0  }
0x9: {  	[smem:$0x3FAA] =	sst s1  }
0xa: {  	[smem:$0x3FAB] =	sst s2  }
0xb: {  	[smem:$0x3FAC] =	sst s3  }
0xc: {  	[smem:$0x3FAD] =	sst s4  }
0xd: {  	[smem:$0x3FAE] =	sst s5  }
0xe: {  	[smem:$0x3FAF] =	sst s6  }
0xf: {  	[smem:$0x3FB0] =	sst s7  }
0x10: {  	[smem:$0x3FB1] =	sst s8  }
0x11: {  	[smem:$0x3FB2] =	sst s9;
	s0 =	simm.s32 @!p0 $0x0  }
0x12: {  	s1 =	sld [smem:$0x3F98];
	s0 =	simm.s32 @p0 $0x1  }
0x13: {  	[smem:$0x3FB3] =	sst s0;
	s0 =	simm.s32 @!p1 $0x0  }
0x14: {  	s2 =	sld [smem:$0x3F97];
	s0 =	simm.s32 @p1 $0x1  }
0x15: {  	[smem:$0x3FB4] =	sst s0;
	s0 =	simm.s32 @!p2 $0x0  }
0x16: {  	s3 =	sld [smem:$0x3FDB];
	s0 =	simm.s32 @p2 $0x1  }
0x17: {  	s4 =	simm.s32 $0x1BF5;
	[smem:$0x3FB6] =	sst s0  }
0x18: {  	s0 =	sld [smem:$0x3F99];
	_ =	swait.ge [sflag:s4], $0x0  }
0x19: {  	s7 =	sld [smem:$0x3F9A]  }
0x1a: {  	s8 =	sadd.s32 $0xFFFFE003, lr  }
0x1b: {  	s9 =	sadd.s32 $0xFFFFFEF7, lr;
	s5 =	simm.s32 $0xFFFFFFFF;
	p2 =	slt.u32 s8, $0xFFFFF086  }
0x1c: {  	p1 =	slt.u32 s9, $0xF7A;
	s5 =	simm.s32 @!p2 $0x0  }
0x1d: {  	s5 =	simm.s32 @p1 $0x1;
	p0 =	seq.s32 s7, s2  }
0x1e: {  	s7 =	smul.u32 @!p0 $0xF7A, s2;
	p2 =	seq.s32 @!p0 s5, $0x0  }
0x1f: {  	s9 =	smul.u32 $0xF7A, s1;
	s8 =	simm.s32 @!p0 $0x1BF5;
	p2 =	por !p2, p0  }
0x20: {  	[sflag:s8] =	ssyncset.s32 @!p0 $0xFFFFF086;
	s6 =	sadd.s32 @!p0 s3, s7;
	s7 =	simm.s32 @!p0 $0x108  }
0x21: {  	s3 =	sadd.s32 s3, s9;
	s6 =	sadd.s32 @!p0 $0x88, s6;
	s7 =	simm.s32 @p2 $0x1082  }
0x22: {  	[simem:s7], [sflag:s8] =	dma.local @!p0 [hbm:s6], $0xF7A  }
0x23: {  	s9 =	sor.u32 $0xD0000000, s2;
	s6 =	simm.s32 $0x108;
	_ =	swait.ge @!p0 [sflag:s8], $0x0  }
0x24: {  	s3 =	sadd.s32 $0x88, s3;
	s6 =	simm.s32 @!p1 $0x1082;
	[sflag:s4] =	ssyncset.s32 $0xFFFFF086  }
0x25: {  	[simem:s6], [sflag:s4] =	dma.local [hbm:s3], $0xF7A  }
0x26: {  	[smem:$0x3F9A] =	sst s1;
	(tag) =	ssettag s2;
	_ =	strace s9  }
0x27: {  	s1 =	sld [smem:$0x3FAA]  }
0x28: {  	s2 =	sld [smem:$0x3FAB]  }
0x29: {  	s4 =	sld [smem:$0x3FAD]  }
0x2a: {  	p0 =	seq.s32 s5, $0x0;
	s5 =	sld [smem:$0x3FAE]  }
0x2b: {  	s6 =	sld [smem:$0x3FAF]  }
0x2c: {  	s7 =	sld [smem:$0x3FB0]  }
0x2d: {  	s3 =	simm.s32 $0x108;
	s8 =	sld [smem:$0x3FB1]  }
0x2e: {  	s3 =	simm.s32 @!p0 $0x1082;
	s9 =	sld [smem:$0x3FB2]  }
0x2f: {  	lr =	sadd.s32 s0, s3;
	s0 =	sld [smem:$0x3FA9]  }
0x30: {  	s3 =	sld [smem:$0x3FAC]  }
0x31: {  	[smem:$0x3FB5] =	sst s10  }
0x32: {  	s10 =	sld [smem:$0x3FB3];
	_ =	sdelay $0x3  }
0x33: {  	p0 =	seq.s32 s10, $0x1;
	s10 =	sld [smem:$0x3FB5];
	_ =	sdelay $0x3  }
0x34: {  	[smem:$0x3FB5] =	sst s10  }
0x35: {  	s10 =	sld [smem:$0x3FB4];
	_ =	sdelay $0x3  }
0x36: {  	p1 =	seq.s32 s10, $0x1;
	s10 =	sld [smem:$0x3FB5];
	_ =	sdelay $0x3  }
0x37: {  	[smem:$0x3FB5] =	sst s10  }
0x38: {  	s10 =	sld [smem:$0x3FB6]  }
0x39: {  	_ = 	snop;
	(pc) =	sbr.ind lr, $3  }
0x3a: {  	_ = 	snop  }
0x3b: {  	_ = 	snop  }
0x3c: {  	p2 =	seq.s32 s10, $0x1;
	s10 =	sld [smem:$0x3FB5]  }
0x3d: {  	_ =	shalt  }
0x3e: {  	_ =	shalt  }
0x3f: {  	_ =	shalt  }
0x40: {  	_ =	shalt  }
0x41: {  	_ =	shalt  }
0x42: {  	_ =	shalt  }
0x43: {  	_ =	shalt  }
0x44: {  	_ =	shalt  }
0x45: {  	_ =	shalt  }
0x46: {  	_ =	shalt  }
0x47: {  	_ =	shalt  }
0x48: {  	_ =	shalt  }
0x49: {  	_ =	shalt  }
0x4a: {  	_ =	shalt  }
0x4b: {  	_ =	shalt  }
0x4c: {  	_ =	shalt  }
0x4d: {  	_ =	shalt  }
0x4e: {  	_ =	shalt  }
0x4f: {  	_ =	shalt  }
0x50: {  	_ =	shalt  }
0x51: {  	_ =	shalt  }
0x52: {  	_ =	shalt  }
0x53: {  	_ =	shalt  }
0x54: {  	_ =	shalt  }
0x55: {  	_ =	shalt  }
0x56: {  	_ =	shalt  }
0x57: {  	_ =	shalt  }
0x58: {  	_ =	shalt  }
0x59: {  	_ =	shalt  }
0x5a: {  	_ =	shalt  }
0x5b: {  	_ =	shalt  }
0x5c: {  	_ =	shalt  }
0x5d: {  	_ =	shalt  }
0x5e: {  	_ =	shalt  }
0x5f: {  	_ =	shalt  }
0x60: {  	_ =	shalt  }
0x61: {  	_ =	shalt  }
0x62: {  	_ =	shalt  }
0x63: {  	_ =	shalt  }
0x64: {  	_ =	shalt  }
0x65: {  	_ =	shalt  }
0x66: {  	_ =	shalt  }
0x67: {  	_ =	shalt  }
0x68: {  	_ =	shalt  }
0x69: {  	_ =	shalt  }
0x6a: {  	_ =	shalt  }
0x6b: {  	_ =	shalt  }
0x6c: {  	_ =	shalt  }
0x6d: {  	_ =	shalt  }
0x6e: {  	_ =	shalt  }
0x6f: {  	_ =	shalt  }
0x70: {  	_ =	shalt  }
0x71: {  	_ =	shalt  }
0x72: {  	_ =	shalt  }
0x73: {  	_ =	shalt  }
0x74: {  	_ =	shalt  }
0x75: {  	_ =	shalt  }
0x76: {  	_ =	shalt  }
0x77: {  	_ =	shalt  }
0x78: {  	_ =	shalt  }
0x79: {  	_ =	shalt  }
0x7a: {  	_ =	shalt  }
0x7b: {  	_ =	shalt  }
0x7c: {  	_ =	shalt  }
0x7d: {  	_ =	shalt  }
0x7e: {  	_ =	shalt  }
0x7f: {  	_ =	shalt  }
0x80: {  	_ =	shalt  }
0x81: {  	_ =	shalt  }
0x82: {  	_ =	shalt  }
0x83: {  	_ =	shalt  }
0x84: {  	_ =	shalt  }
0x85: {  	_ =	shalt  }
0x86: {  	_ =	shalt  }
0x87: {  	_ =	shalt  }
.Lfunc_end0:
.L_simem_size_0:
called_computation_lowered:
.L_overlay_start_0:
0x88: {  	s2 =	sld [smem:$0x3FD9]  }
0x89: {  	s3 =	sld [smem:$0x3FFE];
	_ =	sdelay $0x1  }
0x8a: {  	s1 =	srdreg.scid  }
0x8b: {  	s0 =	sand.u32 $0x1, s1  }
0x8c: {  	s17 =	sshll.u32 s0, $0xA;
	s2 =	sadd.s32 s3, s2  }
0x8d: {  	s2 =	sadd.s32 s2, s17  }
0x8e: {  	[smem:$0x3FC1] =	sst s2  }
0x8f: {  	_ = 	snop  }
0x90: {  	s2 =	sld [smem:$0x3FC9];
	(tm) =	ssettm $0x1  }
0x91: {  	s18 =	sld [smem:$0x3FFB];
	_ =	sdelay $0x3  }
0x92: {  	_ =	strace s18  }
0x93: {  	s3 =	sld [smem:$0x3FFC];
	_ =	sdelay $0x3  }
0x94: {  	_ =	strace s3  }
0x95: {  	s3 =	sld [smem:$0x3FFD];
	_ =	sdelay $0x3  }
0x96: {  	_ =	strace s3  }
0x97: {  	_ =	strace $0x8FFFFFFF  }
0x98: {  	s19 =	sld [smem:$0x3FDB];
	_ =	sdelay $0x1  }
0x99: {  	s4 =	simm.s32 $_scs_section_size  }
0x9a: {  	s5 =	simm.s32 $_size__tile_overlayer_lowered;
	s6 =	simm.s32 $_tile_overlayer_lowered  }
0x9b: {  	s22 =	simm.s32 $0x1BFF;
	s21 =	sshll.u32 s6, $0x1;
	s3 =	sadd.s32 s4, s19  }
0x9c: {  	s7 =	simm.s32 $0x0;
	s20 =	sshll.u32 s5, $0x1;
	s5 =	sadd.s32 s21, s3  }
0x9d: {  	[timem:s7], [sflag:s22] =	dma.local [hbm:s5], s20  }
0x9e: {  	_ =	swait.ge [sflag:s22], s20  }
0x9f: {  	s4 =	ssub.s32 $0x0, s20;
	[sflag:s22] =	ssyncset.done $0x0  }
0xa0: {  	[sflag:s22] =	ssyncadd.s32 s4;
	_ =	sdelay $0x1  }
0xa1: {  	s23 =	simm.s32 $0x1B8B  }
0xa2: {  	_ =	swait.ge [sflag:s23], $0x1  }
0xa3: {  	[sflag:s23] =	ssyncset.done $0x0  }
0xa4: {  	s25 =	simm.s32 $0x1B8E;
	s24 =	sld [smem:$0x3FFE];
	[sflag:s23] =	ssyncadd.s32 $0xFFFFFFFF  }
0xa5: {  	s26 =	simm.s32 $execute0_lowered;
	[smem:$0x3FD2] =	sst s25  }
0xa6: {  	s5 =	sshll.u32 s26, $0x1;
	_ =	strace $0x80000046;
	[dreg:$0x1] =	wrdreg $0xFFFFFFFF  }
0xa7: {  	s28 =	simm.s32 $_size_execute0_lowered;
	s3 =	sadd.s32 s3, s5;
	[dreg:$0x0] =	wrdreg $0x0  }
0xa8: {  	s5 =	sshll.u32 s28, $0x1;
	[dreg:$0x2] =	wrdreg s3  }
0xa9: {  	[dreg:$0x3] =	wrdreg s5  }
0xaa: {  	[dreg:$0x4] =	wrdreg $0xC0  }
0xab: {  	_ =	task [dreg:s7], $0x5FFFF  }
0xac: {  	[dreg:$0x1] =	wrdreg $0xFFFFFFFF  }
0xad: {  	[dreg:$0x0] =	wrdreg $0x60  }
0xae: {  	[dreg:$0x2] =	wrdreg s2  }
0xaf: {  	[dreg:$0x3] =	wrdreg s24  }
0xb0: {  	[dreg:$0x4] =	wrdreg $0x0  }
0xb1: {  	[dreg:$0x5] =	wrdreg $0x9  }
0xb2: {  	_ =	task.clear_ibuf [dreg:s7], $0x6FFFF;
	_ =	strace $0x90000046  }
0xb3: {  	s29 =	simm.s32 $0x9;
	_ =	strace $0x80000048  }
0xb4: {  	_ =	swait.ge [sflag:s29], $0x1  }
0xb5: {  	[sflag:s29] =	ssyncadd.s32 $0xFFFFFFFF  }
0xb6: {  	_ =	strace $0x90000048  }
0xb7: {  	_ =	sfence  }
0xb8: {  	s30 =	sld [smem:$0x0];
	_ =	sdelay $0x2  }
0xb9: {  	s31 =	sshll.u32 s1, $0xD;
	s1 =	sshrl.u32 s1, $0x2  }
0xba: {  	s3 =	sand.u32 $0x4000, s31;
	s1 =	sadd.s32 s1, s30  }
0xbb: {  	s0 =	sor.u32 s3, s0;
	s1 =	sshll.u32 s1, $0x11  }
0xbc: {  	s0 =	sor.u32 s1, s0  }
0xbd: {  	s0 =	sadd.s32 $0x8F2B, s0  }
0xbe: {  	[sflag:s0] =	ssyncadd.remote.s32 $0x1  }
0xbf: {  	_ =	sfence.sel $0xFFFF  }
0xc0: {  	[dreg:$0x0] =	wrdreg $0xFFFFFFFF;
	(pc) =	sbr.abs _section_cstart, $3  }
0xc1: {  	[dreg:$0x1] =	wrdreg $0xFFFFFFFF  }
0xc2: {  	_ =	task.clear_ibuf [dreg:s7], $0x2FFFF;
	_ =	strace $0x9FFFFFFF  }
0xc3: {  	(tm) =	ssettm $0x7FFFFFFF  }
tec
execute0_lowered:
.L_overlay_start_1:
0x0: {  	(tag) =	ssettag $0x1  }
0x1: {  	s7 =	rddreg [dreg:$0x0]  }
0x2: {  	s1 =	srdreg.scid;
	s4 =	rddreg [dreg:$0x1]  }
0x3: {  	s0 =	stileid.u32;
	s2 =	rddreg [dreg:$0x2];
	s3 =	simm.s32 $0x0  }
0x4: {  	s15 =	simm.s32 $0x80;
	s16 =	simm.s32 $0x16080;
	s17 =	simm.s32 $0x1A080  }
0x5: {  	s18 =	simm.s32 $0x1;
	s19 =	simm.s32 $0x2;
	s20 =	simm.s32 $0x1E080  }
0x6: {  	s21 =	simm.s32 $0x0;
	s5 =	sand.u32 $0x1, s1;
	s1 =	rddreg [dreg:$0x3]  }
0x7: {  	s26 =	sshll.u32 s0, $0x1;
	[smem:$0x7FF] =	sst s3;
	s8 =	smul.u32 $0x4E000, s0  }
0x8: {  	s11 =	smul.u32 $0x2700, s0;
	s31 =	sshll.u32 s0, $0x6;
	s14 =	sadd.s32 $0x138000, s2  }
0x9: {  	s6 =	sor.u32 s5, s26;
	_ =	strace $0x80000047;
	s5 =	ssub.s32 $0x2, s5  }
0xa: {  	s9 =	smul.u32 $0x140, s6;
	p0 =	seq.s32 s6, $0x1F;
	s29 =	sshrl.u32 s5, $0x1  }
0xb: {  	s30 =	sshrl.u32 s8, $0x2;
	s6 =	sor.u32 $0x1C03, s31;
	s12 =	ssub.s32 s5, s29  }
0xc: {  	s13 =	sadd.s32 s30, s2;
	s5 =	sadd.s32 s7, s11;
	s7 =	sadd.s32 $0x27000, s7  }
0xd: {  	s9 =	simm.s32 @p0 $0x25D0;
	p0 =	sne.s32 s0, $0xF;
	s11 =	sshrl.u32 s13, $0x3  }
0xe: {  	s28 =	sshll.u32 s9, $0x2;
	s9 =	sshrl.u32 s9, $0x3;
	s13 =	sshrl.u32 @!p0 s14, $0x3  }
0xf: {  	s14 =	simm.s32 $0x13880;
	s10 =	sadd.s32 s28, s4;
	s4 =	sadd.s32 $0xB800, s4  }
0x10: {  	s8 =	sadd.s32 $0x1A00, s10;
	s10 =	smax.u32 s12, $0x1;
	s12 =	simm.s32 $0x3  }
.LBB2_1:
0x11: {  	[spmem:s11], [sflag:s6] =	dma.local [hbm:s5], $0x2700  }
0x12: {  	_ =	swait.ge [sflag:s12], $0x2700  }
0x13: {  	[sflag:s12] =	ssyncset.done $0x0  }
0x14: {  	s22 =	simm.s32 @!p0 $0x3;
	[sflag:s12] =	ssyncadd.s32 $0xFFFFD900  }
0x15: {  	[spmem:s13], [sflag:s6] =	dma.local @!p0 [hbm:s7], $0x100  }
0x16: {  	_ =	swait.ge @!p0 [sflag:s22], $0x100  }
0x17: {  	[sflag:s22] =	ssyncset.done @!p0 $0x0  }
0x18: {  	[sflag:s22] =	ssyncadd.s32 @!p0 $0xFFFFFF00  }
0x19: {  	[tilespmem:s14], [sflag:$0x3] =	stream.linear.gather [hbm4b:s8+s3], $0x2800, $0x38;
	[tilespmem:$0x1E480] =	vst v63  }
0x1a: {  	_ =	swait.ge [sflag:s12], $0x2800  }
0x1b: {  	[sflag:s12] =	ssyncset.done $0x0  }
0x1c: {  	[sflag:s12] =	ssyncadd.s32 $0xFFFFD800  }
0x1d: {  	s22 =	simm.s32 $0x0;
	[bflag:$0x0] =	sbarrier.arrive $0xFFFF  }
0x1e: {  	[tilespmem:s16], [sflag:$0x1] =	stream.indirect.gather [spmem:s2], $0x80, s14, s15, $0xb8;
	[tilespmem:$0x1E480] =	vst v63  }
.LBB2_2:
0x1f: {  	s23 =	sshll.u32 s22, $0x8  }
0x20: {  	s23 =	sand.u32 $0x3FFFFF00, s23  }
0x21: {  	s24 =	sadd.s32 $0x13900, s23  }
0x22: {  	[tilespmem:s17], [sflag:$0x2] =	stream.indirect.gather [spmem:s2], $0x80, s24, s15, $0xb8;
	[tilespmem:$0x1E480] =	vst v63  }
0x23: {  	_ =	swait.ge [sflag:s18], $0x4000  }
0x24: {  	[sflag:s18] =	ssyncset.done $0x0  }
0x25: {  	s24 =	simm.s32 $0x0;
	[sflag:s18] =	ssyncadd.s32 $0xFFFFC000  }
0x26: {  	v6 =	vld [tilespmem:s24+$0x16400]  }
0x27: {  	v7 =	vld [tilespmem:s24+$0x16410]  }
0x28: {  	v8 =	vld [tilespmem:s24+$0x16420]  }
0x29: {  	v9 =	vld [tilespmem:s24+$0x16430]  }
0x2a: {  	v0 =	vld [tilespmem:s24+$0x16440]  }
0x2b: {  	v1 =	vld [tilespmem:s24+$0x16450]  }
0x2c: {  	v14 =	vld [tilespmem:s24+$0x16380]  }
0x2d: {  	v16 =	vld [tilespmem:s24+$0x16390]  }
0x2e: {  	v13 =	vld [tilespmem:s24+$0x163A0]  }
0x2f: {  	v15 =	vld [tilespmem:s24+$0x163B0]  }
0x30: {  	v3 =	vld [tilespmem:s24+$0x163C0]  }
0x31: {  	v2 =	vld [tilespmem:s24+$0x163D0]  }
0x32: {  	v17 =	vld [tilespmem:s24+$0x16300]  }
0x33: {  	v18 =	vld [tilespmem:s24+$0x16310]  }
0x34: {  	v19 =	vld [tilespmem:s24+$0x16320]  }
0x35: {  	v24 =	vld [tilespmem:s24+$0x16330]  }
0x36: {  	v4 =	vld [tilespmem:s24+$0x16340]  }
0x37: {  	v5 =	vld [tilespmem:s24+$0x16350]  }
0x38: {  	v21 =	vld [tilespmem:s24+$0x16280]  }
0x39: {  	v22 =	vld [tilespmem:s24+$0x16290]  }
0x3a: {  	v23 =	vld [tilespmem:s24+$0x162A0]  }
0x3b: {  	v30 =	vld [tilespmem:s24+$0x162B0]  }
0x3c: {  	v10 =	vld [tilespmem:s24+$0x162C0]  }
0x3d: {  	v27 =	vld [tilespmem:s24+$0x16200]  }
0x3e: {  	v28 =	vld [tilespmem:s24+$0x16210]  }
0x3f: {  	v25 =	vld [tilespmem:s24+$0x16180]  }
0x40: {  	v26 =	vld [tilespmem:s24+$0x16190]  }
0x41: {  	v11 =	vld [tilespmem:s24+$0x16100]  }
0x42: {  	v20 =	vld [tilespmem:s24+$0x16110]  }
0x43: {  	v29 =	vld [tilespmem:s24+$0x16080]  }
0x44: {  	v31 =	vld [tilespmem:s24+$0x16090]  }
0x45: {  	v32 =	vld [tilespmem:s24+$0x160A0]  }
0x46: {  	v33 =	vld [tilespmem:s24+$0x160B0]  }
0x47: {  	v34 =	vld [tilespmem:s24+$0x16120]  }
0x48: {  	v35 =	vld [tilespmem:s24+$0x16130]  }
0x49: {  	v12 =	vimm.f32 $0.0e+00;
	v36 =	vld [tilespmem:s24+$0x161A0]  }
0x4a: {  	v37 =	vld [tilespmem:s24+$0x161B0];
	v29 =	vadd.f32 v29, v12;
	v31 =	vadd.f32 v31, v12  }
0x4b: {  	v38 =	vld [tilespmem:s24+$0x16220];
	v32 =	vadd.f32 v32, v12;
	v33 =	vadd.f32 v33, v12  }
0x4c: {  	v39 =	vld [tilespmem:s24+$0x16230];
	v29 =	vadd.f32 v11, v29;
	v31 =	vadd.f32 v20, v31  }
0x4d: {  	v11 =	vld [tilespmem:s24+$0x162D0];
	v32 =	vadd.f32 v34, v32;
	v33 =	vadd.f32 v35, v33  }
0x4e: {  	v20 =	vld [tilespmem:s24+$0x16240];
	v29 =	vadd.f32 v25, v29;
	v31 =	vadd.f32 v26, v31  }
0x4f: {  	v25 =	vld [tilespmem:s24+$0x16250];
	v32 =	vadd.f32 v36, v32;
	v33 =	vadd.f32 v37, v33  }
0x50: {  	v26 =	vld [tilespmem:s24+$0x161C0];
	v29 =	vadd.f32 v27, v29;
	v31 =	vadd.f32 v28, v31  }
0x51: {  	v27 =	vld [tilespmem:s24+$0x161D0];
	v32 =	vadd.f32 v38, v32;
	v33 =	vadd.f32 v39, v33  }
0x52: {  	v28 =	vld [tilespmem:s24+$0x16140];
	v21 =	vadd.f32 v21, v29;
	v22 =	vadd.f32 v22, v31  }
0x53: {  	v29 =	vld [tilespmem:s24+$0x16150];
	v23 =	vadd.f32 v23, v32;
	v63 =	vadd.f32 v30, v33  }
0x54: {  	v30 =	vld [tilespmem:s24+$0x160C0];
	v21 =	vadd.f32 v17, v21;
	v22 =	vadd.f32 v18, v22  }
0x55: {  	v31 =	vld [tilespmem:s24+$0x160D0];
	v23 =	vadd.f32 v19, v23;
	v24 =	vadd.f32 v24, v63  }
0x56: {  	s25 =	simm.s32 $0x1000;
	v32 =	vld [tilespmem:s24+$0x160E0];
	v19 =	vimm.f32 $0.0e+00;
	v18 =	vimm.f32 $0.0e+00;
	v17 =	vimm.f32 $0.0e+00  }
.LBB2_3:
0x57: {  	p1 =	sne.s32 s25, $0x3000;
	v33 =	vld [tilespmem:s24+$0x160F0];
	v14 =	vadd.f32 v14, v21;
	v16 =	vadd.f32 v16, v22  }
0x58: {  	v34 =	vld [tilespmem:s24+$0x16160];
	v13 =	vadd.f32 v13, v23;
	v15 =	vadd.f32 v15, v24  }
0x59: {  	v35 =	vld [tilespmem:s24+$0x16170];
	v21 =	vadd.f32 v6, v14;
	v22 =	vadd.f32 v7, v16  }
0x5a: {  	v6 =	vld [tilespmem:s24+$0x161E0];
	v23 =	vadd.f32 v8, v13;
	v24 =	vadd.f32 v9, v15  }
0x5b: {  	v7 =	vadd.f32 v30, v12;
	v8 =	vadd.f32 v31, v19;
	v9 =	vld [tilespmem:s24+$0x161F0]  }
0x5c: {  	v12 =	vadd.f32 v32, v18;
	v13 =	vadd.f32 v33, v17;
	v14 =	vld [tilespmem:s24+$0x16260]  }
0x5d: {  	v7 =	vadd.f32 v28, v7;
	v8 =	vadd.f32 v29, v8;
	v15 =	vld [tilespmem:s24+$0x16270]  }
0x5e: {  	v12 =	vadd.f32 v34, v12;
	v13 =	vadd.f32 v35, v13;
	v16 =	vld [tilespmem:s24+$0x162E0]  }
0x5f: {  	v7 =	vadd.f32 v26, v7;
	v8 =	vadd.f32 v27, v8;
	v17 =	vld [tilespmem:s24+$0x162F0]  }
0x60: {  	v6 =	vadd.f32 v6, v12;
	v9 =	vadd.f32 v9, v13;
	v12 =	vld [tilespmem:s24+$0x16360]  }
0x61: {  	v7 =	vadd.f32 v20, v7;
	v8 =	vadd.f32 v25, v8;
	v13 =	vld [tilespmem:s24+$0x16370]  }
0x62: {  	v6 =	vadd.f32 v14, v6;
	v9 =	vadd.f32 v15, v9;
	v14 =	vld [tilespmem:s24+$0x163E0]  }
0x63: {  	v7 =	vadd.f32 v10, v7;
	v8 =	vadd.f32 v11, v8;
	v10 =	vld [tilespmem:s24+$0x163F0]  }
0x64: {  	v11 =	vadd.f32 v16, v6;
	v9 =	vadd.f32 v17, v9;
	v15 =	vld [tilespmem:s24+$0x16460]  }
0x65: {  	v4 =	vadd.f32 v4, v7;
	v5 =	vadd.f32 v5, v8;
	v16 =	vld [tilespmem:s24+$0x16470];
	s24 =	sshra.s32 s25, $0x2  }
0x66: {  	v11 =	vadd.f32 v12, v11;
	v6 =	vld [tilespmem:s24+$0x16400];
	v9 =	vadd.f32 v13, v9  }
0x67: {  	v3 =	vadd.f32 v3, v4;
	v2 =	vadd.f32 v2, v5;
	v7 =	vld [tilespmem:s24+$0x16410]  }
0x68: {  	v4 =	vadd.f32 v14, v11;
	v8 =	vld [tilespmem:s24+$0x16420];
	v5 =	vadd.f32 v10, v9  }
0x69: {  	v12 =	vadd.f32 v0, v3;
	v19 =	vadd.f32 v1, v2;
	v9 =	vld [tilespmem:s24+$0x16430]  }
0x6a: {  	v18 =	vadd.f32 v15, v4;
	v0 =	vld [tilespmem:s24+$0x16440];
	v17 =	vadd.f32 v16, v5  }
0x6b: {  	v1 =	vld [tilespmem:s24+$0x16450]  }
0x6c: {  	v14 =	vld [tilespmem:s24+$0x16380]  }
0x6d: {  	v16 =	vld [tilespmem:s24+$0x16390]  }
0x6e: {  	v13 =	vld [tilespmem:s24+$0x163A0]  }
0x6f: {  	v15 =	vld [tilespmem:s24+$0x163B0]  }
0x70: {  	v3 =	vld [tilespmem:s24+$0x163C0]  }
0x71: {  	v2 =	vld [tilespmem:s24+$0x163D0]  }
0x72: {  	v32 =	vld [tilespmem:s24+$0x16300]  }
0x73: {  	v33 =	vld [tilespmem:s24+$0x16310]  }
0x74: {  	v34 =	vld [tilespmem:s24+$0x16320]  }
0x75: {  	v35 =	vld [tilespmem:s24+$0x16330]  }
0x76: {  	v4 =	vld [tilespmem:s24+$0x16340]  }
0x77: {  	v5 =	vld [tilespmem:s24+$0x16350]  }
0x78: {  	v30 =	vld [tilespmem:s24+$0x16280]  }
0x79: {  	v31 =	vld [tilespmem:s24+$0x16290]  }
0x7a: {  	v36 =	vld [tilespmem:s24+$0x162A0]  }
0x7b: {  	v37 =	vld [tilespmem:s24+$0x162B0]  }
0x7c: {  	v10 =	vld [tilespmem:s24+$0x162C0]  }
0x7d: {  	v11 =	vld [tilespmem:s24+$0x162D0]  }
0x7e: {  	v28 =	vld [tilespmem:s24+$0x16200]  }
0x7f: {  	v29 =	vld [tilespmem:s24+$0x16210]  }
0x80: {  	v25 =	vld [tilespmem:s24+$0x16180]  }
0x81: {  	v26 =	vld [tilespmem:s24+$0x16190]  }
0x82: {  	v20 =	vld [tilespmem:s24+$0x16100]  }
0x83: {  	v27 =	vld [tilespmem:s24+$0x16110]  }
0x84: {  	v38 =	vld [tilespmem:s24+$0x16080]  }
0x85: {  	v39 =	vld [tilespmem:s24+$0x16090]  }
0x86: {  	v40 =	vld [tilespmem:s24+$0x160A0]  }
0x87: {  	v41 =	vld [tilespmem:s24+$0x160B0]  }
0x88: {  	v42 =	vld [tilespmem:s24+$0x16120]  }
0x89: {  	v43 =	vld [tilespmem:s24+$0x16130]  }
0x8a: {  	v44 =	vld [tilespmem:s24+$0x161A0]  }
0x8b: {  	v21 =	vadd.f32 v38, v21;
	v22 =	vadd.f32 v39, v22;
	v38 =	vld [tilespmem:s24+$0x161B0]  }
0x8c: {  	v23 =	vadd.f32 v40, v23;
	v24 =	vadd.f32 v41, v24;
	v39 =	vld [tilespmem:s24+$0x16220]  }
0x8d: {  	v21 =	vadd.f32 v20, v21;
	v22 =	vadd.f32 v27, v22;
	v40 =	vld [tilespmem:s24+$0x16230]  }
0x8e: {  	v23 =	vadd.f32 v42, v23;
	v24 =	vadd.f32 v43, v24;
	v20 =	vld [tilespmem:s24+$0x16240]  }
0x8f: {  	v21 =	vadd.f32 v25, v21;
	v22 =	vadd.f32 v26, v22;
	v25 =	vld [tilespmem:s24+$0x16250]  }
0x90: {  	v23 =	vadd.f32 v44, v23;
	v24 =	vadd.f32 v38, v24;
	v26 =	vld [tilespmem:s24+$0x161C0]  }
0x91: {  	v21 =	vadd.f32 v28, v21;
	v22 =	vadd.f32 v29, v22;
	v27 =	vld [tilespmem:s24+$0x161D0]  }
.Ltmp0:
0x92: {  	v23 =	vadd.f32 v39, v23;
	v28 =	vld [tilespmem:s24+$0x16140];
	v24 =	vadd.f32 v40, v24;
	(pc) =	sbr.rel @p1 .LBB2_3-.Ltmp0, $4  }
0x93: {  	v21 =	vadd.f32 v30, v21;
	v22 =	vadd.f32 v31, v22;
	v29 =	vld [tilespmem:s24+$0x16150]  }
0x94: {  	v23 =	vadd.f32 v36, v23;
	v30 =	vld [tilespmem:s24+$0x160C0];
	v24 =	vadd.f32 v37, v24  }
0x95: {  	v21 =	vadd.f32 v32, v21;
	v22 =	vadd.f32 v33, v22;
	v31 =	vld [tilespmem:s24+$0x160D0]  }
0x96: {  	s25 =	sadd.s32 $0x1000, s25;
	v23 =	vadd.f32 v34, v23;
	v32 =	vld [tilespmem:s24+$0x160E0];
	v24 =	vadd.f32 v35, v24  }
0x97: {  	v14 =	vadd.f32 v14, v21;
	v16 =	vadd.f32 v16, v22  }
0x98: {  	v33 =	vld [tilespmem:s24+$0x160F0];
	v13 =	vadd.f32 v13, v23;
	v15 =	vadd.f32 v15, v24  }
0x99: {  	v21 =	vld [tilespmem:s24+$0x16160];
	v6 =	vadd.f32 v6, v14;
	v7 =	vadd.f32 v7, v16  }
0x9a: {  	v22 =	vld [tilespmem:s24+$0x16170];
	v12 =	vadd.f32 v30, v12;
	v8 =	vadd.f32 v8, v13  }
0x9b: {  	v14 =	vld [tilespmem:s24+$0x161E0];
	v9 =	vadd.f32 v9, v15;
	v13 =	vadd.f32 v31, v19  }
0x9c: {  	v15 =	vld [tilespmem:s24+$0x161F0];
	v16 =	vadd.f32 v32, v18;
	v12 =	vadd.f32 v28, v12  }
0x9d: {  	v18 =	vld [tilespmem:s24+$0x16260];
	v17 =	vadd.f32 v33, v17;
	v13 =	vadd.f32 v29, v13  }
0x9e: {  	v19 =	vld [tilespmem:s24+$0x16270];
	v16 =	vadd.f32 v21, v16;
	v12 =	vadd.f32 v26, v12  }
0x9f: {  	v21 =	vld [tilespmem:s24+$0x162E0];
	v17 =	vadd.f32 v22, v17;
	v13 =	vadd.f32 v27, v13  }
0xa0: {  	v22 =	vld [tilespmem:s24+$0x162F0];
	v14 =	vadd.f32 v14, v16;
	v12 =	vadd.f32 v20, v12  }
0xa1: {  	v16 =	vld [tilespmem:s24+$0x16360];
	v15 =	vadd.f32 v15, v17;
	v13 =	vadd.f32 v25, v13  }
0xa2: {  	v17 =	vld [tilespmem:s24+$0x16370];
	v14 =	vadd.f32 v18, v14;
	v10 =	vadd.f32 v10, v12  }
0xa3: {  	v18 =	vld [tilespmem:s24+$0x163E0];
	v12 =	vadd.f32 v19, v15;
	v11 =	vadd.f32 v11, v13  }
0xa4: {  	v13 =	vld [tilespmem:s24+$0x163F0];
	v14 =	vadd.f32 v21, v14;
	v4 =	vadd.f32 v4, v10  }
0xa5: {  	v15 =	vld [tilespmem:s24+$0x16460];
	v10 =	vadd.f32 v22, v12;
	v5 =	vadd.f32 v5, v11  }
0xa6: {  	v11 =	vld [tilespmem:s24+$0x16470];
	[tilespmem:$0x1E080] =	vst v6;
	v12 =	vadd.f32 v16, v14;
	v3 =	vadd.f32 v3, v4  }
0xa7: {  	[tilespmem:$0x1E090] =	vst v7;
	v4 =	vadd.f32 v17, v10;
	v2 =	vadd.f32 v2, v5  }
0xa8: {  	[tilespmem:$0x1E0A0] =	vst v8;
	v5 =	vadd.f32 v18, v12;
	v0 =	vadd.f32 v0, v3  }
0xa9: {  	[tilespmem:$0x1E0B0] =	vst v9;
	v3 =	vadd.f32 v13, v4;
	v1 =	vadd.f32 v1, v2  }
0xaa: {  	v2 =	vadd.f32 v15, v5;
	[tilespmem:$0x1E0C0] =	vst v0  }
0xab: {  	v0 =	vadd.f32 v11, v3;
	[tilespmem:$0x1E0D0] =	vst v1  }
0xac: {  	[tilespmem:$0x1E0E0] =	vst v2  }
0xad: {  	s24 =	simm.s32 $0x0;
	[tilespmem:$0x1E0F0] =	vst v0  }
0xae: {  	v6 =	vld [tilespmem:s24+$0x17400]  }
0xaf: {  	v7 =	vld [tilespmem:s24+$0x17410]  }
0xb0: {  	v8 =	vld [tilespmem:s24+$0x17420]  }
0xb1: {  	v9 =	vld [tilespmem:s24+$0x17430]  }
0xb2: {  	v0 =	vld [tilespmem:s24+$0x17440]  }
0xb3: {  	v1 =	vld [tilespmem:s24+$0x17450]  }
0xb4: {  	v14 =	vld [tilespmem:s24+$0x17380]  }
0xb5: {  	v16 =	vld [tilespmem:s24+$0x17390]  }
0xb6: {  	v13 =	vld [tilespmem:s24+$0x173A0]  }
0xb7: {  	v15 =	vld [tilespmem:s24+$0x173B0]  }
0xb8: {  	v3 =	vld [tilespmem:s24+$0x173C0]  }
0xb9: {  	v2 =	vld [tilespmem:s24+$0x173D0]  }
0xba: {  	v17 =	vld [tilespmem:s24+$0x17300]  }
0xbb: {  	v18 =	vld [tilespmem:s24+$0x17310]  }
0xbc: {  	v19 =	vld [tilespmem:s24+$0x17320]  }
0xbd: {  	v24 =	vld [tilespmem:s24+$0x17330]  }
0xbe: {  	v4 =	vld [tilespmem:s24+$0x17340]  }
0xbf: {  	v5 =	vld [tilespmem:s24+$0x17350]  }
0xc0: {  	v21 =	vld [tilespmem:s24+$0x17280]  }
0xc1: {  	v22 =	vld [tilespmem:s24+$0x17290]  }
0xc2: {  	v23 =	vld [tilespmem:s24+$0x172A0]  }
0xc3: {  	v30 =	vld [tilespmem:s24+$0x172B0]  }
0xc4: {  	v10 =	vld [tilespmem:s24+$0x172C0]  }
0xc5: {  	v27 =	vld [tilespmem:s24+$0x17200]  }
0xc6: {  	v28 =	vld [tilespmem:s24+$0x17210]  }
0xc7: {  	v25 =	vld [tilespmem:s24+$0x17180]  }
0xc8: {  	v26 =	vld [tilespmem:s24+$0x17190]  }
0xc9: {  	v11 =	vld [tilespmem:s24+$0x17100]  }
0xca: {  	v20 =	vld [tilespmem:s24+$0x17110]  }
0xcb: {  	v29 =	vld [tilespmem:s24+$0x17080]  }
0xcc: {  	v31 =	vld [tilespmem:s24+$0x17090]  }
0xcd: {  	v61 =	vld [tilespmem:s24+$0x170A0]  }
0xce: {  	v62 =	vld [tilespmem:s24+$0x170B0]  }
0xcf: {  	v34 =	vld [tilespmem:s24+$0x17120]  }
0xd0: {  	v35 =	vld [tilespmem:s24+$0x17130]  }
0xd1: {  	v12 =	vimm.f32 $0.0e+00;
	v36 =	vld [tilespmem:s24+$0x171A0]  }
0xd2: {  	v37 =	vld [tilespmem:s24+$0x171B0];
	v29 =	vadd.f32 v29, v12;
	v31 =	vadd.f32 v31, v12  }
0xd3: {  	v38 =	vld [tilespmem:s24+$0x17220];
	v32 =	vadd.f32 v61, v12;
	v33 =	vadd.f32 v62, v12  }
0xd4: {  	v39 =	vld [tilespmem:s24+$0x17230];
	v29 =	vadd.f32 v11, v29;
	v31 =	vadd.f32 v20, v31  }
0xd5: {  	v11 =	vld [tilespmem:s24+$0x172D0];
	v32 =	vadd.f32 v34, v32;
	v33 =	vadd.f32 v35, v33  }
0xd6: {  	v20 =	vld [tilespmem:s24+$0x17240];
	v29 =	vadd.f32 v25, v29;
	v31 =	vadd.f32 v26, v31  }
0xd7: {  	v25 =	vld [tilespmem:s24+$0x17250];
	v32 =	vadd.f32 v36, v32;
	v33 =	vadd.f32 v37, v33  }
0xd8: {  	v26 =	vld [tilespmem:s24+$0x171C0];
	v29 =	vadd.f32 v27, v29;
	v31 =	vadd.f32 v28, v31  }
0xd9: {  	v27 =	vld [tilespmem:s24+$0x171D0];
	v32 =	vadd.f32 v38, v32;
	v33 =	vadd.f32 v39, v33  }
0xda: {  	v28 =	vld [tilespmem:s24+$0x17140];
	v21 =	vadd.f32 v21, v29;
	v22 =	vadd.f32 v22, v31  }
0xdb: {  	v29 =	vld [tilespmem:s24+$0x17150];
	v23 =	vadd.f32 v23, v32;
	v63 =	vadd.f32 v30, v33  }
0xdc: {  	v30 =	vld [tilespmem:s24+$0x170C0];
	v21 =	vadd.f32 v17, v21;
	v22 =	vadd.f32 v18, v22  }
0xdd: {  	v31 =	vld [tilespmem:s24+$0x170D0];
	v23 =	vadd.f32 v19, v23;
	v24 =	vadd.f32 v24, v63  }
0xde: {  	s25 =	simm.s32 $0x1000;
	v32 =	vld [tilespmem:s24+$0x170E0];
	v19 =	vimm.f32 $0.0e+00;
	v18 =	vimm.f32 $0.0e+00;
	v17 =	vimm.f32 $0.0e+00  }
.LBB2_5:
0xdf: {  	p1 =	sne.s32 s25, $0x3000;
	v33 =	vld [tilespmem:s24+$0x170F0];
	v14 =	vadd.f32 v14, v21;
	v16 =	vadd.f32 v16, v22  }
0xe0: {  	v34 =	vld [tilespmem:s24+$0x17160];
	v13 =	vadd.f32 v13, v23;
	v15 =	vadd.f32 v15, v24  }
0xe1: {  	v35 =	vld [tilespmem:s24+$0x17170];
	v21 =	vadd.f32 v6, v14;
	v22 =	vadd.f32 v7, v16  }
0xe2: {  	v6 =	vld [tilespmem:s24+$0x171E0];
	v23 =	vadd.f32 v8, v13;
	v24 =	vadd.f32 v9, v15  }
0xe3: {  	v7 =	vadd.f32 v30, v12;
	v8 =	vadd.f32 v31, v19;
	v9 =	vld [tilespmem:s24+$0x171F0]  }
0xe4: {  	v12 =	vadd.f32 v32, v18;
	v13 =	vadd.f32 v33, v17;
	v14 =	vld [tilespmem:s24+$0x17260]  }
0xe5: {  	v7 =	vadd.f32 v28, v7;
	v8 =	vadd.f32 v29, v8;
	v15 =	vld [tilespmem:s24+$0x17270]  }
0xe6: {  	v12 =	vadd.f32 v34, v12;
	v13 =	vadd.f32 v35, v13;
	v16 =	vld [tilespmem:s24+$0x172E0]  }
0xe7: {  	v7 =	vadd.f32 v26, v7;
	v8 =	vadd.f32 v27, v8;
	v17 =	vld [tilespmem:s24+$0x172F0]  }
0xe8: {  	v6 =	vadd.f32 v6, v12;
	v9 =	vadd.f32 v9, v13;
	v12 =	vld [tilespmem:s24+$0x17360]  }
0xe9: {  	v7 =	vadd.f32 v20, v7;
	v8 =	vadd.f32 v25, v8;
	v13 =	vld [tilespmem:s24+$0x17370]  }
0xea: {  	v6 =	vadd.f32 v14, v6;
	v9 =	vadd.f32 v15, v9;
	v14 =	vld [tilespmem:s24+$0x173E0]  }
0xeb: {  	v7 =	vadd.f32 v10, v7;
	v8 =	vadd.f32 v11, v8;
	v10 =	vld [tilespmem:s24+$0x173F0]  }
0xec: {  	v11 =	vadd.f32 v16, v6;
	v9 =	vadd.f32 v17, v9;
	v15 =	vld [tilespmem:s24+$0x17460]  }
0xed: {  	v4 =	vadd.f32 v4, v7;
	v5 =	vadd.f32 v5, v8;
	v16 =	vld [tilespmem:s24+$0x17470];
	s24 =	sshra.s32 s25, $0x2  }
0xee: {  	v11 =	vadd.f32 v12, v11;
	v6 =	vld [tilespmem:s24+$0x17400];
	v9 =	vadd.f32 v13, v9  }
0xef: {  	v3 =	vadd.f32 v3, v4;
	v2 =	vadd.f32 v2, v5;
	v7 =	vld [tilespmem:s24+$0x17410]  }
0xf0: {  	v4 =	vadd.f32 v14, v11;
	v8 =	vld [tilespmem:s24+$0x17420];
	v5 =	vadd.f32 v10, v9  }
0xf1: {  	v12 =	vadd.f32 v0, v3;
	v19 =	vadd.f32 v1, v2;
	v9 =	vld [tilespmem:s24+$0x17430]  }
0xf2: {  	v18 =	vadd.f32 v15, v4;
	v0 =	vld [tilespmem:s24+$0x17440];
	v17 =	vadd.f32 v16, v5  }
0xf3: {  	v1 =	vld [tilespmem:s24+$0x17450]  }
0xf4: {  	v14 =	vld [tilespmem:s24+$0x17380]  }
0xf5: {  	v16 =	vld [tilespmem:s24+$0x17390]  }
0xf6: {  	v13 =	vld [tilespmem:s24+$0x173A0]  }
0xf7: {  	v15 =	vld [tilespmem:s24+$0x173B0]  }
0xf8: {  	v3 =	vld [tilespmem:s24+$0x173C0]  }
0xf9: {  	v2 =	vld [tilespmem:s24+$0x173D0]  }
0xfa: {  	v32 =	vld [tilespmem:s24+$0x17300]  }
0xfb: {  	v33 =	vld [tilespmem:s24+$0x17310]  }
0xfc: {  	v34 =	vld [tilespmem:s24+$0x17320]  }
0xfd: {  	v35 =	vld [tilespmem:s24+$0x17330]  }
0xfe: {  	v4 =	vld [tilespmem:s24+$0x17340]  }
0xff: {  	v5 =	vld [tilespmem:s24+$0x17350]  }
0x100: {  	v30 =	vld [tilespmem:s24+$0x17280]  }
0x101: {  	v31 =	vld [tilespmem:s24+$0x17290]  }
0x102: {  	v36 =	vld [tilespmem:s24+$0x172A0]  }
0x103: {  	v37 =	vld [tilespmem:s24+$0x172B0]  }
0x104: {  	v10 =	vld [tilespmem:s24+$0x172C0]  }
0x105: {  	v11 =	vld [tilespmem:s24+$0x172D0]  }
0x106: {  	v28 =	vld [tilespmem:s24+$0x17200]  }
0x107: {  	v29 =	vld [tilespmem:s24+$0x17210]  }
0x108: {  	v25 =	vld [tilespmem:s24+$0x17180]  }
0x109: {  	v26 =	vld [tilespmem:s24+$0x17190]  }
0x10a: {  	v20 =	vld [tilespmem:s24+$0x17100]  }
0x10b: {  	v27 =	vld [tilespmem:s24+$0x17110]  }
0x10c: {  	v38 =	vld [tilespmem:s24+$0x17080]  }
0x10d: {  	v39 =	vld [tilespmem:s24+$0x17090]  }
0x10e: {  	v40 =	vld [tilespmem:s24+$0x170A0]  }
0x10f: {  	v41 =	vld [tilespmem:s24+$0x170B0]  }
0x110: {  	v42 =	vld [tilespmem:s24+$0x17120]  }
0x111: {  	v43 =	vld [tilespmem:s24+$0x17130]  }
0x112: {  	v44 =	vld [tilespmem:s24+$0x171A0]  }
0x113: {  	v21 =	vadd.f32 v38, v21;
	v22 =	vadd.f32 v39, v22;
	v38 =	vld [tilespmem:s24+$0x171B0]  }
0x114: {  	v23 =	vadd.f32 v40, v23;
	v24 =	vadd.f32 v41, v24;
	v39 =	vld [tilespmem:s24+$0x17220]  }
0x115: {  	v21 =	vadd.f32 v20, v21;
	v22 =	vadd.f32 v27, v22;
	v40 =	vld [tilespmem:s24+$0x17230]  }
0x116: {  	v23 =	vadd.f32 v42, v23;
	v24 =	vadd.f32 v43, v24;
	v20 =	vld [tilespmem:s24+$0x17240]  }
0x117: {  	v21 =	vadd.f32 v25, v21;
	v22 =	vadd.f32 v26, v22;
	v25 =	vld [tilespmem:s24+$0x17250]  }
0x118: {  	v23 =	vadd.f32 v44, v23;
	v24 =	vadd.f32 v38, v24;
	v26 =	vld [tilespmem:s24+$0x171C0]  }
0x119: {  	v21 =	vadd.f32 v28, v21;
	v22 =	vadd.f32 v29, v22;
	v27 =	vld [tilespmem:s24+$0x171D0]  }
.Ltmp1:
0x11a: {  	v23 =	vadd.f32 v39, v23;
	v28 =	vld [tilespmem:s24+$0x17140];
	v24 =	vadd.f32 v40, v24;
	(pc) =	sbr.rel @p1 .LBB2_5-.Ltmp1, $4  }
0x11b: {  	v21 =	vadd.f32 v30, v21;
	v22 =	vadd.f32 v31, v22;
	v29 =	vld [tilespmem:s24+$0x17150]  }
0x11c: {  	v23 =	vadd.f32 v36, v23;
	v30 =	vld [tilespmem:s24+$0x170C0];
	v24 =	vadd.f32 v37, v24  }
0x11d: {  	v21 =	vadd.f32 v32, v21;
	v22 =	vadd.f32 v33, v22;
	v31 =	vld [tilespmem:s24+$0x170D0]  }
0x11e: {  	s25 =	sadd.s32 $0x1000, s25;
	v23 =	vadd.f32 v34, v23;
	v32 =	vld [tilespmem:s24+$0x170E0];
	v24 =	vadd.f32 v35, v24  }
0x11f: {  	v14 =	vadd.f32 v14, v21;
	v16 =	vadd.f32 v16, v22  }
0x120: {  	v33 =	vld [tilespmem:s24+$0x170F0];
	v13 =	vadd.f32 v13, v23;
	v15 =	vadd.f32 v15, v24  }
0x121: {  	v21 =	vld [tilespmem:s24+$0x17160];
	v6 =	vadd.f32 v6, v14;
	v7 =	vadd.f32 v7, v16  }
0x122: {  	v22 =	vld [tilespmem:s24+$0x17170];
	v12 =	vadd.f32 v30, v12;
	v8 =	vadd.f32 v8, v13  }
0x123: {  	v14 =	vld [tilespmem:s24+$0x171E0];
	v9 =	vadd.f32 v9, v15;
	v13 =	vadd.f32 v31, v19  }
0x124: {  	v15 =	vld [tilespmem:s24+$0x171F0];
	v16 =	vadd.f32 v32, v18;
	v12 =	vadd.f32 v28, v12  }
0x125: {  	v18 =	vld [tilespmem:s24+$0x17260];
	v17 =	vadd.f32 v33, v17;
	v13 =	vadd.f32 v29, v13  }
0x126: {  	v19 =	vld [tilespmem:s24+$0x17270];
	v16 =	vadd.f32 v21, v16;
	v12 =	vadd.f32 v26, v12  }
0x127: {  	v21 =	vld [tilespmem:s24+$0x172E0];
	v17 =	vadd.f32 v22, v17;
	v13 =	vadd.f32 v27, v13  }
0x128: {  	v22 =	vld [tilespmem:s24+$0x172F0];
	v14 =	vadd.f32 v14, v16;
	v12 =	vadd.f32 v20, v12  }
0x129: {  	v16 =	vld [tilespmem:s24+$0x17360];
	v15 =	vadd.f32 v15, v17;
	v13 =	vadd.f32 v25, v13  }
0x12a: {  	v17 =	vld [tilespmem:s24+$0x17370];
	v14 =	vadd.f32 v18, v14;
	v10 =	vadd.f32 v10, v12  }
0x12b: {  	v18 =	vld [tilespmem:s24+$0x173E0];
	v12 =	vadd.f32 v19, v15;
	v11 =	vadd.f32 v11, v13  }
0x12c: {  	v13 =	vld [tilespmem:s24+$0x173F0];
	v14 =	vadd.f32 v21, v14;
	v4 =	vadd.f32 v4, v10  }
0x12d: {  	v15 =	vld [tilespmem:s24+$0x17460];
	v10 =	vadd.f32 v22, v12;
	v5 =	vadd.f32 v5, v11  }
0x12e: {  	v11 =	vld [tilespmem:s24+$0x17470];
	[tilespmem:$0x1E100] =	vst v6;
	v12 =	vadd.f32 v16, v14;
	v3 =	vadd.f32 v3, v4  }
0x12f: {  	[tilespmem:$0x1E110] =	vst v7;
	v4 =	vadd.f32 v17, v10;
	v2 =	vadd.f32 v2, v5  }
0x130: {  	[tilespmem:$0x1E120] =	vst v8;
	v5 =	vadd.f32 v18, v12;
	v0 =	vadd.f32 v0, v3  }
0x131: {  	[tilespmem:$0x1E130] =	vst v9;
	v3 =	vadd.f32 v13, v4;
	v1 =	vadd.f32 v1, v2  }
0x132: {  	v2 =	vadd.f32 v15, v5;
	[tilespmem:$0x1E140] =	vst v0  }
0x133: {  	v0 =	vadd.f32 v11, v3;
	[tilespmem:$0x1E150] =	vst v1  }
0x134: {  	[tilespmem:$0x1E160] =	vst v2  }
0x135: {  	s24 =	simm.s32 $0x0;
	[tilespmem:$0x1E170] =	vst v0  }
0x136: {  	v6 =	vld [tilespmem:s24+$0x18400]  }
0x137: {  	v7 =	vld [tilespmem:s24+$0x18410]  }
0x138: {  	v8 =	vld [tilespmem:s24+$0x18420]  }
0x139: {  	v9 =	vld [tilespmem:s24+$0x18430]  }
0x13a: {  	v0 =	vld [tilespmem:s24+$0x18440]  }
0x13b: {  	v1 =	vld [tilespmem:s24+$0x18450]  }
0x13c: {  	v14 =	vld [tilespmem:s24+$0x18380]  }
0x13d: {  	v16 =	vld [tilespmem:s24+$0x18390]  }
0x13e: {  	v13 =	vld [tilespmem:s24+$0x183A0]  }
0x13f: {  	v15 =	vld [tilespmem:s24+$0x183B0]  }
0x140: {  	v3 =	vld [tilespmem:s24+$0x183C0]  }
0x141: {  	v2 =	vld [tilespmem:s24+$0x183D0]  }
0x142: {  	v17 =	vld [tilespmem:s24+$0x18300]  }
0x143: {  	v18 =	vld [tilespmem:s24+$0x18310]  }
0x144: {  	v19 =	vld [tilespmem:s24+$0x18320]  }
0x145: {  	v24 =	vld [tilespmem:s24+$0x18330]  }
0x146: {  	v4 =	vld [tilespmem:s24+$0x18340]  }
0x147: {  	v5 =	vld [tilespmem:s24+$0x18350]  }
0x148: {  	v21 =	vld [tilespmem:s24+$0x18280]  }
0x149: {  	v22 =	vld [tilespmem:s24+$0x18290]  }
0x14a: {  	v23 =	vld [tilespmem:s24+$0x182A0]  }
0x14b: {  	v30 =	vld [tilespmem:s24+$0x182B0]  }
0x14c: {  	v10 =	vld [tilespmem:s24+$0x182C0]  }
0x14d: {  	v27 =	vld [tilespmem:s24+$0x18200]  }
0x14e: {  	v28 =	vld [tilespmem:s24+$0x18210]  }
0x14f: {  	v25 =	vld [tilespmem:s24+$0x18180]  }
0x150: {  	v26 =	vld [tilespmem:s24+$0x18190]  }
0x151: {  	v11 =	vld [tilespmem:s24+$0x18100]  }
0x152: {  	v20 =	vld [tilespmem:s24+$0x18110]  }
0x153: {  	v29 =	vld [tilespmem:s24+$0x18080]  }
0x154: {  	v31 =	vld [tilespmem:s24+$0x18090]  }
0x155: {  	v61 =	vld [tilespmem:s24+$0x180A0]  }
0x156: {  	v62 =	vld [tilespmem:s24+$0x180B0]  }
0x157: {  	v34 =	vld [tilespmem:s24+$0x18120]  }
0x158: {  	v35 =	vld [tilespmem:s24+$0x18130]  }
0x159: {  	v12 =	vimm.f32 $0.0e+00;
	v36 =	vld [tilespmem:s24+$0x181A0]  }
0x15a: {  	v37 =	vld [tilespmem:s24+$0x181B0];
	v29 =	vadd.f32 v29, v12;
	v31 =	vadd.f32 v31, v12  }
0x15b: {  	v38 =	vld [tilespmem:s24+$0x18220];
	v32 =	vadd.f32 v61, v12;
	v33 =	vadd.f32 v62, v12  }
0x15c: {  	v39 =	vld [tilespmem:s24+$0x18230];
	v29 =	vadd.f32 v11, v29;
	v31 =	vadd.f32 v20, v31  }
0x15d: {  	v11 =	vld [tilespmem:s24+$0x182D0];
	v32 =	vadd.f32 v34, v32;
	v33 =	vadd.f32 v35, v33  }
0x15e: {  	v20 =	vld [tilespmem:s24+$0x18240];
	v29 =	vadd.f32 v25, v29;
	v31 =	vadd.f32 v26, v31  }
0x15f: {  	v25 =	vld [tilespmem:s24+$0x18250];
	v32 =	vadd.f32 v36, v32;
	v33 =	vadd.f32 v37, v33  }
0x160: {  	v26 =	vld [tilespmem:s24+$0x181C0];
	v29 =	vadd.f32 v27, v29;
	v31 =	vadd.f32 v28, v31  }
0x161: {  	v27 =	vld [tilespmem:s24+$0x181D0];
	v32 =	vadd.f32 v38, v32;
	v33 =	vadd.f32 v39, v33  }
0x162: {  	v28 =	vld [tilespmem:s24+$0x18140];
	v21 =	vadd.f32 v21, v29;
	v22 =	vadd.f32 v22, v31  }
0x163: {  	v29 =	vld [tilespmem:s24+$0x18150];
	v23 =	vadd.f32 v23, v32;
	v63 =	vadd.f32 v30, v33  }
0x164: {  	v30 =	vld [tilespmem:s24+$0x180C0];
	v21 =	vadd.f32 v17, v21;
	v22 =	vadd.f32 v18, v22  }
0x165: {  	v31 =	vld [tilespmem:s24+$0x180D0];
	v23 =	vadd.f32 v19, v23;
	v24 =	vadd.f32 v24, v63  }
0x166: {  	s25 =	simm.s32 $0x1000;
	v32 =	vld [tilespmem:s24+$0x180E0];
	v19 =	vimm.f32 $0.0e+00;
	v18 =	vimm.f32 $0.0e+00;
	v17 =	vimm.f32 $0.0e+00  }
.LBB2_7:
0x167: {  	p1 =	sne.s32 s25, $0x3000;
	v33 =	vld [tilespmem:s24+$0x180F0];
	v14 =	vadd.f32 v14, v21;
	v16 =	vadd.f32 v16, v22  }
0x168: {  	v34 =	vld [tilespmem:s24+$0x18160];
	v13 =	vadd.f32 v13, v23;
	v15 =	vadd.f32 v15, v24  }
0x169: {  	v35 =	vld [tilespmem:s24+$0x18170];
	v21 =	vadd.f32 v6, v14;
	v22 =	vadd.f32 v7, v16  }
0x16a: {  	v6 =	vld [tilespmem:s24+$0x181E0];
	v23 =	vadd.f32 v8, v13;
	v24 =	vadd.f32 v9, v15  }
0x16b: {  	v7 =	vadd.f32 v30, v12;
	v8 =	vadd.f32 v31, v19;
	v9 =	vld [tilespmem:s24+$0x181F0]  }
0x16c: {  	v12 =	vadd.f32 v32, v18;
	v13 =	vadd.f32 v33, v17;
	v14 =	vld [tilespmem:s24+$0x18260]  }
0x16d: {  	v7 =	vadd.f32 v28, v7;
	v8 =	vadd.f32 v29, v8;
	v15 =	vld [tilespmem:s24+$0x18270]  }
0x16e: {  	v12 =	vadd.f32 v34, v12;
	v13 =	vadd.f32 v35, v13;
	v16 =	vld [tilespmem:s24+$0x182E0]  }
0x16f: {  	v7 =	vadd.f32 v26, v7;
	v8 =	vadd.f32 v27, v8;
	v17 =	vld [tilespmem:s24+$0x182F0]  }
0x170: {  	v6 =	vadd.f32 v6, v12;
	v9 =	vadd.f32 v9, v13;
	v12 =	vld [tilespmem:s24+$0x18360]  }
0x171: {  	v7 =	vadd.f32 v20, v7;
	v8 =	vadd.f32 v25, v8;
	v13 =	vld [tilespmem:s24+$0x18370]  }
0x172: {  	v6 =	vadd.f32 v14, v6;
	v9 =	vadd.f32 v15, v9;
	v14 =	vld [tilespmem:s24+$0x183E0]  }
0x173: {  	v7 =	vadd.f32 v10, v7;
	v8 =	vadd.f32 v11, v8;
	v10 =	vld [tilespmem:s24+$0x183F0]  }
0x174: {  	v11 =	vadd.f32 v16, v6;
	v9 =	vadd.f32 v17, v9;
	v15 =	vld [tilespmem:s24+$0x18460]  }
0x175: {  	v4 =	vadd.f32 v4, v7;
	v5 =	vadd.f32 v5, v8;
	v16 =	vld [tilespmem:s24+$0x18470];
	s24 =	sshra.s32 s25, $0x2  }
0x176: {  	v11 =	vadd.f32 v12, v11;
	v6 =	vld [tilespmem:s24+$0x18400];
	v9 =	vadd.f32 v13, v9  }
0x177: {  	v3 =	vadd.f32 v3, v4;
	v2 =	vadd.f32 v2, v5;
	v7 =	vld [tilespmem:s24+$0x18410]  }
0x178: {  	v4 =	vadd.f32 v14, v11;
	v8 =	vld [tilespmem:s24+$0x18420];
	v5 =	vadd.f32 v10, v9  }
0x179: {  	v12 =	vadd.f32 v0, v3;
	v19 =	vadd.f32 v1, v2;
	v9 =	vld [tilespmem:s24+$0x18430]  }
0x17a: {  	v18 =	vadd.f32 v15, v4;
	v0 =	vld [tilespmem:s24+$0x18440];
	v17 =	vadd.f32 v16, v5  }
0x17b: {  	v1 =	vld [tilespmem:s24+$0x18450]  }
0x17c: {  	v14 =	vld [tilespmem:s24+$0x18380]  }
0x17d: {  	v16 =	vld [tilespmem:s24+$0x18390]  }
0x17e: {  	v13 =	vld [tilespmem:s24+$0x183A0]  }
0x17f: {  	v15 =	vld [tilespmem:s24+$0x183B0]  }
0x180: {  	v3 =	vld [tilespmem:s24+$0x183C0]  }
0x181: {  	v2 =	vld [tilespmem:s24+$0x183D0]  }
0x182: {  	v32 =	vld [tilespmem:s24+$0x18300]  }
0x183: {  	v33 =	vld [tilespmem:s24+$0x18310]  }
0x184: {  	v34 =	vld [tilespmem:s24+$0x18320]  }
0x185: {  	v35 =	vld [tilespmem:s24+$0x18330]  }
0x186: {  	v4 =	vld [tilespmem:s24+$0x18340]  }
0x187: {  	v5 =	vld [tilespmem:s24+$0x18350]  }
0x188: {  	v30 =	vld [tilespmem:s24+$0x18280]  }
0x189: {  	v31 =	vld [tilespmem:s24+$0x18290]  }
0x18a: {  	v36 =	vld [tilespmem:s24+$0x182A0]  }
0x18b: {  	v37 =	vld [tilespmem:s24+$0x182B0]  }
0x18c: {  	v10 =	vld [tilespmem:s24+$0x182C0]  }
0x18d: {  	v11 =	vld [tilespmem:s24+$0x182D0]  }
0x18e: {  	v28 =	vld [tilespmem:s24+$0x18200]  }
0x18f: {  	v29 =	vld [tilespmem:s24+$0x18210]  }
0x190: {  	v25 =	vld [tilespmem:s24+$0x18180]  }
0x191: {  	v26 =	vld [tilespmem:s24+$0x18190]  }
0x192: {  	v20 =	vld [tilespmem:s24+$0x18100]  }
0x193: {  	v27 =	vld [tilespmem:s24+$0x18110]  }
0x194: {  	v38 =	vld [tilespmem:s24+$0x18080]  }
0x195: {  	v39 =	vld [tilespmem:s24+$0x18090]  }
0x196: {  	v40 =	vld [tilespmem:s24+$0x180A0]  }
0x197: {  	v41 =	vld [tilespmem:s24+$0x180B0]  }
0x198: {  	v42 =	vld [tilespmem:s24+$0x18120]  }
0x199: {  	v43 =	vld [tilespmem:s24+$0x18130]  }
0x19a: {  	v44 =	vld [tilespmem:s24+$0x181A0]  }
0x19b: {  	v21 =	vadd.f32 v38, v21;
	v22 =	vadd.f32 v39, v22;
	v38 =	vld [tilespmem:s24+$0x181B0]  }
0x19c: {  	v23 =	vadd.f32 v40, v23;
	v24 =	vadd.f32 v41, v24;
	v39 =	vld [tilespmem:s24+$0x18220]  }
0x19d: {  	v21 =	vadd.f32 v20, v21;
	v22 =	vadd.f32 v27, v22;
	v40 =	vld [tilespmem:s24+$0x18230]  }
0x19e: {  	v23 =	vadd.f32 v42, v23;
	v24 =	vadd.f32 v43, v24;
	v20 =	vld [tilespmem:s24+$0x18240]  }
0x19f: {  	v21 =	vadd.f32 v25, v21;
	v22 =	vadd.f32 v26, v22;
	v25 =	vld [tilespmem:s24+$0x18250]  }
0x1a0: {  	v23 =	vadd.f32 v44, v23;
	v24 =	vadd.f32 v38, v24;
	v26 =	vld [tilespmem:s24+$0x181C0]  }
0x1a1: {  	v21 =	vadd.f32 v28, v21;
	v22 =	vadd.f32 v29, v22;
	v27 =	vld [tilespmem:s24+$0x181D0]  }
.Ltmp2:
0x1a2: {  	v23 =	vadd.f32 v39, v23;
	v28 =	vld [tilespmem:s24+$0x18140];
	v24 =	vadd.f32 v40, v24;
	(pc) =	sbr.rel @p1 .LBB2_7-.Ltmp2, $4  }
0x1a3: {  	v21 =	vadd.f32 v30, v21;
	v22 =	vadd.f32 v31, v22;
	v29 =	vld [tilespmem:s24+$0x18150]  }
0x1a4: {  	v23 =	vadd.f32 v36, v23;
	v30 =	vld [tilespmem:s24+$0x180C0];
	v24 =	vadd.f32 v37, v24  }
0x1a5: {  	v21 =	vadd.f32 v32, v21;
	v22 =	vadd.f32 v33, v22;
	v31 =	vld [tilespmem:s24+$0x180D0]  }
0x1a6: {  	s25 =	sadd.s32 $0x1000, s25;
	v23 =	vadd.f32 v34, v23;
	v32 =	vld [tilespmem:s24+$0x180E0];
	v24 =	vadd.f32 v35, v24  }
0x1a7: {  	v14 =	vadd.f32 v14, v21;
	v16 =	vadd.f32 v16, v22  }
0x1a8: {  	v33 =	vld [tilespmem:s24+$0x180F0];
	v13 =	vadd.f32 v13, v23;
	v15 =	vadd.f32 v15, v24  }
0x1a9: {  	v21 =	vld [tilespmem:s24+$0x18160];
	v6 =	vadd.f32 v6, v14;
	v7 =	vadd.f32 v7, v16  }
0x1aa: {  	v22 =	vld [tilespmem:s24+$0x18170];
	v12 =	vadd.f32 v30, v12;
	v8 =	vadd.f32 v8, v13  }
0x1ab: {  	v14 =	vld [tilespmem:s24+$0x181E0];
	v9 =	vadd.f32 v9, v15;
	v13 =	vadd.f32 v31, v19  }
0x1ac: {  	v15 =	vld [tilespmem:s24+$0x181F0];
	v16 =	vadd.f32 v32, v18;
	v12 =	vadd.f32 v28, v12  }
0x1ad: {  	v18 =	vld [tilespmem:s24+$0x18260];
	v17 =	vadd.f32 v33, v17;
	v13 =	vadd.f32 v29, v13  }
0x1ae: {  	v19 =	vld [tilespmem:s24+$0x18270];
	v16 =	vadd.f32 v21, v16;
	v12 =	vadd.f32 v26, v12  }
0x1af: {  	v21 =	vld [tilespmem:s24+$0x182E0];
	v17 =	vadd.f32 v22, v17;
	v13 =	vadd.f32 v27, v13  }
0x1b0: {  	v22 =	vld [tilespmem:s24+$0x182F0];
	v14 =	vadd.f32 v14, v16;
	v12 =	vadd.f32 v20, v12  }
0x1b1: {  	v16 =	vld [tilespmem:s24+$0x18360];
	v15 =	vadd.f32 v15, v17;
	v13 =	vadd.f32 v25, v13  }
0x1b2: {  	v17 =	vld [tilespmem:s24+$0x18370];
	v14 =	vadd.f32 v18, v14;
	v10 =	vadd.f32 v10, v12  }
0x1b3: {  	v18 =	vld [tilespmem:s24+$0x183E0];
	v12 =	vadd.f32 v19, v15;
	v11 =	vadd.f32 v11, v13  }
0x1b4: {  	v13 =	vld [tilespmem:s24+$0x183F0];
	v14 =	vadd.f32 v21, v14;
	v4 =	vadd.f32 v4, v10  }
0x1b5: {  	v15 =	vld [tilespmem:s24+$0x18460];
	v10 =	vadd.f32 v22, v12;
	v5 =	vadd.f32 v5, v11  }
0x1b6: {  	v11 =	vld [tilespmem:s24+$0x18470];
	[tilespmem:$0x1E180] =	vst v6;
	v12 =	vadd.f32 v16, v14;
	v3 =	vadd.f32 v3, v4  }
0x1b7: {  	[tilespmem:$0x1E190] =	vst v7;
	v4 =	vadd.f32 v17, v10;
	v2 =	vadd.f32 v2, v5  }
0x1b8: {  	[tilespmem:$0x1E1A0] =	vst v8;
	v5 =	vadd.f32 v18, v12;
	v0 =	vadd.f32 v0, v3  }
0x1b9: {  	[tilespmem:$0x1E1B0] =	vst v9;
	v3 =	vadd.f32 v13, v4;
	v1 =	vadd.f32 v1, v2  }
0x1ba: {  	v2 =	vadd.f32 v15, v5;
	[tilespmem:$0x1E1C0] =	vst v0  }
0x1bb: {  	v0 =	vadd.f32 v11, v3;
	[tilespmem:$0x1E1D0] =	vst v1  }
0x1bc: {  	[tilespmem:$0x1E1E0] =	vst v2  }
0x1bd: {  	s24 =	simm.s32 $0x0;
	[tilespmem:$0x1E1F0] =	vst v0  }
0x1be: {  	v6 =	vld [tilespmem:s24+$0x19400]  }
0x1bf: {  	v7 =	vld [tilespmem:s24+$0x19410]  }
0x1c0: {  	v8 =	vld [tilespmem:s24+$0x19420]  }
0x1c1: {  	v9 =	vld [tilespmem:s24+$0x19430]  }
0x1c2: {  	v0 =	vld [tilespmem:s24+$0x19440]  }
0x1c3: {  	v1 =	vld [tilespmem:s24+$0x19450]  }
0x1c4: {  	v14 =	vld [tilespmem:s24+$0x19380]  }
0x1c5: {  	v16 =	vld [tilespmem:s24+$0x19390]  }
0x1c6: {  	v13 =	vld [tilespmem:s24+$0x193A0]  }
0x1c7: {  	v15 =	vld [tilespmem:s24+$0x193B0]  }
0x1c8: {  	v3 =	vld [tilespmem:s24+$0x193C0]  }
0x1c9: {  	v2 =	vld [tilespmem:s24+$0x193D0]  }
0x1ca: {  	v17 =	vld [tilespmem:s24+$0x19300]  }
0x1cb: {  	v18 =	vld [tilespmem:s24+$0x19310]  }
0x1cc: {  	v19 =	vld [tilespmem:s24+$0x19320]  }
0x1cd: {  	v24 =	vld [tilespmem:s24+$0x19330]  }
0x1ce: {  	v4 =	vld [tilespmem:s24+$0x19340]  }
0x1cf: {  	v5 =	vld [tilespmem:s24+$0x19350]  }
0x1d0: {  	v21 =	vld [tilespmem:s24+$0x19280]  }
0x1d1: {  	v22 =	vld [tilespmem:s24+$0x19290]  }
0x1d2: {  	v23 =	vld [tilespmem:s24+$0x192A0]  }
0x1d3: {  	v30 =	vld [tilespmem:s24+$0x192B0]  }
0x1d4: {  	v10 =	vld [tilespmem:s24+$0x192C0]  }
0x1d5: {  	v27 =	vld [tilespmem:s24+$0x19200]  }
0x1d6: {  	v28 =	vld [tilespmem:s24+$0x19210]  }
0x1d7: {  	v25 =	vld [tilespmem:s24+$0x19180]  }
0x1d8: {  	v26 =	vld [tilespmem:s24+$0x19190]  }
0x1d9: {  	v11 =	vld [tilespmem:s24+$0x19100]  }
0x1da: {  	v20 =	vld [tilespmem:s24+$0x19110]  }
0x1db: {  	v29 =	vld [tilespmem:s24+$0x19080]  }
0x1dc: {  	v31 =	vld [tilespmem:s24+$0x19090]  }
0x1dd: {  	v61 =	vld [tilespmem:s24+$0x190A0]  }
0x1de: {  	v62 =	vld [tilespmem:s24+$0x190B0]  }
0x1df: {  	v34 =	vld [tilespmem:s24+$0x19120]  }
0x1e0: {  	v35 =	vld [tilespmem:s24+$0x19130]  }
0x1e1: {  	v12 =	vimm.f32 $0.0e+00;
	v36 =	vld [tilespmem:s24+$0x191A0]  }
0x1e2: {  	v37 =	vld [tilespmem:s24+$0x191B0];
	v29 =	vadd.f32 v29, v12;
	v31 =	vadd.f32 v31, v12  }
0x1e3: {  	v38 =	vld [tilespmem:s24+$0x19220];
	v32 =	vadd.f32 v61, v12;
	v33 =	vadd.f32 v62, v12  }
0x1e4: {  	v39 =	vld [tilespmem:s24+$0x19230];
	v29 =	vadd.f32 v11, v29;
	v31 =	vadd.f32 v20, v31  }
0x1e5: {  	v11 =	vld [tilespmem:s24+$0x192D0];
	v32 =	vadd.f32 v34, v32;
	v33 =	vadd.f32 v35, v33  }
0x1e6: {  	v20 =	vld [tilespmem:s24+$0x19240];
	v29 =	vadd.f32 v25, v29;
	v31 =	vadd.f32 v26, v31  }
0x1e7: {  	v25 =	vld [tilespmem:s24+$0x19250];
	v32 =	vadd.f32 v36, v32;
	v33 =	vadd.f32 v37, v33  }
0x1e8: {  	v26 =	vld [tilespmem:s24+$0x191C0];
	v29 =	vadd.f32 v27, v29;
	v31 =	vadd.f32 v28, v31  }
0x1e9: {  	v27 =	vld [tilespmem:s24+$0x191D0];
	v32 =	vadd.f32 v38, v32;
	v33 =	vadd.f32 v39, v33  }
0x1ea: {  	v28 =	vld [tilespmem:s24+$0x19140];
	v21 =	vadd.f32 v21, v29;
	v22 =	vadd.f32 v22, v31  }
0x1eb: {  	v29 =	vld [tilespmem:s24+$0x19150];
	v23 =	vadd.f32 v23, v32;
	v63 =	vadd.f32 v30, v33  }
0x1ec: {  	v30 =	vld [tilespmem:s24+$0x190C0];
	v21 =	vadd.f32 v17, v21;
	v22 =	vadd.f32 v18, v22  }
0x1ed: {  	v31 =	vld [tilespmem:s24+$0x190D0];
	v23 =	vadd.f32 v19, v23;
	v24 =	vadd.f32 v24, v63  }
0x1ee: {  	s25 =	simm.s32 $0x1000;
	v32 =	vld [tilespmem:s24+$0x190E0];
	v19 =	vimm.f32 $0.0e+00;
	v18 =	vimm.f32 $0.0e+00;
	v17 =	vimm.f32 $0.0e+00  }
.LBB2_9:
0x1ef: {  	p1 =	sne.s32 s25, $0x3000;
	v33 =	vld [tilespmem:s24+$0x190F0];
	v14 =	vadd.f32 v14, v21;
	v16 =	vadd.f32 v16, v22  }
0x1f0: {  	v34 =	vld [tilespmem:s24+$0x19160];
	v13 =	vadd.f32 v13, v23;
	v15 =	vadd.f32 v15, v24  }
0x1f1: {  	v35 =	vld [tilespmem:s24+$0x19170];
	v21 =	vadd.f32 v6, v14;
	v22 =	vadd.f32 v7, v16  }
0x1f2: {  	v6 =	vld [tilespmem:s24+$0x191E0];
	v23 =	vadd.f32 v8, v13;
	v24 =	vadd.f32 v9, v15  }
0x1f3: {  	v7 =	vadd.f32 v30, v12;
	v8 =	vadd.f32 v31, v19;
	v9 =	vld [tilespmem:s24+$0x191F0]  }
0x1f4: {  	v12 =	vadd.f32 v32, v18;
	v13 =	vadd.f32 v33, v17;
	v14 =	vld [tilespmem:s24+$0x19260]  }
0x1f5: {  	v7 =	vadd.f32 v28, v7;
	v8 =	vadd.f32 v29, v8;
	v15 =	vld [tilespmem:s24+$0x19270]  }
0x1f6: {  	v12 =	vadd.f32 v34, v12;
	v13 =	vadd.f32 v35, v13;
	v16 =	vld [tilespmem:s24+$0x192E0]  }
0x1f7: {  	v7 =	vadd.f32 v26, v7;
	v8 =	vadd.f32 v27, v8;
	v17 =	vld [tilespmem:s24+$0x192F0]  }
0x1f8: {  	v6 =	vadd.f32 v6, v12;
	v9 =	vadd.f32 v9, v13;
	v12 =	vld [tilespmem:s24+$0x19360]  }
0x1f9: {  	v7 =	vadd.f32 v20, v7;
	v8 =	vadd.f32 v25, v8;
	v13 =	vld [tilespmem:s24+$0x19370]  }
0x1fa: {  	v6 =	vadd.f32 v14, v6;
	v9 =	vadd.f32 v15, v9;
	v14 =	vld [tilespmem:s24+$0x193E0]  }
0x1fb: {  	v7 =	vadd.f32 v10, v7;
	v8 =	vadd.f32 v11, v8;
	v10 =	vld [tilespmem:s24+$0x193F0]  }
0x1fc: {  	v11 =	vadd.f32 v16, v6;
	v9 =	vadd.f32 v17, v9;
	v15 =	vld [tilespmem:s24+$0x19460]  }
0x1fd: {  	v4 =	vadd.f32 v4, v7;
	v5 =	vadd.f32 v5, v8;
	v16 =	vld [tilespmem:s24+$0x19470];
	s24 =	sshra.s32 s25, $0x2  }
0x1fe: {  	v11 =	vadd.f32 v12, v11;
	v6 =	vld [tilespmem:s24+$0x19400];
	v9 =	vadd.f32 v13, v9  }
0x1ff: {  	v3 =	vadd.f32 v3, v4;
	v2 =	vadd.f32 v2, v5;
	v7 =	vld [tilespmem:s24+$0x19410]  }
0x200: {  	v4 =	vadd.f32 v14, v11;
	v8 =	vld [tilespmem:s24+$0x19420];
	v5 =	vadd.f32 v10, v9  }
0x201: {  	v12 =	vadd.f32 v0, v3;
	v19 =	vadd.f32 v1, v2;
	v9 =	vld [tilespmem:s24+$0x19430]  }
0x202: {  	v18 =	vadd.f32 v15, v4;
	v0 =	vld [tilespmem:s24+$0x19440];
	v17 =	vadd.f32 v16, v5  }
0x203: {  	v1 =	vld [tilespmem:s24+$0x19450]  }
0x204: {  	v14 =	vld [tilespmem:s24+$0x19380]  }
0x205: {  	v16 =	vld [tilespmem:s24+$0x19390]  }
0x206: {  	v13 =	vld [tilespmem:s24+$0x193A0]  }
0x207: {  	v15 =	vld [tilespmem:s24+$0x193B0]  }
0x208: {  	v3 =	vld [tilespmem:s24+$0x193C0]  }
0x209: {  	v2 =	vld [tilespmem:s24+$0x193D0]  }
0x20a: {  	v32 =	vld [tilespmem:s24+$0x19300]  }
0x20b: {  	v33 =	vld [tilespmem:s24+$0x19310]  }
0x20c: {  	v34 =	vld [tilespmem:s24+$0x19320]  }
0x20d: {  	v35 =	vld [tilespmem:s24+$0x19330]  }
0x20e: {  	v4 =	vld [tilespmem:s24+$0x19340]  }
0x20f: {  	v5 =	vld [tilespmem:s24+$0x19350]  }
0x210: {  	v30 =	vld [tilespmem:s24+$0x19280]  }
0x211: {  	v31 =	vld [tilespmem:s24+$0x19290]  }
0x212: {  	v36 =	vld [tilespmem:s24+$0x192A0]  }
0x213: {  	v37 =	vld [tilespmem:s24+$0x192B0]  }
0x214: {  	v10 =	vld [tilespmem:s24+$0x192C0]  }
0x215: {  	v11 =	vld [tilespmem:s24+$0x192D0]  }
0x216: {  	v28 =	vld [tilespmem:s24+$0x19200]  }
0x217: {  	v29 =	vld [tilespmem:s24+$0x19210]  }
0x218: {  	v25 =	vld [tilespmem:s24+$0x19180]  }
0x219: {  	v26 =	vld [tilespmem:s24+$0x19190]  }
0x21a: {  	v20 =	vld [tilespmem:s24+$0x19100]  }
0x21b: {  	v27 =	vld [tilespmem:s24+$0x19110]  }
0x21c: {  	v38 =	vld [tilespmem:s24+$0x19080]  }
0x21d: {  	v39 =	vld [tilespmem:s24+$0x19090]  }
0x21e: {  	v40 =	vld [tilespmem:s24+$0x190A0]  }
0x21f: {  	v41 =	vld [tilespmem:s24+$0x190B0]  }
0x220: {  	v42 =	vld [tilespmem:s24+$0x19120]  }
0x221: {  	v43 =	vld [tilespmem:s24+$0x19130]  }
0x222: {  	v44 =	vld [tilespmem:s24+$0x191A0]  }
0x223: {  	v21 =	vadd.f32 v38, v21;
	v22 =	vadd.f32 v39, v22;
	v38 =	vld [tilespmem:s24+$0x191B0]  }
0x224: {  	v23 =	vadd.f32 v40, v23;
	v24 =	vadd.f32 v41, v24;
	v39 =	vld [tilespmem:s24+$0x19220]  }
0x225: {  	v21 =	vadd.f32 v20, v21;
	v22 =	vadd.f32 v27, v22;
	v40 =	vld [tilespmem:s24+$0x19230]  }
0x226: {  	v23 =	vadd.f32 v42, v23;
	v24 =	vadd.f32 v43, v24;
	v20 =	vld [tilespmem:s24+$0x19240]  }
0x227: {  	v21 =	vadd.f32 v25, v21;
	v22 =	vadd.f32 v26, v22;
	v25 =	vld [tilespmem:s24+$0x19250]  }
0x228: {  	v23 =	vadd.f32 v44, v23;
	v24 =	vadd.f32 v38, v24;
	v26 =	vld [tilespmem:s24+$0x191C0]  }
0x229: {  	v21 =	vadd.f32 v28, v21;
	v22 =	vadd.f32 v29, v22;
	v27 =	vld [tilespmem:s24+$0x191D0]  }
.Ltmp3:
0x22a: {  	v23 =	vadd.f32 v39, v23;
	v28 =	vld [tilespmem:s24+$0x19140];
	v24 =	vadd.f32 v40, v24;
	(pc) =	sbr.rel @p1 .LBB2_9-.Ltmp3, $4  }
0x22b: {  	v21 =	vadd.f32 v30, v21;
	v22 =	vadd.f32 v31, v22;
	v29 =	vld [tilespmem:s24+$0x19150]  }
0x22c: {  	v23 =	vadd.f32 v36, v23;
	v30 =	vld [tilespmem:s24+$0x190C0];
	v24 =	vadd.f32 v37, v24  }
0x22d: {  	v21 =	vadd.f32 v32, v21;
	v22 =	vadd.f32 v33, v22;
	v31 =	vld [tilespmem:s24+$0x190D0]  }
0x22e: {  	s25 =	sadd.s32 $0x1000, s25;
	v23 =	vadd.f32 v34, v23;
	v32 =	vld [tilespmem:s24+$0x190E0];
	v24 =	vadd.f32 v35, v24  }
0x22f: {  	v14 =	vadd.f32 v14, v21;
	v16 =	vadd.f32 v16, v22  }
0x230: {  	v33 =	vld [tilespmem:s24+$0x190F0];
	v13 =	vadd.f32 v13, v23;
	v15 =	vadd.f32 v15, v24  }
0x231: {  	v21 =	vld [tilespmem:s24+$0x19160];
	v6 =	vadd.f32 v6, v14;
	v7 =	vadd.f32 v7, v16  }
0x232: {  	v22 =	vld [tilespmem:s24+$0x19170];
	v12 =	vadd.f32 v30, v12;
	v8 =	vadd.f32 v8, v13  }
0x233: {  	v14 =	vld [tilespmem:s24+$0x191E0];
	v9 =	vadd.f32 v9, v15;
	v13 =	vadd.f32 v31, v19  }
0x234: {  	v15 =	vld [tilespmem:s24+$0x191F0];
	v16 =	vadd.f32 v32, v18;
	v12 =	vadd.f32 v28, v12  }
0x235: {  	v18 =	vld [tilespmem:s24+$0x19260];
	v17 =	vadd.f32 v33, v17;
	v13 =	vadd.f32 v29, v13  }
0x236: {  	v19 =	vld [tilespmem:s24+$0x19270];
	v16 =	vadd.f32 v21, v16;
	v12 =	vadd.f32 v26, v12  }
0x237: {  	v21 =	vld [tilespmem:s24+$0x192E0];
	v17 =	vadd.f32 v22, v17;
	v13 =	vadd.f32 v27, v13  }
0x238: {  	v22 =	vld [tilespmem:s24+$0x192F0];
	v14 =	vadd.f32 v14, v16;
	v12 =	vadd.f32 v20, v12  }
0x239: {  	v16 =	vld [tilespmem:s24+$0x19360];
	v15 =	vadd.f32 v15, v17;
	v13 =	vadd.f32 v25, v13  }
0x23a: {  	v17 =	vld [tilespmem:s24+$0x19370];
	v14 =	vadd.f32 v18, v14;
	v10 =	vadd.f32 v10, v12  }
0x23b: {  	v18 =	vld [tilespmem:s24+$0x193E0];
	v12 =	vadd.f32 v19, v15;
	v11 =	vadd.f32 v11, v13  }
0x23c: {  	v13 =	vld [tilespmem:s24+$0x193F0];
	v14 =	vadd.f32 v21, v14;
	v4 =	vadd.f32 v4, v10  }
0x23d: {  	v15 =	vld [tilespmem:s24+$0x19460];
	v10 =	vadd.f32 v22, v12;
	v5 =	vadd.f32 v5, v11  }
0x23e: {  	v11 =	vld [tilespmem:s24+$0x19470];
	[tilespmem:$0x1E200] =	vst v6;
	v12 =	vadd.f32 v16, v14;
	v3 =	vadd.f32 v3, v4  }
0x23f: {  	[tilespmem:$0x1E210] =	vst v7;
	v4 =	vadd.f32 v17, v10;
	v2 =	vadd.f32 v2, v5  }
0x240: {  	[tilespmem:$0x1E220] =	vst v8;
	v5 =	vadd.f32 v18, v12;
	v0 =	vadd.f32 v0, v3  }
0x241: {  	[tilespmem:$0x1E230] =	vst v9;
	v3 =	vadd.f32 v13, v4;
	v1 =	vadd.f32 v1, v2  }
0x242: {  	v2 =	vadd.f32 v15, v5;
	[tilespmem:$0x1E240] =	vst v0  }
0x243: {  	v0 =	vadd.f32 v11, v3;
	[tilespmem:$0x1E250] =	vst v1  }
0x244: {  	p1 =	seq.s32 s22, $0x27;
	[tilespmem:$0x1E260] =	vst v2  }
0x245: {  	s23 =	sadd.s32 @!p1 $0x13980, s23;
	s25 =	simm.s32 @!p1 $0x16080;
	s24 =	simm.s32 @!p1 $0x80;
	[tilespmem:$0x1E270] =	vst v0  }
0x246: {  	[tilespmem:s25], [sflag:$0x1] =	stream.indirect.gather @!p1 [spmem:s2], $0x80, s23, s24, $0xb8;
	[tilespmem:$0x1E480] =	vst v63  }
0x247: {  	_ =	swait.ge [sflag:s19], $0x4000  }
0x248: {  	[sflag:s19] =	ssyncset.done $0x0  }
0x249: {  	s23 =	simm.s32 $0x0;
	[sflag:s19] =	ssyncadd.s32 $0xFFFFC000  }
0x24a: {  	v6 =	vld [tilespmem:s23+$0x1A400]  }
0x24b: {  	v7 =	vld [tilespmem:s23+$0x1A410]  }
0x24c: {  	v8 =	vld [tilespmem:s23+$0x1A420]  }
0x24d: {  	v9 =	vld [tilespmem:s23+$0x1A430]  }
0x24e: {  	v0 =	vld [tilespmem:s23+$0x1A440]  }
0x24f: {  	v1 =	vld [tilespmem:s23+$0x1A450]  }
0x250: {  	v14 =	vld [tilespmem:s23+$0x1A380]  }
0x251: {  	v16 =	vld [tilespmem:s23+$0x1A390]  }
0x252: {  	v13 =	vld [tilespmem:s23+$0x1A3A0]  }
0x253: {  	v15 =	vld [tilespmem:s23+$0x1A3B0]  }
0x254: {  	v3 =	vld [tilespmem:s23+$0x1A3C0]  }
0x255: {  	v2 =	vld [tilespmem:s23+$0x1A3D0]  }
0x256: {  	v17 =	vld [tilespmem:s23+$0x1A300]  }
0x257: {  	v18 =	vld [tilespmem:s23+$0x1A310]  }
0x258: {  	v19 =	vld [tilespmem:s23+$0x1A320]  }
0x259: {  	v24 =	vld [tilespmem:s23+$0x1A330]  }
0x25a: {  	v4 =	vld [tilespmem:s23+$0x1A340]  }
0x25b: {  	v5 =	vld [tilespmem:s23+$0x1A350]  }
0x25c: {  	v21 =	vld [tilespmem:s23+$0x1A280]  }
0x25d: {  	v22 =	vld [tilespmem:s23+$0x1A290]  }
0x25e: {  	v23 =	vld [tilespmem:s23+$0x1A2A0]  }
0x25f: {  	v30 =	vld [tilespmem:s23+$0x1A2B0]  }
0x260: {  	v10 =	vld [tilespmem:s23+$0x1A2C0]  }
0x261: {  	v27 =	vld [tilespmem:s23+$0x1A200]  }
0x262: {  	v28 =	vld [tilespmem:s23+$0x1A210]  }
0x263: {  	v25 =	vld [tilespmem:s23+$0x1A180]  }
0x264: {  	v26 =	vld [tilespmem:s23+$0x1A190]  }
0x265: {  	v11 =	vld [tilespmem:s23+$0x1A100]  }
0x266: {  	v20 =	vld [tilespmem:s23+$0x1A110]  }
0x267: {  	v29 =	vld [tilespmem:s23+$0x1A080]  }
0x268: {  	v31 =	vld [tilespmem:s23+$0x1A090]  }
0x269: {  	v61 =	vld [tilespmem:s23+$0x1A0A0]  }
0x26a: {  	v62 =	vld [tilespmem:s23+$0x1A0B0]  }
0x26b: {  	v34 =	vld [tilespmem:s23+$0x1A120]  }
0x26c: {  	v35 =	vld [tilespmem:s23+$0x1A130]  }
0x26d: {  	v12 =	vimm.f32 $0.0e+00;
	v36 =	vld [tilespmem:s23+$0x1A1A0]  }
0x26e: {  	v37 =	vld [tilespmem:s23+$0x1A1B0];
	v29 =	vadd.f32 v29, v12;
	v31 =	vadd.f32 v31, v12  }
0x26f: {  	v38 =	vld [tilespmem:s23+$0x1A220];
	v32 =	vadd.f32 v61, v12;
	v33 =	vadd.f32 v62, v12  }
0x270: {  	v39 =	vld [tilespmem:s23+$0x1A230];
	v29 =	vadd.f32 v11, v29;
	v31 =	vadd.f32 v20, v31  }
0x271: {  	v11 =	vld [tilespmem:s23+$0x1A2D0];
	v32 =	vadd.f32 v34, v32;
	v33 =	vadd.f32 v35, v33  }
0x272: {  	v20 =	vld [tilespmem:s23+$0x1A240];
	v29 =	vadd.f32 v25, v29;
	v31 =	vadd.f32 v26, v31  }
0x273: {  	v25 =	vld [tilespmem:s23+$0x1A250];
	v32 =	vadd.f32 v36, v32;
	v33 =	vadd.f32 v37, v33  }
0x274: {  	v26 =	vld [tilespmem:s23+$0x1A1C0];
	v29 =	vadd.f32 v27, v29;
	v31 =	vadd.f32 v28, v31  }
0x275: {  	v27 =	vld [tilespmem:s23+$0x1A1D0];
	v32 =	vadd.f32 v38, v32;
	v33 =	vadd.f32 v39, v33  }
0x276: {  	v28 =	vld [tilespmem:s23+$0x1A140];
	v21 =	vadd.f32 v21, v29;
	v22 =	vadd.f32 v22, v31  }
0x277: {  	v29 =	vld [tilespmem:s23+$0x1A150];
	v23 =	vadd.f32 v23, v32;
	v63 =	vadd.f32 v30, v33  }
0x278: {  	v30 =	vld [tilespmem:s23+$0x1A0C0];
	v21 =	vadd.f32 v17, v21;
	v22 =	vadd.f32 v18, v22  }
0x279: {  	v31 =	vld [tilespmem:s23+$0x1A0D0];
	v23 =	vadd.f32 v19, v23;
	v24 =	vadd.f32 v24, v63  }
0x27a: {  	s24 =	simm.s32 $0x1000;
	v32 =	vld [tilespmem:s23+$0x1A0E0];
	v19 =	vimm.f32 $0.0e+00;
	v18 =	vimm.f32 $0.0e+00;
	v17 =	vimm.f32 $0.0e+00  }
.LBB2_11:
0x27b: {  	p1 =	sne.s32 s24, $0x3000;
	v33 =	vld [tilespmem:s23+$0x1A0F0];
	v14 =	vadd.f32 v14, v21;
	v16 =	vadd.f32 v16, v22  }
0x27c: {  	v34 =	vld [tilespmem:s23+$0x1A160];
	v13 =	vadd.f32 v13, v23;
	v15 =	vadd.f32 v15, v24  }
0x27d: {  	v35 =	vld [tilespmem:s23+$0x1A170];
	v21 =	vadd.f32 v6, v14;
	v22 =	vadd.f32 v7, v16  }
0x27e: {  	v6 =	vld [tilespmem:s23+$0x1A1E0];
	v23 =	vadd.f32 v8, v13;
	v24 =	vadd.f32 v9, v15  }
0x27f: {  	v7 =	vadd.f32 v30, v12;
	v8 =	vadd.f32 v31, v19;
	v9 =	vld [tilespmem:s23+$0x1A1F0]  }
0x280: {  	v12 =	vadd.f32 v32, v18;
	v13 =	vadd.f32 v33, v17;
	v14 =	vld [tilespmem:s23+$0x1A260]  }
0x281: {  	v7 =	vadd.f32 v28, v7;
	v8 =	vadd.f32 v29, v8;
	v15 =	vld [tilespmem:s23+$0x1A270]  }
0x282: {  	v12 =	vadd.f32 v34, v12;
	v13 =	vadd.f32 v35, v13;
	v16 =	vld [tilespmem:s23+$0x1A2E0]  }
0x283: {  	v7 =	vadd.f32 v26, v7;
	v8 =	vadd.f32 v27, v8;
	v17 =	vld [tilespmem:s23+$0x1A2F0]  }
0x284: {  	v6 =	vadd.f32 v6, v12;
	v9 =	vadd.f32 v9, v13;
	v12 =	vld [tilespmem:s23+$0x1A360]  }
0x285: {  	v7 =	vadd.f32 v20, v7;
	v8 =	vadd.f32 v25, v8;
	v13 =	vld [tilespmem:s23+$0x1A370]  }
0x286: {  	v6 =	vadd.f32 v14, v6;
	v9 =	vadd.f32 v15, v9;
	v14 =	vld [tilespmem:s23+$0x1A3E0]  }
0x287: {  	v7 =	vadd.f32 v10, v7;
	v8 =	vadd.f32 v11, v8;
	v10 =	vld [tilespmem:s23+$0x1A3F0]  }
0x288: {  	v11 =	vadd.f32 v16, v6;
	v9 =	vadd.f32 v17, v9;
	v15 =	vld [tilespmem:s23+$0x1A460]  }
0x289: {  	v4 =	vadd.f32 v4, v7;
	v5 =	vadd.f32 v5, v8;
	v16 =	vld [tilespmem:s23+$0x1A470];
	s23 =	sshra.s32 s24, $0x2  }
0x28a: {  	v11 =	vadd.f32 v12, v11;
	v6 =	vld [tilespmem:s23+$0x1A400];
	v9 =	vadd.f32 v13, v9  }
0x28b: {  	v3 =	vadd.f32 v3, v4;
	v2 =	vadd.f32 v2, v5;
	v7 =	vld [tilespmem:s23+$0x1A410]  }
0x28c: {  	v4 =	vadd.f32 v14, v11;
	v8 =	vld [tilespmem:s23+$0x1A420];
	v5 =	vadd.f32 v10, v9  }
0x28d: {  	v12 =	vadd.f32 v0, v3;
	v19 =	vadd.f32 v1, v2;
	v9 =	vld [tilespmem:s23+$0x1A430]  }
0x28e: {  	v18 =	vadd.f32 v15, v4;
	v0 =	vld [tilespmem:s23+$0x1A440];
	v17 =	vadd.f32 v16, v5  }
0x28f: {  	v1 =	vld [tilespmem:s23+$0x1A450]  }
0x290: {  	v14 =	vld [tilespmem:s23+$0x1A380]  }
0x291: {  	v16 =	vld [tilespmem:s23+$0x1A390]  }
0x292: {  	v13 =	vld [tilespmem:s23+$0x1A3A0]  }
0x293: {  	v15 =	vld [tilespmem:s23+$0x1A3B0]  }
0x294: {  	v3 =	vld [tilespmem:s23+$0x1A3C0]  }
0x295: {  	v2 =	vld [tilespmem:s23+$0x1A3D0]  }
0x296: {  	v32 =	vld [tilespmem:s23+$0x1A300]  }
0x297: {  	v33 =	vld [tilespmem:s23+$0x1A310]  }
0x298: {  	v34 =	vld [tilespmem:s23+$0x1A320]  }
0x299: {  	v35 =	vld [tilespmem:s23+$0x1A330]  }
0x29a: {  	v4 =	vld [tilespmem:s23+$0x1A340]  }
0x29b: {  	v5 =	vld [tilespmem:s23+$0x1A350]  }
0x29c: {  	v30 =	vld [tilespmem:s23+$0x1A280]  }
0x29d: {  	v31 =	vld [tilespmem:s23+$0x1A290]  }
0x29e: {  	v36 =	vld [tilespmem:s23+$0x1A2A0]  }
0x29f: {  	v37 =	vld [tilespmem:s23+$0x1A2B0]  }
0x2a0: {  	v10 =	vld [tilespmem:s23+$0x1A2C0]  }
0x2a1: {  	v11 =	vld [tilespmem:s23+$0x1A2D0]  }
0x2a2: {  	v28 =	vld [tilespmem:s23+$0x1A200]  }
0x2a3: {  	v29 =	vld [tilespmem:s23+$0x1A210]  }
0x2a4: {  	v25 =	vld [tilespmem:s23+$0x1A180]  }
0x2a5: {  	v26 =	vld [tilespmem:s23+$0x1A190]  }
0x2a6: {  	v20 =	vld [tilespmem:s23+$0x1A100]  }
0x2a7: {  	v27 =	vld [tilespmem:s23+$0x1A110]  }
0x2a8: {  	v38 =	vld [tilespmem:s23+$0x1A080]  }
0x2a9: {  	v39 =	vld [tilespmem:s23+$0x1A090]  }
0x2aa: {  	v40 =	vld [tilespmem:s23+$0x1A0A0]  }
0x2ab: {  	v41 =	vld [tilespmem:s23+$0x1A0B0]  }
0x2ac: {  	v42 =	vld [tilespmem:s23+$0x1A120]  }
0x2ad: {  	v43 =	vld [tilespmem:s23+$0x1A130]  }
0x2ae: {  	v44 =	vld [tilespmem:s23+$0x1A1A0]  }
0x2af: {  	v21 =	vadd.f32 v38, v21;
	v22 =	vadd.f32 v39, v22;
	v38 =	vld [tilespmem:s23+$0x1A1B0]  }
0x2b0: {  	v23 =	vadd.f32 v40, v23;
	v24 =	vadd.f32 v41, v24;
	v39 =	vld [tilespmem:s23+$0x1A220]  }
0x2b1: {  	v21 =	vadd.f32 v20, v21;
	v22 =	vadd.f32 v27, v22;
	v40 =	vld [tilespmem:s23+$0x1A230]  }
0x2b2: {  	v23 =	vadd.f32 v42, v23;
	v24 =	vadd.f32 v43, v24;
	v20 =	vld [tilespmem:s23+$0x1A240]  }
0x2b3: {  	v21 =	vadd.f32 v25, v21;
	v22 =	vadd.f32 v26, v22;
	v25 =	vld [tilespmem:s23+$0x1A250]  }
0x2b4: {  	v23 =	vadd.f32 v44, v23;
	v24 =	vadd.f32 v38, v24;
	v26 =	vld [tilespmem:s23+$0x1A1C0]  }
0x2b5: {  	v21 =	vadd.f32 v28, v21;
	v22 =	vadd.f32 v29, v22;
	v27 =	vld [tilespmem:s23+$0x1A1D0]  }
.Ltmp4:
0x2b6: {  	v23 =	vadd.f32 v39, v23;
	v28 =	vld [tilespmem:s23+$0x1A140];
	v24 =	vadd.f32 v40, v24;
	(pc) =	sbr.rel @p1 .LBB2_11-.Ltmp4, $4  }
0x2b7: {  	v21 =	vadd.f32 v30, v21;
	v22 =	vadd.f32 v31, v22;
	v29 =	vld [tilespmem:s23+$0x1A150]  }
0x2b8: {  	v23 =	vadd.f32 v36, v23;
	v30 =	vld [tilespmem:s23+$0x1A0C0];
	v24 =	vadd.f32 v37, v24  }
0x2b9: {  	v21 =	vadd.f32 v32, v21;
	v22 =	vadd.f32 v33, v22;
	v31 =	vld [tilespmem:s23+$0x1A0D0]  }
0x2ba: {  	s24 =	sadd.s32 $0x1000, s24;
	v23 =	vadd.f32 v34, v23;
	v32 =	vld [tilespmem:s23+$0x1A0E0];
	v24 =	vadd.f32 v35, v24  }
0x2bb: {  	v14 =	vadd.f32 v14, v21;
	v16 =	vadd.f32 v16, v22  }
0x2bc: {  	v33 =	vld [tilespmem:s23+$0x1A0F0];
	v13 =	vadd.f32 v13, v23;
	v15 =	vadd.f32 v15, v24  }
0x2bd: {  	v21 =	vld [tilespmem:s23+$0x1A160];
	v6 =	vadd.f32 v6, v14;
	v7 =	vadd.f32 v7, v16  }
0x2be: {  	v22 =	vld [tilespmem:s23+$0x1A170];
	v12 =	vadd.f32 v30, v12;
	v8 =	vadd.f32 v8, v13  }
0x2bf: {  	v14 =	vld [tilespmem:s23+$0x1A1E0];
	v9 =	vadd.f32 v9, v15;
	v13 =	vadd.f32 v31, v19  }
0x2c0: {  	v15 =	vld [tilespmem:s23+$0x1A1F0];
	v16 =	vadd.f32 v32, v18;
	v12 =	vadd.f32 v28, v12  }
0x2c1: {  	v18 =	vld [tilespmem:s23+$0x1A260];
	v17 =	vadd.f32 v33, v17;
	v13 =	vadd.f32 v29, v13  }
0x2c2: {  	v19 =	vld [tilespmem:s23+$0x1A270];
	v16 =	vadd.f32 v21, v16;
	v12 =	vadd.f32 v26, v12  }
0x2c3: {  	v21 =	vld [tilespmem:s23+$0x1A2E0];
	v17 =	vadd.f32 v22, v17;
	v13 =	vadd.f32 v27, v13  }
0x2c4: {  	v22 =	vld [tilespmem:s23+$0x1A2F0];
	v14 =	vadd.f32 v14, v16;
	v12 =	vadd.f32 v20, v12  }
0x2c5: {  	v16 =	vld [tilespmem:s23+$0x1A360];
	v15 =	vadd.f32 v15, v17;
	v13 =	vadd.f32 v25, v13  }
0x2c6: {  	v17 =	vld [tilespmem:s23+$0x1A370];
	v14 =	vadd.f32 v18, v14;
	v10 =	vadd.f32 v10, v12  }
0x2c7: {  	v18 =	vld [tilespmem:s23+$0x1A3E0];
	v12 =	vadd.f32 v19, v15;
	v11 =	vadd.f32 v11, v13  }
0x2c8: {  	v13 =	vld [tilespmem:s23+$0x1A3F0];
	v14 =	vadd.f32 v21, v14;
	v4 =	vadd.f32 v4, v10  }
0x2c9: {  	v15 =	vld [tilespmem:s23+$0x1A460];
	v10 =	vadd.f32 v22, v12;
	v5 =	vadd.f32 v5, v11  }
0x2ca: {  	v11 =	vld [tilespmem:s23+$0x1A470];
	[tilespmem:$0x1E280] =	vst v6;
	v12 =	vadd.f32 v16, v14;
	v3 =	vadd.f32 v3, v4  }
0x2cb: {  	[tilespmem:$0x1E290] =	vst v7;
	v4 =	vadd.f32 v17, v10;
	v2 =	vadd.f32 v2, v5  }
0x2cc: {  	[tilespmem:$0x1E2A0] =	vst v8;
	v5 =	vadd.f32 v18, v12;
	v0 =	vadd.f32 v0, v3  }
0x2cd: {  	[tilespmem:$0x1E2B0] =	vst v9;
	v3 =	vadd.f32 v13, v4;
	v1 =	vadd.f32 v1, v2  }
0x2ce: {  	v2 =	vadd.f32 v15, v5;
	[tilespmem:$0x1E2C0] =	vst v0  }
0x2cf: {  	v0 =	vadd.f32 v11, v3;
	[tilespmem:$0x1E2D0] =	vst v1  }
0x2d0: {  	[tilespmem:$0x1E2E0] =	vst v2  }
0x2d1: {  	s23 =	simm.s32 $0x0;
	[tilespmem:$0x1E2F0] =	vst v0  }
0x2d2: {  	v6 =	vld [tilespmem:s23+$0x1B400]  }
0x2d3: {  	v7 =	vld [tilespmem:s23+$0x1B410]  }
0x2d4: {  	v8 =	vld [tilespmem:s23+$0x1B420]  }
0x2d5: {  	v9 =	vld [tilespmem:s23+$0x1B430]  }
0x2d6: {  	v0 =	vld [tilespmem:s23+$0x1B440]  }
0x2d7: {  	v1 =	vld [tilespmem:s23+$0x1B450]  }
0x2d8: {  	v14 =	vld [tilespmem:s23+$0x1B380]  }
0x2d9: {  	v16 =	vld [tilespmem:s23+$0x1B390]  }
0x2da: {  	v13 =	vld [tilespmem:s23+$0x1B3A0]  }
0x2db: {  	v15 =	vld [tilespmem:s23+$0x1B3B0]  }
0x2dc: {  	v3 =	vld [tilespmem:s23+$0x1B3C0]  }
0x2dd: {  	v2 =	vld [tilespmem:s23+$0x1B3D0]  }
0x2de: {  	v17 =	vld [tilespmem:s23+$0x1B300]  }
0x2df: {  	v18 =	vld [tilespmem:s23+$0x1B310]  }
0x2e0: {  	v19 =	vld [tilespmem:s23+$0x1B320]  }
0x2e1: {  	v24 =	vld [tilespmem:s23+$0x1B330]  }
0x2e2: {  	v4 =	vld [tilespmem:s23+$0x1B340]  }
0x2e3: {  	v5 =	vld [tilespmem:s23+$0x1B350]  }
0x2e4: {  	v21 =	vld [tilespmem:s23+$0x1B280]  }
0x2e5: {  	v22 =	vld [tilespmem:s23+$0x1B290]  }
0x2e6: {  	v23 =	vld [tilespmem:s23+$0x1B2A0]  }
0x2e7: {  	v30 =	vld [tilespmem:s23+$0x1B2B0]  }
0x2e8: {  	v10 =	vld [tilespmem:s23+$0x1B2C0]  }
0x2e9: {  	v27 =	vld [tilespmem:s23+$0x1B200]  }
0x2ea: {  	v28 =	vld [tilespmem:s23+$0x1B210]  }
0x2eb: {  	v25 =	vld [tilespmem:s23+$0x1B180]  }
0x2ec: {  	v26 =	vld [tilespmem:s23+$0x1B190]  }
0x2ed: {  	v11 =	vld [tilespmem:s23+$0x1B100]  }
0x2ee: {  	v20 =	vld [tilespmem:s23+$0x1B110]  }
0x2ef: {  	v29 =	vld [tilespmem:s23+$0x1B080]  }
0x2f0: {  	v31 =	vld [tilespmem:s23+$0x1B090]  }
0x2f1: {  	v61 =	vld [tilespmem:s23+$0x1B0A0]  }
0x2f2: {  	v62 =	vld [tilespmem:s23+$0x1B0B0]  }
0x2f3: {  	v34 =	vld [tilespmem:s23+$0x1B120]  }
0x2f4: {  	v35 =	vld [tilespmem:s23+$0x1B130]  }
0x2f5: {  	v12 =	vimm.f32 $0.0e+00;
	v36 =	vld [tilespmem:s23+$0x1B1A0]  }
0x2f6: {  	v37 =	vld [tilespmem:s23+$0x1B1B0];
	v29 =	vadd.f32 v29, v12;
	v31 =	vadd.f32 v31, v12  }
0x2f7: {  	v38 =	vld [tilespmem:s23+$0x1B220];
	v32 =	vadd.f32 v61, v12;
	v33 =	vadd.f32 v62, v12  }
0x2f8: {  	v39 =	vld [tilespmem:s23+$0x1B230];
	v29 =	vadd.f32 v11, v29;
	v31 =	vadd.f32 v20, v31  }
0x2f9: {  	v11 =	vld [tilespmem:s23+$0x1B2D0];
	v32 =	vadd.f32 v34, v32;
	v33 =	vadd.f32 v35, v33  }
0x2fa: {  	v20 =	vld [tilespmem:s23+$0x1B240];
	v29 =	vadd.f32 v25, v29;
	v31 =	vadd.f32 v26, v31  }
0x2fb: {  	v25 =	vld [tilespmem:s23+$0x1B250];
	v32 =	vadd.f32 v36, v32;
	v33 =	vadd.f32 v37, v33  }
0x2fc: {  	v26 =	vld [tilespmem:s23+$0x1B1C0];
	v29 =	vadd.f32 v27, v29;
	v31 =	vadd.f32 v28, v31  }
0x2fd: {  	v27 =	vld [tilespmem:s23+$0x1B1D0];
	v32 =	vadd.f32 v38, v32;
	v33 =	vadd.f32 v39, v33  }
0x2fe: {  	v28 =	vld [tilespmem:s23+$0x1B140];
	v21 =	vadd.f32 v21, v29;
	v22 =	vadd.f32 v22, v31  }
0x2ff: {  	v29 =	vld [tilespmem:s23+$0x1B150];
	v23 =	vadd.f32 v23, v32;
	v63 =	vadd.f32 v30, v33  }
0x300: {  	v30 =	vld [tilespmem:s23+$0x1B0C0];
	v21 =	vadd.f32 v17, v21;
	v22 =	vadd.f32 v18, v22  }
0x301: {  	v31 =	vld [tilespmem:s23+$0x1B0D0];
	v23 =	vadd.f32 v19, v23;
	v24 =	vadd.f32 v24, v63  }
0x302: {  	s24 =	simm.s32 $0x1000;
	v32 =	vld [tilespmem:s23+$0x1B0E0];
	v19 =	vimm.f32 $0.0e+00;
	v18 =	vimm.f32 $0.0e+00;
	v17 =	vimm.f32 $0.0e+00  }
.LBB2_13:
0x303: {  	p1 =	sne.s32 s24, $0x3000;
	v33 =	vld [tilespmem:s23+$0x1B0F0];
	v14 =	vadd.f32 v14, v21;
	v16 =	vadd.f32 v16, v22  }
0x304: {  	v34 =	vld [tilespmem:s23+$0x1B160];
	v13 =	vadd.f32 v13, v23;
	v15 =	vadd.f32 v15, v24  }
0x305: {  	v35 =	vld [tilespmem:s23+$0x1B170];
	v21 =	vadd.f32 v6, v14;
	v22 =	vadd.f32 v7, v16  }
0x306: {  	v6 =	vld [tilespmem:s23+$0x1B1E0];
	v23 =	vadd.f32 v8, v13;
	v24 =	vadd.f32 v9, v15  }
0x307: {  	v7 =	vadd.f32 v30, v12;
	v8 =	vadd.f32 v31, v19;
	v9 =	vld [tilespmem:s23+$0x1B1F0]  }
0x308: {  	v12 =	vadd.f32 v32, v18;
	v13 =	vadd.f32 v33, v17;
	v14 =	vld [tilespmem:s23+$0x1B260]  }
0x309: {  	v7 =	vadd.f32 v28, v7;
	v8 =	vadd.f32 v29, v8;
	v15 =	vld [tilespmem:s23+$0x1B270]  }
0x30a: {  	v12 =	vadd.f32 v34, v12;
	v13 =	vadd.f32 v35, v13;
	v16 =	vld [tilespmem:s23+$0x1B2E0]  }
0x30b: {  	v7 =	vadd.f32 v26, v7;
	v8 =	vadd.f32 v27, v8;
	v17 =	vld [tilespmem:s23+$0x1B2F0]  }
0x30c: {  	v6 =	vadd.f32 v6, v12;
	v9 =	vadd.f32 v9, v13;
	v12 =	vld [tilespmem:s23+$0x1B360]  }
0x30d: {  	v7 =	vadd.f32 v20, v7;
	v8 =	vadd.f32 v25, v8;
	v13 =	vld [tilespmem:s23+$0x1B370]  }
0x30e: {  	v6 =	vadd.f32 v14, v6;
	v9 =	vadd.f32 v15, v9;
	v14 =	vld [tilespmem:s23+$0x1B3E0]  }
0x30f: {  	v7 =	vadd.f32 v10, v7;
	v8 =	vadd.f32 v11, v8;
	v10 =	vld [tilespmem:s23+$0x1B3F0]  }
0x310: {  	v11 =	vadd.f32 v16, v6;
	v9 =	vadd.f32 v17, v9;
	v15 =	vld [tilespmem:s23+$0x1B460]  }
0x311: {  	v4 =	vadd.f32 v4, v7;
	v5 =	vadd.f32 v5, v8;
	v16 =	vld [tilespmem:s23+$0x1B470];
	s23 =	sshra.s32 s24, $0x2  }
0x312: {  	v11 =	vadd.f32 v12, v11;
	v6 =	vld [tilespmem:s23+$0x1B400];
	v9 =	vadd.f32 v13, v9  }
0x313: {  	v3 =	vadd.f32 v3, v4;
	v2 =	vadd.f32 v2, v5;
	v7 =	vld [tilespmem:s23+$0x1B410]  }
0x314: {  	v4 =	vadd.f32 v14, v11;
	v8 =	vld [tilespmem:s23+$0x1B420];
	v5 =	vadd.f32 v10, v9  }
0x315: {  	v12 =	vadd.f32 v0, v3;
	v19 =	vadd.f32 v1, v2;
	v9 =	vld [tilespmem:s23+$0x1B430]  }
0x316: {  	v18 =	vadd.f32 v15, v4;
	v0 =	vld [tilespmem:s23+$0x1B440];
	v17 =	vadd.f32 v16, v5  }
0x317: {  	v1 =	vld [tilespmem:s23+$0x1B450]  }
0x318: {  	v14 =	vld [tilespmem:s23+$0x1B380]  }
0x319: {  	v16 =	vld [tilespmem:s23+$0x1B390]  }
0x31a: {  	v13 =	vld [tilespmem:s23+$0x1B3A0]  }
0x31b: {  	v15 =	vld [tilespmem:s23+$0x1B3B0]  }
0x31c: {  	v3 =	vld [tilespmem:s23+$0x1B3C0]  }
0x31d: {  	v2 =	vld [tilespmem:s23+$0x1B3D0]  }
0x31e: {  	v32 =	vld [tilespmem:s23+$0x1B300]  }
0x31f: {  	v33 =	vld [tilespmem:s23+$0x1B310]  }
0x320: {  	v34 =	vld [tilespmem:s23+$0x1B320]  }
0x321: {  	v35 =	vld [tilespmem:s23+$0x1B330]  }
0x322: {  	v4 =	vld [tilespmem:s23+$0x1B340]  }
0x323: {  	v5 =	vld [tilespmem:s23+$0x1B350]  }
0x324: {  	v30 =	vld [tilespmem:s23+$0x1B280]  }
0x325: {  	v31 =	vld [tilespmem:s23+$0x1B290]  }
0x326: {  	v36 =	vld [tilespmem:s23+$0x1B2A0]  }
0x327: {  	v37 =	vld [tilespmem:s23+$0x1B2B0]  }
0x328: {  	v10 =	vld [tilespmem:s23+$0x1B2C0]  }
0x329: {  	v11 =	vld [tilespmem:s23+$0x1B2D0]  }
0x32a: {  	v28 =	vld [tilespmem:s23+$0x1B200]  }
0x32b: {  	v29 =	vld [tilespmem:s23+$0x1B210]  }
0x32c: {  	v25 =	vld [tilespmem:s23+$0x1B180]  }
0x32d: {  	v26 =	vld [tilespmem:s23+$0x1B190]  }
0x32e: {  	v20 =	vld [tilespmem:s23+$0x1B100]  }
0x32f: {  	v27 =	vld [tilespmem:s23+$0x1B110]  }
0x330: {  	v38 =	vld [tilespmem:s23+$0x1B080]  }
0x331: {  	v39 =	vld [tilespmem:s23+$0x1B090]  }
0x332: {  	v40 =	vld [tilespmem:s23+$0x1B0A0]  }
0x333: {  	v41 =	vld [tilespmem:s23+$0x1B0B0]  }
0x334: {  	v42 =	vld [tilespmem:s23+$0x1B120]  }
0x335: {  	v43 =	vld [tilespmem:s23+$0x1B130]  }
0x336: {  	v44 =	vld [tilespmem:s23+$0x1B1A0]  }
0x337: {  	v21 =	vadd.f32 v38, v21;
	v22 =	vadd.f32 v39, v22;
	v38 =	vld [tilespmem:s23+$0x1B1B0]  }
0x338: {  	v23 =	vadd.f32 v40, v23;
	v24 =	vadd.f32 v41, v24;
	v39 =	vld [tilespmem:s23+$0x1B220]  }
0x339: {  	v21 =	vadd.f32 v20, v21;
	v22 =	vadd.f32 v27, v22;
	v40 =	vld [tilespmem:s23+$0x1B230]  }
0x33a: {  	v23 =	vadd.f32 v42, v23;
	v24 =	vadd.f32 v43, v24;
	v20 =	vld [tilespmem:s23+$0x1B240]  }
0x33b: {  	v21 =	vadd.f32 v25, v21;
	v22 =	vadd.f32 v26, v22;
	v25 =	vld [tilespmem:s23+$0x1B250]  }
0x33c: {  	v23 =	vadd.f32 v44, v23;
	v24 =	vadd.f32 v38, v24;
	v26 =	vld [tilespmem:s23+$0x1B1C0]  }
0x33d: {  	v21 =	vadd.f32 v28, v21;
	v22 =	vadd.f32 v29, v22;
	v27 =	vld [tilespmem:s23+$0x1B1D0]  }
.Ltmp5:
0x33e: {  	v23 =	vadd.f32 v39, v23;
	v28 =	vld [tilespmem:s23+$0x1B140];
	v24 =	vadd.f32 v40, v24;
	(pc) =	sbr.rel @p1 .LBB2_13-.Ltmp5, $4  }
0x33f: {  	v21 =	vadd.f32 v30, v21;
	v22 =	vadd.f32 v31, v22;
	v29 =	vld [tilespmem:s23+$0x1B150]  }
0x340: {  	v23 =	vadd.f32 v36, v23;
	v30 =	vld [tilespmem:s23+$0x1B0C0];
	v24 =	vadd.f32 v37, v24  }
0x341: {  	v21 =	vadd.f32 v32, v21;
	v22 =	vadd.f32 v33, v22;
	v31 =	vld [tilespmem:s23+$0x1B0D0]  }
0x342: {  	s24 =	sadd.s32 $0x1000, s24;
	v23 =	vadd.f32 v34, v23;
	v32 =	vld [tilespmem:s23+$0x1B0E0];
	v24 =	vadd.f32 v35, v24  }
0x343: {  	v14 =	vadd.f32 v14, v21;
	v16 =	vadd.f32 v16, v22  }
0x344: {  	v33 =	vld [tilespmem:s23+$0x1B0F0];
	v13 =	vadd.f32 v13, v23;
	v15 =	vadd.f32 v15, v24  }
0x345: {  	v21 =	vld [tilespmem:s23+$0x1B160];
	v6 =	vadd.f32 v6, v14;
	v7 =	vadd.f32 v7, v16  }
0x346: {  	v22 =	vld [tilespmem:s23+$0x1B170];
	v12 =	vadd.f32 v30, v12;
	v8 =	vadd.f32 v8, v13  }
0x347: {  	v14 =	vld [tilespmem:s23+$0x1B1E0];
	v9 =	vadd.f32 v9, v15;
	v13 =	vadd.f32 v31, v19  }
0x348: {  	v15 =	vld [tilespmem:s23+$0x1B1F0];
	v16 =	vadd.f32 v32, v18;
	v12 =	vadd.f32 v28, v12  }
0x349: {  	v18 =	vld [tilespmem:s23+$0x1B260];
	v17 =	vadd.f32 v33, v17;
	v13 =	vadd.f32 v29, v13  }
0x34a: {  	v19 =	vld [tilespmem:s23+$0x1B270];
	v16 =	vadd.f32 v21, v16;
	v12 =	vadd.f32 v26, v12  }
0x34b: {  	v21 =	vld [tilespmem:s23+$0x1B2E0];
	v17 =	vadd.f32 v22, v17;
	v13 =	vadd.f32 v27, v13  }
0x34c: {  	v22 =	vld [tilespmem:s23+$0x1B2F0];
	v14 =	vadd.f32 v14, v16;
	v12 =	vadd.f32 v20, v12  }
0x34d: {  	v16 =	vld [tilespmem:s23+$0x1B360];
	v15 =	vadd.f32 v15, v17;
	v13 =	vadd.f32 v25, v13  }
0x34e: {  	v17 =	vld [tilespmem:s23+$0x1B370];
	v14 =	vadd.f32 v18, v14;
	v10 =	vadd.f32 v10, v12  }
0x34f: {  	v18 =	vld [tilespmem:s23+$0x1B3E0];
	v12 =	vadd.f32 v19, v15;
	v11 =	vadd.f32 v11, v13  }
0x350: {  	v13 =	vld [tilespmem:s23+$0x1B3F0];
	v14 =	vadd.f32 v21, v14;
	v4 =	vadd.f32 v4, v10  }
0x351: {  	v15 =	vld [tilespmem:s23+$0x1B460];
	v10 =	vadd.f32 v22, v12;
	v5 =	vadd.f32 v5, v11  }
0x352: {  	v11 =	vld [tilespmem:s23+$0x1B470];
	[tilespmem:$0x1E300] =	vst v6;
	v12 =	vadd.f32 v16, v14;
	v3 =	vadd.f32 v3, v4  }
0x353: {  	[tilespmem:$0x1E310] =	vst v7;
	v4 =	vadd.f32 v17, v10;
	v2 =	vadd.f32 v2, v5  }
0x354: {  	[tilespmem:$0x1E320] =	vst v8;
	v5 =	vadd.f32 v18, v12;
	v0 =	vadd.f32 v0, v3  }
0x355: {  	[tilespmem:$0x1E330] =	vst v9;
	v3 =	vadd.f32 v13, v4;
	v1 =	vadd.f32 v1, v2  }
0x356: {  	v2 =	vadd.f32 v15, v5;
	[tilespmem:$0x1E340] =	vst v0  }
0x357: {  	v0 =	vadd.f32 v11, v3;
	[tilespmem:$0x1E350] =	vst v1  }
0x358: {  	[tilespmem:$0x1E360] =	vst v2  }
0x359: {  	s23 =	simm.s32 $0x0;
	[tilespmem:$0x1E370] =	vst v0  }
0x35a: {  	v6 =	vld [tilespmem:s23+$0x1C400]  }
0x35b: {  	v7 =	vld [tilespmem:s23+$0x1C410]  }
0x35c: {  	v8 =	vld [tilespmem:s23+$0x1C420]  }
0x35d: {  	v9 =	vld [tilespmem:s23+$0x1C430]  }
0x35e: {  	v0 =	vld [tilespmem:s23+$0x1C440]  }
0x35f: {  	v1 =	vld [tilespmem:s23+$0x1C450]  }
0x360: {  	v14 =	vld [tilespmem:s23+$0x1C380]  }
0x361: {  	v16 =	vld [tilespmem:s23+$0x1C390]  }
0x362: {  	v13 =	vld [tilespmem:s23+$0x1C3A0]  }
0x363: {  	v15 =	vld [tilespmem:s23+$0x1C3B0]  }
0x364: {  	v3 =	vld [tilespmem:s23+$0x1C3C0]  }
0x365: {  	v2 =	vld [tilespmem:s23+$0x1C3D0]  }
0x366: {  	v17 =	vld [tilespmem:s23+$0x1C300]  }
0x367: {  	v18 =	vld [tilespmem:s23+$0x1C310]  }
0x368: {  	v19 =	vld [tilespmem:s23+$0x1C320]  }
0x369: {  	v24 =	vld [tilespmem:s23+$0x1C330]  }
0x36a: {  	v4 =	vld [tilespmem:s23+$0x1C340]  }
0x36b: {  	v5 =	vld [tilespmem:s23+$0x1C350]  }
0x36c: {  	v21 =	vld [tilespmem:s23+$0x1C280]  }
0x36d: {  	v22 =	vld [tilespmem:s23+$0x1C290]  }
0x36e: {  	v23 =	vld [tilespmem:s23+$0x1C2A0]  }
0x36f: {  	v30 =	vld [tilespmem:s23+$0x1C2B0]  }
0x370: {  	v10 =	vld [tilespmem:s23+$0x1C2C0]  }
0x371: {  	v27 =	vld [tilespmem:s23+$0x1C200]  }
0x372: {  	v28 =	vld [tilespmem:s23+$0x1C210]  }
0x373: {  	v25 =	vld [tilespmem:s23+$0x1C180]  }
0x374: {  	v26 =	vld [tilespmem:s23+$0x1C190]  }
0x375: {  	v11 =	vld [tilespmem:s23+$0x1C100]  }
0x376: {  	v20 =	vld [tilespmem:s23+$0x1C110]  }
0x377: {  	v29 =	vld [tilespmem:s23+$0x1C080]  }
0x378: {  	v31 =	vld [tilespmem:s23+$0x1C090]  }
0x379: {  	v61 =	vld [tilespmem:s23+$0x1C0A0]  }
0x37a: {  	v62 =	vld [tilespmem:s23+$0x1C0B0]  }
0x37b: {  	v34 =	vld [tilespmem:s23+$0x1C120]  }
0x37c: {  	v35 =	vld [tilespmem:s23+$0x1C130]  }
0x37d: {  	v12 =	vimm.f32 $0.0e+00;
	v36 =	vld [tilespmem:s23+$0x1C1A0]  }
0x37e: {  	v37 =	vld [tilespmem:s23+$0x1C1B0];
	v29 =	vadd.f32 v29, v12;
	v31 =	vadd.f32 v31, v12  }
0x37f: {  	v38 =	vld [tilespmem:s23+$0x1C220];
	v32 =	vadd.f32 v61, v12;
	v33 =	vadd.f32 v62, v12  }
0x380: {  	v39 =	vld [tilespmem:s23+$0x1C230];
	v29 =	vadd.f32 v11, v29;
	v31 =	vadd.f32 v20, v31  }
0x381: {  	v11 =	vld [tilespmem:s23+$0x1C2D0];
	v32 =	vadd.f32 v34, v32;
	v33 =	vadd.f32 v35, v33  }
0x382: {  	v20 =	vld [tilespmem:s23+$0x1C240];
	v29 =	vadd.f32 v25, v29;
	v31 =	vadd.f32 v26, v31  }
0x383: {  	v25 =	vld [tilespmem:s23+$0x1C250];
	v32 =	vadd.f32 v36, v32;
	v33 =	vadd.f32 v37, v33  }
0x384: {  	v26 =	vld [tilespmem:s23+$0x1C1C0];
	v29 =	vadd.f32 v27, v29;
	v31 =	vadd.f32 v28, v31  }
0x385: {  	v27 =	vld [tilespmem:s23+$0x1C1D0];
	v32 =	vadd.f32 v38, v32;
	v33 =	vadd.f32 v39, v33  }
0x386: {  	v28 =	vld [tilespmem:s23+$0x1C140];
	v21 =	vadd.f32 v21, v29;
	v22 =	vadd.f32 v22, v31  }
0x387: {  	v29 =	vld [tilespmem:s23+$0x1C150];
	v23 =	vadd.f32 v23, v32;
	v63 =	vadd.f32 v30, v33  }
0x388: {  	v30 =	vld [tilespmem:s23+$0x1C0C0];
	v21 =	vadd.f32 v17, v21;
	v22 =	vadd.f32 v18, v22  }
0x389: {  	v31 =	vld [tilespmem:s23+$0x1C0D0];
	v23 =	vadd.f32 v19, v23;
	v24 =	vadd.f32 v24, v63  }
0x38a: {  	s24 =	simm.s32 $0x1000;
	v32 =	vld [tilespmem:s23+$0x1C0E0];
	v19 =	vimm.f32 $0.0e+00;
	v18 =	vimm.f32 $0.0e+00;
	v17 =	vimm.f32 $0.0e+00  }
.LBB2_15:
0x38b: {  	p1 =	sne.s32 s24, $0x3000;
	v33 =	vld [tilespmem:s23+$0x1C0F0];
	v14 =	vadd.f32 v14, v21;
	v16 =	vadd.f32 v16, v22  }
0x38c: {  	v34 =	vld [tilespmem:s23+$0x1C160];
	v13 =	vadd.f32 v13, v23;
	v15 =	vadd.f32 v15, v24  }
0x38d: {  	v35 =	vld [tilespmem:s23+$0x1C170];
	v21 =	vadd.f32 v6, v14;
	v22 =	vadd.f32 v7, v16  }
0x38e: {  	v6 =	vld [tilespmem:s23+$0x1C1E0];
	v23 =	vadd.f32 v8, v13;
	v24 =	vadd.f32 v9, v15  }
0x38f: {  	v7 =	vadd.f32 v30, v12;
	v8 =	vadd.f32 v31, v19;
	v9 =	vld [tilespmem:s23+$0x1C1F0]  }
0x390: {  	v12 =	vadd.f32 v32, v18;
	v13 =	vadd.f32 v33, v17;
	v14 =	vld [tilespmem:s23+$0x1C260]  }
0x391: {  	v7 =	vadd.f32 v28, v7;
	v8 =	vadd.f32 v29, v8;
	v15 =	vld [tilespmem:s23+$0x1C270]  }
0x392: {  	v12 =	vadd.f32 v34, v12;
	v13 =	vadd.f32 v35, v13;
	v16 =	vld [tilespmem:s23+$0x1C2E0]  }
0x393: {  	v7 =	vadd.f32 v26, v7;
	v8 =	vadd.f32 v27, v8;
	v17 =	vld [tilespmem:s23+$0x1C2F0]  }
0x394: {  	v6 =	vadd.f32 v6, v12;
	v9 =	vadd.f32 v9, v13;
	v12 =	vld [tilespmem:s23+$0x1C360]  }
0x395: {  	v7 =	vadd.f32 v20, v7;
	v8 =	vadd.f32 v25, v8;
	v13 =	vld [tilespmem:s23+$0x1C370]  }
0x396: {  	v6 =	vadd.f32 v14, v6;
	v9 =	vadd.f32 v15, v9;
	v14 =	vld [tilespmem:s23+$0x1C3E0]  }
0x397: {  	v7 =	vadd.f32 v10, v7;
	v8 =	vadd.f32 v11, v8;
	v10 =	vld [tilespmem:s23+$0x1C3F0]  }
0x398: {  	v11 =	vadd.f32 v16, v6;
	v9 =	vadd.f32 v17, v9;
	v15 =	vld [tilespmem:s23+$0x1C460]  }
0x399: {  	v4 =	vadd.f32 v4, v7;
	v5 =	vadd.f32 v5, v8;
	v16 =	vld [tilespmem:s23+$0x1C470];
	s23 =	sshra.s32 s24, $0x2  }
0x39a: {  	v11 =	vadd.f32 v12, v11;
	v6 =	vld [tilespmem:s23+$0x1C400];
	v9 =	vadd.f32 v13, v9  }
0x39b: {  	v3 =	vadd.f32 v3, v4;
	v2 =	vadd.f32 v2, v5;
	v7 =	vld [tilespmem:s23+$0x1C410]  }
0x39c: {  	v4 =	vadd.f32 v14, v11;
	v8 =	vld [tilespmem:s23+$0x1C420];
	v5 =	vadd.f32 v10, v9  }
0x39d: {  	v12 =	vadd.f32 v0, v3;
	v19 =	vadd.f32 v1, v2;
	v9 =	vld [tilespmem:s23+$0x1C430]  }
0x39e: {  	v18 =	vadd.f32 v15, v4;
	v0 =	vld [tilespmem:s23+$0x1C440];
	v17 =	vadd.f32 v16, v5  }
0x39f: {  	v1 =	vld [tilespmem:s23+$0x1C450]  }
0x3a0: {  	v14 =	vld [tilespmem:s23+$0x1C380]  }
0x3a1: {  	v16 =	vld [tilespmem:s23+$0x1C390]  }
0x3a2: {  	v13 =	vld [tilespmem:s23+$0x1C3A0]  }
0x3a3: {  	v15 =	vld [tilespmem:s23+$0x1C3B0]  }
0x3a4: {  	v3 =	vld [tilespmem:s23+$0x1C3C0]  }
0x3a5: {  	v2 =	vld [tilespmem:s23+$0x1C3D0]  }
0x3a6: {  	v32 =	vld [tilespmem:s23+$0x1C300]  }
0x3a7: {  	v33 =	vld [tilespmem:s23+$0x1C310]  }
0x3a8: {  	v34 =	vld [tilespmem:s23+$0x1C320]  }
0x3a9: {  	v35 =	vld [tilespmem:s23+$0x1C330]  }
0x3aa: {  	v4 =	vld [tilespmem:s23+$0x1C340]  }
0x3ab: {  	v5 =	vld [tilespmem:s23+$0x1C350]  }
0x3ac: {  	v30 =	vld [tilespmem:s23+$0x1C280]  }
0x3ad: {  	v31 =	vld [tilespmem:s23+$0x1C290]  }
0x3ae: {  	v36 =	vld [tilespmem:s23+$0x1C2A0]  }
0x3af: {  	v37 =	vld [tilespmem:s23+$0x1C2B0]  }
0x3b0: {  	v10 =	vld [tilespmem:s23+$0x1C2C0]  }
0x3b1: {  	v11 =	vld [tilespmem:s23+$0x1C2D0]  }
0x3b2: {  	v28 =	vld [tilespmem:s23+$0x1C200]  }
0x3b3: {  	v29 =	vld [tilespmem:s23+$0x1C210]  }
0x3b4: {  	v25 =	vld [tilespmem:s23+$0x1C180]  }
0x3b5: {  	v26 =	vld [tilespmem:s23+$0x1C190]  }
0x3b6: {  	v20 =	vld [tilespmem:s23+$0x1C100]  }
0x3b7: {  	v27 =	vld [tilespmem:s23+$0x1C110]  }
0x3b8: {  	v38 =	vld [tilespmem:s23+$0x1C080]  }
0x3b9: {  	v39 =	vld [tilespmem:s23+$0x1C090]  }
0x3ba: {  	v40 =	vld [tilespmem:s23+$0x1C0A0]  }
0x3bb: {  	v41 =	vld [tilespmem:s23+$0x1C0B0]  }
0x3bc: {  	v42 =	vld [tilespmem:s23+$0x1C120]  }
0x3bd: {  	v43 =	vld [tilespmem:s23+$0x1C130]  }
0x3be: {  	v44 =	vld [tilespmem:s23+$0x1C1A0]  }
0x3bf: {  	v21 =	vadd.f32 v38, v21;
	v22 =	vadd.f32 v39, v22;
	v38 =	vld [tilespmem:s23+$0x1C1B0]  }
0x3c0: {  	v23 =	vadd.f32 v40, v23;
	v24 =	vadd.f32 v41, v24;
	v39 =	vld [tilespmem:s23+$0x1C220]  }
0x3c1: {  	v21 =	vadd.f32 v20, v21;
	v22 =	vadd.f32 v27, v22;
	v40 =	vld [tilespmem:s23+$0x1C230]  }
0x3c2: {  	v23 =	vadd.f32 v42, v23;
	v24 =	vadd.f32 v43, v24;
	v20 =	vld [tilespmem:s23+$0x1C240]  }
0x3c3: {  	v21 =	vadd.f32 v25, v21;
	v22 =	vadd.f32 v26, v22;
	v25 =	vld [tilespmem:s23+$0x1C250]  }
0x3c4: {  	v23 =	vadd.f32 v44, v23;
	v24 =	vadd.f32 v38, v24;
	v26 =	vld [tilespmem:s23+$0x1C1C0]  }
0x3c5: {  	v21 =	vadd.f32 v28, v21;
	v22 =	vadd.f32 v29, v22;
	v27 =	vld [tilespmem:s23+$0x1C1D0]  }
.Ltmp6:
0x3c6: {  	v23 =	vadd.f32 v39, v23;
	v28 =	vld [tilespmem:s23+$0x1C140];
	v24 =	vadd.f32 v40, v24;
	(pc) =	sbr.rel @p1 .LBB2_15-.Ltmp6, $4  }
0x3c7: {  	v21 =	vadd.f32 v30, v21;
	v22 =	vadd.f32 v31, v22;
	v29 =	vld [tilespmem:s23+$0x1C150]  }
0x3c8: {  	v23 =	vadd.f32 v36, v23;
	v30 =	vld [tilespmem:s23+$0x1C0C0];
	v24 =	vadd.f32 v37, v24  }
0x3c9: {  	v21 =	vadd.f32 v32, v21;
	v22 =	vadd.f32 v33, v22;
	v31 =	vld [tilespmem:s23+$0x1C0D0]  }
0x3ca: {  	s24 =	sadd.s32 $0x1000, s24;
	v23 =	vadd.f32 v34, v23;
	v32 =	vld [tilespmem:s23+$0x1C0E0];
	v24 =	vadd.f32 v35, v24  }
0x3cb: {  	v14 =	vadd.f32 v14, v21;
	v16 =	vadd.f32 v16, v22  }
0x3cc: {  	v33 =	vld [tilespmem:s23+$0x1C0F0];
	v13 =	vadd.f32 v13, v23;
	v15 =	vadd.f32 v15, v24  }
0x3cd: {  	v21 =	vld [tilespmem:s23+$0x1C160];
	v6 =	vadd.f32 v6, v14;
	v7 =	vadd.f32 v7, v16  }
0x3ce: {  	v22 =	vld [tilespmem:s23+$0x1C170];
	v12 =	vadd.f32 v30, v12;
	v8 =	vadd.f32 v8, v13  }
0x3cf: {  	v14 =	vld [tilespmem:s23+$0x1C1E0];
	v9 =	vadd.f32 v9, v15;
	v13 =	vadd.f32 v31, v19  }
0x3d0: {  	v15 =	vld [tilespmem:s23+$0x1C1F0];
	v16 =	vadd.f32 v32, v18;
	v12 =	vadd.f32 v28, v12  }
0x3d1: {  	v18 =	vld [tilespmem:s23+$0x1C260];
	v17 =	vadd.f32 v33, v17;
	v13 =	vadd.f32 v29, v13  }
0x3d2: {  	v19 =	vld [tilespmem:s23+$0x1C270];
	v16 =	vadd.f32 v21, v16;
	v12 =	vadd.f32 v26, v12  }
0x3d3: {  	v21 =	vld [tilespmem:s23+$0x1C2E0];
	v17 =	vadd.f32 v22, v17;
	v13 =	vadd.f32 v27, v13  }
0x3d4: {  	v22 =	vld [tilespmem:s23+$0x1C2F0];
	v14 =	vadd.f32 v14, v16;
	v12 =	vadd.f32 v20, v12  }
0x3d5: {  	v16 =	vld [tilespmem:s23+$0x1C360];
	v15 =	vadd.f32 v15, v17;
	v13 =	vadd.f32 v25, v13  }
0x3d6: {  	v17 =	vld [tilespmem:s23+$0x1C370];
	v14 =	vadd.f32 v18, v14;
	v10 =	vadd.f32 v10, v12  }
0x3d7: {  	v18 =	vld [tilespmem:s23+$0x1C3E0];
	v12 =	vadd.f32 v19, v15;
	v11 =	vadd.f32 v11, v13  }
0x3d8: {  	v13 =	vld [tilespmem:s23+$0x1C3F0];
	v14 =	vadd.f32 v21, v14;
	v4 =	vadd.f32 v4, v10  }
0x3d9: {  	v15 =	vld [tilespmem:s23+$0x1C460];
	v10 =	vadd.f32 v22, v12;
	v5 =	vadd.f32 v5, v11  }
0x3da: {  	v11 =	vld [tilespmem:s23+$0x1C470];
	[tilespmem:$0x1E380] =	vst v6;
	v12 =	vadd.f32 v16, v14;
	v3 =	vadd.f32 v3, v4  }
0x3db: {  	[tilespmem:$0x1E390] =	vst v7;
	v4 =	vadd.f32 v17, v10;
	v2 =	vadd.f32 v2, v5  }
0x3dc: {  	[tilespmem:$0x1E3A0] =	vst v8;
	v5 =	vadd.f32 v18, v12;
	v0 =	vadd.f32 v0, v3  }
0x3dd: {  	[tilespmem:$0x1E3B0] =	vst v9;
	v3 =	vadd.f32 v13, v4;
	v1 =	vadd.f32 v1, v2  }
0x3de: {  	v2 =	vadd.f32 v15, v5;
	[tilespmem:$0x1E3C0] =	vst v0  }
0x3df: {  	v0 =	vadd.f32 v11, v3;
	[tilespmem:$0x1E3D0] =	vst v1  }
0x3e0: {  	[tilespmem:$0x1E3E0] =	vst v2  }
0x3e1: {  	s23 =	simm.s32 $0x0;
	[tilespmem:$0x1E3F0] =	vst v0  }
0x3e2: {  	v6 =	vld [tilespmem:s23+$0x1D400]  }
0x3e3: {  	v7 =	vld [tilespmem:s23+$0x1D410]  }
0x3e4: {  	v8 =	vld [tilespmem:s23+$0x1D420]  }
0x3e5: {  	v9 =	vld [tilespmem:s23+$0x1D430]  }
0x3e6: {  	v0 =	vld [tilespmem:s23+$0x1D440]  }
0x3e7: {  	v1 =	vld [tilespmem:s23+$0x1D450]  }
0x3e8: {  	v14 =	vld [tilespmem:s23+$0x1D380]  }
0x3e9: {  	v16 =	vld [tilespmem:s23+$0x1D390]  }
0x3ea: {  	v13 =	vld [tilespmem:s23+$0x1D3A0]  }
0x3eb: {  	v15 =	vld [tilespmem:s23+$0x1D3B0]  }
0x3ec: {  	v3 =	vld [tilespmem:s23+$0x1D3C0]  }
0x3ed: {  	v2 =	vld [tilespmem:s23+$0x1D3D0]  }
0x3ee: {  	v17 =	vld [tilespmem:s23+$0x1D300]  }
0x3ef: {  	v18 =	vld [tilespmem:s23+$0x1D310]  }
0x3f0: {  	v19 =	vld [tilespmem:s23+$0x1D320]  }
0x3f1: {  	v24 =	vld [tilespmem:s23+$0x1D330]  }
0x3f2: {  	v4 =	vld [tilespmem:s23+$0x1D340]  }
0x3f3: {  	v5 =	vld [tilespmem:s23+$0x1D350]  }
0x3f4: {  	v21 =	vld [tilespmem:s23+$0x1D280]  }
0x3f5: {  	v22 =	vld [tilespmem:s23+$0x1D290]  }
0x3f6: {  	v23 =	vld [tilespmem:s23+$0x1D2A0]  }
0x3f7: {  	v30 =	vld [tilespmem:s23+$0x1D2B0]  }
0x3f8: {  	v10 =	vld [tilespmem:s23+$0x1D2C0]  }
0x3f9: {  	v27 =	vld [tilespmem:s23+$0x1D200]  }
0x3fa: {  	v28 =	vld [tilespmem:s23+$0x1D210]  }
0x3fb: {  	v25 =	vld [tilespmem:s23+$0x1D180]  }
0x3fc: {  	v26 =	vld [tilespmem:s23+$0x1D190]  }
0x3fd: {  	v11 =	vld [tilespmem:s23+$0x1D100]  }
0x3fe: {  	v20 =	vld [tilespmem:s23+$0x1D110]  }
0x3ff: {  	v29 =	vld [tilespmem:s23+$0x1D080]  }
0x400: {  	v31 =	vld [tilespmem:s23+$0x1D090]  }
0x401: {  	v61 =	vld [tilespmem:s23+$0x1D0A0]  }
0x402: {  	v62 =	vld [tilespmem:s23+$0x1D0B0]  }
0x403: {  	v34 =	vld [tilespmem:s23+$0x1D120]  }
0x404: {  	v35 =	vld [tilespmem:s23+$0x1D130]  }
0x405: {  	v12 =	vimm.f32 $0.0e+00;
	v36 =	vld [tilespmem:s23+$0x1D1A0]  }
0x406: {  	v37 =	vld [tilespmem:s23+$0x1D1B0];
	v29 =	vadd.f32 v29, v12;
	v31 =	vadd.f32 v31, v12  }
0x407: {  	v38 =	vld [tilespmem:s23+$0x1D220];
	v32 =	vadd.f32 v61, v12;
	v33 =	vadd.f32 v62, v12  }
0x408: {  	v39 =	vld [tilespmem:s23+$0x1D230];
	v29 =	vadd.f32 v11, v29;
	v31 =	vadd.f32 v20, v31  }
0x409: {  	v11 =	vld [tilespmem:s23+$0x1D2D0];
	v32 =	vadd.f32 v34, v32;
	v33 =	vadd.f32 v35, v33  }
0x40a: {  	v20 =	vld [tilespmem:s23+$0x1D240];
	v29 =	vadd.f32 v25, v29;
	v31 =	vadd.f32 v26, v31  }
0x40b: {  	v25 =	vld [tilespmem:s23+$0x1D250];
	v32 =	vadd.f32 v36, v32;
	v33 =	vadd.f32 v37, v33  }
0x40c: {  	v26 =	vld [tilespmem:s23+$0x1D1C0];
	v29 =	vadd.f32 v27, v29;
	v31 =	vadd.f32 v28, v31  }
0x40d: {  	v27 =	vld [tilespmem:s23+$0x1D1D0];
	v32 =	vadd.f32 v38, v32;
	v33 =	vadd.f32 v39, v33  }
0x40e: {  	v28 =	vld [tilespmem:s23+$0x1D140];
	v21 =	vadd.f32 v21, v29;
	v22 =	vadd.f32 v22, v31  }
0x40f: {  	v29 =	vld [tilespmem:s23+$0x1D150];
	v23 =	vadd.f32 v23, v32;
	v63 =	vadd.f32 v30, v33  }
0x410: {  	v30 =	vld [tilespmem:s23+$0x1D0C0];
	v21 =	vadd.f32 v17, v21;
	v22 =	vadd.f32 v18, v22  }
0x411: {  	v31 =	vld [tilespmem:s23+$0x1D0D0];
	v23 =	vadd.f32 v19, v23;
	v24 =	vadd.f32 v24, v63  }
0x412: {  	s24 =	simm.s32 $0x1000;
	v32 =	vld [tilespmem:s23+$0x1D0E0];
	v19 =	vimm.f32 $0.0e+00;
	v18 =	vimm.f32 $0.0e+00;
	v17 =	vimm.f32 $0.0e+00  }
.LBB2_17:
0x413: {  	p1 =	sne.s32 s24, $0x3000;
	v33 =	vld [tilespmem:s23+$0x1D0F0];
	v14 =	vadd.f32 v14, v21;
	v16 =	vadd.f32 v16, v22  }
0x414: {  	v34 =	vld [tilespmem:s23+$0x1D160];
	v13 =	vadd.f32 v13, v23;
	v15 =	vadd.f32 v15, v24  }
0x415: {  	v35 =	vld [tilespmem:s23+$0x1D170];
	v21 =	vadd.f32 v6, v14;
	v22 =	vadd.f32 v7, v16  }
0x416: {  	v6 =	vld [tilespmem:s23+$0x1D1E0];
	v23 =	vadd.f32 v8, v13;
	v24 =	vadd.f32 v9, v15  }
0x417: {  	v7 =	vadd.f32 v30, v12;
	v8 =	vadd.f32 v31, v19;
	v9 =	vld [tilespmem:s23+$0x1D1F0]  }
0x418: {  	v12 =	vadd.f32 v32, v18;
	v13 =	vadd.f32 v33, v17;
	v14 =	vld [tilespmem:s23+$0x1D260]  }
0x419: {  	v7 =	vadd.f32 v28, v7;
	v8 =	vadd.f32 v29, v8;
	v15 =	vld [tilespmem:s23+$0x1D270]  }
0x41a: {  	v12 =	vadd.f32 v34, v12;
	v13 =	vadd.f32 v35, v13;
	v16 =	vld [tilespmem:s23+$0x1D2E0]  }
0x41b: {  	v7 =	vadd.f32 v26, v7;
	v8 =	vadd.f32 v27, v8;
	v17 =	vld [tilespmem:s23+$0x1D2F0]  }
0x41c: {  	v6 =	vadd.f32 v6, v12;
	v9 =	vadd.f32 v9, v13;
	v12 =	vld [tilespmem:s23+$0x1D360]  }
0x41d: {  	v7 =	vadd.f32 v20, v7;
	v8 =	vadd.f32 v25, v8;
	v13 =	vld [tilespmem:s23+$0x1D370]  }
0x41e: {  	v6 =	vadd.f32 v14, v6;
	v9 =	vadd.f32 v15, v9;
	v14 =	vld [tilespmem:s23+$0x1D3E0]  }
0x41f: {  	v7 =	vadd.f32 v10, v7;
	v8 =	vadd.f32 v11, v8;
	v10 =	vld [tilespmem:s23+$0x1D3F0]  }
0x420: {  	v11 =	vadd.f32 v16, v6;
	v9 =	vadd.f32 v17, v9;
	v15 =	vld [tilespmem:s23+$0x1D460]  }
0x421: {  	v4 =	vadd.f32 v4, v7;
	v5 =	vadd.f32 v5, v8;
	v16 =	vld [tilespmem:s23+$0x1D470];
	s23 =	sshra.s32 s24, $0x2  }
0x422: {  	v11 =	vadd.f32 v12, v11;
	v6 =	vld [tilespmem:s23+$0x1D400];
	v9 =	vadd.f32 v13, v9  }
0x423: {  	v3 =	vadd.f32 v3, v4;
	v2 =	vadd.f32 v2, v5;
	v7 =	vld [tilespmem:s23+$0x1D410]  }
0x424: {  	v4 =	vadd.f32 v14, v11;
	v8 =	vld [tilespmem:s23+$0x1D420];
	v5 =	vadd.f32 v10, v9  }
0x425: {  	v12 =	vadd.f32 v0, v3;
	v19 =	vadd.f32 v1, v2;
	v9 =	vld [tilespmem:s23+$0x1D430]  }
0x426: {  	v18 =	vadd.f32 v15, v4;
	v0 =	vld [tilespmem:s23+$0x1D440];
	v17 =	vadd.f32 v16, v5  }
0x427: {  	v1 =	vld [tilespmem:s23+$0x1D450]  }
0x428: {  	v14 =	vld [tilespmem:s23+$0x1D380]  }
0x429: {  	v16 =	vld [tilespmem:s23+$0x1D390]  }
0x42a: {  	v13 =	vld [tilespmem:s23+$0x1D3A0]  }
0x42b: {  	v15 =	vld [tilespmem:s23+$0x1D3B0]  }
0x42c: {  	v3 =	vld [tilespmem:s23+$0x1D3C0]  }
0x42d: {  	v2 =	vld [tilespmem:s23+$0x1D3D0]  }
0x42e: {  	v32 =	vld [tilespmem:s23+$0x1D300]  }
0x42f: {  	v33 =	vld [tilespmem:s23+$0x1D310]  }
0x430: {  	v34 =	vld [tilespmem:s23+$0x1D320]  }
0x431: {  	v35 =	vld [tilespmem:s23+$0x1D330]  }
0x432: {  	v4 =	vld [tilespmem:s23+$0x1D340]  }
0x433: {  	v5 =	vld [tilespmem:s23+$0x1D350]  }
0x434: {  	v30 =	vld [tilespmem:s23+$0x1D280]  }
0x435: {  	v31 =	vld [tilespmem:s23+$0x1D290]  }
0x436: {  	v36 =	vld [tilespmem:s23+$0x1D2A0]  }
0x437: {  	v37 =	vld [tilespmem:s23+$0x1D2B0]  }
0x438: {  	v10 =	vld [tilespmem:s23+$0x1D2C0]  }
0x439: {  	v11 =	vld [tilespmem:s23+$0x1D2D0]  }
0x43a: {  	v28 =	vld [tilespmem:s23+$0x1D200]  }
0x43b: {  	v29 =	vld [tilespmem:s23+$0x1D210]  }
0x43c: {  	v25 =	vld [tilespmem:s23+$0x1D180]  }
0x43d: {  	v26 =	vld [tilespmem:s23+$0x1D190]  }
0x43e: {  	v20 =	vld [tilespmem:s23+$0x1D100]  }
0x43f: {  	v27 =	vld [tilespmem:s23+$0x1D110]  }
0x440: {  	v38 =	vld [tilespmem:s23+$0x1D080]  }
0x441: {  	v39 =	vld [tilespmem:s23+$0x1D090]  }
0x442: {  	v40 =	vld [tilespmem:s23+$0x1D0A0]  }
0x443: {  	v41 =	vld [tilespmem:s23+$0x1D0B0]  }
0x444: {  	v42 =	vld [tilespmem:s23+$0x1D120]  }
0x445: {  	v43 =	vld [tilespmem:s23+$0x1D130]  }
0x446: {  	v44 =	vld [tilespmem:s23+$0x1D1A0]  }
0x447: {  	v21 =	vadd.f32 v38, v21;
	v22 =	vadd.f32 v39, v22;
	v38 =	vld [tilespmem:s23+$0x1D1B0]  }
0x448: {  	v23 =	vadd.f32 v40, v23;
	v24 =	vadd.f32 v41, v24;
	v39 =	vld [tilespmem:s23+$0x1D220]  }
0x449: {  	v21 =	vadd.f32 v20, v21;
	v22 =	vadd.f32 v27, v22;
	v40 =	vld [tilespmem:s23+$0x1D230]  }
0x44a: {  	v23 =	vadd.f32 v42, v23;
	v24 =	vadd.f32 v43, v24;
	v20 =	vld [tilespmem:s23+$0x1D240]  }
0x44b: {  	v21 =	vadd.f32 v25, v21;
	v22 =	vadd.f32 v26, v22;
	v25 =	vld [tilespmem:s23+$0x1D250]  }
0x44c: {  	v23 =	vadd.f32 v44, v23;
	v24 =	vadd.f32 v38, v24;
	v26 =	vld [tilespmem:s23+$0x1D1C0]  }
0x44d: {  	v21 =	vadd.f32 v28, v21;
	v22 =	vadd.f32 v29, v22;
	v27 =	vld [tilespmem:s23+$0x1D1D0]  }
.Ltmp7:
0x44e: {  	v23 =	vadd.f32 v39, v23;
	v28 =	vld [tilespmem:s23+$0x1D140];
	v24 =	vadd.f32 v40, v24;
	(pc) =	sbr.rel @p1 .LBB2_17-.Ltmp7, $4  }
0x44f: {  	v21 =	vadd.f32 v30, v21;
	v22 =	vadd.f32 v31, v22;
	v29 =	vld [tilespmem:s23+$0x1D150]  }
0x450: {  	v23 =	vadd.f32 v36, v23;
	v30 =	vld [tilespmem:s23+$0x1D0C0];
	v24 =	vadd.f32 v37, v24  }
0x451: {  	v21 =	vadd.f32 v32, v21;
	v22 =	vadd.f32 v33, v22;
	v31 =	vld [tilespmem:s23+$0x1D0D0]  }
0x452: {  	s24 =	sadd.s32 $0x1000, s24;
	v23 =	vadd.f32 v34, v23;
	v32 =	vld [tilespmem:s23+$0x1D0E0];
	v24 =	vadd.f32 v35, v24  }
0x453: {  	v14 =	vadd.f32 v14, v21;
	v16 =	vadd.f32 v16, v22  }
0x454: {  	v33 =	vld [tilespmem:s23+$0x1D0F0];
	v13 =	vadd.f32 v13, v23;
	v15 =	vadd.f32 v15, v24  }
0x455: {  	v40 =	vld [tilespmem:s23+$0x1D160];
	v6 =	vadd.f32 v6, v14;
	v7 =	vadd.f32 v7, v16  }
0x456: {  	v41 =	vld [tilespmem:s23+$0x1D170];
	v12 =	vadd.f32 v30, v12;
	v8 =	vadd.f32 v8, v13  }
0x457: {  	v42 =	vld [tilespmem:s23+$0x1D1E0];
	v9 =	vadd.f32 v9, v15;
	v43 =	vadd.f32 v31, v19  }
0x458: {  	v44 =	vld [tilespmem:s23+$0x1D1F0];
	v45 =	vadd.f32 v32, v18;
	v12 =	vadd.f32 v28, v12  }
0x459: {  	v46 =	vld [tilespmem:s23+$0x1D260];
	v17 =	vadd.f32 v33, v17;
	v13 =	vadd.f32 v29, v43  }
0x45a: {  	v47 =	vld [tilespmem:s23+$0x1D270];
	v16 =	vadd.f32 v40, v45;
	v12 =	vadd.f32 v26, v12  }
0x45b: {  	v48 =	vld [tilespmem:s23+$0x1D2E0];
	v17 =	vadd.f32 v41, v17;
	v13 =	vadd.f32 v27, v13  }
0x45c: {  	v49 =	vld [tilespmem:s23+$0x1D2F0];
	v14 =	vadd.f32 v42, v16;
	v12 =	vadd.f32 v20, v12  }
0x45d: {  	v50 =	vld [tilespmem:s23+$0x1D360];
	v15 =	vadd.f32 v44, v17;
	v13 =	vadd.f32 v25, v13  }
0x45e: {  	v51 =	vld [tilespmem:s23+$0x1D370];
	v14 =	vadd.f32 v46, v14;
	v10 =	vadd.f32 v10, v12  }
0x45f: {  	v52 =	vld [tilespmem:s23+$0x1D3E0];
	v53 =	vadd.f32 v47, v15;
	v11 =	vadd.f32 v11, v13  }
0x460: {  	v54 =	vld [tilespmem:s23+$0x1D3F0];
	v14 =	vadd.f32 v48, v14;
	v4 =	vadd.f32 v4, v10  }
0x461: {  	v55 =	vld [tilespmem:s23+$0x1D460];
	v56 =	vadd.f32 v49, v53;
	v5 =	vadd.f32 v5, v11  }
0x462: {  	v57 =	vld [tilespmem:s23+$0x1D470];
	[tilespmem:$0x1E400] =	vst v6;
	v58 =	vadd.f32 v50, v14;
	v3 =	vadd.f32 v3, v4  }
0x463: {  	[tilespmem:$0x1E410] =	vst v7;
	v59 =	vadd.f32 v51, v56;
	v2 =	vadd.f32 v2, v5  }
0x464: {  	[tilespmem:$0x1E420] =	vst v8;
	v60 =	vadd.f32 v52, v58;
	v0 =	vadd.f32 v0, v3  }
0x465: {  	[tilespmem:$0x1E430] =	vst v9;
	v61 =	vadd.f32 v54, v59;
	v1 =	vadd.f32 v1, v2  }
0x466: {  	v62 =	vadd.f32 v55, v60;
	[tilespmem:$0x1E440] =	vst v0  }
0x467: {  	s31 =	sadd.s32 s9, s22;
	s22 =	sadd.s32 $0x1, s22;
	v63 =	vadd.f32 v57, v61;
	[tilespmem:$0x1E450] =	vst v1  }
0x468: {  	s23 =	sshll.u32 s31, $0x7;
	p1 =	sne.s32 s22, $0x28;
	[tilespmem:$0x1E460] =	vst v62  }
.Ltmp8:
0x469: {  	s23 =	sadd.s32 s4, s23;
	[tilespmem:$0x1E470] =	vst v63;
	(pc) =	sbr.rel @p1 .LBB2_2-.Ltmp8, $4  }
0x46a: {  	[hbm4b:s23+s3] =	stream.linear.scatter [tilespmem:s20], [sflag:$0x3], $0x400, $0x38;
	[tilespmem:$0x1E480] =	vst v63  }
0x46b: {  	_ =	swait.ge [sflag:s12], $0x400  }
0x46c: {  	[sflag:s12] =	ssyncset.done $0x0  }
0x46d: {  	[sflag:s12] =	ssyncadd.s32 $0xFFFFFC00  }
0x46e: {  	s21 =	sadd.s32 $0x1, s21  }
0x46f: {  	p1 =	sne.s32 s21, s10  }
.Ltmp9:
0x470: {  	_ = 	snop;
	(pc) =	sbr.rel @p1 .LBB2_1-.Ltmp9, $1  }
0x471: {  	_ =	sdelay $0x3  }
0x472: {  	_ =	sfence.sel $0x180000  }
0x473: {  	[bflag:$0x0] =	sbarrier.arrive $0xFFFF  }
0x474: {  	p0 =	sne.s32 s0, $0x0;
	_ =	strace $0x90000047  }
0x475: {  	s0 =	sadd.s32 @!p0 $0x100000, s1;
	[bflag:$0x2] =	sbarrier.arrive $0xFFFF  }
0x476: {  	[sflag:s0] =	ssyncadd.tile.s32 @!p0 $0x1;
	_ =	shalt  }
.Lfunc_end2:
_tile_overlayer_lowered:
.L_overlay_start_2:
0x477: {  	(tag) =	ssettag $0x2  }
0x478: {  	s0 =	rddreg [dreg:$0x0];
	s2 =	stileid.u32  }
0x479: {  	s1 =	rddreg [dreg:$0x1];
	p0 =	sne.s32 s2, $0x0  }
0x47a: {  	s3 =	rddreg [dreg:$0x2];
	[bflag:$0x3] =	sbarrier.arrive $0xFFFF;
	s2 =	simm.s32 @!p0 $0x1C03  }
0x47b: {  	[timem:s3], [sflag:s2] =	dma.local @!p0 [hbm:s0], s1  }
0x47c: {  	s0 =	simm.s32 @!p0 $0x3  }
0x47d: {  	_ =	swait.ge @!p0 [sflag:s0], s1  }
0x47e: {  	s1 =	ssub.s32 @!p0 $0x0, s1;
	[sflag:s0] =	ssyncset.done @!p0 $0x0  }
0x47f: {  	[sflag:s0] =	ssyncadd.s32 @!p0 s1  }
0x480: {  	[bflag:$0x3] =	sbarrier.arrive $0xFFFF  }
0x481: {  	_ =	shalt  }

</sc_bundles>
